<compile_context>
chip_gen: v7x
topology: tpu7x:2x2x1
jax: 0.10.2.dev20260603
libtpu: 0.0.44.dev20260713+nightly
codegen_flags: <defaults>
</compile_context>

<pallas_src>
import functools

import jax
import jax.numpy as jnp
from jax import lax
from jax.experimental import pallas as pl
from jax.experimental.pallas import tpu as pltpu
from jax.experimental.pallas import tpu_sc as plsc

NUM_CORES = 2
NUM_SUBCORES = 16
LANES = 16
NUM_WORKERS = NUM_CORES * NUM_SUBCORES
BATCH = 16384
DIM = 32
BPW = BATCH // NUM_WORKERS
CHUNK = 8
N_CHUNKS = BPW // CHUNK


def _mf_body(uidx_hbm, iidx_hbm, wu_hbm, wi_hbm, ubias_hbm, ibias_hbm,
             gbias_hbm, out_hbm,
             uidx_v, iidx_v, ublk_v, iblk_v, upack_v, ipack_v,
             ub_v, ib_v, out_v, gb_v, usems, isems, bsem):
    wid = lax.axis_index("s") * NUM_CORES + lax.axis_index("c")
    base = wid * BPW

    pltpu.sync_copy(uidx_hbm.at[pl.ds(base, BPW)], uidx_v)
    pltpu.sync_copy(iidx_hbm.at[pl.ds(base, BPW)], iidx_v)
    pltpu.sync_copy(gbias_hbm, gb_v)

    b0 = pltpu.async_copy(ubias_hbm.at[uidx_v], ub_v, bsem)
    b1 = pltpu.async_copy(ibias_hbm.at[iidx_v], ib_v, bsem)

    cvec0 = lax.iota(jnp.int32, LANES)
    cvec1 = cvec0 + LANES

    def fire(k, tvec, e, tbl_hbm, blk_v, sems):
        t = tvec[e] * 128
        pltpu.async_copy(
            tbl_hbm.at[:, pl.ds(pl.multiple_of(t, 128), 128)],
            blk_v.at[pl.ds(k * DIM, DIM)], sems[k])

    uvec0 = uidx_v[pl.ds(0, LANES)]
    ivec0 = iidx_v[pl.ds(0, LANES)]
    tu0 = jnp.right_shift(uvec0, 7)
    ti0 = jnp.right_shift(ivec0, 7)
    for k in range(CHUNK):
        fire(k, tu0, k, wu_hbm, ublk_v, usems)
        fire(k, ti0, k, wi_hbm, iblk_v, isems)

    def chunk_body(cc, carry):
        uvec = uidx_v[pl.ds(cc * LANES, LANES)]
        ivec = iidx_v[pl.ds(cc * LANES, LANES)]
        nxt = jnp.minimum(cc + 1, BPW // LANES - 1) * LANES
        uvecn = uidx_v[pl.ds(nxt, LANES)]
        ivecn = iidx_v[pl.ds(nxt, LANES)]
        tu_vec = jnp.right_shift(uvec, 7)
        ti_vec = jnp.right_shift(ivec, 7)
        tun_vec = jnp.right_shift(uvecn, 7)
        tin_vec = jnp.right_shift(ivecn, 7)
        lu_vec = jnp.bitwise_and(uvec, 127)
        li_vec = jnp.bitwise_and(ivec, 127)
        not_last = cc < BPW // LANES - 1
        for e in range(LANES):
            k = e % CHUNK
            b = cc * LANES + e
            pltpu.make_async_copy(wu_hbm.at[:, pl.ds(0, 128)],
                                  ublk_v.at[pl.ds(k * DIM, DIM)],
                                  usems[k]).wait()
            pltpu.make_async_copy(wi_hbm.at[:, pl.ds(0, 128)],
                                  iblk_v.at[pl.ds(k * DIM, DIM)],
                                  isems[k]).wait()
            luv = jnp.zeros((LANES,), jnp.int32) + lu_vec[e]
            liv = jnp.zeros((LANES,), jnp.int32) + li_vec[e]
            r0 = k * DIM + cvec0
            r1 = k * DIM + cvec1
            prow = jnp.right_shift(b * DIM, 7)
            pcol = jnp.bitwise_and(b * DIM, 127)
            upack_v[prow, pl.ds(pcol, LANES)] = plsc.load_gather(
                ublk_v, [r0, luv])
            upack_v[prow, pl.ds(pcol + LANES, LANES)] = plsc.load_gather(
                ublk_v, [r1, luv])
            ipack_v[prow, pl.ds(pcol, LANES)] = plsc.load_gather(
                iblk_v, [r0, liv])
            ipack_v[prow, pl.ds(pcol + LANES, LANES)] = plsc.load_gather(
                iblk_v, [r1, liv])
            if e + CHUNK < LANES:
                fire(k, tu_vec, e + CHUNK, wu_hbm, ublk_v, usems)
                fire(k, ti_vec, e + CHUNK, wi_hbm, iblk_v, isems)
            else:

                @pl.when(not_last)
                def _():
                    fire(k, tun_vec, e + CHUNK - LANES, wu_hbm, ublk_v, usems)
                    fire(k, tin_vec, e + CHUNK - LANES, wi_hbm, iblk_v, isems)
        return carry

    lax.fori_loop(0, BPW // LANES, chunk_body, 0)

    b0.wait()
    b1.wait()
    g = gb_v[...]

    def blk(bb, carry):
        off = bb * LANES
        rbase = (off + cvec0) * DIM
        acc = ub_v[pl.ds(off, LANES)] + ib_v[pl.ds(off, LANES)] + g
        for d in range(DIM):
            n = rbase + d
            nr = jnp.right_shift(n, 7)
            nc = jnp.bitwise_and(n, 127)
            acc = acc + (plsc.load_gather(upack_v, [nr, nc]) *
                         plsc.load_gather(ipack_v, [nr, nc]))
        out_v[pl.ds(off, LANES)] = acc
        return carry

    lax.fori_loop(0, BPW // LANES, blk, 0)

    pltpu.sync_copy(out_v, out_hbm.at[pl.ds(base, BPW)])


@functools.partial(jax.jit, donate_argnums=())
def kernel(u_idx, i_idx, U, I, user_bias, item_bias, global_bias):
    mesh = plsc.VectorSubcoreMesh(core_axis_name="c", subcore_axis_name="s",
                                  num_cores=NUM_CORES,
                                  num_subcores=NUM_SUBCORES)
    run = pl.kernel(
        _mf_body,
        out_type=jax.ShapeDtypeStruct((BATCH,), jnp.float32),
        mesh=mesh,
        scratch_types=[
            pltpu.VMEM((BPW,), jnp.int32),
            pltpu.VMEM((BPW,), jnp.int32),
            pltpu.VMEM((CHUNK * DIM, 128), jnp.float32),
            pltpu.VMEM((CHUNK * DIM, 128), jnp.float32),
            pltpu.VMEM((BPW * DIM // 128, 128), jnp.float32),
            pltpu.VMEM((BPW * DIM // 128, 128), jnp.float32),
            pltpu.VMEM((BPW,), jnp.float32),
            pltpu.VMEM((BPW,), jnp.float32),
            pltpu.VMEM((BPW,), jnp.float32),
            pltpu.VMEM((LANES,), jnp.float32),
            [pltpu.SemaphoreType.DMA] * CHUNK,
            [pltpu.SemaphoreType.DMA] * CHUNK,
            pltpu.SemaphoreType.DMA,
        ],
        compiler_params=pltpu.CompilerParams(needs_layout_passes=False),
    )
    gb = jnp.full((LANES,), global_bias, dtype=jnp.float32)
    return run(u_idx.astype(jnp.int32), i_idx.astype(jnp.int32),
               U.T, I.T, user_bias, item_bias, gb)

# --- scband reference (transcript-rebuilt; emitter-appended) ---
"""Pipeline reference for scband-basic-mf-64862596104385 (READ-ONLY COPY).

The authoritative reference and input builder live on the scoring server;
editing this copy changes nothing except your own understanding.
"""

import jax, jax.numpy as jnp
import numpy as np

NUM_USERS = 1000000
NUM_ITEMS = 1000000
EMBED_DIM = 32
BATCH = 16384

def _xavier_normal(key, shape):
    fan_in, fan_out = shape[1], shape[0]
    std = float(np.sqrt(2.0 / (fan_in + fan_out)))
    return jax.random.normal(key, shape, dtype=jnp.float32) * std

def setup_inputs(seed: int = 0) -> dict:
    key = jax.random.key(seed)
    k1, k2, k3, k4, k5, k6 = jax.random.split(key, 6)
    u_idx = jax.random.randint(k1, (BATCH,), 0, NUM_USERS, dtype=jnp.int64 if jax.config.jax_enable_x64 else jnp.int32)
    i_idx = jax.random.randint(k2, (BATCH,), 0, NUM_ITEMS, dtype=jnp.int64 if jax.config.jax_enable_x64 else jnp.int32)
    U = _xavier_normal(k3, (NUM_USERS, EMBED_DIM))
    I = _xavier_normal(k4, (NUM_ITEMS, EMBED_DIM))
    user_bias = jax.random.normal(k5, (NUM_USERS,), dtype=jnp.float32)
    item_bias = jax.random.normal(k6, (NUM_ITEMS,), dtype=jnp.float32)
    global_bias = jnp.asarray(0.001, dtype=jnp.float32)
    return {"u_idx": u_idx, "i_idx": i_idx, "U": U, "I": I, "user_bias": user_bias, "item_bias": item_bias, "global_bias": global_bias}

def reference(u_idx, i_idx, U, I, user_bias, item_bias, global_bias):
    vu = jnp.take(U, u_idx, axis=0)
    vi = jnp.take(I, i_idx, axis=0)
    output = jnp.sum(vu * vi, axis=1) + jnp.take(user_bias, u_idx) + jnp.take(item_bias, i_idx) + global_bias
    return output

if __name__ == "__main__":
    import jax
    _d = setup_inputs()
    print(jax.jit(kernel)(*tuple(_d.values())))

</pallas_src>

<mosaic_0001>
#map = affine_map<(d0, d1) -> (0)>
#map1 = affine_map<(d0, d1) -> (0, 0)>
module attributes {stable_mosaic.version = 14 : i64} {
  func.func @_mf_body(%arg0: i32, %arg1: i32, %arg2: memref<16384xi32, #tpu.memory_space<hbm>>, %arg3: memref<16384xi32, #tpu.memory_space<hbm>>, %arg4: memref<32x1000000xf32, #tpu.memory_space<hbm>>, %arg5: memref<32x1000000xf32, #tpu.memory_space<hbm>>, %arg6: memref<1000000xf32, #tpu.memory_space<hbm>>, %arg7: memref<1000000xf32, #tpu.memory_space<hbm>>, %arg8: memref<16xf32, #tpu.memory_space<hbm>>, %arg9: memref<16384xf32, #tpu.memory_space<hbm>>, %arg10: memref<512xi32, #tpu.memory_space<vmem>>, %arg11: memref<512xi32, #tpu.memory_space<vmem>>, %arg12: memref<256x128xf32, #tpu.memory_space<vmem>>, %arg13: memref<256x128xf32, #tpu.memory_space<vmem>>, %arg14: memref<128x128xf32, #tpu.memory_space<vmem>>, %arg15: memref<128x128xf32, #tpu.memory_space<vmem>>, %arg16: memref<512xf32, #tpu.memory_space<vmem>>, %arg17: memref<512xf32, #tpu.memory_space<vmem>>, %arg18: memref<512xf32, #tpu.memory_space<vmem>>, %arg19: memref<16xf32, #tpu.memory_space<vmem>>, %arg20: memref<!tpu.dma_semaphore, #tpu.memory_space<semaphore_mem>>, %arg21: memref<!tpu.dma_semaphore, #tpu.memory_space<semaphore_mem>>, %arg22: memref<!tpu.dma_semaphore, #tpu.memory_space<semaphore_mem>>, %arg23: memref<!tpu.dma_semaphore, #tpu.memory_space<semaphore_mem>>, %arg24: memref<!tpu.dma_semaphore, #tpu.memory_space<semaphore_mem>>, %arg25: memref<!tpu.dma_semaphore, #tpu.memory_space<semaphore_mem>>, %arg26: memref<!tpu.dma_semaphore, #tpu.memory_space<semaphore_mem>>, %arg27: memref<!tpu.dma_semaphore, #tpu.memory_space<semaphore_mem>>, %arg28: memref<!tpu.dma_semaphore, #tpu.memory_space<semaphore_mem>>, %arg29: memref<!tpu.dma_semaphore, #tpu.memory_space<semaphore_mem>>, %arg30: memref<!tpu.dma_semaphore, #tpu.memory_space<semaphore_mem>>, %arg31: memref<!tpu.dma_semaphore, #tpu.memory_space<semaphore_mem>>, %arg32: memref<!tpu.dma_semaphore, #tpu.memory_space<semaphore_mem>>, %arg33: memref<!tpu.dma_semaphore, #tpu.memory_space<semaphore_mem>>, %arg34: memref<!tpu.dma_semaphore, #tpu.memory_space<semaphore_mem>>, %arg35: memref<!tpu.dma_semaphore, #tpu.memory_space<semaphore_mem>>, %arg36: memref<!tpu.dma_semaphore, #tpu.memory_space<semaphore_mem>>) attributes {dimension_semantics = [#tpu.dimension_semantics<core_parallel>, #tpu.dimension_semantics<subcore_parallel>], iteration_bounds = array<i64: 2, 16>, scalar_prefetch = 0 : i64, scratch_operands = 27 : i64, tpu.core_type = #tpu.core_type<sc_vector_subcore>, window_params = [{transform_indices = #map}, {transform_indices = #map}, {transform_indices = #map1}, {transform_indices = #map1}, {transform_indices = #map}, {transform_indices = #map}, {transform_indices = #map}, {transform_indices = #map}]} {
    %mul3A = arith.constant 2 : i32
    %mul3A_0 = arith.muli %arg1, %mul3A : i32
    %add3A = arith.addi %mul3A_0, %arg0 : i32
    %mul3A_1 = arith.constant 512 : i32
    %mul3A_2 = arith.muli %add3A, %mul3A_1 : i32
    "tpu.region"() ({
      %run_scoped3A = tpu.sem_alloc : memref<!tpu.dma_semaphore, #tpu.memory_space<semaphore_mem>>
      %dma_start3A_270 = tpu.memref_slice %arg2[%mul3A_2] : memref<16384xi32, #tpu.memory_space<hbm>> -> memref<512xi32, #tpu.memory_space<hbm>>
      %dma_start3A_271 = tpu.memref_slice %arg2[%mul3A_2] : memref<16384xi32, #tpu.memory_space<hbm>> -> memref<512xi32, #tpu.memory_space<hbm>>
      tpu.enqueue_dma source(%dma_start3A_271 : memref<512xi32, #tpu.memory_space<hbm>>) target(%arg10 : memref<512xi32, #tpu.memory_space<vmem>>) target_semaphore(%run_scoped3A : memref<!tpu.dma_semaphore, #tpu.memory_space<semaphore_mem>>)
      %dma_wait3A_272 = tpu.memref_slice %arg2[%mul3A_2] : memref<16384xi32, #tpu.memory_space<hbm>> -> memref<512xi32, #tpu.memory_space<hbm>>
      %dma_wait3A_273 = tpu.memref_slice %arg2[%mul3A_2] : memref<16384xi32, #tpu.memory_space<hbm>> -> memref<512xi32, #tpu.memory_space<hbm>>
      tpu.wait_dma2 semaphore(%run_scoped3A : memref<!tpu.dma_semaphore, #tpu.memory_space<semaphore_mem>>) src(%dma_wait3A_273 : memref<512xi32, #tpu.memory_space<hbm>>) dst(%arg10 : memref<512xi32, #tpu.memory_space<vmem>>)
      tpu.yield
    }) : () -> ()
    "tpu.region"() ({
      %run_scoped3A = tpu.sem_alloc : memref<!tpu.dma_semaphore, #tpu.memory_space<semaphore_mem>>
      %dma_start3A_270 = tpu.memref_slice %arg3[%mul3A_2] : memref<16384xi32, #tpu.memory_space<hbm>> -> memref<512xi32, #tpu.memory_space<hbm>>
      %dma_start3A_271 = tpu.memref_slice %arg3[%mul3A_2] : memref<16384xi32, #tpu.memory_space<hbm>> -> memref<512xi32, #tpu.memory_space<hbm>>
      tpu.enqueue_dma source(%dma_start3A_271 : memref<512xi32, #tpu.memory_space<hbm>>) target(%arg11 : memref<512xi32, #tpu.memory_space<vmem>>) target_semaphore(%run_scoped3A : memref<!tpu.dma_semaphore, #tpu.memory_space<semaphore_mem>>)
      %dma_wait3A_272 = tpu.memref_slice %arg3[%mul3A_2] : memref<16384xi32, #tpu.memory_space<hbm>> -> memref<512xi32, #tpu.memory_space<hbm>>
      %dma_wait3A_273 = tpu.memref_slice %arg3[%mul3A_2] : memref<16384xi32, #tpu.memory_space<hbm>> -> memref<512xi32, #tpu.memory_space<hbm>>
      tpu.wait_dma2 semaphore(%run_scoped3A : memref<!tpu.dma_semaphore, #tpu.memory_space<semaphore_mem>>) src(%dma_wait3A_273 : memref<512xi32, #tpu.memory_space<hbm>>) dst(%arg11 : memref<512xi32, #tpu.memory_space<vmem>>)
      tpu.yield
    }) : () -> ()
    "tpu.region"() ({
      %run_scoped3A = tpu.sem_alloc : memref<!tpu.dma_semaphore, #tpu.memory_space<semaphore_mem>>
      tpu.enqueue_dma source(%arg8 : memref<16xf32, #tpu.memory_space<hbm>>) target(%arg19 : memref<16xf32, #tpu.memory_space<vmem>>) target_semaphore(%run_scoped3A : memref<!tpu.dma_semaphore, #tpu.memory_space<semaphore_mem>>)
      tpu.wait_dma2 semaphore(%run_scoped3A : memref<!tpu.dma_semaphore, #tpu.memory_space<semaphore_mem>>) src(%arg8 : memref<16xf32, #tpu.memory_space<hbm>>) dst(%arg19 : memref<16xf32, #tpu.memory_space<vmem>>)
      tpu.yield
    }) : () -> ()
    %dma_start3A = arith.constant 0 : i32
    %dma_start3A_3 = tpu.memref_slice %arg6[%dma_start3A] : memref<1000000xf32, #tpu.memory_space<hbm>> -> memref<1000000xf32, #tpu.memory_space<hbm>>
    tpu.enqueue_indirect_dma source(%dma_start3A_3 : memref<1000000xf32, #tpu.memory_space<hbm>>) target(%arg16 : memref<512xf32, #tpu.memory_space<vmem>>) offsets(%arg10 : memref<512xi32, #tpu.memory_space<vmem>>) semaphore(%arg36 : memref<!tpu.dma_semaphore, #tpu.memory_space<semaphore_mem>>)
    %dma_start3A_4 = arith.constant 0 : i32
    %dma_start3A_5 = tpu.memref_slice %arg7[%dma_start3A_4] : memref<1000000xf32, #tpu.memory_space<hbm>> -> memref<1000000xf32, #tpu.memory_space<hbm>>
    tpu.enqueue_indirect_dma source(%dma_start3A_5 : memref<1000000xf32, #tpu.memory_space<hbm>>) target(%arg17 : memref<512xf32, #tpu.memory_space<vmem>>) offsets(%arg11 : memref<512xi32, #tpu.memory_space<vmem>>) semaphore(%arg36 : memref<!tpu.dma_semaphore, #tpu.memory_space<semaphore_mem>>)
    %iota3A = tpu.iota {dimensions = array<i32: 0>} : vector<16xi32>
    %add3A_6 = arith.constant 16 : i32
    %add3A_7 = vector.broadcast %add3A_6 : i32 to vector<16xi32>
    %add3A_8 = arith.addi %iota3A, %add3A_7 : vector<16xi32>
    %get3A = arith.constant 0 : index
    %get3A_9 = tpu.vector_load %arg10[%get3A] {strides = array<i32>} : memref<512xi32, #tpu.memory_space<vmem>>, vector<16xi32>,
    %get3A_10 = arith.constant 0 : index
    %get3A_11 = tpu.vector_load %arg11[%get3A_10] {strides = array<i32>} : memref<512xi32, #tpu.memory_space<vmem>>, vector<16xi32>,
    %shift_right_arithmetic3A = arith.constant 7 : i32
    %shift_right_arithmetic3A_12 = vector.broadcast %shift_right_arithmetic3A : i32 to vector<16xi32>
    %shift_right_arithmetic3A_13 = arith.shrsi %get3A_9, %shift_right_arithmetic3A_12 : vector<16xi32>
    %shift_right_arithmetic3A_14 = arith.constant 7 : i32
    %shift_right_arithmetic3A_15 = vector.broadcast %shift_right_arithmetic3A_14 : i32 to vector<16xi32>
    %shift_right_arithmetic3A_16 = arith.shrsi %get3A_11, %shift_right_arithmetic3A_15 : vector<16xi32>
    %slice3A = vector.extract_strided_slice %shift_right_arithmetic3A_13 {offsets = [0], sizes = [1], strides = [1]} : vector<16xi32> to vector<1xi32>
    %squeeze3A = vector.extract %slice3A[0] : i32 from vector<1xi32>
    %mul3A_17 = arith.constant 128 : i32
    %mul3A_18 = arith.muli %squeeze3A, %mul3A_17 : i32
    %multiple_of3A = tpu.assume_multiple %mul3A_18, 128 : i32
    %dma_start3A_19 = arith.constant 0 : i32
    %dma_start3A_20 = arith.constant 0 : i32
    %dma_start3A_21 = tpu.memref_slice %arg12[%dma_start3A_19, %dma_start3A_20] : memref<256x128xf32, #tpu.memory_space<vmem>> -> memref<32x128xf32, #tpu.memory_space<vmem>>
    %dma_start3A_22 = arith.constant 0 : i32
    %dma_start3A_23 = tpu.memref_slice %arg4[%dma_start3A_22, %multiple_of3A] : memref<32x1000000xf32, #tpu.memory_space<hbm>> -> memref<32x128xf32, #tpu.memory_space<hbm>>
    %dma_start3A_24 = arith.constant 0 : i32
    %dma_start3A_25 = arith.constant 0 : i32
    %dma_start3A_26 = tpu.memref_slice %arg12[%dma_start3A_24, %dma_start3A_25] : memref<256x128xf32, #tpu.memory_space<vmem>> -> memref<32x128xf32, #tpu.memory_space<vmem>>
    %dma_start3A_27 = arith.constant 0 : i32
    %dma_start3A_28 = tpu.memref_slice %arg4[%dma_start3A_27, %multiple_of3A] : memref<32x1000000xf32, #tpu.memory_space<hbm>> -> memref<32x128xf32, #tpu.memory_space<hbm>>
    tpu.enqueue_dma source(%dma_start3A_28 : memref<32x128xf32, #tpu.memory_space<hbm>>) target(%dma_start3A_26 : memref<32x128xf32, #tpu.memory_space<vmem>>) target_semaphore(%arg20 : memref<!tpu.dma_semaphore, #tpu.memory_space<semaphore_mem>>)
    %slice3A_29 = vector.extract_strided_slice %shift_right_arithmetic3A_16 {offsets = [0], sizes = [1], strides = [1]} : vector<16xi32> to vector<1xi32>
    %squeeze3A_30 = vector.extract %slice3A_29[0] : i32 from vector<1xi32>
    %mul3A_31 = arith.constant 128 : i32
    %mul3A_32 = arith.muli %squeeze3A_30, %mul3A_31 : i32
    %multiple_of3A_33 = tpu.assume_multiple %mul3A_32, 128 : i32
    %dma_start3A_34 = arith.constant 0 : i32
    %dma_start3A_35 = arith.constant 0 : i32
    %dma_start3A_36 = tpu.memref_slice %arg13[%dma_start3A_34, %dma_start3A_35] : memref<256x128xf32, #tpu.memory_space<vmem>> -> memref<32x128xf32, #tpu.memory_space<vmem>>
    %dma_start3A_37 = arith.constant 0 : i32
    %dma_start3A_38 = tpu.memref_slice %arg5[%dma_start3A_37, %multiple_of3A_33] : memref<32x1000000xf32, #tpu.memory_space<hbm>> -> memref<32x128xf32, #tpu.memory_space<hbm>>
    %dma_start3A_39 = arith.constant 0 : i32
    %dma_start3A_40 = arith.constant 0 : i32
    %dma_start3A_41 = tpu.memref_slice %arg13[%dma_start3A_39, %dma_start3A_40] : memref<256x128xf32, #tpu.memory_space<vmem>> -> memref<32x128xf32, #tpu.memory_space<vmem>>
    %dma_start3A_42 = arith.constant 0 : i32
    %dma_start3A_43 = tpu.memref_slice %arg5[%dma_start3A_42, %multiple_of3A_33] : memref<32x1000000xf32, #tpu.memory_space<hbm>> -> memref<32x128xf32, #tpu.memory_space<hbm>>
    tpu.enqueue_dma source(%dma_start3A_43 : memref<32x128xf32, #tpu.memory_space<hbm>>) target(%dma_start3A_41 : memref<32x128xf32, #tpu.memory_space<vmem>>) target_semaphore(%arg28 : memref<!tpu.dma_semaphore, #tpu.memory_space<semaphore_mem>>)
    %slice3A_44 = vector.extract_strided_slice %shift_right_arithmetic3A_13 {offsets = [1], sizes = [1], strides = [1]} : vector<16xi32> to vector<1xi32>
    %squeeze3A_45 = vector.extract %slice3A_44[0] : i32 from vector<1xi32>
    %mul3A_46 = arith.constant 128 : i32
    %mul3A_47 = arith.muli %squeeze3A_45, %mul3A_46 : i32
    %multiple_of3A_48 = tpu.assume_multiple %mul3A_47, 128 : i32
    %dma_start3A_49 = arith.constant 32 : i32
    %dma_start3A_50 = arith.constant 0 : i32
    %dma_start3A_51 = tpu.memref_slice %arg12[%dma_start3A_49, %dma_start3A_50] : memref<256x128xf32, #tpu.memory_space<vmem>> -> memref<32x128xf32, #tpu.memory_space<vmem>>
    %dma_start3A_52 = arith.constant 0 : i32
    %dma_start3A_53 = tpu.memref_slice %arg4[%dma_start3A_52, %multiple_of3A_48] : memref<32x1000000xf32, #tpu.memory_space<hbm>> -> memref<32x128xf32, #tpu.memory_space<hbm>>
    %dma_start3A_54 = arith.constant 32 : i32
    %dma_start3A_55 = arith.constant 0 : i32
    %dma_start3A_56 = tpu.memref_slice %arg12[%dma_start3A_54, %dma_start3A_55] : memref<256x128xf32, #tpu.memory_space<vmem>> -> memref<32x128xf32, #tpu.memory_space<vmem>>
    %dma_start3A_57 = arith.constant 0 : i32
    %dma_start3A_58 = tpu.memref_slice %arg4[%dma_start3A_57, %multiple_of3A_48] : memref<32x1000000xf32, #tpu.memory_space<hbm>> -> memref<32x128xf32, #tpu.memory_space<hbm>>
    tpu.enqueue_dma source(%dma_start3A_58 : memref<32x128xf32, #tpu.memory_space<hbm>>) target(%dma_start3A_56 : memref<32x128xf32, #tpu.memory_space<vmem>>) target_semaphore(%arg21 : memref<!tpu.dma_semaphore, #tpu.memory_space<semaphore_mem>>)
    %slice3A_59 = vector.extract_strided_slice %shift_right_arithmetic3A_16 {offsets = [1], sizes = [1], strides = [1]} : vector<16xi32> to vector<1xi32>
    %squeeze3A_60 = vector.extract %slice3A_59[0] : i32 from vector<1xi32>
    %mul3A_61 = arith.constant 128 : i32
    %mul3A_62 = arith.muli %squeeze3A_60, %mul3A_61 : i32
    %multiple_of3A_63 = tpu.assume_multiple %mul3A_62, 128 : i32
    %dma_start3A_64 = arith.constant 32 : i32
    %dma_start3A_65 = arith.constant 0 : i32
    %dma_start3A_66 = tpu.memref_slice %arg13[%dma_start3A_64, %dma_start3A_65] : memref<256x128xf32, #tpu.memory_space<vmem>> -> memref<32x128xf32, #tpu.memory_space<vmem>>
    %dma_start3A_67 = arith.constant 0 : i32
    %dma_start3A_68 = tpu.memref_slice %arg5[%dma_start3A_67, %multiple_of3A_63] : memref<32x1000000xf32, #tpu.memory_space<hbm>> -> memref<32x128xf32, #tpu.memory_space<hbm>>
    %dma_start3A_69 = arith.constant 32 : i32
    %dma_start3A_70 = arith.constant 0 : i32
    %dma_start3A_71 = tpu.memref_slice %arg13[%dma_start3A_69, %dma_start3A_70] : memref<256x128xf32, #tpu.memory_space<vmem>> -> memref<32x128xf32, #tpu.memory_space<vmem>>
    %dma_start3A_72 = arith.constant 0 : i32
    %dma_start3A_73 = tpu.memref_slice %arg5[%dma_start3A_72, %multiple_of3A_63] : memref<32x1000000xf32, #tpu.memory_space<hbm>> -> memref<32x128xf32, #tpu.memory_space<hbm>>
    tpu.enqueue_dma source(%dma_start3A_73 : memref<32x128xf32, #tpu.memory_space<hbm>>) target(%dma_start3A_71 : memref<32x128xf32, #tpu.memory_space<vmem>>) target_semaphore(%arg29 : memref<!tpu.dma_semaphore, #tpu.memory_space<semaphore_mem>>)
    %slice3A_74 = vector.extract_strided_slice %shift_right_arithmetic3A_13 {offsets = [2], sizes = [1], strides = [1]} : vector<16xi32> to vector<1xi32>
    %squeeze3A_75 = vector.extract %slice3A_74[0] : i32 from vector<1xi32>
    %mul3A_76 = arith.constant 128 : i32
    %mul3A_77 = arith.muli %squeeze3A_75, %mul3A_76 : i32
    %multiple_of3A_78 = tpu.assume_multiple %mul3A_77, 128 : i32
    %dma_start3A_79 = arith.constant 64 : i32
    %dma_start3A_80 = arith.constant 0 : i32
    %dma_start3A_81 = tpu.memref_slice %arg12[%dma_start3A_79, %dma_start3A_80] : memref<256x128xf32, #tpu.memory_space<vmem>> -> memref<32x128xf32, #tpu.memory_space<vmem>>
    %dma_start3A_82 = arith.constant 0 : i32
    %dma_start3A_83 = tpu.memref_slice %arg4[%dma_start3A_82, %multiple_of3A_78] : memref<32x1000000xf32, #tpu.memory_space<hbm>> -> memref<32x128xf32, #tpu.memory_space<hbm>>
    %dma_start3A_84 = arith.constant 64 : i32
    %dma_start3A_85 = arith.constant 0 : i32
    %dma_start3A_86 = tpu.memref_slice %arg12[%dma_start3A_84, %dma_start3A_85] : memref<256x128xf32, #tpu.memory_space<vmem>> -> memref<32x128xf32, #tpu.memory_space<vmem>>
    %dma_start3A_87 = arith.constant 0 : i32
    %dma_start3A_88 = tpu.memref_slice %arg4[%dma_start3A_87, %multiple_of3A_78] : memref<32x1000000xf32, #tpu.memory_space<hbm>> -> memref<32x128xf32, #tpu.memory_space<hbm>>
    tpu.enqueue_dma source(%dma_start3A_88 : memref<32x128xf32, #tpu.memory_space<hbm>>) target(%dma_start3A_86 : memref<32x128xf32, #tpu.memory_space<vmem>>) target_semaphore(%arg22 : memref<!tpu.dma_semaphore, #tpu.memory_space<semaphore_mem>>)
    %slice3A_89 = vector.extract_strided_slice %shift_right_arithmetic3A_16 {offsets = [2], sizes = [1], strides = [1]} : vector<16xi32> to vector<1xi32>
    %squeeze3A_90 = vector.extract %slice3A_89[0] : i32 from vector<1xi32>
    %mul3A_91 = arith.constant 128 : i32
    %mul3A_92 = arith.muli %squeeze3A_90, %mul3A_91 : i32
    %multiple_of3A_93 = tpu.assume_multiple %mul3A_92, 128 : i32
    %dma_start3A_94 = arith.constant 64 : i32
    %dma_start3A_95 = arith.constant 0 : i32
    %dma_start3A_96 = tpu.memref_slice %arg13[%dma_start3A_94, %dma_start3A_95] : memref<256x128xf32, #tpu.memory_space<vmem>> -> memref<32x128xf32, #tpu.memory_space<vmem>>
    %dma_start3A_97 = arith.constant 0 : i32
    %dma_start3A_98 = tpu.memref_slice %arg5[%dma_start3A_97, %multiple_of3A_93] : memref<32x1000000xf32, #tpu.memory_space<hbm>> -> memref<32x128xf32, #tpu.memory_space<hbm>>
    %dma_start3A_99 = arith.constant 64 : i32
    %dma_start3A_100 = arith.constant 0 : i32
    %dma_start3A_101 = tpu.memref_slice %arg13[%dma_start3A_99, %dma_start3A_100] : memref<256x128xf32, #tpu.memory_space<vmem>> -> memref<32x128xf32, #tpu.memory_space<vmem>>
    %dma_start3A_102 = arith.constant 0 : i32
    %dma_start3A_103 = tpu.memref_slice %arg5[%dma_start3A_102, %multiple_of3A_93] : memref<32x1000000xf32, #tpu.memory_space<hbm>> -> memref<32x128xf32, #tpu.memory_space<hbm>>
    tpu.enqueue_dma source(%dma_start3A_103 : memref<32x128xf32, #tpu.memory_space<hbm>>) target(%dma_start3A_101 : memref<32x128xf32, #tpu.memory_space<vmem>>) target_semaphore(%arg30 : memref<!tpu.dma_semaphore, #tpu.memory_space<semaphore_mem>>)
    %slice3A_104 = vector.extract_strided_slice %shift_right_arithmetic3A_13 {offsets = [3], sizes = [1], strides = [1]} : vector<16xi32> to vector<1xi32>
    %squeeze3A_105 = vector.extract %slice3A_104[0] : i32 from vector<1xi32>
    %mul3A_106 = arith.constant 128 : i32
    %mul3A_107 = arith.muli %squeeze3A_105, %mul3A_106 : i32
    %multiple_of3A_108 = tpu.assume_multiple %mul3A_107, 128 : i32
    %dma_start3A_109 = arith.constant 96 : i32
    %dma_start3A_110 = arith.constant 0 : i32
    %dma_start3A_111 = tpu.memref_slice %arg12[%dma_start3A_109, %dma_start3A_110] : memref<256x128xf32, #tpu.memory_space<vmem>> -> memref<32x128xf32, #tpu.memory_space<vmem>>
    %dma_start3A_112 = arith.constant 0 : i32
    %dma_start3A_113 = tpu.memref_slice %arg4[%dma_start3A_112, %multiple_of3A_108] : memref<32x1000000xf32, #tpu.memory_space<hbm>> -> memref<32x128xf32, #tpu.memory_space<hbm>>
    %dma_start3A_114 = arith.constant 96 : i32
    %dma_start3A_115 = arith.constant 0 : i32
    %dma_start3A_116 = tpu.memref_slice %arg12[%dma_start3A_114, %dma_start3A_115] : memref<256x128xf32, #tpu.memory_space<vmem>> -> memref<32x128xf32, #tpu.memory_space<vmem>>
    %dma_start3A_117 = arith.constant 0 : i32
    %dma_start3A_118 = tpu.memref_slice %arg4[%dma_start3A_117, %multiple_of3A_108] : memref<32x1000000xf32, #tpu.memory_space<hbm>> -> memref<32x128xf32, #tpu.memory_space<hbm>>
    tpu.enqueue_dma source(%dma_start3A_118 : memref<32x128xf32, #tpu.memory_space<hbm>>) target(%dma_start3A_116 : memref<32x128xf32, #tpu.memory_space<vmem>>) target_semaphore(%arg23 : memref<!tpu.dma_semaphore, #tpu.memory_space<semaphore_mem>>)
    %slice3A_119 = vector.extract_strided_slice %shift_right_arithmetic3A_16 {offsets = [3], sizes = [1], strides = [1]} : vector<16xi32> to vector<1xi32>
    %squeeze3A_120 = vector.extract %slice3A_119[0] : i32 from vector<1xi32>
    %mul3A_121 = arith.constant 128 : i32
    %mul3A_122 = arith.muli %squeeze3A_120, %mul3A_121 : i32
    %multiple_of3A_123 = tpu.assume_multiple %mul3A_122, 128 : i32
    %dma_start3A_124 = arith.constant 96 : i32
    %dma_start3A_125 = arith.constant 0 : i32
    %dma_start3A_126 = tpu.memref_slice %arg13[%dma_start3A_124, %dma_start3A_125] : memref<256x128xf32, #tpu.memory_space<vmem>> -> memref<32x128xf32, #tpu.memory_space<vmem>>
    %dma_start3A_127 = arith.constant 0 : i32
    %dma_start3A_128 = tpu.memref_slice %arg5[%dma_start3A_127, %multiple_of3A_123] : memref<32x1000000xf32, #tpu.memory_space<hbm>> -> memref<32x128xf32, #tpu.memory_space<hbm>>
    %dma_start3A_129 = arith.constant 96 : i32
    %dma_start3A_130 = arith.constant 0 : i32
    %dma_start3A_131 = tpu.memref_slice %arg13[%dma_start3A_129, %dma_start3A_130] : memref<256x128xf32, #tpu.memory_space<vmem>> -> memref<32x128xf32, #tpu.memory_space<vmem>>
    %dma_start3A_132 = arith.constant 0 : i32
    %dma_start3A_133 = tpu.memref_slice %arg5[%dma_start3A_132, %multiple_of3A_123] : memref<32x1000000xf32, #tpu.memory_space<hbm>> -> memref<32x128xf32, #tpu.memory_space<hbm>>
    tpu.enqueue_dma source(%dma_start3A_133 : memref<32x128xf32, #tpu.memory_space<hbm>>) target(%dma_start3A_131 : memref<32x128xf32, #tpu.memory_space<vmem>>) target_semaphore(%arg31 : memref<!tpu.dma_semaphore, #tpu.memory_space<semaphore_mem>>)
    %slice3A_134 = vector.extract_strided_slice %shift_right_arithmetic3A_13 {offsets = [4], sizes = [1], strides = [1]} : vector<16xi32> to vector<1xi32>
    %squeeze3A_135 = vector.extract %slice3A_134[0] : i32 from vector<1xi32>
    %mul3A_136 = arith.constant 128 : i32
    %mul3A_137 = arith.muli %squeeze3A_135, %mul3A_136 : i32
    %multiple_of3A_138 = tpu.assume_multiple %mul3A_137, 128 : i32
    %dma_start3A_139 = arith.constant 128 : i32
    %dma_start3A_140 = arith.constant 0 : i32
    %dma_start3A_141 = tpu.memref_slice %arg12[%dma_start3A_139, %dma_start3A_140] : memref<256x128xf32, #tpu.memory_space<vmem>> -> memref<32x128xf32, #tpu.memory_space<vmem>>
    %dma_start3A_142 = arith.constant 0 : i32
    %dma_start3A_143 = tpu.memref_slice %arg4[%dma_start3A_142, %multiple_of3A_138] : memref<32x1000000xf32, #tpu.memory_space<hbm>> -> memref<32x128xf32, #tpu.memory_space<hbm>>
    %dma_start3A_144 = arith.constant 128 : i32
    %dma_start3A_145 = arith.constant 0 : i32
    %dma_start3A_146 = tpu.memref_slice %arg12[%dma_start3A_144, %dma_start3A_145] : memref<256x128xf32, #tpu.memory_space<vmem>> -> memref<32x128xf32, #tpu.memory_space<vmem>>
    %dma_start3A_147 = arith.constant 0 : i32
    %dma_start3A_148 = tpu.memref_slice %arg4[%dma_start3A_147, %multiple_of3A_138] : memref<32x1000000xf32, #tpu.memory_space<hbm>> -> memref<32x128xf32, #tpu.memory_space<hbm>>
    tpu.enqueue_dma source(%dma_start3A_148 : memref<32x128xf32, #tpu.memory_space<hbm>>) target(%dma_start3A_146 : memref<32x128xf32, #tpu.memory_space<vmem>>) target_semaphore(%arg24 : memref<!tpu.dma_semaphore, #tpu.memory_space<semaphore_mem>>)
    %slice3A_149 = vector.extract_strided_slice %shift_right_arithmetic3A_16 {offsets = [4], sizes = [1], strides = [1]} : vector<16xi32> to vector<1xi32>
    %squeeze3A_150 = vector.extract %slice3A_149[0] : i32 from vector<1xi32>
    %mul3A_151 = arith.constant 128 : i32
    %mul3A_152 = arith.muli %squeeze3A_150, %mul3A_151 : i32
    %multiple_of3A_153 = tpu.assume_multiple %mul3A_152, 128 : i32
    %dma_start3A_154 = arith.constant 128 : i32
    %dma_start3A_155 = arith.constant 0 : i32
    %dma_start3A_156 = tpu.memref_slice %arg13[%dma_start3A_154, %dma_start3A_155] : memref<256x128xf32, #tpu.memory_space<vmem>> -> memref<32x128xf32, #tpu.memory_space<vmem>>
    %dma_start3A_157 = arith.constant 0 : i32
    %dma_start3A_158 = tpu.memref_slice %arg5[%dma_start3A_157, %multiple_of3A_153] : memref<32x1000000xf32, #tpu.memory_space<hbm>> -> memref<32x128xf32, #tpu.memory_space<hbm>>
    %dma_start3A_159 = arith.constant 128 : i32
    %dma_start3A_160 = arith.constant 0 : i32
    %dma_start3A_161 = tpu.memref_slice %arg13[%dma_start3A_159, %dma_start3A_160] : memref<256x128xf32, #tpu.memory_space<vmem>> -> memref<32x128xf32, #tpu.memory_space<vmem>>
    %dma_start3A_162 = arith.constant 0 : i32
    %dma_start3A_163 = tpu.memref_slice %arg5[%dma_start3A_162, %multiple_of3A_153] : memref<32x1000000xf32, #tpu.memory_space<hbm>> -> memref<32x128xf32, #tpu.memory_space<hbm>>
    tpu.enqueue_dma source(%dma_start3A_163 : memref<32x128xf32, #tpu.memory_space<hbm>>) target(%dma_start3A_161 : memref<32x128xf32, #tpu.memory_space<vmem>>) target_semaphore(%arg32 : memref<!tpu.dma_semaphore, #tpu.memory_space<semaphore_mem>>)
    %slice3A_164 = vector.extract_strided_slice %shift_right_arithmetic3A_13 {offsets = [5], sizes = [1], strides = [1]} : vector<16xi32> to vector<1xi32>
    %squeeze3A_165 = vector.extract %slice3A_164[0] : i32 from vector<1xi32>
    %mul3A_166 = arith.constant 128 : i32
    %mul3A_167 = arith.muli %squeeze3A_165, %mul3A_166 : i32
    %multiple_of3A_168 = tpu.assume_multiple %mul3A_167, 128 : i32
    %dma_start3A_169 = arith.constant 160 : i32
    %dma_start3A_170 = arith.constant 0 : i32
    %dma_start3A_171 = tpu.memref_slice %arg12[%dma_start3A_169, %dma_start3A_170] : memref<256x128xf32, #tpu.memory_space<vmem>> -> memref<32x128xf32, #tpu.memory_space<vmem>>
    %dma_start3A_172 = arith.constant 0 : i32
    %dma_start3A_173 = tpu.memref_slice %arg4[%dma_start3A_172, %multiple_of3A_168] : memref<32x1000000xf32, #tpu.memory_space<hbm>> -> memref<32x128xf32, #tpu.memory_space<hbm>>
    %dma_start3A_174 = arith.constant 160 : i32
    %dma_start3A_175 = arith.constant 0 : i32
    %dma_start3A_176 = tpu.memref_slice %arg12[%dma_start3A_174, %dma_start3A_175] : memref<256x128xf32, #tpu.memory_space<vmem>> -> memref<32x128xf32, #tpu.memory_space<vmem>>
    %dma_start3A_177 = arith.constant 0 : i32
    %dma_start3A_178 = tpu.memref_slice %arg4[%dma_start3A_177, %multiple_of3A_168] : memref<32x1000000xf32, #tpu.memory_space<hbm>> -> memref<32x128xf32, #tpu.memory_space<hbm>>
    tpu.enqueue_dma source(%dma_start3A_178 : memref<32x128xf32, #tpu.memory_space<hbm>>) target(%dma_start3A_176 : memref<32x128xf32, #tpu.memory_space<vmem>>) target_semaphore(%arg25 : memref<!tpu.dma_semaphore, #tpu.memory_space<semaphore_mem>>)
    %slice3A_179 = vector.extract_strided_slice %shift_right_arithmetic3A_16 {offsets = [5], sizes = [1], strides = [1]} : vector<16xi32> to vector<1xi32>
    %squeeze3A_180 = vector.extract %slice3A_179[0] : i32 from vector<1xi32>
    %mul3A_181 = arith.constant 128 : i32
    %mul3A_182 = arith.muli %squeeze3A_180, %mul3A_181 : i32
    %multiple_of3A_183 = tpu.assume_multiple %mul3A_182, 128 : i32
    %dma_start3A_184 = arith.constant 160 : i32
    %dma_start3A_185 = arith.constant 0 : i32
    %dma_start3A_186 = tpu.memref_slice %arg13[%dma_start3A_184, %dma_start3A_185] : memref<256x128xf32, #tpu.memory_space<vmem>> -> memref<32x128xf32, #tpu.memory_space<vmem>>
    %dma_start3A_187 = arith.constant 0 : i32
    %dma_start3A_188 = tpu.memref_slice %arg5[%dma_start3A_187, %multiple_of3A_183] : memref<32x1000000xf32, #tpu.memory_space<hbm>> -> memref<32x128xf32, #tpu.memory_space<hbm>>
    %dma_start3A_189 = arith.constant 160 : i32
    %dma_start3A_190 = arith.constant 0 : i32
    %dma_start3A_191 = tpu.memref_slice %arg13[%dma_start3A_189, %dma_start3A_190] : memref<256x128xf32, #tpu.memory_space<vmem>> -> memref<32x128xf32, #tpu.memory_space<vmem>>
    %dma_start3A_192 = arith.constant 0 : i32
    %dma_start3A_193 = tpu.memref_slice %arg5[%dma_start3A_192, %multiple_of3A_183] : memref<32x1000000xf32, #tpu.memory_space<hbm>> -> memref<32x128xf32, #tpu.memory_space<hbm>>
    tpu.enqueue_dma source(%dma_start3A_193 : memref<32x128xf32, #tpu.memory_space<hbm>>) target(%dma_start3A_191 : memref<32x128xf32, #tpu.memory_space<vmem>>) target_semaphore(%arg33 : memref<!tpu.dma_semaphore, #tpu.memory_space<semaphore_mem>>)
    %slice3A_194 = vector.extract_strided_slice %shift_right_arithmetic3A_13 {offsets = [6], sizes = [1], strides = [1]} : vector<16xi32> to vector<1xi32>
    %squeeze3A_195 = vector.extract %slice3A_194[0] : i32 from vector<1xi32>
    %mul3A_196 = arith.constant 128 : i32
    %mul3A_197 = arith.muli %squeeze3A_195, %mul3A_196 : i32
    %multiple_of3A_198 = tpu.assume_multiple %mul3A_197, 128 : i32
    %dma_start3A_199 = arith.constant 192 : i32
    %dma_start3A_200 = arith.constant 0 : i32
    %dma_start3A_201 = tpu.memref_slice %arg12[%dma_start3A_199, %dma_start3A_200] : memref<256x128xf32, #tpu.memory_space<vmem>> -> memref<32x128xf32, #tpu.memory_space<vmem>>
    %dma_start3A_202 = arith.constant 0 : i32
    %dma_start3A_203 = tpu.memref_slice %arg4[%dma_start3A_202, %multiple_of3A_198] : memref<32x1000000xf32, #tpu.memory_space<hbm>> -> memref<32x128xf32, #tpu.memory_space<hbm>>
    %dma_start3A_204 = arith.constant 192 : i32
    %dma_start3A_205 = arith.constant 0 : i32
    %dma_start3A_206 = tpu.memref_slice %arg12[%dma_start3A_204, %dma_start3A_205] : memref<256x128xf32, #tpu.memory_space<vmem>> -> memref<32x128xf32, #tpu.memory_space<vmem>>
    %dma_start3A_207 = arith.constant 0 : i32
    %dma_start3A_208 = tpu.memref_slice %arg4[%dma_start3A_207, %multiple_of3A_198] : memref<32x1000000xf32, #tpu.memory_space<hbm>> -> memref<32x128xf32, #tpu.memory_space<hbm>>
    tpu.enqueue_dma source(%dma_start3A_208 : memref<32x128xf32, #tpu.memory_space<hbm>>) target(%dma_start3A_206 : memref<32x128xf32, #tpu.memory_space<vmem>>) target_semaphore(%arg26 : memref<!tpu.dma_semaphore, #tpu.memory_space<semaphore_mem>>)
    %slice3A_209 = vector.extract_strided_slice %shift_right_arithmetic3A_16 {offsets = [6], sizes = [1], strides = [1]} : vector<16xi32> to vector<1xi32>
    %squeeze3A_210 = vector.extract %slice3A_209[0] : i32 from vector<1xi32>
    %mul3A_211 = arith.constant 128 : i32
    %mul3A_212 = arith.muli %squeeze3A_210, %mul3A_211 : i32
    %multiple_of3A_213 = tpu.assume_multiple %mul3A_212, 128 : i32
    %dma_start3A_214 = arith.constant 192 : i32
    %dma_start3A_215 = arith.constant 0 : i32
    %dma_start3A_216 = tpu.memref_slice %arg13[%dma_start3A_214, %dma_start3A_215] : memref<256x128xf32, #tpu.memory_space<vmem>> -> memref<32x128xf32, #tpu.memory_space<vmem>>
    %dma_start3A_217 = arith.constant 0 : i32
    %dma_start3A_218 = tpu.memref_slice %arg5[%dma_start3A_217, %multiple_of3A_213] : memref<32x1000000xf32, #tpu.memory_space<hbm>> -> memref<32x128xf32, #tpu.memory_space<hbm>>
    %dma_start3A_219 = arith.constant 192 : i32
    %dma_start3A_220 = arith.constant 0 : i32
    %dma_start3A_221 = tpu.memref_slice %arg13[%dma_start3A_219, %dma_start3A_220] : memref<256x128xf32, #tpu.memory_space<vmem>> -> memref<32x128xf32, #tpu.memory_space<vmem>>
    %dma_start3A_222 = arith.constant 0 : i32
    %dma_start3A_223 = tpu.memref_slice %arg5[%dma_start3A_222, %multiple_of3A_213] : memref<32x1000000xf32, #tpu.memory_space<hbm>> -> memref<32x128xf32, #tpu.memory_space<hbm>>
    tpu.enqueue_dma source(%dma_start3A_223 : memref<32x128xf32, #tpu.memory_space<hbm>>) target(%dma_start3A_221 : memref<32x128xf32, #tpu.memory_space<vmem>>) target_semaphore(%arg34 : memref<!tpu.dma_semaphore, #tpu.memory_space<semaphore_mem>>)
    %slice3A_224 = vector.extract_strided_slice %shift_right_arithmetic3A_13 {offsets = [7], sizes = [1], strides = [1]} : vector<16xi32> to vector<1xi32>
    %squeeze3A_225 = vector.extract %slice3A_224[0] : i32 from vector<1xi32>
    %mul3A_226 = arith.constant 128 : i32
    %mul3A_227 = arith.muli %squeeze3A_225, %mul3A_226 : i32
    %multiple_of3A_228 = tpu.assume_multiple %mul3A_227, 128 : i32
    %dma_start3A_229 = arith.constant 224 : i32
    %dma_start3A_230 = arith.constant 0 : i32
    %dma_start3A_231 = tpu.memref_slice %arg12[%dma_start3A_229, %dma_start3A_230] : memref<256x128xf32, #tpu.memory_space<vmem>> -> memref<32x128xf32, #tpu.memory_space<vmem>>
    %dma_start3A_232 = arith.constant 0 : i32
    %dma_start3A_233 = tpu.memref_slice %arg4[%dma_start3A_232, %multiple_of3A_228] : memref<32x1000000xf32, #tpu.memory_space<hbm>> -> memref<32x128xf32, #tpu.memory_space<hbm>>
    %dma_start3A_234 = arith.constant 224 : i32
    %dma_start3A_235 = arith.constant 0 : i32
    %dma_start3A_236 = tpu.memref_slice %arg12[%dma_start3A_234, %dma_start3A_235] : memref<256x128xf32, #tpu.memory_space<vmem>> -> memref<32x128xf32, #tpu.memory_space<vmem>>
    %dma_start3A_237 = arith.constant 0 : i32
    %dma_start3A_238 = tpu.memref_slice %arg4[%dma_start3A_237, %multiple_of3A_228] : memref<32x1000000xf32, #tpu.memory_space<hbm>> -> memref<32x128xf32, #tpu.memory_space<hbm>>
    tpu.enqueue_dma source(%dma_start3A_238 : memref<32x128xf32, #tpu.memory_space<hbm>>) target(%dma_start3A_236 : memref<32x128xf32, #tpu.memory_space<vmem>>) target_semaphore(%arg27 : memref<!tpu.dma_semaphore, #tpu.memory_space<semaphore_mem>>)
    %slice3A_239 = vector.extract_strided_slice %shift_right_arithmetic3A_16 {offsets = [7], sizes = [1], strides = [1]} : vector<16xi32> to vector<1xi32>
    %squeeze3A_240 = vector.extract %slice3A_239[0] : i32 from vector<1xi32>
    %mul3A_241 = arith.constant 128 : i32
    %mul3A_242 = arith.muli %squeeze3A_240, %mul3A_241 : i32
    %multiple_of3A_243 = tpu.assume_multiple %mul3A_242, 128 : i32
    %dma_start3A_244 = arith.constant 224 : i32
    %dma_start3A_245 = arith.constant 0 : i32
    %dma_start3A_246 = tpu.memref_slice %arg13[%dma_start3A_244, %dma_start3A_245] : memref<256x128xf32, #tpu.memory_space<vmem>> -> memref<32x128xf32, #tpu.memory_space<vmem>>
    %dma_start3A_247 = arith.constant 0 : i32
    %dma_start3A_248 = tpu.memref_slice %arg5[%dma_start3A_247, %multiple_of3A_243] : memref<32x1000000xf32, #tpu.memory_space<hbm>> -> memref<32x128xf32, #tpu.memory_space<hbm>>
    %dma_start3A_249 = arith.constant 224 : i32
    %dma_start3A_250 = arith.constant 0 : i32
    %dma_start3A_251 = tpu.memref_slice %arg13[%dma_start3A_249, %dma_start3A_250] : memref<256x128xf32, #tpu.memory_space<vmem>> -> memref<32x128xf32, #tpu.memory_space<vmem>>
    %dma_start3A_252 = arith.constant 0 : i32
    %dma_start3A_253 = tpu.memref_slice %arg5[%dma_start3A_252, %multiple_of3A_243] : memref<32x1000000xf32, #tpu.memory_space<hbm>> -> memref<32x128xf32, #tpu.memory_space<hbm>>
    tpu.enqueue_dma source(%dma_start3A_253 : memref<32x128xf32, #tpu.memory_space<hbm>>) target(%dma_start3A_251 : memref<32x128xf32, #tpu.memory_space<vmem>>) target_semaphore(%arg35 : memref<!tpu.dma_semaphore, #tpu.memory_space<semaphore_mem>>)
    %scan3A = arith.constant 0 : i32
    %scan3A_254 = arith.constant 0 : i32
    %scan3A_255 = arith.constant 32 : i32
    %scan3A_256 = arith.addi %scan3A_254, %scan3A_255 : i32
    %scan3A_257 = arith.constant 1 : i32
    scf.for %scan3A_270 = %scan3A_254 to %scan3A_256 step %scan3A_257  : i32 {
      %mul3A_271 = arith.constant 16 : i32
      %mul3A_272 = arith.muli %scan3A_270, %mul3A_271 : i32
      %get3A_273 = arith.index_cast %mul3A_272 : i32 to index
      %get3A_274 = tpu.vector_load %arg10[%get3A_273] {strides = array<i32>} : memref<512xi32, #tpu.memory_space<vmem>>, vector<16xi32>,
      %mul3A_275 = arith.constant 16 : i32
      %mul3A_276 = arith.muli %scan3A_270, %mul3A_275 : i32
      %get3A_277 = arith.index_cast %mul3A_276 : i32 to index
      %get3A_278 = tpu.vector_load %arg11[%get3A_277] {strides = array<i32>} : memref<512xi32, #tpu.memory_space<vmem>>, vector<16xi32>,
      %add3A_279 = arith.constant 1 : i32
      %add3A_280 = arith.addi %scan3A_270, %add3A_279 : i32
      %min3A = arith.constant 31 : i32
      %min3A_281 = arith.minsi %add3A_280, %min3A : i32
      %mul3A_282 = arith.constant 16 : i32
      %mul3A_283 = arith.muli %min3A_281, %mul3A_282 : i32
      %get3A_284 = arith.index_cast %mul3A_283 : i32 to index
      %get3A_285 = tpu.vector_load %arg10[%get3A_284] {strides = array<i32>} : memref<512xi32, #tpu.memory_space<vmem>>, vector<16xi32>,
      %get3A_286 = arith.index_cast %mul3A_283 : i32 to index
      %get3A_287 = tpu.vector_load %arg11[%get3A_286] {strides = array<i32>} : memref<512xi32, #tpu.memory_space<vmem>>, vector<16xi32>,
      %shift_right_arithmetic3A_288 = arith.constant 7 : i32
      %shift_right_arithmetic3A_289 = vector.broadcast %shift_right_arithmetic3A_288 : i32 to vector<16xi32>
      %shift_right_arithmetic3A_290 = arith.shrsi %get3A_274, %shift_right_arithmetic3A_289 : vector<16xi32>
      %shift_right_arithmetic3A_291 = arith.constant 7 : i32
      %shift_right_arithmetic3A_292 = vector.broadcast %shift_right_arithmetic3A_291 : i32 to vector<16xi32>
      %shift_right_arithmetic3A_293 = arith.shrsi %get3A_278, %shift_right_arithmetic3A_292 : vector<16xi32>
      %shift_right_arithmetic3A_294 = arith.constant 7 : i32
      %shift_right_arithmetic3A_295 = vector.broadcast %shift_right_arithmetic3A_294 : i32 to vector<16xi32>
      %shift_right_arithmetic3A_296 = arith.shrsi %get3A_285, %shift_right_arithmetic3A_295 : vector<16xi32>
      %shift_right_arithmetic3A_297 = arith.constant 7 : i32
      %shift_right_arithmetic3A_298 = vector.broadcast %shift_right_arithmetic3A_297 : i32 to vector<16xi32>
      %shift_right_arithmetic3A_299 = arith.shrsi %get3A_287, %shift_right_arithmetic3A_298 : vector<16xi32>
      %and3A = arith.constant 127 : i32
      %and3A_300 = vector.broadcast %and3A : i32 to vector<16xi32>
      %and3A_301 = arith.andi %get3A_274, %and3A_300 : vector<16xi32>
      %and3A_302 = arith.constant 127 : i32
      %and3A_303 = vector.broadcast %and3A_302 : i32 to vector<16xi32>
      %and3A_304 = arith.andi %get3A_278, %and3A_303 : vector<16xi32>
      %lt3A = arith.constant 31 : i32
      %lt3A_305 = arith.cmpi slt, %scan3A_270, %lt3A : i32
      %mul3A_306 = arith.constant 16 : i32
      %mul3A_307 = arith.muli %scan3A_270, %mul3A_306 : i32
      %add3A_308 = arith.constant 0 : i32
      %add3A_309 = arith.addi %mul3A_307, %add3A_308 : i32
      %dma_wait3A_310 = arith.constant 0 : i32
      %dma_wait3A_311 = arith.constant 0 : i32
      %dma_wait3A_312 = tpu.memref_slice %arg12[%dma_wait3A_310, %dma_wait3A_311] : memref<256x128xf32, #tpu.memory_space<vmem>> -> memref<32x128xf32, #tpu.memory_space<vmem>>
      %dma_wait3A_313 = arith.constant 0 : i32
      %dma_wait3A_314 = arith.constant 0 : i32
      %dma_wait3A_315 = tpu.memref_slice %arg4[%dma_wait3A_313, %dma_wait3A_314] : memref<32x1000000xf32, #tpu.memory_space<hbm>> -> memref<32x128xf32, #tpu.memory_space<hbm>>
      %dma_wait3A_316 = arith.constant 0 : i32
      %dma_wait3A_317 = arith.constant 0 : i32
      %dma_wait3A_318 = tpu.memref_slice %arg12[%dma_wait3A_316, %dma_wait3A_317] : memref<256x128xf32, #tpu.memory_space<vmem>> -> memref<32x128xf32, #tpu.memory_space<vmem>>
      %dma_wait3A_319 = arith.constant 0 : i32
      %dma_wait3A_320 = arith.constant 0 : i32
      %dma_wait3A_321 = tpu.memref_slice %arg4[%dma_wait3A_319, %dma_wait3A_320] : memref<32x1000000xf32, #tpu.memory_space<hbm>> -> memref<32x128xf32, #tpu.memory_space<hbm>>
      tpu.wait_dma2 semaphore(%arg20 : memref<!tpu.dma_semaphore, #tpu.memory_space<semaphore_mem>>) src(%dma_wait3A_321 : memref<32x128xf32, #tpu.memory_space<hbm>>) dst(%dma_wait3A_318 : memref<32x128xf32, #tpu.memory_space<vmem>>)
      %dma_wait3A_322 = arith.constant 0 : i32
      %dma_wait3A_323 = arith.constant 0 : i32
      %dma_wait3A_324 = tpu.memref_slice %arg13[%dma_wait3A_322, %dma_wait3A_323] : memref<256x128xf32, #tpu.memory_space<vmem>> -> memref<32x128xf32, #tpu.memory_space<vmem>>
      %dma_wait3A_325 = arith.constant 0 : i32
      %dma_wait3A_326 = arith.constant 0 : i32
      %dma_wait3A_327 = tpu.memref_slice %arg5[%dma_wait3A_325, %dma_wait3A_326] : memref<32x1000000xf32, #tpu.memory_space<hbm>> -> memref<32x128xf32, #tpu.memory_space<hbm>>
      %dma_wait3A_328 = arith.constant 0 : i32
      %dma_wait3A_329 = arith.constant 0 : i32
      %dma_wait3A_330 = tpu.memref_slice %arg13[%dma_wait3A_328, %dma_wait3A_329] : memref<256x128xf32, #tpu.memory_space<vmem>> -> memref<32x128xf32, #tpu.memory_space<vmem>>
      %dma_wait3A_331 = arith.constant 0 : i32
      %dma_wait3A_332 = arith.constant 0 : i32
      %dma_wait3A_333 = tpu.memref_slice %arg5[%dma_wait3A_331, %dma_wait3A_332] : memref<32x1000000xf32, #tpu.memory_space<hbm>> -> memref<32x128xf32, #tpu.memory_space<hbm>>
      tpu.wait_dma2 semaphore(%arg28 : memref<!tpu.dma_semaphore, #tpu.memory_space<semaphore_mem>>) src(%dma_wait3A_333 : memref<32x128xf32, #tpu.memory_space<hbm>>) dst(%dma_wait3A_330 : memref<32x128xf32, #tpu.memory_space<vmem>>)
      %broadcast_in_dim3A = arith.constant 0 : i32
      %broadcast_in_dim3A_334 = vector.broadcast %broadcast_in_dim3A : i32 to vector<16xi32>
      %slice3A_335 = vector.extract_strided_slice %and3A_301 {offsets = [0], sizes = [1], strides = [1]} : vector<16xi32> to vector<1xi32>
      %squeeze3A_336 = vector.extract %slice3A_335[0] : i32 from vector<1xi32>
      %add3A_337 = vector.broadcast %squeeze3A_336 : i32 to vector<16xi32>
      %add3A_338 = arith.addi %broadcast_in_dim3A_334, %add3A_337 : vector<16xi32>
      %broadcast_in_dim3A_339 = arith.constant 0 : i32
      %broadcast_in_dim3A_340 = vector.broadcast %broadcast_in_dim3A_339 : i32 to vector<16xi32>
      %slice3A_341 = vector.extract_strided_slice %and3A_304 {offsets = [0], sizes = [1], strides = [1]} : vector<16xi32> to vector<1xi32>
      %squeeze3A_342 = vector.extract %slice3A_341[0] : i32 from vector<1xi32>
      %add3A_343 = vector.broadcast %squeeze3A_342 : i32 to vector<16xi32>
      %add3A_344 = arith.addi %broadcast_in_dim3A_340, %add3A_343 : vector<16xi32>
      %add3A_345 = arith.constant 0 : i32
      %add3A_346 = vector.broadcast %add3A_345 : i32 to vector<16xi32>
      %add3A_347 = arith.addi %add3A_346, %iota3A : vector<16xi32>
      %add3A_348 = arith.constant 0 : i32
      %add3A_349 = vector.broadcast %add3A_348 : i32 to vector<16xi32>
      %add3A_350 = arith.addi %add3A_349, %add3A_8 : vector<16xi32>
      %mul3A_351 = arith.constant 32 : i32
      %mul3A_352 = arith.muli %add3A_309, %mul3A_351 : i32
      %shift_right_arithmetic3A_353 = arith.constant 7 : i32
      %shift_right_arithmetic3A_354 = arith.shrsi %mul3A_352, %shift_right_arithmetic3A_353 : i32
      %mul3A_355 = arith.constant 32 : i32
      %mul3A_356 = arith.muli %add3A_309, %mul3A_355 : i32
      %and3A_357 = arith.constant 127 : i32
      %and3A_358 = arith.andi %mul3A_356, %and3A_357 : i32
      %gather3A = tpu.vector_load_idx %arg12[%add3A_347, %add3A_338] : memref<256x128xf32, #tpu.memory_space<vmem>>[vector<16xi32>, vector<16xi32>], vector<16xf32>,
      %swap3A = arith.index_cast %shift_right_arithmetic3A_354 : i32 to index
      %swap3A_359 = arith.index_cast %and3A_358 : i32 to index
      %swap3A_360 = tpu.vector_load %arg14[%swap3A, %swap3A_359] {strides = array<i32>} : memref<128x128xf32, #tpu.memory_space<vmem>>, vector<16xf32>,
      tpu.vector_store %arg14[%swap3A, %swap3A_359], %gather3A {strides = array<i32>} : memref<128x128xf32, #tpu.memory_space<vmem>>, vector<16xf32>,
      %gather3A_361 = tpu.vector_load_idx %arg12[%add3A_350, %add3A_338] : memref<256x128xf32, #tpu.memory_space<vmem>>[vector<16xi32>, vector<16xi32>], vector<16xf32>,
      %add3A_362 = arith.constant 16 : i32
      %add3A_363 = arith.addi %and3A_358, %add3A_362 : i32
      %swap3A_364 = arith.index_cast %shift_right_arithmetic3A_354 : i32 to index
      %swap3A_365 = arith.index_cast %add3A_363 : i32 to index
      %swap3A_366 = tpu.vector_load %arg14[%swap3A_364, %swap3A_365] {strides = array<i32>} : memref<128x128xf32, #tpu.memory_space<vmem>>, vector<16xf32>,
      tpu.vector_store %arg14[%swap3A_364, %swap3A_365], %gather3A_361 {strides = array<i32>} : memref<128x128xf32, #tpu.memory_space<vmem>>, vector<16xf32>,
      %gather3A_367 = tpu.vector_load_idx %arg13[%add3A_347, %add3A_344] : memref<256x128xf32, #tpu.memory_space<vmem>>[vector<16xi32>, vector<16xi32>], vector<16xf32>,
      %swap3A_368 = arith.index_cast %shift_right_arithmetic3A_354 : i32 to index
      %swap3A_369 = arith.index_cast %and3A_358 : i32 to index
      %swap3A_370 = tpu.vector_load %arg15[%swap3A_368, %swap3A_369] {strides = array<i32>} : memref<128x128xf32, #tpu.memory_space<vmem>>, vector<16xf32>,
      tpu.vector_store %arg15[%swap3A_368, %swap3A_369], %gather3A_367 {strides = array<i32>} : memref<128x128xf32, #tpu.memory_space<vmem>>, vector<16xf32>,
      %gather3A_371 = tpu.vector_load_idx %arg13[%add3A_350, %add3A_344] : memref<256x128xf32, #tpu.memory_space<vmem>>[vector<16xi32>, vector<16xi32>], vector<16xf32>,
      %add3A_372 = arith.constant 16 : i32
      %add3A_373 = arith.addi %and3A_358, %add3A_372 : i32
      %swap3A_374 = arith.index_cast %shift_right_arithmetic3A_354 : i32 to index
      %swap3A_375 = arith.index_cast %add3A_373 : i32 to index
      %swap3A_376 = tpu.vector_load %arg15[%swap3A_374, %swap3A_375] {strides = array<i32>} : memref<128x128xf32, #tpu.memory_space<vmem>>, vector<16xf32>,
      tpu.vector_store %arg15[%swap3A_374, %swap3A_375], %gather3A_371 {strides = array<i32>} : memref<128x128xf32, #tpu.memory_space<vmem>>, vector<16xf32>,
      %slice3A_377 = vector.extract_strided_slice %shift_right_arithmetic3A_290 {offsets = [8], sizes = [1], strides = [1]} : vector<16xi32> to vector<1xi32>
      %squeeze3A_378 = vector.extract %slice3A_377[0] : i32 from vector<1xi32>
      %mul3A_379 = arith.constant 128 : i32
      %mul3A_380 = arith.muli %squeeze3A_378, %mul3A_379 : i32
      %multiple_of3A_381 = tpu.assume_multiple %mul3A_380, 128 : i32
      %dma_start3A_382 = arith.constant 0 : i32
      %dma_start3A_383 = arith.constant 0 : i32
      %dma_start3A_384 = tpu.memref_slice %arg12[%dma_start3A_382, %dma_start3A_383] : memref<256x128xf32, #tpu.memory_space<vmem>> -> memref<32x128xf32, #tpu.memory_space<vmem>>
      %dma_start3A_385 = arith.constant 0 : i32
      %dma_start3A_386 = tpu.memref_slice %arg4[%dma_start3A_385, %multiple_of3A_381] : memref<32x1000000xf32, #tpu.memory_space<hbm>> -> memref<32x128xf32, #tpu.memory_space<hbm>>
      %dma_start3A_387 = arith.constant 0 : i32
      %dma_start3A_388 = arith.constant 0 : i32
      %dma_start3A_389 = tpu.memref_slice %arg12[%dma_start3A_387, %dma_start3A_388] : memref<256x128xf32, #tpu.memory_space<vmem>> -> memref<32x128xf32, #tpu.memory_space<vmem>>
      %dma_start3A_390 = arith.constant 0 : i32
      %dma_start3A_391 = tpu.memref_slice %arg4[%dma_start3A_390, %multiple_of3A_381] : memref<32x1000000xf32, #tpu.memory_space<hbm>> -> memref<32x128xf32, #tpu.memory_space<hbm>>
      tpu.enqueue_dma source(%dma_start3A_391 : memref<32x128xf32, #tpu.memory_space<hbm>>) target(%dma_start3A_389 : memref<32x128xf32, #tpu.memory_space<vmem>>) target_semaphore(%arg20 : memref<!tpu.dma_semaphore, #tpu.memory_space<semaphore_mem>>)
      %slice3A_392 = vector.extract_strided_slice %shift_right_arithmetic3A_293 {offsets = [8], sizes = [1], strides = [1]} : vector<16xi32> to vector<1xi32>
      %squeeze3A_393 = vector.extract %slice3A_392[0] : i32 from vector<1xi32>
      %mul3A_394 = arith.constant 128 : i32
      %mul3A_395 = arith.muli %squeeze3A_393, %mul3A_394 : i32
      %multiple_of3A_396 = tpu.assume_multiple %mul3A_395, 128 : i32
      %dma_start3A_397 = arith.constant 0 : i32
      %dma_start3A_398 = arith.constant 0 : i32
      %dma_start3A_399 = tpu.memref_slice %arg13[%dma_start3A_397, %dma_start3A_398] : memref<256x128xf32, #tpu.memory_space<vmem>> -> memref<32x128xf32, #tpu.memory_space<vmem>>
      %dma_start3A_400 = arith.constant 0 : i32
      %dma_start3A_401 = tpu.memref_slice %arg5[%dma_start3A_400, %multiple_of3A_396] : memref<32x1000000xf32, #tpu.memory_space<hbm>> -> memref<32x128xf32, #tpu.memory_space<hbm>>
      %dma_start3A_402 = arith.constant 0 : i32
      %dma_start3A_403 = arith.constant 0 : i32
      %dma_start3A_404 = tpu.memref_slice %arg13[%dma_start3A_402, %dma_start3A_403] : memref<256x128xf32, #tpu.memory_space<vmem>> -> memref<32x128xf32, #tpu.memory_space<vmem>>
      %dma_start3A_405 = arith.constant 0 : i32
      %dma_start3A_406 = tpu.memref_slice %arg5[%dma_start3A_405, %multiple_of3A_396] : memref<32x1000000xf32, #tpu.memory_space<hbm>> -> memref<32x128xf32, #tpu.memory_space<hbm>>
      tpu.enqueue_dma source(%dma_start3A_406 : memref<32x128xf32, #tpu.memory_space<hbm>>) target(%dma_start3A_404 : memref<32x128xf32, #tpu.memory_space<vmem>>) target_semaphore(%arg28 : memref<!tpu.dma_semaphore, #tpu.memory_space<semaphore_mem>>)
      %mul3A_407 = arith.constant 16 : i32
      %mul3A_408 = arith.muli %scan3A_270, %mul3A_407 : i32
      %add3A_409 = arith.constant 1 : i32
      %add3A_410 = arith.addi %mul3A_408, %add3A_409 : i32
      %dma_wait3A_411 = arith.constant 32 : i32
      %dma_wait3A_412 = arith.constant 0 : i32
      %dma_wait3A_413 = tpu.memref_slice %arg12[%dma_wait3A_411, %dma_wait3A_412] : memref<256x128xf32, #tpu.memory_space<vmem>> -> memref<32x128xf32, #tpu.memory_space<vmem>>
      %dma_wait3A_414 = arith.constant 0 : i32
      %dma_wait3A_415 = arith.constant 0 : i32
      %dma_wait3A_416 = tpu.memref_slice %arg4[%dma_wait3A_414, %dma_wait3A_415] : memref<32x1000000xf32, #tpu.memory_space<hbm>> -> memref<32x128xf32, #tpu.memory_space<hbm>>
      %dma_wait3A_417 = arith.constant 32 : i32
      %dma_wait3A_418 = arith.constant 0 : i32
      %dma_wait3A_419 = tpu.memref_slice %arg12[%dma_wait3A_417, %dma_wait3A_418] : memref<256x128xf32, #tpu.memory_space<vmem>> -> memref<32x128xf32, #tpu.memory_space<vmem>>
      %dma_wait3A_420 = arith.constant 0 : i32
      %dma_wait3A_421 = arith.constant 0 : i32
      %dma_wait3A_422 = tpu.memref_slice %arg4[%dma_wait3A_420, %dma_wait3A_421] : memref<32x1000000xf32, #tpu.memory_space<hbm>> -> memref<32x128xf32, #tpu.memory_space<hbm>>
      tpu.wait_dma2 semaphore(%arg21 : memref<!tpu.dma_semaphore, #tpu.memory_space<semaphore_mem>>) src(%dma_wait3A_422 : memref<32x128xf32, #tpu.memory_space<hbm>>) dst(%dma_wait3A_419 : memref<32x128xf32, #tpu.memory_space<vmem>>)
      %dma_wait3A_423 = arith.constant 32 : i32
      %dma_wait3A_424 = arith.constant 0 : i32
      %dma_wait3A_425 = tpu.memref_slice %arg13[%dma_wait3A_423, %dma_wait3A_424] : memref<256x128xf32, #tpu.memory_space<vmem>> -> memref<32x128xf32, #tpu.memory_space<vmem>>
      %dma_wait3A_426 = arith.constant 0 : i32
      %dma_wait3A_427 = arith.constant 0 : i32
      %dma_wait3A_428 = tpu.memref_slice %arg5[%dma_wait3A_426, %dma_wait3A_427] : memref<32x1000000xf32, #tpu.memory_space<hbm>> -> memref<32x128xf32, #tpu.memory_space<hbm>>
      %dma_wait3A_429 = arith.constant 32 : i32
      %dma_wait3A_430 = arith.constant 0 : i32
      %dma_wait3A_431 = tpu.memref_slice %arg13[%dma_wait3A_429, %dma_wait3A_430] : memref<256x128xf32, #tpu.memory_space<vmem>> -> memref<32x128xf32, #tpu.memory_space<vmem>>
      %dma_wait3A_432 = arith.constant 0 : i32
      %dma_wait3A_433 = arith.constant 0 : i32
      %dma_wait3A_434 = tpu.memref_slice %arg5[%dma_wait3A_432, %dma_wait3A_433] : memref<32x1000000xf32, #tpu.memory_space<hbm>> -> memref<32x128xf32, #tpu.memory_space<hbm>>
      tpu.wait_dma2 semaphore(%arg29 : memref<!tpu.dma_semaphore, #tpu.memory_space<semaphore_mem>>) src(%dma_wait3A_434 : memref<32x128xf32, #tpu.memory_space<hbm>>) dst(%dma_wait3A_431 : memref<32x128xf32, #tpu.memory_space<vmem>>)
      %broadcast_in_dim3A_435 = arith.constant 0 : i32
      %broadcast_in_dim3A_436 = vector.broadcast %broadcast_in_dim3A_435 : i32 to vector<16xi32>
      %slice3A_437 = vector.extract_strided_slice %and3A_301 {offsets = [1], sizes = [1], strides = [1]} : vector<16xi32> to vector<1xi32>
      %squeeze3A_438 = vector.extract %slice3A_437[0] : i32 from vector<1xi32>
      %add3A_439 = vector.broadcast %squeeze3A_438 : i32 to vector<16xi32>
      %add3A_440 = arith.addi %broadcast_in_dim3A_436, %add3A_439 : vector<16xi32>
      %broadcast_in_dim3A_441 = arith.constant 0 : i32
      %broadcast_in_dim3A_442 = vector.broadcast %broadcast_in_dim3A_441 : i32 to vector<16xi32>
      %slice3A_443 = vector.extract_strided_slice %and3A_304 {offsets = [1], sizes = [1], strides = [1]} : vector<16xi32> to vector<1xi32>
      %squeeze3A_444 = vector.extract %slice3A_443[0] : i32 from vector<1xi32>
      %add3A_445 = vector.broadcast %squeeze3A_444 : i32 to vector<16xi32>
      %add3A_446 = arith.addi %broadcast_in_dim3A_442, %add3A_445 : vector<16xi32>
      %add3A_447 = arith.constant 32 : i32
      %add3A_448 = vector.broadcast %add3A_447 : i32 to vector<16xi32>
      %add3A_449 = arith.addi %add3A_448, %iota3A : vector<16xi32>
      %add3A_450 = arith.constant 32 : i32
      %add3A_451 = vector.broadcast %add3A_450 : i32 to vector<16xi32>
      %add3A_452 = arith.addi %add3A_451, %add3A_8 : vector<16xi32>
      %mul3A_453 = arith.constant 32 : i32
      %mul3A_454 = arith.muli %add3A_410, %mul3A_453 : i32
      %shift_right_arithmetic3A_455 = arith.constant 7 : i32
      %shift_right_arithmetic3A_456 = arith.shrsi %mul3A_454, %shift_right_arithmetic3A_455 : i32
      %mul3A_457 = arith.constant 32 : i32
      %mul3A_458 = arith.muli %add3A_410, %mul3A_457 : i32
      %and3A_459 = arith.constant 127 : i32
      %and3A_460 = arith.andi %mul3A_458, %and3A_459 : i32
      %gather3A_461 = tpu.vector_load_idx %arg12[%add3A_449, %add3A_440] : memref<256x128xf32, #tpu.memory_space<vmem>>[vector<16xi32>, vector<16xi32>], vector<16xf32>,
      %swap3A_462 = arith.index_cast %shift_right_arithmetic3A_456 : i32 to index
      %swap3A_463 = arith.index_cast %and3A_460 : i32 to index
      %swap3A_464 = tpu.vector_load %arg14[%swap3A_462, %swap3A_463] {strides = array<i32>} : memref<128x128xf32, #tpu.memory_space<vmem>>, vector<16xf32>,
      tpu.vector_store %arg14[%swap3A_462, %swap3A_463], %gather3A_461 {strides = array<i32>} : memref<128x128xf32, #tpu.memory_space<vmem>>, vector<16xf32>,
      %gather3A_465 = tpu.vector_load_idx %arg12[%add3A_452, %add3A_440] : memref<256x128xf32, #tpu.memory_space<vmem>>[vector<16xi32>, vector<16xi32>], vector<16xf32>,
      %add3A_466 = arith.constant 16 : i32
      %add3A_467 = arith.addi %and3A_460, %add3A_466 : i32
      %swap3A_468 = arith.index_cast %shift_right_arithmetic3A_456 : i32 to index
      %swap3A_469 = arith.index_cast %add3A_467 : i32 to index
      %swap3A_470 = tpu.vector_load %arg14[%swap3A_468, %swap3A_469] {strides = array<i32>} : memref<128x128xf32, #tpu.memory_space<vmem>>, vector<16xf32>,
      tpu.vector_store %arg14[%swap3A_468, %swap3A_469], %gather3A_465 {strides = array<i32>} : memref<128x128xf32, #tpu.memory_space<vmem>>, vector<16xf32>,
      %gather3A_471 = tpu.vector_load_idx %arg13[%add3A_449, %add3A_446] : memref<256x128xf32, #tpu.memory_space<vmem>>[vector<16xi32>, vector<16xi32>], vector<16xf32>,
      %swap3A_472 = arith.index_cast %shift_right_arithmetic3A_456 : i32 to index
      %swap3A_473 = arith.index_cast %and3A_460 : i32 to index
      %swap3A_474 = tpu.vector_load %arg15[%swap3A_472, %swap3A_473] {strides = array<i32>} : memref<128x128xf32, #tpu.memory_space<vmem>>, vector<16xf32>,
      tpu.vector_store %arg15[%swap3A_472, %swap3A_473], %gather3A_471 {strides = array<i32>} : memref<128x128xf32, #tpu.memory_space<vmem>>, vector<16xf32>,
      %gather3A_475 = tpu.vector_load_idx %arg13[%add3A_452, %add3A_446] : memref<256x128xf32, #tpu.memory_space<vmem>>[vector<16xi32>, vector<16xi32>], vector<16xf32>,
      %add3A_476 = arith.constant 16 : i32
      %add3A_477 = arith.addi %and3A_460, %add3A_476 : i32
      %swap3A_478 = arith.index_cast %shift_right_arithmetic3A_456 : i32 to index
      %swap3A_479 = arith.index_cast %add3A_477 : i32 to index
      %swap3A_480 = tpu.vector_load %arg15[%swap3A_478, %swap3A_479] {strides = array<i32>} : memref<128x128xf32, #tpu.memory_space<vmem>>, vector<16xf32>,
      tpu.vector_store %arg15[%swap3A_478, %swap3A_479], %gather3A_475 {strides = array<i32>} : memref<128x128xf32, #tpu.memory_space<vmem>>, vector<16xf32>,
      %slice3A_481 = vector.extract_strided_slice %shift_right_arithmetic3A_290 {offsets = [9], sizes = [1], strides = [1]} : vector<16xi32> to vector<1xi32>
      %squeeze3A_482 = vector.extract %slice3A_481[0] : i32 from vector<1xi32>
      %mul3A_483 = arith.constant 128 : i32
      %mul3A_484 = arith.muli %squeeze3A_482, %mul3A_483 : i32
      %multiple_of3A_485 = tpu.assume_multiple %mul3A_484, 128 : i32
      %dma_start3A_486 = arith.constant 32 : i32
      %dma_start3A_487 = arith.constant 0 : i32
      %dma_start3A_488 = tpu.memref_slice %arg12[%dma_start3A_486, %dma_start3A_487] : memref<256x128xf32, #tpu.memory_space<vmem>> -> memref<32x128xf32, #tpu.memory_space<vmem>>
      %dma_start3A_489 = arith.constant 0 : i32
      %dma_start3A_490 = tpu.memref_slice %arg4[%dma_start3A_489, %multiple_of3A_485] : memref<32x1000000xf32, #tpu.memory_space<hbm>> -> memref<32x128xf32, #tpu.memory_space<hbm>>
      %dma_start3A_491 = arith.constant 32 : i32
      %dma_start3A_492 = arith.constant 0 : i32
      %dma_start3A_493 = tpu.memref_slice %arg12[%dma_start3A_491, %dma_start3A_492] : memref<256x128xf32, #tpu.memory_space<vmem>> -> memref<32x128xf32, #tpu.memory_space<vmem>>
      %dma_start3A_494 = arith.constant 0 : i32
      %dma_start3A_495 = tpu.memref_slice %arg4[%dma_start3A_494, %multiple_of3A_485] : memref<32x1000000xf32, #tpu.memory_space<hbm>> -> memref<32x128xf32, #tpu.memory_space<hbm>>
      tpu.enqueue_dma source(%dma_start3A_495 : memref<32x128xf32, #tpu.memory_space<hbm>>) target(%dma_start3A_493 : memref<32x128xf32, #tpu.memory_space<vmem>>) target_semaphore(%arg21 : memref<!tpu.dma_semaphore, #tpu.memory_space<semaphore_mem>>)
      %slice3A_496 = vector.extract_strided_slice %shift_right_arithmetic3A_293 {offsets = [9], sizes = [1], strides = [1]} : vector<16xi32> to vector<1xi32>
      %squeeze3A_497 = vector.extract %slice3A_496[0] : i32 from vector<1xi32>
      %mul3A_498 = arith.constant 128 : i32
      %mul3A_499 = arith.muli %squeeze3A_497, %mul3A_498 : i32
      %multiple_of3A_500 = tpu.assume_multiple %mul3A_499, 128 : i32
      %dma_start3A_501 = arith.constant 32 : i32
      %dma_start3A_502 = arith.constant 0 : i32
      %dma_start3A_503 = tpu.memref_slice %arg13[%dma_start3A_501, %dma_start3A_502] : memref<256x128xf32, #tpu.memory_space<vmem>> -> memref<32x128xf32, #tpu.memory_space<vmem>>
      %dma_start3A_504 = arith.constant 0 : i32
      %dma_start3A_505 = tpu.memref_slice %arg5[%dma_start3A_504, %multiple_of3A_500] : memref<32x1000000xf32, #tpu.memory_space<hbm>> -> memref<32x128xf32, #tpu.memory_space<hbm>>
      %dma_start3A_506 = arith.constant 32 : i32
      %dma_start3A_507 = arith.constant 0 : i32
      %dma_start3A_508 = tpu.memref_slice %arg13[%dma_start3A_506, %dma_start3A_507] : memref<256x128xf32, #tpu.memory_space<vmem>> -> memref<32x128xf32, #tpu.memory_space<vmem>>
      %dma_start3A_509 = arith.constant 0 : i32
      %dma_start3A_510 = tpu.memref_slice %arg5[%dma_start3A_509, %multiple_of3A_500] : memref<32x1000000xf32, #tpu.memory_space<hbm>> -> memref<32x128xf32, #tpu.memory_space<hbm>>
      tpu.enqueue_dma source(%dma_start3A_510 : memref<32x128xf32, #tpu.memory_space<hbm>>) target(%dma_start3A_508 : memref<32x128xf32, #tpu.memory_space<vmem>>) target_semaphore(%arg29 : memref<!tpu.dma_semaphore, #tpu.memory_space<semaphore_mem>>)
      %mul3A_511 = arith.constant 16 : i32
      %mul3A_512 = arith.muli %scan3A_270, %mul3A_511 : i32
      %add3A_513 = arith.constant 2 : i32
      %add3A_514 = arith.addi %mul3A_512, %add3A_513 : i32
      %dma_wait3A_515 = arith.constant 64 : i32
      %dma_wait3A_516 = arith.constant 0 : i32
      %dma_wait3A_517 = tpu.memref_slice %arg12[%dma_wait3A_515, %dma_wait3A_516] : memref<256x128xf32, #tpu.memory_space<vmem>> -> memref<32x128xf32, #tpu.memory_space<vmem>>
      %dma_wait3A_518 = arith.constant 0 : i32
      %dma_wait3A_519 = arith.constant 0 : i32
      %dma_wait3A_520 = tpu.memref_slice %arg4[%dma_wait3A_518, %dma_wait3A_519] : memref<32x1000000xf32, #tpu.memory_space<hbm>> -> memref<32x128xf32, #tpu.memory_space<hbm>>
      %dma_wait3A_521 = arith.constant 64 : i32
      %dma_wait3A_522 = arith.constant 0 : i32
      %dma_wait3A_523 = tpu.memref_slice %arg12[%dma_wait3A_521, %dma_wait3A_522] : memref<256x128xf32, #tpu.memory_space<vmem>> -> memref<32x128xf32, #tpu.memory_space<vmem>>
      %dma_wait3A_524 = arith.constant 0 : i32
      %dma_wait3A_525 = arith.constant 0 : i32
      %dma_wait3A_526 = tpu.memref_slice %arg4[%dma_wait3A_524, %dma_wait3A_525] : memref<32x1000000xf32, #tpu.memory_space<hbm>> -> memref<32x128xf32, #tpu.memory_space<hbm>>
      tpu.wait_dma2 semaphore(%arg22 : memref<!tpu.dma_semaphore, #tpu.memory_space<semaphore_mem>>) src(%dma_wait3A_526 : memref<32x128xf32, #tpu.memory_space<hbm>>) dst(%dma_wait3A_523 : memref<32x128xf32, #tpu.memory_space<vmem>>)
      %dma_wait3A_527 = arith.constant 64 : i32
      %dma_wait3A_528 = arith.constant 0 : i32
      %dma_wait3A_529 = tpu.memref_slice %arg13[%dma_wait3A_527, %dma_wait3A_528] : memref<256x128xf32, #tpu.memory_space<vmem>> -> memref<32x128xf32, #tpu.memory_space<vmem>>
      %dma_wait3A_530 = arith.constant 0 : i32
      %dma_wait3A_531 = arith.constant 0 : i32
      %dma_wait3A_532 = tpu.memref_slice %arg5[%dma_wait3A_530, %dma_wait3A_531] : memref<32x1000000xf32, #tpu.memory_space<hbm>> -> memref<32x128xf32, #tpu.memory_space<hbm>>
      %dma_wait3A_533 = arith.constant 64 : i32
      %dma_wait3A_534 = arith.constant 0 : i32
      %dma_wait3A_535 = tpu.memref_slice %arg13[%dma_wait3A_533, %dma_wait3A_534] : memref<256x128xf32, #tpu.memory_space<vmem>> -> memref<32x128xf32, #tpu.memory_space<vmem>>
      %dma_wait3A_536 = arith.constant 0 : i32
      %dma_wait3A_537 = arith.constant 0 : i32
      %dma_wait3A_538 = tpu.memref_slice %arg5[%dma_wait3A_536, %dma_wait3A_537] : memref<32x1000000xf32, #tpu.memory_space<hbm>> -> memref<32x128xf32, #tpu.memory_space<hbm>>
      tpu.wait_dma2 semaphore(%arg30 : memref<!tpu.dma_semaphore, #tpu.memory_space<semaphore_mem>>) src(%dma_wait3A_538 : memref<32x128xf32, #tpu.memory_space<hbm>>) dst(%dma_wait3A_535 : memref<32x128xf32, #tpu.memory_space<vmem>>)
      %broadcast_in_dim3A_539 = arith.constant 0 : i32
      %broadcast_in_dim3A_540 = vector.broadcast %broadcast_in_dim3A_539 : i32 to vector<16xi32>
      %slice3A_541 = vector.extract_strided_slice %and3A_301 {offsets = [2], sizes = [1], strides = [1]} : vector<16xi32> to vector<1xi32>
      %squeeze3A_542 = vector.extract %slice3A_541[0] : i32 from vector<1xi32>
      %add3A_543 = vector.broadcast %squeeze3A_542 : i32 to vector<16xi32>
      %add3A_544 = arith.addi %broadcast_in_dim3A_540, %add3A_543 : vector<16xi32>
      %broadcast_in_dim3A_545 = arith.constant 0 : i32
      %broadcast_in_dim3A_546 = vector.broadcast %broadcast_in_dim3A_545 : i32 to vector<16xi32>
      %slice3A_547 = vector.extract_strided_slice %and3A_304 {offsets = [2], sizes = [1], strides = [1]} : vector<16xi32> to vector<1xi32>
      %squeeze3A_548 = vector.extract %slice3A_547[0] : i32 from vector<1xi32>
      %add3A_549 = vector.broadcast %squeeze3A_548 : i32 to vector<16xi32>
      %add3A_550 = arith.addi %broadcast_in_dim3A_546, %add3A_549 : vector<16xi32>
      %add3A_551 = arith.constant 64 : i32
      %add3A_552 = vector.broadcast %add3A_551 : i32 to vector<16xi32>
      %add3A_553 = arith.addi %add3A_552, %iota3A : vector<16xi32>
      %add3A_554 = arith.constant 64 : i32
      %add3A_555 = vector.broadcast %add3A_554 : i32 to vector<16xi32>
      %add3A_556 = arith.addi %add3A_555, %add3A_8 : vector<16xi32>
      %mul3A_557 = arith.constant 32 : i32
      %mul3A_558 = arith.muli %add3A_514, %mul3A_557 : i32
      %shift_right_arithmetic3A_559 = arith.constant 7 : i32
      %shift_right_arithmetic3A_560 = arith.shrsi %mul3A_558, %shift_right_arithmetic3A_559 : i32
      %mul3A_561 = arith.constant 32 : i32
      %mul3A_562 = arith.muli %add3A_514, %mul3A_561 : i32
      %and3A_563 = arith.constant 127 : i32
      %and3A_564 = arith.andi %mul3A_562, %and3A_563 : i32
      %gather3A_565 = tpu.vector_load_idx %arg12[%add3A_553, %add3A_544] : memref<256x128xf32, #tpu.memory_space<vmem>>[vector<16xi32>, vector<16xi32>], vector<16xf32>,
      %swap3A_566 = arith.index_cast %shift_right_arithmetic3A_560 : i32 to index
      %swap3A_567 = arith.index_cast %and3A_564 : i32 to index
      %swap3A_568 = tpu.vector_load %arg14[%swap3A_566, %swap3A_567] {strides = array<i32>} : memref<128x128xf32, #tpu.memory_space<vmem>>, vector<16xf32>,
      tpu.vector_store %arg14[%swap3A_566, %swap3A_567], %gather3A_565 {strides = array<i32>} : memref<128x128xf32, #tpu.memory_space<vmem>>, vector<16xf32>,
      %gather3A_569 = tpu.vector_load_idx %arg12[%add3A_556, %add3A_544] : memref<256x128xf32, #tpu.memory_space<vmem>>[vector<16xi32>, vector<16xi32>], vector<16xf32>,
      %add3A_570 = arith.constant 16 : i32
      %add3A_571 = arith.addi %and3A_564, %add3A_570 : i32
      %swap3A_572 = arith.index_cast %shift_right_arithmetic3A_560 : i32 to index
      %swap3A_573 = arith.index_cast %add3A_571 : i32 to index
      %swap3A_574 = tpu.vector_load %arg14[%swap3A_572, %swap3A_573] {strides = array<i32>} : memref<128x128xf32, #tpu.memory_space<vmem>>, vector<16xf32>,
      tpu.vector_store %arg14[%swap3A_572, %swap3A_573], %gather3A_569 {strides = array<i32>} : memref<128x128xf32, #tpu.memory_space<vmem>>, vector<16xf32>,
      %gather3A_575 = tpu.vector_load_idx %arg13[%add3A_553, %add3A_550] : memref<256x128xf32, #tpu.memory_space<vmem>>[vector<16xi32>, vector<16xi32>], vector<16xf32>,
      %swap3A_576 = arith.index_cast %shift_right_arithmetic3A_560 : i32 to index
      %swap3A_577 = arith.index_cast %and3A_564 : i32 to index
      %swap3A_578 = tpu.vector_load %arg15[%swap3A_576, %swap3A_577] {strides = array<i32>} : memref<128x128xf32, #tpu.memory_space<vmem>>, vector<16xf32>,
      tpu.vector_store %arg15[%swap3A_576, %swap3A_577], %gather3A_575 {strides = array<i32>} : memref<128x128xf32, #tpu.memory_space<vmem>>, vector<16xf32>,
      %gather3A_579 = tpu.vector_load_idx %arg13[%add3A_556, %add3A_550] : memref<256x128xf32, #tpu.memory_space<vmem>>[vector<16xi32>, vector<16xi32>], vector<16xf32>,
      %add3A_580 = arith.constant 16 : i32
      %add3A_581 = arith.addi %and3A_564, %add3A_580 : i32
      %swap3A_582 = arith.index_cast %shift_right_arithmetic3A_560 : i32 to index
      %swap3A_583 = arith.index_cast %add3A_581 : i32 to index
      %swap3A_584 = tpu.vector_load %arg15[%swap3A_582, %swap3A_583] {strides = array<i32>} : memref<128x128xf32, #tpu.memory_space<vmem>>, vector<16xf32>,
      tpu.vector_store %arg15[%swap3A_582, %swap3A_583], %gather3A_579 {strides = array<i32>} : memref<128x128xf32, #tpu.memory_space<vmem>>, vector<16xf32>,
      %slice3A_585 = vector.extract_strided_slice %shift_right_arithmetic3A_290 {offsets = [10], sizes = [1], strides = [1]} : vector<16xi32> to vector<1xi32>
      %squeeze3A_586 = vector.extract %slice3A_585[0] : i32 from vector<1xi32>
      %mul3A_587 = arith.constant 128 : i32
      %mul3A_588 = arith.muli %squeeze3A_586, %mul3A_587 : i32
      %multiple_of3A_589 = tpu.assume_multiple %mul3A_588, 128 : i32
      %dma_start3A_590 = arith.constant 64 : i32
      %dma_start3A_591 = arith.constant 0 : i32
      %dma_start3A_592 = tpu.memref_slice %arg12[%dma_start3A_590, %dma_start3A_591] : memref<256x128xf32, #tpu.memory_space<vmem>> -> memref<32x128xf32, #tpu.memory_space<vmem>>
      %dma_start3A_593 = arith.constant 0 : i32
      %dma_start3A_594 = tpu.memref_slice %arg4[%dma_start3A_593, %multiple_of3A_589] : memref<32x1000000xf32, #tpu.memory_space<hbm>> -> memref<32x128xf32, #tpu.memory_space<hbm>>
      %dma_start3A_595 = arith.constant 64 : i32
      %dma_start3A_596 = arith.constant 0 : i32
      %dma_start3A_597 = tpu.memref_slice %arg12[%dma_start3A_595, %dma_start3A_596] : memref<256x128xf32, #tpu.memory_space<vmem>> -> memref<32x128xf32, #tpu.memory_space<vmem>>
      %dma_start3A_598 = arith.constant 0 : i32
      %dma_start3A_599 = tpu.memref_slice %arg4[%dma_start3A_598, %multiple_of3A_589] : memref<32x1000000xf32, #tpu.memory_space<hbm>> -> memref<32x128xf32, #tpu.memory_space<hbm>>
      tpu.enqueue_dma source(%dma_start3A_599 : memref<32x128xf32, #tpu.memory_space<hbm>>) target(%dma_start3A_597 : memref<32x128xf32, #tpu.memory_space<vmem>>) target_semaphore(%arg22 : memref<!tpu.dma_semaphore, #tpu.memory_space<semaphore_mem>>)
      %slice3A_600 = vector.extract_strided_slice %shift_right_arithmetic3A_293 {offsets = [10], sizes = [1], strides = [1]} : vector<16xi32> to vector<1xi32>
      %squeeze3A_601 = vector.extract %slice3A_600[0] : i32 from vector<1xi32>
      %mul3A_602 = arith.constant 128 : i32
      %mul3A_603 = arith.muli %squeeze3A_601, %mul3A_602 : i32
      %multiple_of3A_604 = tpu.assume_multiple %mul3A_603, 128 : i32
      %dma_start3A_605 = arith.constant 64 : i32
      %dma_start3A_606 = arith.constant 0 : i32
      %dma_start3A_607 = tpu.memref_slice %arg13[%dma_start3A_605, %dma_start3A_606] : memref<256x128xf32, #tpu.memory_space<vmem>> -> memref<32x128xf32, #tpu.memory_space<vmem>>
      %dma_start3A_608 = arith.constant 0 : i32
      %dma_start3A_609 = tpu.memref_slice %arg5[%dma_start3A_608, %multiple_of3A_604] : memref<32x1000000xf32, #tpu.memory_space<hbm>> -> memref<32x128xf32, #tpu.memory_space<hbm>>
      %dma_start3A_610 = arith.constant 64 : i32
      %dma_start3A_611 = arith.constant 0 : i32
      %dma_start3A_612 = tpu.memref_slice %arg13[%dma_start3A_610, %dma_start3A_611] : memref<256x128xf32, #tpu.memory_space<vmem>> -> memref<32x128xf32, #tpu.memory_space<vmem>>
      %dma_start3A_613 = arith.constant 0 : i32
      %dma_start3A_614 = tpu.memref_slice %arg5[%dma_start3A_613, %multiple_of3A_604] : memref<32x1000000xf32, #tpu.memory_space<hbm>> -> memref<32x128xf32, #tpu.memory_space<hbm>>
      tpu.enqueue_dma source(%dma_start3A_614 : memref<32x128xf32, #tpu.memory_space<hbm>>) target(%dma_start3A_612 : memref<32x128xf32, #tpu.memory_space<vmem>>) target_semaphore(%arg30 : memref<!tpu.dma_semaphore, #tpu.memory_space<semaphore_mem>>)
      %mul3A_615 = arith.constant 16 : i32
      %mul3A_616 = arith.muli %scan3A_270, %mul3A_615 : i32
      %add3A_617 = arith.constant 3 : i32
      %add3A_618 = arith.addi %mul3A_616, %add3A_617 : i32
      %dma_wait3A_619 = arith.constant 96 : i32
      %dma_wait3A_620 = arith.constant 0 : i32
      %dma_wait3A_621 = tpu.memref_slice %arg12[%dma_wait3A_619, %dma_wait3A_620] : memref<256x128xf32, #tpu.memory_space<vmem>> -> memref<32x128xf32, #tpu.memory_space<vmem>>
      %dma_wait3A_622 = arith.constant 0 : i32
      %dma_wait3A_623 = arith.constant 0 : i32
      %dma_wait3A_624 = tpu.memref_slice %arg4[%dma_wait3A_622, %dma_wait3A_623] : memref<32x1000000xf32, #tpu.memory_space<hbm>> -> memref<32x128xf32, #tpu.memory_space<hbm>>
      %dma_wait3A_625 = arith.constant 96 : i32
      %dma_wait3A_626 = arith.constant 0 : i32
      %dma_wait3A_627 = tpu.memref_slice %arg12[%dma_wait3A_625, %dma_wait3A_626] : memref<256x128xf32, #tpu.memory_space<vmem>> -> memref<32x128xf32, #tpu.memory_space<vmem>>
      %dma_wait3A_628 = arith.constant 0 : i32
      %dma_wait3A_629 = arith.constant 0 : i32
      %dma_wait3A_630 = tpu.memref_slice %arg4[%dma_wait3A_628, %dma_wait3A_629] : memref<32x1000000xf32, #tpu.memory_space<hbm>> -> memref<32x128xf32, #tpu.memory_space<hbm>>
      tpu.wait_dma2 semaphore(%arg23 : memref<!tpu.dma_semaphore, #tpu.memory_space<semaphore_mem>>) src(%dma_wait3A_630 : memref<32x128xf32, #tpu.memory_space<hbm>>) dst(%dma_wait3A_627 : memref<32x128xf32, #tpu.memory_space<vmem>>)
      %dma_wait3A_631 = arith.constant 96 : i32
      %dma_wait3A_632 = arith.constant 0 : i32
      %dma_wait3A_633 = tpu.memref_slice %arg13[%dma_wait3A_631, %dma_wait3A_632] : memref<256x128xf32, #tpu.memory_space<vmem>> -> memref<32x128xf32, #tpu.memory_space<vmem>>
      %dma_wait3A_634 = arith.constant 0 : i32
      %dma_wait3A_635 = arith.constant 0 : i32
      %dma_wait3A_636 = tpu.memref_slice %arg5[%dma_wait3A_634, %dma_wait3A_635] : memref<32x1000000xf32, #tpu.memory_space<hbm>> -> memref<32x128xf32, #tpu.memory_space<hbm>>
      %dma_wait3A_637 = arith.constant 96 : i32
      %dma_wait3A_638 = arith.constant 0 : i32
      %dma_wait3A_639 = tpu.memref_slice %arg13[%dma_wait3A_637, %dma_wait3A_638] : memref<256x128xf32, #tpu.memory_space<vmem>> -> memref<32x128xf32, #tpu.memory_space<vmem>>
      %dma_wait3A_640 = arith.constant 0 : i32
      %dma_wait3A_641 = arith.constant 0 : i32
      %dma_wait3A_642 = tpu.memref_slice %arg5[%dma_wait3A_640, %dma_wait3A_641] : memref<32x1000000xf32, #tpu.memory_space<hbm>> -> memref<32x128xf32, #tpu.memory_space<hbm>>
      tpu.wait_dma2 semaphore(%arg31 : memref<!tpu.dma_semaphore, #tpu.memory_space<semaphore_mem>>) src(%dma_wait3A_642 : memref<32x128xf32, #tpu.memory_space<hbm>>) dst(%dma_wait3A_639 : memref<32x128xf32, #tpu.memory_space<vmem>>)
      %broadcast_in_dim3A_643 = arith.constant 0 : i32
      %broadcast_in_dim3A_644 = vector.broadcast %broadcast_in_dim3A_643 : i32 to vector<16xi32>
      %slice3A_645 = vector.extract_strided_slice %and3A_301 {offsets = [3], sizes = [1], strides = [1]} : vector<16xi32> to vector<1xi32>
      %squeeze3A_646 = vector.extract %slice3A_645[0] : i32 from vector<1xi32>
      %add3A_647 = vector.broadcast %squeeze3A_646 : i32 to vector<16xi32>
      %add3A_648 = arith.addi %broadcast_in_dim3A_644, %add3A_647 : vector<16xi32>
      %broadcast_in_dim3A_649 = arith.constant 0 : i32
      %broadcast_in_dim3A_650 = vector.broadcast %broadcast_in_dim3A_649 : i32 to vector<16xi32>
      %slice3A_651 = vector.extract_strided_slice %and3A_304 {offsets = [3], sizes = [1], strides = [1]} : vector<16xi32> to vector<1xi32>
      %squeeze3A_652 = vector.extract %slice3A_651[0] : i32 from vector<1xi32>
      %add3A_653 = vector.broadcast %squeeze3A_652 : i32 to vector<16xi32>
      %add3A_654 = arith.addi %broadcast_in_dim3A_650, %add3A_653 : vector<16xi32>
      %add3A_655 = arith.constant 96 : i32
      %add3A_656 = vector.broadcast %add3A_655 : i32 to vector<16xi32>
      %add3A_657 = arith.addi %add3A_656, %iota3A : vector<16xi32>
      %add3A_658 = arith.constant 96 : i32
      %add3A_659 = vector.broadcast %add3A_658 : i32 to vector<16xi32>
      %add3A_660 = arith.addi %add3A_659, %add3A_8 : vector<16xi32>
      %mul3A_661 = arith.constant 32 : i32
      %mul3A_662 = arith.muli %add3A_618, %mul3A_661 : i32
      %shift_right_arithmetic3A_663 = arith.constant 7 : i32
      %shift_right_arithmetic3A_664 = arith.shrsi %mul3A_662, %shift_right_arithmetic3A_663 : i32
      %mul3A_665 = arith.constant 32 : i32
      %mul3A_666 = arith.muli %add3A_618, %mul3A_665 : i32
      %and3A_667 = arith.constant 127 : i32
      %and3A_668 = arith.andi %mul3A_666, %and3A_667 : i32
      %gather3A_669 = tpu.vector_load_idx %arg12[%add3A_657, %add3A_648] : memref<256x128xf32, #tpu.memory_space<vmem>>[vector<16xi32>, vector<16xi32>], vector<16xf32>,
      %swap3A_670 = arith.index_cast %shift_right_arithmetic3A_664 : i32 to index
      %swap3A_671 = arith.index_cast %and3A_668 : i32 to index
      %swap3A_672 = tpu.vector_load %arg14[%swap3A_670, %swap3A_671] {strides = array<i32>} : memref<128x128xf32, #tpu.memory_space<vmem>>, vector<16xf32>,
      tpu.vector_store %arg14[%swap3A_670, %swap3A_671], %gather3A_669 {strides = array<i32>} : memref<128x128xf32, #tpu.memory_space<vmem>>, vector<16xf32>,
      %gather3A_673 = tpu.vector_load_idx %arg12[%add3A_660, %add3A_648] : memref<256x128xf32, #tpu.memory_space<vmem>>[vector<16xi32>, vector<16xi32>], vector<16xf32>,
      %add3A_674 = arith.constant 16 : i32
      %add3A_675 = arith.addi %and3A_668, %add3A_674 : i32
      %swap3A_676 = arith.index_cast %shift_right_arithmetic3A_664 : i32 to index
      %swap3A_677 = arith.index_cast %add3A_675 : i32 to index
      %swap3A_678 = tpu.vector_load %arg14[%swap3A_676, %swap3A_677] {strides = array<i32>} : memref<128x128xf32, #tpu.memory_space<vmem>>, vector<16xf32>,
      tpu.vector_store %arg14[%swap3A_676, %swap3A_677], %gather3A_673 {strides = array<i32>} : memref<128x128xf32, #tpu.memory_space<vmem>>, vector<16xf32>,
      %gather3A_679 = tpu.vector_load_idx %arg13[%add3A_657, %add3A_654] : memref<256x128xf32, #tpu.memory_space<vmem>>[vector<16xi32>, vector<16xi32>], vector<16xf32>,
      %swap3A_680 = arith.index_cast %shift_right_arithmetic3A_664 : i32 to index
      %swap3A_681 = arith.index_cast %and3A_668 : i32 to index
      %swap3A_682 = tpu.vector_load %arg15[%swap3A_680, %swap3A_681] {strides = array<i32>} : memref<128x128xf32, #tpu.memory_space<vmem>>, vector<16xf32>,
      tpu.vector_store %arg15[%swap3A_680, %swap3A_681], %gather3A_679 {strides = array<i32>} : memref<128x128xf32, #tpu.memory_space<vmem>>, vector<16xf32>,
      %gather3A_683 = tpu.vector_load_idx %arg13[%add3A_660, %add3A_654] : memref<256x128xf32, #tpu.memory_space<vmem>>[vector<16xi32>, vector<16xi32>], vector<16xf32>,
      %add3A_684 = arith.constant 16 : i32
      %add3A_685 = arith.addi %and3A_668, %add3A_684 : i32
      %swap3A_686 = arith.index_cast %shift_right_arithmetic3A_664 : i32 to index
      %swap3A_687 = arith.index_cast %add3A_685 : i32 to index
      %swap3A_688 = tpu.vector_load %arg15[%swap3A_686, %swap3A_687] {strides = array<i32>} : memref<128x128xf32, #tpu.memory_space<vmem>>, vector<16xf32>,
      tpu.vector_store %arg15[%swap3A_686, %swap3A_687], %gather3A_683 {strides = array<i32>} : memref<128x128xf32, #tpu.memory_space<vmem>>, vector<16xf32>,
      %slice3A_689 = vector.extract_strided_slice %shift_right_arithmetic3A_290 {offsets = [11], sizes = [1], strides = [1]} : vector<16xi32> to vector<1xi32>
      %squeeze3A_690 = vector.extract %slice3A_689[0] : i32 from vector<1xi32>
      %mul3A_691 = arith.constant 128 : i32
      %mul3A_692 = arith.muli %squeeze3A_690, %mul3A_691 : i32
      %multiple_of3A_693 = tpu.assume_multiple %mul3A_692, 128 : i32
      %dma_start3A_694 = arith.constant 96 : i32
      %dma_start3A_695 = arith.constant 0 : i32
      %dma_start3A_696 = tpu.memref_slice %arg12[%dma_start3A_694, %dma_start3A_695] : memref<256x128xf32, #tpu.memory_space<vmem>> -> memref<32x128xf32, #tpu.memory_space<vmem>>
      %dma_start3A_697 = arith.constant 0 : i32
      %dma_start3A_698 = tpu.memref_slice %arg4[%dma_start3A_697, %multiple_of3A_693] : memref<32x1000000xf32, #tpu.memory_space<hbm>> -> memref<32x128xf32, #tpu.memory_space<hbm>>
      %dma_start3A_699 = arith.constant 96 : i32
      %dma_start3A_700 = arith.constant 0 : i32
      %dma_start3A_701 = tpu.memref_slice %arg12[%dma_start3A_699, %dma_start3A_700] : memref<256x128xf32, #tpu.memory_space<vmem>> -> memref<32x128xf32, #tpu.memory_space<vmem>>
      %dma_start3A_702 = arith.constant 0 : i32
      %dma_start3A_703 = tpu.memref_slice %arg4[%dma_start3A_702, %multiple_of3A_693] : memref<32x1000000xf32, #tpu.memory_space<hbm>> -> memref<32x128xf32, #tpu.memory_space<hbm>>
      tpu.enqueue_dma source(%dma_start3A_703 : memref<32x128xf32, #tpu.memory_space<hbm>>) target(%dma_start3A_701 : memref<32x128xf32, #tpu.memory_space<vmem>>) target_semaphore(%arg23 : memref<!tpu.dma_semaphore, #tpu.memory_space<semaphore_mem>>)
      %slice3A_704 = vector.extract_strided_slice %shift_right_arithmetic3A_293 {offsets = [11], sizes = [1], strides = [1]} : vector<16xi32> to vector<1xi32>
      %squeeze3A_705 = vector.extract %slice3A_704[0] : i32 from vector<1xi32>
      %mul3A_706 = arith.constant 128 : i32
      %mul3A_707 = arith.muli %squeeze3A_705, %mul3A_706 : i32
      %multiple_of3A_708 = tpu.assume_multiple %mul3A_707, 128 : i32
      %dma_start3A_709 = arith.constant 96 : i32
      %dma_start3A_710 = arith.constant 0 : i32
      %dma_start3A_711 = tpu.memref_slice %arg13[%dma_start3A_709, %dma_start3A_710] : memref<256x128xf32, #tpu.memory_space<vmem>> -> memref<32x128xf32, #tpu.memory_space<vmem>>
      %dma_start3A_712 = arith.constant 0 : i32
      %dma_start3A_713 = tpu.memref_slice %arg5[%dma_start3A_712, %multiple_of3A_708] : memref<32x1000000xf32, #tpu.memory_space<hbm>> -> memref<32x128xf32, #tpu.memory_space<hbm>>
      %dma_start3A_714 = arith.constant 96 : i32
      %dma_start3A_715 = arith.constant 0 : i32
      %dma_start3A_716 = tpu.memref_slice %arg13[%dma_start3A_714, %dma_start3A_715] : memref<256x128xf32, #tpu.memory_space<vmem>> -> memref<32x128xf32, #tpu.memory_space<vmem>>
      %dma_start3A_717 = arith.constant 0 : i32
      %dma_start3A_718 = tpu.memref_slice %arg5[%dma_start3A_717, %multiple_of3A_708] : memref<32x1000000xf32, #tpu.memory_space<hbm>> -> memref<32x128xf32, #tpu.memory_space<hbm>>
      tpu.enqueue_dma source(%dma_start3A_718 : memref<32x128xf32, #tpu.memory_space<hbm>>) target(%dma_start3A_716 : memref<32x128xf32, #tpu.memory_space<vmem>>) target_semaphore(%arg31 : memref<!tpu.dma_semaphore, #tpu.memory_space<semaphore_mem>>)
      %mul3A_719 = arith.constant 16 : i32
      %mul3A_720 = arith.muli %scan3A_270, %mul3A_719 : i32
      %add3A_721 = arith.constant 4 : i32
      %add3A_722 = arith.addi %mul3A_720, %add3A_721 : i32
      %dma_wait3A_723 = arith.constant 128 : i32
      %dma_wait3A_724 = arith.constant 0 : i32
      %dma_wait3A_725 = tpu.memref_slice %arg12[%dma_wait3A_723, %dma_wait3A_724] : memref<256x128xf32, #tpu.memory_space<vmem>> -> memref<32x128xf32, #tpu.memory_space<vmem>>
      %dma_wait3A_726 = arith.constant 0 : i32
      %dma_wait3A_727 = arith.constant 0 : i32
      %dma_wait3A_728 = tpu.memref_slice %arg4[%dma_wait3A_726, %dma_wait3A_727] : memref<32x1000000xf32, #tpu.memory_space<hbm>> -> memref<32x128xf32, #tpu.memory_space<hbm>>
      %dma_wait3A_729 = arith.constant 128 : i32
      %dma_wait3A_730 = arith.constant 0 : i32
      %dma_wait3A_731 = tpu.memref_slice %arg12[%dma_wait3A_729, %dma_wait3A_730] : memref<256x128xf32, #tpu.memory_space<vmem>> -> memref<32x128xf32, #tpu.memory_space<vmem>>
      %dma_wait3A_732 = arith.constant 0 : i32
      %dma_wait3A_733 = arith.constant 0 : i32
      %dma_wait3A_734 = tpu.memref_slice %arg4[%dma_wait3A_732, %dma_wait3A_733] : memref<32x1000000xf32, #tpu.memory_space<hbm>> -> memref<32x128xf32, #tpu.memory_space<hbm>>
      tpu.wait_dma2 semaphore(%arg24 : memref<!tpu.dma_semaphore, #tpu.memory_space<semaphore_mem>>) src(%dma_wait3A_734 : memref<32x128xf32, #tpu.memory_space<hbm>>) dst(%dma_wait3A_731 : memref<32x128xf32, #tpu.memory_space<vmem>>)
      %dma_wait3A_735 = arith.constant 128 : i32
      %dma_wait3A_736 = arith.constant 0 : i32
      %dma_wait3A_737 = tpu.memref_slice %arg13[%dma_wait3A_735, %dma_wait3A_736] : memref<256x128xf32, #tpu.memory_space<vmem>> -> memref<32x128xf32, #tpu.memory_space<vmem>>
      %dma_wait3A_738 = arith.constant 0 : i32
      %dma_wait3A_739 = arith.constant 0 : i32
      %dma_wait3A_740 = tpu.memref_slice %arg5[%dma_wait3A_738, %dma_wait3A_739] : memref<32x1000000xf32, #tpu.memory_space<hbm>> -> memref<32x128xf32, #tpu.memory_space<hbm>>
      %dma_wait3A_741 = arith.constant 128 : i32
      %dma_wait3A_742 = arith.constant 0 : i32
      %dma_wait3A_743 = tpu.memref_slice %arg13[%dma_wait3A_741, %dma_wait3A_742] : memref<256x128xf32, #tpu.memory_space<vmem>> -> memref<32x128xf32, #tpu.memory_space<vmem>>
      %dma_wait3A_744 = arith.constant 0 : i32
      %dma_wait3A_745 = arith.constant 0 : i32
      %dma_wait3A_746 = tpu.memref_slice %arg5[%dma_wait3A_744, %dma_wait3A_745] : memref<32x1000000xf32, #tpu.memory_space<hbm>> -> memref<32x128xf32, #tpu.memory_space<hbm>>
      tpu.wait_dma2 semaphore(%arg32 : memref<!tpu.dma_semaphore, #tpu.memory_space<semaphore_mem>>) src(%dma_wait3A_746 : memref<32x128xf32, #tpu.memory_space<hbm>>) dst(%dma_wait3A_743 : memref<32x128xf32, #tpu.memory_space<vmem>>)
      %broadcast_in_dim3A_747 = arith.constant 0 : i32
      %broadcast_in_dim3A_748 = vector.broadcast %broadcast_in_dim3A_747 : i32 to vector<16xi32>
      %slice3A_749 = vector.extract_strided_slice %and3A_301 {offsets = [4], sizes = [1], strides = [1]} : vector<16xi32> to vector<1xi32>
      %squeeze3A_750 = vector.extract %slice3A_749[0] : i32 from vector<1xi32>
      %add3A_751 = vector.broadcast %squeeze3A_750 : i32 to vector<16xi32>
      %add3A_752 = arith.addi %broadcast_in_dim3A_748, %add3A_751 : vector<16xi32>
      %broadcast_in_dim3A_753 = arith.constant 0 : i32
      %broadcast_in_dim3A_754 = vector.broadcast %broadcast_in_dim3A_753 : i32 to vector<16xi32>
      %slice3A_755 = vector.extract_strided_slice %and3A_304 {offsets = [4], sizes = [1], strides = [1]} : vector<16xi32> to vector<1xi32>
      %squeeze3A_756 = vector.extract %slice3A_755[0] : i32 from vector<1xi32>
      %add3A_757 = vector.broadcast %squeeze3A_756 : i32 to vector<16xi32>
      %add3A_758 = arith.addi %broadcast_in_dim3A_754, %add3A_757 : vector<16xi32>
      %add3A_759 = arith.constant 128 : i32
      %add3A_760 = vector.broadcast %add3A_759 : i32 to vector<16xi32>
      %add3A_761 = arith.addi %add3A_760, %iota3A : vector<16xi32>
      %add3A_762 = arith.constant 128 : i32
      %add3A_763 = vector.broadcast %add3A_762 : i32 to vector<16xi32>
      %add3A_764 = arith.addi %add3A_763, %add3A_8 : vector<16xi32>
      %mul3A_765 = arith.constant 32 : i32
      %mul3A_766 = arith.muli %add3A_722, %mul3A_765 : i32
      %shift_right_arithmetic3A_767 = arith.constant 7 : i32
      %shift_right_arithmetic3A_768 = arith.shrsi %mul3A_766, %shift_right_arithmetic3A_767 : i32
      %mul3A_769 = arith.constant 32 : i32
      %mul3A_770 = arith.muli %add3A_722, %mul3A_769 : i32
      %and3A_771 = arith.constant 127 : i32
      %and3A_772 = arith.andi %mul3A_770, %and3A_771 : i32
      %gather3A_773 = tpu.vector_load_idx %arg12[%add3A_761, %add3A_752] : memref<256x128xf32, #tpu.memory_space<vmem>>[vector<16xi32>, vector<16xi32>], vector<16xf32>,
      %swap3A_774 = arith.index_cast %shift_right_arithmetic3A_768 : i32 to index
      %swap3A_775 = arith.index_cast %and3A_772 : i32 to index
      %swap3A_776 = tpu.vector_load %arg14[%swap3A_774, %swap3A_775] {strides = array<i32>} : memref<128x128xf32, #tpu.memory_space<vmem>>, vector<16xf32>,
      tpu.vector_store %arg14[%swap3A_774, %swap3A_775], %gather3A_773 {strides = array<i32>} : memref<128x128xf32, #tpu.memory_space<vmem>>, vector<16xf32>,
      %gather3A_777 = tpu.vector_load_idx %arg12[%add3A_764, %add3A_752] : memref<256x128xf32, #tpu.memory_space<vmem>>[vector<16xi32>, vector<16xi32>], vector<16xf32>,
      %add3A_778 = arith.constant 16 : i32
      %add3A_779 = arith.addi %and3A_772, %add3A_778 : i32
      %swap3A_780 = arith.index_cast %shift_right_arithmetic3A_768 : i32 to index
      %swap3A_781 = arith.index_cast %add3A_779 : i32 to index
      %swap3A_782 = tpu.vector_load %arg14[%swap3A_780, %swap3A_781] {strides = array<i32>} : memref<128x128xf32, #tpu.memory_space<vmem>>, vector<16xf32>,
      tpu.vector_store %arg14[%swap3A_780, %swap3A_781], %gather3A_777 {strides = array<i32>} : memref<128x128xf32, #tpu.memory_space<vmem>>, vector<16xf32>,
      %gather3A_783 = tpu.vector_load_idx %arg13[%add3A_761, %add3A_758] : memref<256x128xf32, #tpu.memory_space<vmem>>[vector<16xi32>, vector<16xi32>], vector<16xf32>,
      %swap3A_784 = arith.index_cast %shift_right_arithmetic3A_768 : i32 to index
      %swap3A_785 = arith.index_cast %and3A_772 : i32 to index
      %swap3A_786 = tpu.vector_load %arg15[%swap3A_784, %swap3A_785] {strides = array<i32>} : memref<128x128xf32, #tpu.memory_space<vmem>>, vector<16xf32>,
      tpu.vector_store %arg15[%swap3A_784, %swap3A_785], %gather3A_783 {strides = array<i32>} : memref<128x128xf32, #tpu.memory_space<vmem>>, vector<16xf32>,
      %gather3A_787 = tpu.vector_load_idx %arg13[%add3A_764, %add3A_758] : memref<256x128xf32, #tpu.memory_space<vmem>>[vector<16xi32>, vector<16xi32>], vector<16xf32>,
      %add3A_788 = arith.constant 16 : i32
      %add3A_789 = arith.addi %and3A_772, %add3A_788 : i32
      %swap3A_790 = arith.index_cast %shift_right_arithmetic3A_768 : i32 to index
      %swap3A_791 = arith.index_cast %add3A_789 : i32 to index
      %swap3A_792 = tpu.vector_load %arg15[%swap3A_790, %swap3A_791] {strides = array<i32>} : memref<128x128xf32, #tpu.memory_space<vmem>>, vector<16xf32>,
      tpu.vector_store %arg15[%swap3A_790, %swap3A_791], %gather3A_787 {strides = array<i32>} : memref<128x128xf32, #tpu.memory_space<vmem>>, vector<16xf32>,
      %slice3A_793 = vector.extract_strided_slice %shift_right_arithmetic3A_290 {offsets = [12], sizes = [1], strides = [1]} : vector<16xi32> to vector<1xi32>
      %squeeze3A_794 = vector.extract %slice3A_793[0] : i32 from vector<1xi32>
      %mul3A_795 = arith.constant 128 : i32
      %mul3A_796 = arith.muli %squeeze3A_794, %mul3A_795 : i32
      %multiple_of3A_797 = tpu.assume_multiple %mul3A_796, 128 : i32
      %dma_start3A_798 = arith.constant 128 : i32
      %dma_start3A_799 = arith.constant 0 : i32
      %dma_start3A_800 = tpu.memref_slice %arg12[%dma_start3A_798, %dma_start3A_799] : memref<256x128xf32, #tpu.memory_space<vmem>> -> memref<32x128xf32, #tpu.memory_space<vmem>>
      %dma_start3A_801 = arith.constant 0 : i32
      %dma_start3A_802 = tpu.memref_slice %arg4[%dma_start3A_801, %multiple_of3A_797] : memref<32x1000000xf32, #tpu.memory_space<hbm>> -> memref<32x128xf32, #tpu.memory_space<hbm>>
      %dma_start3A_803 = arith.constant 128 : i32
      %dma_start3A_804 = arith.constant 0 : i32
      %dma_start3A_805 = tpu.memref_slice %arg12[%dma_start3A_803, %dma_start3A_804] : memref<256x128xf32, #tpu.memory_space<vmem>> -> memref<32x128xf32, #tpu.memory_space<vmem>>
      %dma_start3A_806 = arith.constant 0 : i32
      %dma_start3A_807 = tpu.memref_slice %arg4[%dma_start3A_806, %multiple_of3A_797] : memref<32x1000000xf32, #tpu.memory_space<hbm>> -> memref<32x128xf32, #tpu.memory_space<hbm>>
      tpu.enqueue_dma source(%dma_start3A_807 : memref<32x128xf32, #tpu.memory_space<hbm>>) target(%dma_start3A_805 : memref<32x128xf32, #tpu.memory_space<vmem>>) target_semaphore(%arg24 : memref<!tpu.dma_semaphore, #tpu.memory_space<semaphore_mem>>)
      %slice3A_808 = vector.extract_strided_slice %shift_right_arithmetic3A_293 {offsets = [12], sizes = [1], strides = [1]} : vector<16xi32> to vector<1xi32>
      %squeeze3A_809 = vector.extract %slice3A_808[0] : i32 from vector<1xi32>
      %mul3A_810 = arith.constant 128 : i32
      %mul3A_811 = arith.muli %squeeze3A_809, %mul3A_810 : i32
      %multiple_of3A_812 = tpu.assume_multiple %mul3A_811, 128 : i32
      %dma_start3A_813 = arith.constant 128 : i32
      %dma_start3A_814 = arith.constant 0 : i32
      %dma_start3A_815 = tpu.memref_slice %arg13[%dma_start3A_813, %dma_start3A_814] : memref<256x128xf32, #tpu.memory_space<vmem>> -> memref<32x128xf32, #tpu.memory_space<vmem>>
      %dma_start3A_816 = arith.constant 0 : i32
      %dma_start3A_817 = tpu.memref_slice %arg5[%dma_start3A_816, %multiple_of3A_812] : memref<32x1000000xf32, #tpu.memory_space<hbm>> -> memref<32x128xf32, #tpu.memory_space<hbm>>
      %dma_start3A_818 = arith.constant 128 : i32
      %dma_start3A_819 = arith.constant 0 : i32
      %dma_start3A_820 = tpu.memref_slice %arg13[%dma_start3A_818, %dma_start3A_819] : memref<256x128xf32, #tpu.memory_space<vmem>> -> memref<32x128xf32, #tpu.memory_space<vmem>>
      %dma_start3A_821 = arith.constant 0 : i32
      %dma_start3A_822 = tpu.memref_slice %arg5[%dma_start3A_821, %multiple_of3A_812] : memref<32x1000000xf32, #tpu.memory_space<hbm>> -> memref<32x128xf32, #tpu.memory_space<hbm>>
      tpu.enqueue_dma source(%dma_start3A_822 : memref<32x128xf32, #tpu.memory_space<hbm>>) target(%dma_start3A_820 : memref<32x128xf32, #tpu.memory_space<vmem>>) target_semaphore(%arg32 : memref<!tpu.dma_semaphore, #tpu.memory_space<semaphore_mem>>)
      %mul3A_823 = arith.constant 16 : i32
      %mul3A_824 = arith.muli %scan3A_270, %mul3A_823 : i32
      %add3A_825 = arith.constant 5 : i32
      %add3A_826 = arith.addi %mul3A_824, %add3A_825 : i32
      %dma_wait3A_827 = arith.constant 160 : i32
      %dma_wait3A_828 = arith.constant 0 : i32
      %dma_wait3A_829 = tpu.memref_slice %arg12[%dma_wait3A_827, %dma_wait3A_828] : memref<256x128xf32, #tpu.memory_space<vmem>> -> memref<32x128xf32, #tpu.memory_space<vmem>>
      %dma_wait3A_830 = arith.constant 0 : i32
      %dma_wait3A_831 = arith.constant 0 : i32
      %dma_wait3A_832 = tpu.memref_slice %arg4[%dma_wait3A_830, %dma_wait3A_831] : memref<32x1000000xf32, #tpu.memory_space<hbm>> -> memref<32x128xf32, #tpu.memory_space<hbm>>
      %dma_wait3A_833 = arith.constant 160 : i32
      %dma_wait3A_834 = arith.constant 0 : i32
      %dma_wait3A_835 = tpu.memref_slice %arg12[%dma_wait3A_833, %dma_wait3A_834] : memref<256x128xf32, #tpu.memory_space<vmem>> -> memref<32x128xf32, #tpu.memory_space<vmem>>
      %dma_wait3A_836 = arith.constant 0 : i32
      %dma_wait3A_837 = arith.constant 0 : i32
      %dma_wait3A_838 = tpu.memref_slice %arg4[%dma_wait3A_836, %dma_wait3A_837] : memref<32x1000000xf32, #tpu.memory_space<hbm>> -> memref<32x128xf32, #tpu.memory_space<hbm>>
      tpu.wait_dma2 semaphore(%arg25 : memref<!tpu.dma_semaphore, #tpu.memory_space<semaphore_mem>>) src(%dma_wait3A_838 : memref<32x128xf32, #tpu.memory_space<hbm>>) dst(%dma_wait3A_835 : memref<32x128xf32, #tpu.memory_space<vmem>>)
      %dma_wait3A_839 = arith.constant 160 : i32
      %dma_wait3A_840 = arith.constant 0 : i32
      %dma_wait3A_841 = tpu.memref_slice %arg13[%dma_wait3A_839, %dma_wait3A_840] : memref<256x128xf32, #tpu.memory_space<vmem>> -> memref<32x128xf32, #tpu.memory_space<vmem>>
      %dma_wait3A_842 = arith.constant 0 : i32
      %dma_wait3A_843 = arith.constant 0 : i32
      %dma_wait3A_844 = tpu.memref_slice %arg5[%dma_wait3A_842, %dma_wait3A_843] : memref<32x1000000xf32, #tpu.memory_space<hbm>> -> memref<32x128xf32, #tpu.memory_space<hbm>>
      %dma_wait3A_845 = arith.constant 160 : i32
      %dma_wait3A_846 = arith.constant 0 : i32
      %dma_wait3A_847 = tpu.memref_slice %arg13[%dma_wait3A_845, %dma_wait3A_846] : memref<256x128xf32, #tpu.memory_space<vmem>> -> memref<32x128xf32, #tpu.memory_space<vmem>>
      %dma_wait3A_848 = arith.constant 0 : i32
      %dma_wait3A_849 = arith.constant 0 : i32
      %dma_wait3A_850 = tpu.memref_slice %arg5[%dma_wait3A_848, %dma_wait3A_849] : memref<32x1000000xf32, #tpu.memory_space<hbm>> -> memref<32x128xf32, #tpu.memory_space<hbm>>
      tpu.wait_dma2 semaphore(%arg33 : memref<!tpu.dma_semaphore, #tpu.memory_space<semaphore_mem>>) src(%dma_wait3A_850 : memref<32x128xf32, #tpu.memory_space<hbm>>) dst(%dma_wait3A_847 : memref<32x128xf32, #tpu.memory_space<vmem>>)
      %broadcast_in_dim3A_851 = arith.constant 0 : i32
      %broadcast_in_dim3A_852 = vector.broadcast %broadcast_in_dim3A_851 : i32 to vector<16xi32>
      %slice3A_853 = vector.extract_strided_slice %and3A_301 {offsets = [5], sizes = [1], strides = [1]} : vector<16xi32> to vector<1xi32>
      %squeeze3A_854 = vector.extract %slice3A_853[0] : i32 from vector<1xi32>
      %add3A_855 = vector.broadcast %squeeze3A_854 : i32 to vector<16xi32>
      %add3A_856 = arith.addi %broadcast_in_dim3A_852, %add3A_855 : vector<16xi32>
      %broadcast_in_dim3A_857 = arith.constant 0 : i32
      %broadcast_in_dim3A_858 = vector.broadcast %broadcast_in_dim3A_857 : i32 to vector<16xi32>
      %slice3A_859 = vector.extract_strided_slice %and3A_304 {offsets = [5], sizes = [1], strides = [1]} : vector<16xi32> to vector<1xi32>
      %squeeze3A_860 = vector.extract %slice3A_859[0] : i32 from vector<1xi32>
      %add3A_861 = vector.broadcast %squeeze3A_860 : i32 to vector<16xi32>
      %add3A_862 = arith.addi %broadcast_in_dim3A_858, %add3A_861 : vector<16xi32>
      %add3A_863 = arith.constant 160 : i32
      %add3A_864 = vector.broadcast %add3A_863 : i32 to vector<16xi32>
      %add3A_865 = arith.addi %add3A_864, %iota3A : vector<16xi32>
      %add3A_866 = arith.constant 160 : i32
      %add3A_867 = vector.broadcast %add3A_866 : i32 to vector<16xi32>
      %add3A_868 = arith.addi %add3A_867, %add3A_8 : vector<16xi32>
      %mul3A_869 = arith.constant 32 : i32
      %mul3A_870 = arith.muli %add3A_826, %mul3A_869 : i32
      %shift_right_arithmetic3A_871 = arith.constant 7 : i32
      %shift_right_arithmetic3A_872 = arith.shrsi %mul3A_870, %shift_right_arithmetic3A_871 : i32
      %mul3A_873 = arith.constant 32 : i32
      %mul3A_874 = arith.muli %add3A_826, %mul3A_873 : i32
      %and3A_875 = arith.constant 127 : i32
      %and3A_876 = arith.andi %mul3A_874, %and3A_875 : i32
      %gather3A_877 = tpu.vector_load_idx %arg12[%add3A_865, %add3A_856] : memref<256x128xf32, #tpu.memory_space<vmem>>[vector<16xi32>, vector<16xi32>], vector<16xf32>,
      %swap3A_878 = arith.index_cast %shift_right_arithmetic3A_872 : i32 to index
      %swap3A_879 = arith.index_cast %and3A_876 : i32 to index
      %swap3A_880 = tpu.vector_load %arg14[%swap3A_878, %swap3A_879] {strides = array<i32>} : memref<128x128xf32, #tpu.memory_space<vmem>>, vector<16xf32>,
      tpu.vector_store %arg14[%swap3A_878, %swap3A_879], %gather3A_877 {strides = array<i32>} : memref<128x128xf32, #tpu.memory_space<vmem>>, vector<16xf32>,
      %gather3A_881 = tpu.vector_load_idx %arg12[%add3A_868, %add3A_856] : memref<256x128xf32, #tpu.memory_space<vmem>>[vector<16xi32>, vector<16xi32>], vector<16xf32>,
      %add3A_882 = arith.constant 16 : i32
      %add3A_883 = arith.addi %and3A_876, %add3A_882 : i32
      %swap3A_884 = arith.index_cast %shift_right_arithmetic3A_872 : i32 to index
      %swap3A_885 = arith.index_cast %add3A_883 : i32 to index
      %swap3A_886 = tpu.vector_load %arg14[%swap3A_884, %swap3A_885] {strides = array<i32>} : memref<128x128xf32, #tpu.memory_space<vmem>>, vector<16xf32>,
      tpu.vector_store %arg14[%swap3A_884, %swap3A_885], %gather3A_881 {strides = array<i32>} : memref<128x128xf32, #tpu.memory_space<vmem>>, vector<16xf32>,
      %gather3A_887 = tpu.vector_load_idx %arg13[%add3A_865, %add3A_862] : memref<256x128xf32, #tpu.memory_space<vmem>>[vector<16xi32>, vector<16xi32>], vector<16xf32>,
      %swap3A_888 = arith.index_cast %shift_right_arithmetic3A_872 : i32 to index
      %swap3A_889 = arith.index_cast %and3A_876 : i32 to index
      %swap3A_890 = tpu.vector_load %arg15[%swap3A_888, %swap3A_889] {strides = array<i32>} : memref<128x128xf32, #tpu.memory_space<vmem>>, vector<16xf32>,
      tpu.vector_store %arg15[%swap3A_888, %swap3A_889], %gather3A_887 {strides = array<i32>} : memref<128x128xf32, #tpu.memory_space<vmem>>, vector<16xf32>,
      %gather3A_891 = tpu.vector_load_idx %arg13[%add3A_868, %add3A_862] : memref<256x128xf32, #tpu.memory_space<vmem>>[vector<16xi32>, vector<16xi32>], vector<16xf32>,
      %add3A_892 = arith.constant 16 : i32
      %add3A_893 = arith.addi %and3A_876, %add3A_892 : i32
      %swap3A_894 = arith.index_cast %shift_right_arithmetic3A_872 : i32 to index
      %swap3A_895 = arith.index_cast %add3A_893 : i32 to index
      %swap3A_896 = tpu.vector_load %arg15[%swap3A_894, %swap3A_895] {strides = array<i32>} : memref<128x128xf32, #tpu.memory_space<vmem>>, vector<16xf32>,
      tpu.vector_store %arg15[%swap3A_894, %swap3A_895], %gather3A_891 {strides = array<i32>} : memref<128x128xf32, #tpu.memory_space<vmem>>, vector<16xf32>,
      %slice3A_897 = vector.extract_strided_slice %shift_right_arithmetic3A_290 {offsets = [13], sizes = [1], strides = [1]} : vector<16xi32> to vector<1xi32>
      %squeeze3A_898 = vector.extract %slice3A_897[0] : i32 from vector<1xi32>
      %mul3A_899 = arith.constant 128 : i32
      %mul3A_900 = arith.muli %squeeze3A_898, %mul3A_899 : i32
      %multiple_of3A_901 = tpu.assume_multiple %mul3A_900, 128 : i32
      %dma_start3A_902 = arith.constant 160 : i32
      %dma_start3A_903 = arith.constant 0 : i32
      %dma_start3A_904 = tpu.memref_slice %arg12[%dma_start3A_902, %dma_start3A_903] : memref<256x128xf32, #tpu.memory_space<vmem>> -> memref<32x128xf32, #tpu.memory_space<vmem>>
      %dma_start3A_905 = arith.constant 0 : i32
      %dma_start3A_906 = tpu.memref_slice %arg4[%dma_start3A_905, %multiple_of3A_901] : memref<32x1000000xf32, #tpu.memory_space<hbm>> -> memref<32x128xf32, #tpu.memory_space<hbm>>
      %dma_start3A_907 = arith.constant 160 : i32
      %dma_start3A_908 = arith.constant 0 : i32
      %dma_start3A_909 = tpu.memref_slice %arg12[%dma_start3A_907, %dma_start3A_908] : memref<256x128xf32, #tpu.memory_space<vmem>> -> memref<32x128xf32, #tpu.memory_space<vmem>>
      %dma_start3A_910 = arith.constant 0 : i32
      %dma_start3A_911 = tpu.memref_slice %arg4[%dma_start3A_910, %multiple_of3A_901] : memref<32x1000000xf32, #tpu.memory_space<hbm>> -> memref<32x128xf32, #tpu.memory_space<hbm>>
      tpu.enqueue_dma source(%dma_start3A_911 : memref<32x128xf32, #tpu.memory_space<hbm>>) target(%dma_start3A_909 : memref<32x128xf32, #tpu.memory_space<vmem>>) target_semaphore(%arg25 : memref<!tpu.dma_semaphore, #tpu.memory_space<semaphore_mem>>)
      %slice3A_912 = vector.extract_strided_slice %shift_right_arithmetic3A_293 {offsets = [13], sizes = [1], strides = [1]} : vector<16xi32> to vector<1xi32>
      %squeeze3A_913 = vector.extract %slice3A_912[0] : i32 from vector<1xi32>
      %mul3A_914 = arith.constant 128 : i32
      %mul3A_915 = arith.muli %squeeze3A_913, %mul3A_914 : i32
      %multiple_of3A_916 = tpu.assume_multiple %mul3A_915, 128 : i32
      %dma_start3A_917 = arith.constant 160 : i32
      %dma_start3A_918 = arith.constant 0 : i32
      %dma_start3A_919 = tpu.memref_slice %arg13[%dma_start3A_917, %dma_start3A_918] : memref<256x128xf32, #tpu.memory_space<vmem>> -> memref<32x128xf32, #tpu.memory_space<vmem>>
      %dma_start3A_920 = arith.constant 0 : i32
      %dma_start3A_921 = tpu.memref_slice %arg5[%dma_start3A_920, %multiple_of3A_916] : memref<32x1000000xf32, #tpu.memory_space<hbm>> -> memref<32x128xf32, #tpu.memory_space<hbm>>
      %dma_start3A_922 = arith.constant 160 : i32
      %dma_start3A_923 = arith.constant 0 : i32
      %dma_start3A_924 = tpu.memref_slice %arg13[%dma_start3A_922, %dma_start3A_923] : memref<256x128xf32, #tpu.memory_space<vmem>> -> memref<32x128xf32, #tpu.memory_space<vmem>>
      %dma_start3A_925 = arith.constant 0 : i32
      %dma_start3A_926 = tpu.memref_slice %arg5[%dma_start3A_925, %multiple_of3A_916] : memref<32x1000000xf32, #tpu.memory_space<hbm>> -> memref<32x128xf32, #tpu.memory_space<hbm>>
      tpu.enqueue_dma source(%dma_start3A_926 : memref<32x128xf32, #tpu.memory_space<hbm>>) target(%dma_start3A_924 : memref<32x128xf32, #tpu.memory_space<vmem>>) target_semaphore(%arg33 : memref<!tpu.dma_semaphore, #tpu.memory_space<semaphore_mem>>)
      %mul3A_927 = arith.constant 16 : i32
      %mul3A_928 = arith.muli %scan3A_270, %mul3A_927 : i32
      %add3A_929 = arith.constant 6 : i32
      %add3A_930 = arith.addi %mul3A_928, %add3A_929 : i32
      %dma_wait3A_931 = arith.constant 192 : i32
      %dma_wait3A_932 = arith.constant 0 : i32
      %dma_wait3A_933 = tpu.memref_slice %arg12[%dma_wait3A_931, %dma_wait3A_932] : memref<256x128xf32, #tpu.memory_space<vmem>> -> memref<32x128xf32, #tpu.memory_space<vmem>>
      %dma_wait3A_934 = arith.constant 0 : i32
      %dma_wait3A_935 = arith.constant 0 : i32
      %dma_wait3A_936 = tpu.memref_slice %arg4[%dma_wait3A_934, %dma_wait3A_935] : memref<32x1000000xf32, #tpu.memory_space<hbm>> -> memref<32x128xf32, #tpu.memory_space<hbm>>
      %dma_wait3A_937 = arith.constant 192 : i32
      %dma_wait3A_938 = arith.constant 0 : i32
      %dma_wait3A_939 = tpu.memref_slice %arg12[%dma_wait3A_937, %dma_wait3A_938] : memref<256x128xf32, #tpu.memory_space<vmem>> -> memref<32x128xf32, #tpu.memory_space<vmem>>
      %dma_wait3A_940 = arith.constant 0 : i32
      %dma_wait3A_941 = arith.constant 0 : i32
      %dma_wait3A_942 = tpu.memref_slice %arg4[%dma_wait3A_940, %dma_wait3A_941] : memref<32x1000000xf32, #tpu.memory_space<hbm>> -> memref<32x128xf32, #tpu.memory_space<hbm>>
      tpu.wait_dma2 semaphore(%arg26 : memref<!tpu.dma_semaphore, #tpu.memory_space<semaphore_mem>>) src(%dma_wait3A_942 : memref<32x128xf32, #tpu.memory_space<hbm>>) dst(%dma_wait3A_939 : memref<32x128xf32, #tpu.memory_space<vmem>>)
      %dma_wait3A_943 = arith.constant 192 : i32
      %dma_wait3A_944 = arith.constant 0 : i32
      %dma_wait3A_945 = tpu.memref_slice %arg13[%dma_wait3A_943, %dma_wait3A_944] : memref<256x128xf32, #tpu.memory_space<vmem>> -> memref<32x128xf32, #tpu.memory_space<vmem>>
      %dma_wait3A_946 = arith.constant 0 : i32
      %dma_wait3A_947 = arith.constant 0 : i32
      %dma_wait3A_948 = tpu.memref_slice %arg5[%dma_wait3A_946, %dma_wait3A_947] : memref<32x1000000xf32, #tpu.memory_space<hbm>> -> memref<32x128xf32, #tpu.memory_space<hbm>>
      %dma_wait3A_949 = arith.constant 192 : i32
      %dma_wait3A_950 = arith.constant 0 : i32
      %dma_wait3A_951 = tpu.memref_slice %arg13[%dma_wait3A_949, %dma_wait3A_950] : memref<256x128xf32, #tpu.memory_space<vmem>> -> memref<32x128xf32, #tpu.memory_space<vmem>>
      %dma_wait3A_952 = arith.constant 0 : i32
      %dma_wait3A_953 = arith.constant 0 : i32
      %dma_wait3A_954 = tpu.memref_slice %arg5[%dma_wait3A_952, %dma_wait3A_953] : memref<32x1000000xf32, #tpu.memory_space<hbm>> -> memref<32x128xf32, #tpu.memory_space<hbm>>
      tpu.wait_dma2 semaphore(%arg34 : memref<!tpu.dma_semaphore, #tpu.memory_space<semaphore_mem>>) src(%dma_wait3A_954 : memref<32x128xf32, #tpu.memory_space<hbm>>) dst(%dma_wait3A_951 : memref<32x128xf32, #tpu.memory_space<vmem>>)
      %broadcast_in_dim3A_955 = arith.constant 0 : i32
      %broadcast_in_dim3A_956 = vector.broadcast %broadcast_in_dim3A_955 : i32 to vector<16xi32>
      %slice3A_957 = vector.extract_strided_slice %and3A_301 {offsets = [6], sizes = [1], strides = [1]} : vector<16xi32> to vector<1xi32>
      %squeeze3A_958 = vector.extract %slice3A_957[0] : i32 from vector<1xi32>
      %add3A_959 = vector.broadcast %squeeze3A_958 : i32 to vector<16xi32>
      %add3A_960 = arith.addi %broadcast_in_dim3A_956, %add3A_959 : vector<16xi32>
      %broadcast_in_dim3A_961 = arith.constant 0 : i32
      %broadcast_in_dim3A_962 = vector.broadcast %broadcast_in_dim3A_961 : i32 to vector<16xi32>
      %slice3A_963 = vector.extract_strided_slice %and3A_304 {offsets = [6], sizes = [1], strides = [1]} : vector<16xi32> to vector<1xi32>
      %squeeze3A_964 = vector.extract %slice3A_963[0] : i32 from vector<1xi32>
      %add3A_965 = vector.broadcast %squeeze3A_964 : i32 to vector<16xi32>
      %add3A_966 = arith.addi %broadcast_in_dim3A_962, %add3A_965 : vector<16xi32>
      %add3A_967 = arith.constant 192 : i32
      %add3A_968 = vector.broadcast %add3A_967 : i32 to vector<16xi32>
      %add3A_969 = arith.addi %add3A_968, %iota3A : vector<16xi32>
      %add3A_970 = arith.constant 192 : i32
      %add3A_971 = vector.broadcast %add3A_970 : i32 to vector<16xi32>
      %add3A_972 = arith.addi %add3A_971, %add3A_8 : vector<16xi32>
      %mul3A_973 = arith.constant 32 : i32
      %mul3A_974 = arith.muli %add3A_930, %mul3A_973 : i32
      %shift_right_arithmetic3A_975 = arith.constant 7 : i32
      %shift_right_arithmetic3A_976 = arith.shrsi %mul3A_974, %shift_right_arithmetic3A_975 : i32
      %mul3A_977 = arith.constant 32 : i32
      %mul3A_978 = arith.muli %add3A_930, %mul3A_977 : i32
      %and3A_979 = arith.constant 127 : i32
      %and3A_980 = arith.andi %mul3A_978, %and3A_979 : i32
      %gather3A_981 = tpu.vector_load_idx %arg12[%add3A_969, %add3A_960] : memref<256x128xf32, #tpu.memory_space<vmem>>[vector<16xi32>, vector<16xi32>], vector<16xf32>,
      %swap3A_982 = arith.index_cast %shift_right_arithmetic3A_976 : i32 to index
      %swap3A_983 = arith.index_cast %and3A_980 : i32 to index
      %swap3A_984 = tpu.vector_load %arg14[%swap3A_982, %swap3A_983] {strides = array<i32>} : memref<128x128xf32, #tpu.memory_space<vmem>>, vector<16xf32>,
      tpu.vector_store %arg14[%swap3A_982, %swap3A_983], %gather3A_981 {strides = array<i32>} : memref<128x128xf32, #tpu.memory_space<vmem>>, vector<16xf32>,
      %gather3A_985 = tpu.vector_load_idx %arg12[%add3A_972, %add3A_960] : memref<256x128xf32, #tpu.memory_space<vmem>>[vector<16xi32>, vector<16xi32>], vector<16xf32>,
      %add3A_986 = arith.constant 16 : i32
      %add3A_987 = arith.addi %and3A_980, %add3A_986 : i32
      %swap3A_988 = arith.index_cast %shift_right_arithmetic3A_976 : i32 to index
      %swap3A_989 = arith.index_cast %add3A_987 : i32 to index
      %swap3A_990 = tpu.vector_load %arg14[%swap3A_988, %swap3A_989] {strides = array<i32>} : memref<128x128xf32, #tpu.memory_space<vmem>>, vector<16xf32>,
      tpu.vector_store %arg14[%swap3A_988, %swap3A_989], %gather3A_985 {strides = array<i32>} : memref<128x128xf32, #tpu.memory_space<vmem>>, vector<16xf32>,
      %gather3A_991 = tpu.vector_load_idx %arg13[%add3A_969, %add3A_966] : memref<256x128xf32, #tpu.memory_space<vmem>>[vector<16xi32>, vector<16xi32>], vector<16xf32>,
      %swap3A_992 = arith.index_cast %shift_right_arithmetic3A_976 : i32 to index
      %swap3A_993 = arith.index_cast %and3A_980 : i32 to index
      %swap3A_994 = tpu.vector_load %arg15[%swap3A_992, %swap3A_993] {strides = array<i32>} : memref<128x128xf32, #tpu.memory_space<vmem>>, vector<16xf32>,
      tpu.vector_store %arg15[%swap3A_992, %swap3A_993], %gather3A_991 {strides = array<i32>} : memref<128x128xf32, #tpu.memory_space<vmem>>, vector<16xf32>,
      %gather3A_995 = tpu.vector_load_idx %arg13[%add3A_972, %add3A_966] : memref<256x128xf32, #tpu.memory_space<vmem>>[vector<16xi32>, vector<16xi32>], vector<16xf32>,
      %add3A_996 = arith.constant 16 : i32
      %add3A_997 = arith.addi %and3A_980, %add3A_996 : i32
      %swap3A_998 = arith.index_cast %shift_right_arithmetic3A_976 : i32 to index
      %swap3A_999 = arith.index_cast %add3A_997 : i32 to index
      %swap3A_1000 = tpu.vector_load %arg15[%swap3A_998, %swap3A_999] {strides = array<i32>} : memref<128x128xf32, #tpu.memory_space<vmem>>, vector<16xf32>,
      tpu.vector_store %arg15[%swap3A_998, %swap3A_999], %gather3A_995 {strides = array<i32>} : memref<128x128xf32, #tpu.memory_space<vmem>>, vector<16xf32>,
      %slice3A_1001 = vector.extract_strided_slice %shift_right_arithmetic3A_290 {offsets = [14], sizes = [1], strides = [1]} : vector<16xi32> to vector<1xi32>
      %squeeze3A_1002 = vector.extract %slice3A_1001[0] : i32 from vector<1xi32>
      %mul3A_1003 = arith.constant 128 : i32
      %mul3A_1004 = arith.muli %squeeze3A_1002, %mul3A_1003 : i32
      %multiple_of3A_1005 = tpu.assume_multiple %mul3A_1004, 128 : i32
      %dma_start3A_1006 = arith.constant 192 : i32
      %dma_start3A_1007 = arith.constant 0 : i32
      %dma_start3A_1008 = tpu.memref_slice %arg12[%dma_start3A_1006, %dma_start3A_1007] : memref<256x128xf32, #tpu.memory_space<vmem>> -> memref<32x128xf32, #tpu.memory_space<vmem>>
      %dma_start3A_1009 = arith.constant 0 : i32
      %dma_start3A_1010 = tpu.memref_slice %arg4[%dma_start3A_1009, %multiple_of3A_1005] : memref<32x1000000xf32, #tpu.memory_space<hbm>> -> memref<32x128xf32, #tpu.memory_space<hbm>>
      %dma_start3A_1011 = arith.constant 192 : i32
      %dma_start3A_1012 = arith.constant 0 : i32
      %dma_start3A_1013 = tpu.memref_slice %arg12[%dma_start3A_1011, %dma_start3A_1012] : memref<256x128xf32, #tpu.memory_space<vmem>> -> memref<32x128xf32, #tpu.memory_space<vmem>>
      %dma_start3A_1014 = arith.constant 0 : i32
      %dma_start3A_1015 = tpu.memref_slice %arg4[%dma_start3A_1014, %multiple_of3A_1005] : memref<32x1000000xf32, #tpu.memory_space<hbm>> -> memref<32x128xf32, #tpu.memory_space<hbm>>
      tpu.enqueue_dma source(%dma_start3A_1015 : memref<32x128xf32, #tpu.memory_space<hbm>>) target(%dma_start3A_1013 : memref<32x128xf32, #tpu.memory_space<vmem>>) target_semaphore(%arg26 : memref<!tpu.dma_semaphore, #tpu.memory_space<semaphore_mem>>)
      %slice3A_1016 = vector.extract_strided_slice %shift_right_arithmetic3A_293 {offsets = [14], sizes = [1], strides = [1]} : vector<16xi32> to vector<1xi32>
      %squeeze3A_1017 = vector.extract %slice3A_1016[0] : i32 from vector<1xi32>
      %mul3A_1018 = arith.constant 128 : i32
      %mul3A_1019 = arith.muli %squeeze3A_1017, %mul3A_1018 : i32
      %multiple_of3A_1020 = tpu.assume_multiple %mul3A_1019, 128 : i32
      %dma_start3A_1021 = arith.constant 192 : i32
      %dma_start3A_1022 = arith.constant 0 : i32
      %dma_start3A_1023 = tpu.memref_slice %arg13[%dma_start3A_1021, %dma_start3A_1022] : memref<256x128xf32, #tpu.memory_space<vmem>> -> memref<32x128xf32, #tpu.memory_space<vmem>>
      %dma_start3A_1024 = arith.constant 0 : i32
      %dma_start3A_1025 = tpu.memref_slice %arg5[%dma_start3A_1024, %multiple_of3A_1020] : memref<32x1000000xf32, #tpu.memory_space<hbm>> -> memref<32x128xf32, #tpu.memory_space<hbm>>
      %dma_start3A_1026 = arith.constant 192 : i32
      %dma_start3A_1027 = arith.constant 0 : i32
      %dma_start3A_1028 = tpu.memref_slice %arg13[%dma_start3A_1026, %dma_start3A_1027] : memref<256x128xf32, #tpu.memory_space<vmem>> -> memref<32x128xf32, #tpu.memory_space<vmem>>
      %dma_start3A_1029 = arith.constant 0 : i32
      %dma_start3A_1030 = tpu.memref_slice %arg5[%dma_start3A_1029, %multiple_of3A_1020] : memref<32x1000000xf32, #tpu.memory_space<hbm>> -> memref<32x128xf32, #tpu.memory_space<hbm>>
      tpu.enqueue_dma source(%dma_start3A_1030 : memref<32x128xf32, #tpu.memory_space<hbm>>) target(%dma_start3A_1028 : memref<32x128xf32, #tpu.memory_space<vmem>>) target_semaphore(%arg34 : memref<!tpu.dma_semaphore, #tpu.memory_space<semaphore_mem>>)
      %mul3A_1031 = arith.constant 16 : i32
      %mul3A_1032 = arith.muli %scan3A_270, %mul3A_1031 : i32
      %add3A_1033 = arith.constant 7 : i32
      %add3A_1034 = arith.addi %mul3A_1032, %add3A_1033 : i32
      %dma_wait3A_1035 = arith.constant 224 : i32
      %dma_wait3A_1036 = arith.constant 0 : i32
      %dma_wait3A_1037 = tpu.memref_slice %arg12[%dma_wait3A_1035, %dma_wait3A_1036] : memref<256x128xf32, #tpu.memory_space<vmem>> -> memref<32x128xf32, #tpu.memory_space<vmem>>
      %dma_wait3A_1038 = arith.constant 0 : i32
      %dma_wait3A_1039 = arith.constant 0 : i32
      %dma_wait3A_1040 = tpu.memref_slice %arg4[%dma_wait3A_1038, %dma_wait3A_1039] : memref<32x1000000xf32, #tpu.memory_space<hbm>> -> memref<32x128xf32, #tpu.memory_space<hbm>>
      %dma_wait3A_1041 = arith.constant 224 : i32
      %dma_wait3A_1042 = arith.constant 0 : i32
      %dma_wait3A_1043 = tpu.memref_slice %arg12[%dma_wait3A_1041, %dma_wait3A_1042] : memref<256x128xf32, #tpu.memory_space<vmem>> -> memref<32x128xf32, #tpu.memory_space<vmem>>
      %dma_wait3A_1044 = arith.constant 0 : i32
      %dma_wait3A_1045 = arith.constant 0 : i32
      %dma_wait3A_1046 = tpu.memref_slice %arg4[%dma_wait3A_1044, %dma_wait3A_1045] : memref<32x1000000xf32, #tpu.memory_space<hbm>> -> memref<32x128xf32, #tpu.memory_space<hbm>>
      tpu.wait_dma2 semaphore(%arg27 : memref<!tpu.dma_semaphore, #tpu.memory_space<semaphore_mem>>) src(%dma_wait3A_1046 : memref<32x128xf32, #tpu.memory_space<hbm>>) dst(%dma_wait3A_1043 : memref<32x128xf32, #tpu.memory_space<vmem>>)
      %dma_wait3A_1047 = arith.constant 224 : i32
      %dma_wait3A_1048 = arith.constant 0 : i32
      %dma_wait3A_1049 = tpu.memref_slice %arg13[%dma_wait3A_1047, %dma_wait3A_1048] : memref<256x128xf32, #tpu.memory_space<vmem>> -> memref<32x128xf32, #tpu.memory_space<vmem>>
      %dma_wait3A_1050 = arith.constant 0 : i32
      %dma_wait3A_1051 = arith.constant 0 : i32
      %dma_wait3A_1052 = tpu.memref_slice %arg5[%dma_wait3A_1050, %dma_wait3A_1051] : memref<32x1000000xf32, #tpu.memory_space<hbm>> -> memref<32x128xf32, #tpu.memory_space<hbm>>
      %dma_wait3A_1053 = arith.constant 224 : i32
      %dma_wait3A_1054 = arith.constant 0 : i32
      %dma_wait3A_1055 = tpu.memref_slice %arg13[%dma_wait3A_1053, %dma_wait3A_1054] : memref<256x128xf32, #tpu.memory_space<vmem>> -> memref<32x128xf32, #tpu.memory_space<vmem>>
      %dma_wait3A_1056 = arith.constant 0 : i32
      %dma_wait3A_1057 = arith.constant 0 : i32
      %dma_wait3A_1058 = tpu.memref_slice %arg5[%dma_wait3A_1056, %dma_wait3A_1057] : memref<32x1000000xf32, #tpu.memory_space<hbm>> -> memref<32x128xf32, #tpu.memory_space<hbm>>
      tpu.wait_dma2 semaphore(%arg35 : memref<!tpu.dma_semaphore, #tpu.memory_space<semaphore_mem>>) src(%dma_wait3A_1058 : memref<32x128xf32, #tpu.memory_space<hbm>>) dst(%dma_wait3A_1055 : memref<32x128xf32, #tpu.memory_space<vmem>>)
      %broadcast_in_dim3A_1059 = arith.constant 0 : i32
      %broadcast_in_dim3A_1060 = vector.broadcast %broadcast_in_dim3A_1059 : i32 to vector<16xi32>
      %slice3A_1061 = vector.extract_strided_slice %and3A_301 {offsets = [7], sizes = [1], strides = [1]} : vector<16xi32> to vector<1xi32>
      %squeeze3A_1062 = vector.extract %slice3A_1061[0] : i32 from vector<1xi32>
      %add3A_1063 = vector.broadcast %squeeze3A_1062 : i32 to vector<16xi32>
      %add3A_1064 = arith.addi %broadcast_in_dim3A_1060, %add3A_1063 : vector<16xi32>
      %broadcast_in_dim3A_1065 = arith.constant 0 : i32
      %broadcast_in_dim3A_1066 = vector.broadcast %broadcast_in_dim3A_1065 : i32 to vector<16xi32>
      %slice3A_1067 = vector.extract_strided_slice %and3A_304 {offsets = [7], sizes = [1], strides = [1]} : vector<16xi32> to vector<1xi32>
      %squeeze3A_1068 = vector.extract %slice3A_1067[0] : i32 from vector<1xi32>
      %add3A_1069 = vector.broadcast %squeeze3A_1068 : i32 to vector<16xi32>
      %add3A_1070 = arith.addi %broadcast_in_dim3A_1066, %add3A_1069 : vector<16xi32>
      %add3A_1071 = arith.constant 224 : i32
      %add3A_1072 = vector.broadcast %add3A_1071 : i32 to vector<16xi32>
      %add3A_1073 = arith.addi %add3A_1072, %iota3A : vector<16xi32>
      %add3A_1074 = arith.constant 224 : i32
      %add3A_1075 = vector.broadcast %add3A_1074 : i32 to vector<16xi32>
      %add3A_1076 = arith.addi %add3A_1075, %add3A_8 : vector<16xi32>
      %mul3A_1077 = arith.constant 32 : i32
      %mul3A_1078 = arith.muli %add3A_1034, %mul3A_1077 : i32
      %shift_right_arithmetic3A_1079 = arith.constant 7 : i32
      %shift_right_arithmetic3A_1080 = arith.shrsi %mul3A_1078, %shift_right_arithmetic3A_1079 : i32
      %mul3A_1081 = arith.constant 32 : i32
      %mul3A_1082 = arith.muli %add3A_1034, %mul3A_1081 : i32
      %and3A_1083 = arith.constant 127 : i32
      %and3A_1084 = arith.andi %mul3A_1082, %and3A_1083 : i32
      %gather3A_1085 = tpu.vector_load_idx %arg12[%add3A_1073, %add3A_1064] : memref<256x128xf32, #tpu.memory_space<vmem>>[vector<16xi32>, vector<16xi32>], vector<16xf32>,
      %swap3A_1086 = arith.index_cast %shift_right_arithmetic3A_1080 : i32 to index
      %swap3A_1087 = arith.index_cast %and3A_1084 : i32 to index
      %swap3A_1088 = tpu.vector_load %arg14[%swap3A_1086, %swap3A_1087] {strides = array<i32>} : memref<128x128xf32, #tpu.memory_space<vmem>>, vector<16xf32>,
      tpu.vector_store %arg14[%swap3A_1086, %swap3A_1087], %gather3A_1085 {strides = array<i32>} : memref<128x128xf32, #tpu.memory_space<vmem>>, vector<16xf32>,
      %gather3A_1089 = tpu.vector_load_idx %arg12[%add3A_1076, %add3A_1064] : memref<256x128xf32, #tpu.memory_space<vmem>>[vector<16xi32>, vector<16xi32>], vector<16xf32>,
      %add3A_1090 = arith.constant 16 : i32
      %add3A_1091 = arith.addi %and3A_1084, %add3A_1090 : i32
      %swap3A_1092 = arith.index_cast %shift_right_arithmetic3A_1080 : i32 to index
      %swap3A_1093 = arith.index_cast %add3A_1091 : i32 to index
      %swap3A_1094 = tpu.vector_load %arg14[%swap3A_1092, %swap3A_1093] {strides = array<i32>} : memref<128x128xf32, #tpu.memory_space<vmem>>, vector<16xf32>,
      tpu.vector_store %arg14[%swap3A_1092, %swap3A_1093], %gather3A_1089 {strides = array<i32>} : memref<128x128xf32, #tpu.memory_space<vmem>>, vector<16xf32>,
      %gather3A_1095 = tpu.vector_load_idx %arg13[%add3A_1073, %add3A_1070] : memref<256x128xf32, #tpu.memory_space<vmem>>[vector<16xi32>, vector<16xi32>], vector<16xf32>,
      %swap3A_1096 = arith.index_cast %shift_right_arithmetic3A_1080 : i32 to index
      %swap3A_1097 = arith.index_cast %and3A_1084 : i32 to index
      %swap3A_1098 = tpu.vector_load %arg15[%swap3A_1096, %swap3A_1097] {strides = array<i32>} : memref<128x128xf32, #tpu.memory_space<vmem>>, vector<16xf32>,
      tpu.vector_store %arg15[%swap3A_1096, %swap3A_1097], %gather3A_1095 {strides = array<i32>} : memref<128x128xf32, #tpu.memory_space<vmem>>, vector<16xf32>,
      %gather3A_1099 = tpu.vector_load_idx %arg13[%add3A_1076, %add3A_1070] : memref<256x128xf32, #tpu.memory_space<vmem>>[vector<16xi32>, vector<16xi32>], vector<16xf32>,
      %add3A_1100 = arith.constant 16 : i32
      %add3A_1101 = arith.addi %and3A_1084, %add3A_1100 : i32
      %swap3A_1102 = arith.index_cast %shift_right_arithmetic3A_1080 : i32 to index
      %swap3A_1103 = arith.index_cast %add3A_1101 : i32 to index
      %swap3A_1104 = tpu.vector_load %arg15[%swap3A_1102, %swap3A_1103] {strides = array<i32>} : memref<128x128xf32, #tpu.memory_space<vmem>>, vector<16xf32>,
      tpu.vector_store %arg15[%swap3A_1102, %swap3A_1103], %gather3A_1099 {strides = array<i32>} : memref<128x128xf32, #tpu.memory_space<vmem>>, vector<16xf32>,
      %slice3A_1105 = vector.extract_strided_slice %shift_right_arithmetic3A_290 {offsets = [15], sizes = [1], strides = [1]} : vector<16xi32> to vector<1xi32>
      %squeeze3A_1106 = vector.extract %slice3A_1105[0] : i32 from vector<1xi32>
      %mul3A_1107 = arith.constant 128 : i32
      %mul3A_1108 = arith.muli %squeeze3A_1106, %mul3A_1107 : i32
      %multiple_of3A_1109 = tpu.assume_multiple %mul3A_1108, 128 : i32
      %dma_start3A_1110 = arith.constant 224 : i32
      %dma_start3A_1111 = arith.constant 0 : i32
      %dma_start3A_1112 = tpu.memref_slice %arg12[%dma_start3A_1110, %dma_start3A_1111] : memref<256x128xf32, #tpu.memory_space<vmem>> -> memref<32x128xf32, #tpu.memory_space<vmem>>
      %dma_start3A_1113 = arith.constant 0 : i32
      %dma_start3A_1114 = tpu.memref_slice %arg4[%dma_start3A_1113, %multiple_of3A_1109] : memref<32x1000000xf32, #tpu.memory_space<hbm>> -> memref<32x128xf32, #tpu.memory_space<hbm>>
      %dma_start3A_1115 = arith.constant 224 : i32
      %dma_start3A_1116 = arith.constant 0 : i32
      %dma_start3A_1117 = tpu.memref_slice %arg12[%dma_start3A_1115, %dma_start3A_1116] : memref<256x128xf32, #tpu.memory_space<vmem>> -> memref<32x128xf32, #tpu.memory_space<vmem>>
      %dma_start3A_1118 = arith.constant 0 : i32
      %dma_start3A_1119 = tpu.memref_slice %arg4[%dma_start3A_1118, %multiple_of3A_1109] : memref<32x1000000xf32, #tpu.memory_space<hbm>> -> memref<32x128xf32, #tpu.memory_space<hbm>>
      tpu.enqueue_dma source(%dma_start3A_1119 : memref<32x128xf32, #tpu.memory_space<hbm>>) target(%dma_start3A_1117 : memref<32x128xf32, #tpu.memory_space<vmem>>) target_semaphore(%arg27 : memref<!tpu.dma_semaphore, #tpu.memory_space<semaphore_mem>>)
      %slice3A_1120 = vector.extract_strided_slice %shift_right_arithmetic3A_293 {offsets = [15], sizes = [1], strides = [1]} : vector<16xi32> to vector<1xi32>
      %squeeze3A_1121 = vector.extract %slice3A_1120[0] : i32 from vector<1xi32>
      %mul3A_1122 = arith.constant 128 : i32
      %mul3A_1123 = arith.muli %squeeze3A_1121, %mul3A_1122 : i32
      %multiple_of3A_1124 = tpu.assume_multiple %mul3A_1123, 128 : i32
      %dma_start3A_1125 = arith.constant 224 : i32
      %dma_start3A_1126 = arith.constant 0 : i32
      %dma_start3A_1127 = tpu.memref_slice %arg13[%dma_start3A_1125, %dma_start3A_1126] : memref<256x128xf32, #tpu.memory_space<vmem>> -> memref<32x128xf32, #tpu.memory_space<vmem>>
      %dma_start3A_1128 = arith.constant 0 : i32
      %dma_start3A_1129 = tpu.memref_slice %arg5[%dma_start3A_1128, %multiple_of3A_1124] : memref<32x1000000xf32, #tpu.memory_space<hbm>> -> memref<32x128xf32, #tpu.memory_space<hbm>>
      %dma_start3A_1130 = arith.constant 224 : i32
      %dma_start3A_1131 = arith.constant 0 : i32
      %dma_start3A_1132 = tpu.memref_slice %arg13[%dma_start3A_1130, %dma_start3A_1131] : memref<256x128xf32, #tpu.memory_space<vmem>> -> memref<32x128xf32, #tpu.memory_space<vmem>>
      %dma_start3A_1133 = arith.constant 0 : i32
      %dma_start3A_1134 = tpu.memref_slice %arg5[%dma_start3A_1133, %multiple_of3A_1124] : memref<32x1000000xf32, #tpu.memory_space<hbm>> -> memref<32x128xf32, #tpu.memory_space<hbm>>
      tpu.enqueue_dma source(%dma_start3A_1134 : memref<32x128xf32, #tpu.memory_space<hbm>>) target(%dma_start3A_1132 : memref<32x128xf32, #tpu.memory_space<vmem>>) target_semaphore(%arg35 : memref<!tpu.dma_semaphore, #tpu.memory_space<semaphore_mem>>)
      %mul3A_1135 = arith.constant 16 : i32
      %mul3A_1136 = arith.muli %scan3A_270, %mul3A_1135 : i32
      %add3A_1137 = arith.constant 8 : i32
      %add3A_1138 = arith.addi %mul3A_1136, %add3A_1137 : i32
      %dma_wait3A_1139 = arith.constant 0 : i32
      %dma_wait3A_1140 = arith.constant 0 : i32
      %dma_wait3A_1141 = tpu.memref_slice %arg12[%dma_wait3A_1139, %dma_wait3A_1140] : memref<256x128xf32, #tpu.memory_space<vmem>> -> memref<32x128xf32, #tpu.memory_space<vmem>>
      %dma_wait3A_1142 = arith.constant 0 : i32
      %dma_wait3A_1143 = arith.constant 0 : i32
      %dma_wait3A_1144 = tpu.memref_slice %arg4[%dma_wait3A_1142, %dma_wait3A_1143] : memref<32x1000000xf32, #tpu.memory_space<hbm>> -> memref<32x128xf32, #tpu.memory_space<hbm>>
      %dma_wait3A_1145 = arith.constant 0 : i32
      %dma_wait3A_1146 = arith.constant 0 : i32
      %dma_wait3A_1147 = tpu.memref_slice %arg12[%dma_wait3A_1145, %dma_wait3A_1146] : memref<256x128xf32, #tpu.memory_space<vmem>> -> memref<32x128xf32, #tpu.memory_space<vmem>>
      %dma_wait3A_1148 = arith.constant 0 : i32
      %dma_wait3A_1149 = arith.constant 0 : i32
      %dma_wait3A_1150 = tpu.memref_slice %arg4[%dma_wait3A_1148, %dma_wait3A_1149] : memref<32x1000000xf32, #tpu.memory_space<hbm>> -> memref<32x128xf32, #tpu.memory_space<hbm>>
      tpu.wait_dma2 semaphore(%arg20 : memref<!tpu.dma_semaphore, #tpu.memory_space<semaphore_mem>>) src(%dma_wait3A_1150 : memref<32x128xf32, #tpu.memory_space<hbm>>) dst(%dma_wait3A_1147 : memref<32x128xf32, #tpu.memory_space<vmem>>)
      %dma_wait3A_1151 = arith.constant 0 : i32
      %dma_wait3A_1152 = arith.constant 0 : i32
      %dma_wait3A_1153 = tpu.memref_slice %arg13[%dma_wait3A_1151, %dma_wait3A_1152] : memref<256x128xf32, #tpu.memory_space<vmem>> -> memref<32x128xf32, #tpu.memory_space<vmem>>
      %dma_wait3A_1154 = arith.constant 0 : i32
      %dma_wait3A_1155 = arith.constant 0 : i32
      %dma_wait3A_1156 = tpu.memref_slice %arg5[%dma_wait3A_1154, %dma_wait3A_1155] : memref<32x1000000xf32, #tpu.memory_space<hbm>> -> memref<32x128xf32, #tpu.memory_space<hbm>>
      %dma_wait3A_1157 = arith.constant 0 : i32
      %dma_wait3A_1158 = arith.constant 0 : i32
      %dma_wait3A_1159 = tpu.memref_slice %arg13[%dma_wait3A_1157, %dma_wait3A_1158] : memref<256x128xf32, #tpu.memory_space<vmem>> -> memref<32x128xf32, #tpu.memory_space<vmem>>
      %dma_wait3A_1160 = arith.constant 0 : i32
      %dma_wait3A_1161 = arith.constant 0 : i32
      %dma_wait3A_1162 = tpu.memref_slice %arg5[%dma_wait3A_1160, %dma_wait3A_1161] : memref<32x1000000xf32, #tpu.memory_space<hbm>> -> memref<32x128xf32, #tpu.memory_space<hbm>>
      tpu.wait_dma2 semaphore(%arg28 : memref<!tpu.dma_semaphore, #tpu.memory_space<semaphore_mem>>) src(%dma_wait3A_1162 : memref<32x128xf32, #tpu.memory_space<hbm>>) dst(%dma_wait3A_1159 : memref<32x128xf32, #tpu.memory_space<vmem>>)
      %broadcast_in_dim3A_1163 = arith.constant 0 : i32
      %broadcast_in_dim3A_1164 = vector.broadcast %broadcast_in_dim3A_1163 : i32 to vector<16xi32>
      %slice3A_1165 = vector.extract_strided_slice %and3A_301 {offsets = [8], sizes = [1], strides = [1]} : vector<16xi32> to vector<1xi32>
      %squeeze3A_1166 = vector.extract %slice3A_1165[0] : i32 from vector<1xi32>
      %add3A_1167 = vector.broadcast %squeeze3A_1166 : i32 to vector<16xi32>
      %add3A_1168 = arith.addi %broadcast_in_dim3A_1164, %add3A_1167 : vector<16xi32>
      %broadcast_in_dim3A_1169 = arith.constant 0 : i32
      %broadcast_in_dim3A_1170 = vector.broadcast %broadcast_in_dim3A_1169 : i32 to vector<16xi32>
      %slice3A_1171 = vector.extract_strided_slice %and3A_304 {offsets = [8], sizes = [1], strides = [1]} : vector<16xi32> to vector<1xi32>
      %squeeze3A_1172 = vector.extract %slice3A_1171[0] : i32 from vector<1xi32>
      %add3A_1173 = vector.broadcast %squeeze3A_1172 : i32 to vector<16xi32>
      %add3A_1174 = arith.addi %broadcast_in_dim3A_1170, %add3A_1173 : vector<16xi32>
      %add3A_1175 = arith.constant 0 : i32
      %add3A_1176 = vector.broadcast %add3A_1175 : i32 to vector<16xi32>
      %add3A_1177 = arith.addi %add3A_1176, %iota3A : vector<16xi32>
      %add3A_1178 = arith.constant 0 : i32
      %add3A_1179 = vector.broadcast %add3A_1178 : i32 to vector<16xi32>
      %add3A_1180 = arith.addi %add3A_1179, %add3A_8 : vector<16xi32>
      %mul3A_1181 = arith.constant 32 : i32
      %mul3A_1182 = arith.muli %add3A_1138, %mul3A_1181 : i32
      %shift_right_arithmetic3A_1183 = arith.constant 7 : i32
      %shift_right_arithmetic3A_1184 = arith.shrsi %mul3A_1182, %shift_right_arithmetic3A_1183 : i32
      %mul3A_1185 = arith.constant 32 : i32
      %mul3A_1186 = arith.muli %add3A_1138, %mul3A_1185 : i32
      %and3A_1187 = arith.constant 127 : i32
      %and3A_1188 = arith.andi %mul3A_1186, %and3A_1187 : i32
      %gather3A_1189 = tpu.vector_load_idx %arg12[%add3A_1177, %add3A_1168] : memref<256x128xf32, #tpu.memory_space<vmem>>[vector<16xi32>, vector<16xi32>], vector<16xf32>,
      %swap3A_1190 = arith.index_cast %shift_right_arithmetic3A_1184 : i32 to index
      %swap3A_1191 = arith.index_cast %and3A_1188 : i32 to index
      %swap3A_1192 = tpu.vector_load %arg14[%swap3A_1190, %swap3A_1191] {strides = array<i32>} : memref<128x128xf32, #tpu.memory_space<vmem>>, vector<16xf32>,
      tpu.vector_store %arg14[%swap3A_1190, %swap3A_1191], %gather3A_1189 {strides = array<i32>} : memref<128x128xf32, #tpu.memory_space<vmem>>, vector<16xf32>,
      %gather3A_1193 = tpu.vector_load_idx %arg12[%add3A_1180, %add3A_1168] : memref<256x128xf32, #tpu.memory_space<vmem>>[vector<16xi32>, vector<16xi32>], vector<16xf32>,
      %add3A_1194 = arith.constant 16 : i32
      %add3A_1195 = arith.addi %and3A_1188, %add3A_1194 : i32
      %swap3A_1196 = arith.index_cast %shift_right_arithmetic3A_1184 : i32 to index
      %swap3A_1197 = arith.index_cast %add3A_1195 : i32 to index
      %swap3A_1198 = tpu.vector_load %arg14[%swap3A_1196, %swap3A_1197] {strides = array<i32>} : memref<128x128xf32, #tpu.memory_space<vmem>>, vector<16xf32>,
      tpu.vector_store %arg14[%swap3A_1196, %swap3A_1197], %gather3A_1193 {strides = array<i32>} : memref<128x128xf32, #tpu.memory_space<vmem>>, vector<16xf32>,
      %gather3A_1199 = tpu.vector_load_idx %arg13[%add3A_1177, %add3A_1174] : memref<256x128xf32, #tpu.memory_space<vmem>>[vector<16xi32>, vector<16xi32>], vector<16xf32>,
      %swap3A_1200 = arith.index_cast %shift_right_arithmetic3A_1184 : i32 to index
      %swap3A_1201 = arith.index_cast %and3A_1188 : i32 to index
      %swap3A_1202 = tpu.vector_load %arg15[%swap3A_1200, %swap3A_1201] {strides = array<i32>} : memref<128x128xf32, #tpu.memory_space<vmem>>, vector<16xf32>,
      tpu.vector_store %arg15[%swap3A_1200, %swap3A_1201], %gather3A_1199 {strides = array<i32>} : memref<128x128xf32, #tpu.memory_space<vmem>>, vector<16xf32>,
      %gather3A_1203 = tpu.vector_load_idx %arg13[%add3A_1180, %add3A_1174] : memref<256x128xf32, #tpu.memory_space<vmem>>[vector<16xi32>, vector<16xi32>], vector<16xf32>,
      %add3A_1204 = arith.constant 16 : i32
      %add3A_1205 = arith.addi %and3A_1188, %add3A_1204 : i32
      %swap3A_1206 = arith.index_cast %shift_right_arithmetic3A_1184 : i32 to index
      %swap3A_1207 = arith.index_cast %add3A_1205 : i32 to index
      %swap3A_1208 = tpu.vector_load %arg15[%swap3A_1206, %swap3A_1207] {strides = array<i32>} : memref<128x128xf32, #tpu.memory_space<vmem>>, vector<16xf32>,
      tpu.vector_store %arg15[%swap3A_1206, %swap3A_1207], %gather3A_1203 {strides = array<i32>} : memref<128x128xf32, #tpu.memory_space<vmem>>, vector<16xf32>,
      %convert_element_type3A = arith.extui %lt3A_305 : i1 to i32
      %cond3A = arith.constant 0 : i32
      %cond3A_1209 = arith.cmpi ne, %convert_element_type3A, %cond3A : i32
      scf.if %cond3A_1209 {
        %slice3A_1749 = vector.extract_strided_slice %shift_right_arithmetic3A_296 {offsets = [0], sizes = [1], strides = [1]} : vector<16xi32> to vector<1xi32>
        %squeeze3A_1750 = vector.extract %slice3A_1749[0] : i32 from vector<1xi32>
        %mul3A_1751 = arith.constant 128 : i32
        %mul3A_1752 = arith.muli %squeeze3A_1750, %mul3A_1751 : i32
        %multiple_of3A_1753 = tpu.assume_multiple %mul3A_1752, 128 : i32
        %dma_start3A_1754 = arith.constant 0 : i32
        %dma_start3A_1755 = arith.constant 0 : i32
        %dma_start3A_1756 = tpu.memref_slice %arg12[%dma_start3A_1754, %dma_start3A_1755] : memref<256x128xf32, #tpu.memory_space<vmem>> -> memref<32x128xf32, #tpu.memory_space<vmem>>
        %dma_start3A_1757 = arith.constant 0 : i32
        %dma_start3A_1758 = tpu.memref_slice %arg4[%dma_start3A_1757, %multiple_of3A_1753] : memref<32x1000000xf32, #tpu.memory_space<hbm>> -> memref<32x128xf32, #tpu.memory_space<hbm>>
        %dma_start3A_1759 = arith.constant 0 : i32
        %dma_start3A_1760 = arith.constant 0 : i32
        %dma_start3A_1761 = tpu.memref_slice %arg12[%dma_start3A_1759, %dma_start3A_1760] : memref<256x128xf32, #tpu.memory_space<vmem>> -> memref<32x128xf32, #tpu.memory_space<vmem>>
        %dma_start3A_1762 = arith.constant 0 : i32
        %dma_start3A_1763 = tpu.memref_slice %arg4[%dma_start3A_1762, %multiple_of3A_1753] : memref<32x1000000xf32, #tpu.memory_space<hbm>> -> memref<32x128xf32, #tpu.memory_space<hbm>>
        tpu.enqueue_dma source(%dma_start3A_1763 : memref<32x128xf32, #tpu.memory_space<hbm>>) target(%dma_start3A_1761 : memref<32x128xf32, #tpu.memory_space<vmem>>) target_semaphore(%arg20 : memref<!tpu.dma_semaphore, #tpu.memory_space<semaphore_mem>>)
        %slice3A_1764 = vector.extract_strided_slice %shift_right_arithmetic3A_299 {offsets = [0], sizes = [1], strides = [1]} : vector<16xi32> to vector<1xi32>
        %squeeze3A_1765 = vector.extract %slice3A_1764[0] : i32 from vector<1xi32>
        %mul3A_1766 = arith.constant 128 : i32
        %mul3A_1767 = arith.muli %squeeze3A_1765, %mul3A_1766 : i32
        %multiple_of3A_1768 = tpu.assume_multiple %mul3A_1767, 128 : i32
        %dma_start3A_1769 = arith.constant 0 : i32
        %dma_start3A_1770 = arith.constant 0 : i32
        %dma_start3A_1771 = tpu.memref_slice %arg13[%dma_start3A_1769, %dma_start3A_1770] : memref<256x128xf32, #tpu.memory_space<vmem>> -> memref<32x128xf32, #tpu.memory_space<vmem>>
        %dma_start3A_1772 = arith.constant 0 : i32
        %dma_start3A_1773 = tpu.memref_slice %arg5[%dma_start3A_1772, %multiple_of3A_1768] : memref<32x1000000xf32, #tpu.memory_space<hbm>> -> memref<32x128xf32, #tpu.memory_space<hbm>>
        %dma_start3A_1774 = arith.constant 0 : i32
        %dma_start3A_1775 = arith.constant 0 : i32
        %dma_start3A_1776 = tpu.memref_slice %arg13[%dma_start3A_1774, %dma_start3A_1775] : memref<256x128xf32, #tpu.memory_space<vmem>> -> memref<32x128xf32, #tpu.memory_space<vmem>>
        %dma_start3A_1777 = arith.constant 0 : i32
        %dma_start3A_1778 = tpu.memref_slice %arg5[%dma_start3A_1777, %multiple_of3A_1768] : memref<32x1000000xf32, #tpu.memory_space<hbm>> -> memref<32x128xf32, #tpu.memory_space<hbm>>
        tpu.enqueue_dma source(%dma_start3A_1778 : memref<32x128xf32, #tpu.memory_space<hbm>>) target(%dma_start3A_1776 : memref<32x128xf32, #tpu.memory_space<vmem>>) target_semaphore(%arg28 : memref<!tpu.dma_semaphore, #tpu.memory_space<semaphore_mem>>)
      } else {
      }
      %mul3A_1210 = arith.constant 16 : i32
      %mul3A_1211 = arith.muli %scan3A_270, %mul3A_1210 : i32
      %add3A_1212 = arith.constant 9 : i32
      %add3A_1213 = arith.addi %mul3A_1211, %add3A_1212 : i32
      %dma_wait3A_1214 = arith.constant 32 : i32
      %dma_wait3A_1215 = arith.constant 0 : i32
      %dma_wait3A_1216 = tpu.memref_slice %arg12[%dma_wait3A_1214, %dma_wait3A_1215] : memref<256x128xf32, #tpu.memory_space<vmem>> -> memref<32x128xf32, #tpu.memory_space<vmem>>
      %dma_wait3A_1217 = arith.constant 0 : i32
      %dma_wait3A_1218 = arith.constant 0 : i32
      %dma_wait3A_1219 = tpu.memref_slice %arg4[%dma_wait3A_1217, %dma_wait3A_1218] : memref<32x1000000xf32, #tpu.memory_space<hbm>> -> memref<32x128xf32, #tpu.memory_space<hbm>>
      %dma_wait3A_1220 = arith.constant 32 : i32
      %dma_wait3A_1221 = arith.constant 0 : i32
      %dma_wait3A_1222 = tpu.memref_slice %arg12[%dma_wait3A_1220, %dma_wait3A_1221] : memref<256x128xf32, #tpu.memory_space<vmem>> -> memref<32x128xf32, #tpu.memory_space<vmem>>
      %dma_wait3A_1223 = arith.constant 0 : i32
      %dma_wait3A_1224 = arith.constant 0 : i32
      %dma_wait3A_1225 = tpu.memref_slice %arg4[%dma_wait3A_1223, %dma_wait3A_1224] : memref<32x1000000xf32, #tpu.memory_space<hbm>> -> memref<32x128xf32, #tpu.memory_space<hbm>>
      tpu.wait_dma2 semaphore(%arg21 : memref<!tpu.dma_semaphore, #tpu.memory_space<semaphore_mem>>) src(%dma_wait3A_1225 : memref<32x128xf32, #tpu.memory_space<hbm>>) dst(%dma_wait3A_1222 : memref<32x128xf32, #tpu.memory_space<vmem>>)
      %dma_wait3A_1226 = arith.constant 32 : i32
      %dma_wait3A_1227 = arith.constant 0 : i32
      %dma_wait3A_1228 = tpu.memref_slice %arg13[%dma_wait3A_1226, %dma_wait3A_1227] : memref<256x128xf32, #tpu.memory_space<vmem>> -> memref<32x128xf32, #tpu.memory_space<vmem>>
      %dma_wait3A_1229 = arith.constant 0 : i32
      %dma_wait3A_1230 = arith.constant 0 : i32
      %dma_wait3A_1231 = tpu.memref_slice %arg5[%dma_wait3A_1229, %dma_wait3A_1230] : memref<32x1000000xf32, #tpu.memory_space<hbm>> -> memref<32x128xf32, #tpu.memory_space<hbm>>
      %dma_wait3A_1232 = arith.constant 32 : i32
      %dma_wait3A_1233 = arith.constant 0 : i32
      %dma_wait3A_1234 = tpu.memref_slice %arg13[%dma_wait3A_1232, %dma_wait3A_1233] : memref<256x128xf32, #tpu.memory_space<vmem>> -> memref<32x128xf32, #tpu.memory_space<vmem>>
      %dma_wait3A_1235 = arith.constant 0 : i32
      %dma_wait3A_1236 = arith.constant 0 : i32
      %dma_wait3A_1237 = tpu.memref_slice %arg5[%dma_wait3A_1235, %dma_wait3A_1236] : memref<32x1000000xf32, #tpu.memory_space<hbm>> -> memref<32x128xf32, #tpu.memory_space<hbm>>
      tpu.wait_dma2 semaphore(%arg29 : memref<!tpu.dma_semaphore, #tpu.memory_space<semaphore_mem>>) src(%dma_wait3A_1237 : memref<32x128xf32, #tpu.memory_space<hbm>>) dst(%dma_wait3A_1234 : memref<32x128xf32, #tpu.memory_space<vmem>>)
      %broadcast_in_dim3A_1238 = arith.constant 0 : i32
      %broadcast_in_dim3A_1239 = vector.broadcast %broadcast_in_dim3A_1238 : i32 to vector<16xi32>
      %slice3A_1240 = vector.extract_strided_slice %and3A_301 {offsets = [9], sizes = [1], strides = [1]} : vector<16xi32> to vector<1xi32>
      %squeeze3A_1241 = vector.extract %slice3A_1240[0] : i32 from vector<1xi32>
      %add3A_1242 = vector.broadcast %squeeze3A_1241 : i32 to vector<16xi32>
      %add3A_1243 = arith.addi %broadcast_in_dim3A_1239, %add3A_1242 : vector<16xi32>
      %broadcast_in_dim3A_1244 = arith.constant 0 : i32
      %broadcast_in_dim3A_1245 = vector.broadcast %broadcast_in_dim3A_1244 : i32 to vector<16xi32>
      %slice3A_1246 = vector.extract_strided_slice %and3A_304 {offsets = [9], sizes = [1], strides = [1]} : vector<16xi32> to vector<1xi32>
      %squeeze3A_1247 = vector.extract %slice3A_1246[0] : i32 from vector<1xi32>
      %add3A_1248 = vector.broadcast %squeeze3A_1247 : i32 to vector<16xi32>
      %add3A_1249 = arith.addi %broadcast_in_dim3A_1245, %add3A_1248 : vector<16xi32>
      %add3A_1250 = arith.constant 32 : i32
      %add3A_1251 = vector.broadcast %add3A_1250 : i32 to vector<16xi32>
      %add3A_1252 = arith.addi %add3A_1251, %iota3A : vector<16xi32>
      %add3A_1253 = arith.constant 32 : i32
      %add3A_1254 = vector.broadcast %add3A_1253 : i32 to vector<16xi32>
      %add3A_1255 = arith.addi %add3A_1254, %add3A_8 : vector<16xi32>
      %mul3A_1256 = arith.constant 32 : i32
      %mul3A_1257 = arith.muli %add3A_1213, %mul3A_1256 : i32
      %shift_right_arithmetic3A_1258 = arith.constant 7 : i32
      %shift_right_arithmetic3A_1259 = arith.shrsi %mul3A_1257, %shift_right_arithmetic3A_1258 : i32
      %mul3A_1260 = arith.constant 32 : i32
      %mul3A_1261 = arith.muli %add3A_1213, %mul3A_1260 : i32
      %and3A_1262 = arith.constant 127 : i32
      %and3A_1263 = arith.andi %mul3A_1261, %and3A_1262 : i32
      %gather3A_1264 = tpu.vector_load_idx %arg12[%add3A_1252, %add3A_1243] : memref<256x128xf32, #tpu.memory_space<vmem>>[vector<16xi32>, vector<16xi32>], vector<16xf32>,
      %swap3A_1265 = arith.index_cast %shift_right_arithmetic3A_1259 : i32 to index
      %swap3A_1266 = arith.index_cast %and3A_1263 : i32 to index
      %swap3A_1267 = tpu.vector_load %arg14[%swap3A_1265, %swap3A_1266] {strides = array<i32>} : memref<128x128xf32, #tpu.memory_space<vmem>>, vector<16xf32>,
      tpu.vector_store %arg14[%swap3A_1265, %swap3A_1266], %gather3A_1264 {strides = array<i32>} : memref<128x128xf32, #tpu.memory_space<vmem>>, vector<16xf32>,
      %gather3A_1268 = tpu.vector_load_idx %arg12[%add3A_1255, %add3A_1243] : memref<256x128xf32, #tpu.memory_space<vmem>>[vector<16xi32>, vector<16xi32>], vector<16xf32>,
      %add3A_1269 = arith.constant 16 : i32
      %add3A_1270 = arith.addi %and3A_1263, %add3A_1269 : i32
      %swap3A_1271 = arith.index_cast %shift_right_arithmetic3A_1259 : i32 to index
      %swap3A_1272 = arith.index_cast %add3A_1270 : i32 to index
      %swap3A_1273 = tpu.vector_load %arg14[%swap3A_1271, %swap3A_1272] {strides = array<i32>} : memref<128x128xf32, #tpu.memory_space<vmem>>, vector<16xf32>,
      tpu.vector_store %arg14[%swap3A_1271, %swap3A_1272], %gather3A_1268 {strides = array<i32>} : memref<128x128xf32, #tpu.memory_space<vmem>>, vector<16xf32>,
      %gather3A_1274 = tpu.vector_load_idx %arg13[%add3A_1252, %add3A_1249] : memref<256x128xf32, #tpu.memory_space<vmem>>[vector<16xi32>, vector<16xi32>], vector<16xf32>,
      %swap3A_1275 = arith.index_cast %shift_right_arithmetic3A_1259 : i32 to index
      %swap3A_1276 = arith.index_cast %and3A_1263 : i32 to index
      %swap3A_1277 = tpu.vector_load %arg15[%swap3A_1275, %swap3A_1276] {strides = array<i32>} : memref<128x128xf32, #tpu.memory_space<vmem>>, vector<16xf32>,
      tpu.vector_store %arg15[%swap3A_1275, %swap3A_1276], %gather3A_1274 {strides = array<i32>} : memref<128x128xf32, #tpu.memory_space<vmem>>, vector<16xf32>,
      %gather3A_1278 = tpu.vector_load_idx %arg13[%add3A_1255, %add3A_1249] : memref<256x128xf32, #tpu.memory_space<vmem>>[vector<16xi32>, vector<16xi32>], vector<16xf32>,
      %add3A_1279 = arith.constant 16 : i32
      %add3A_1280 = arith.addi %and3A_1263, %add3A_1279 : i32
      %swap3A_1281 = arith.index_cast %shift_right_arithmetic3A_1259 : i32 to index
      %swap3A_1282 = arith.index_cast %add3A_1280 : i32 to index
      %swap3A_1283 = tpu.vector_load %arg15[%swap3A_1281, %swap3A_1282] {strides = array<i32>} : memref<128x128xf32, #tpu.memory_space<vmem>>, vector<16xf32>,
      tpu.vector_store %arg15[%swap3A_1281, %swap3A_1282], %gather3A_1278 {strides = array<i32>} : memref<128x128xf32, #tpu.memory_space<vmem>>, vector<16xf32>,
      %convert_element_type3A_1284 = arith.extui %lt3A_305 : i1 to i32
      %cond3A_1285 = arith.constant 0 : i32
      %cond3A_1286 = arith.cmpi ne, %convert_element_type3A_1284, %cond3A_1285 : i32
      scf.if %cond3A_1286 {
        %slice3A_1749 = vector.extract_strided_slice %shift_right_arithmetic3A_296 {offsets = [1], sizes = [1], strides = [1]} : vector<16xi32> to vector<1xi32>
        %squeeze3A_1750 = vector.extract %slice3A_1749[0] : i32 from vector<1xi32>
        %mul3A_1751 = arith.constant 128 : i32
        %mul3A_1752 = arith.muli %squeeze3A_1750, %mul3A_1751 : i32
        %multiple_of3A_1753 = tpu.assume_multiple %mul3A_1752, 128 : i32
        %dma_start3A_1754 = arith.constant 32 : i32
        %dma_start3A_1755 = arith.constant 0 : i32
        %dma_start3A_1756 = tpu.memref_slice %arg12[%dma_start3A_1754, %dma_start3A_1755] : memref<256x128xf32, #tpu.memory_space<vmem>> -> memref<32x128xf32, #tpu.memory_space<vmem>>
        %dma_start3A_1757 = arith.constant 0 : i32
        %dma_start3A_1758 = tpu.memref_slice %arg4[%dma_start3A_1757, %multiple_of3A_1753] : memref<32x1000000xf32, #tpu.memory_space<hbm>> -> memref<32x128xf32, #tpu.memory_space<hbm>>
        %dma_start3A_1759 = arith.constant 32 : i32
        %dma_start3A_1760 = arith.constant 0 : i32
        %dma_start3A_1761 = tpu.memref_slice %arg12[%dma_start3A_1759, %dma_start3A_1760] : memref<256x128xf32, #tpu.memory_space<vmem>> -> memref<32x128xf32, #tpu.memory_space<vmem>>
        %dma_start3A_1762 = arith.constant 0 : i32
        %dma_start3A_1763 = tpu.memref_slice %arg4[%dma_start3A_1762, %multiple_of3A_1753] : memref<32x1000000xf32, #tpu.memory_space<hbm>> -> memref<32x128xf32, #tpu.memory_space<hbm>>
        tpu.enqueue_dma source(%dma_start3A_1763 : memref<32x128xf32, #tpu.memory_space<hbm>>) target(%dma_start3A_1761 : memref<32x128xf32, #tpu.memory_space<vmem>>) target_semaphore(%arg21 : memref<!tpu.dma_semaphore, #tpu.memory_space<semaphore_mem>>)
        %slice3A_1764 = vector.extract_strided_slice %shift_right_arithmetic3A_299 {offsets = [1], sizes = [1], strides = [1]} : vector<16xi32> to vector<1xi32>
        %squeeze3A_1765 = vector.extract %slice3A_1764[0] : i32 from vector<1xi32>
        %mul3A_1766 = arith.constant 128 : i32
        %mul3A_1767 = arith.muli %squeeze3A_1765, %mul3A_1766 : i32
        %multiple_of3A_1768 = tpu.assume_multiple %mul3A_1767, 128 : i32
        %dma_start3A_1769 = arith.constant 32 : i32
        %dma_start3A_1770 = arith.constant 0 : i32
        %dma_start3A_1771 = tpu.memref_slice %arg13[%dma_start3A_1769, %dma_start3A_1770] : memref<256x128xf32, #tpu.memory_space<vmem>> -> memref<32x128xf32, #tpu.memory_space<vmem>>
        %dma_start3A_1772 = arith.constant 0 : i32
        %dma_start3A_1773 = tpu.memref_slice %arg5[%dma_start3A_1772, %multiple_of3A_1768] : memref<32x1000000xf32, #tpu.memory_space<hbm>> -> memref<32x128xf32, #tpu.memory_space<hbm>>
        %dma_start3A_1774 = arith.constant 32 : i32
        %dma_start3A_1775 = arith.constant 0 : i32
        %dma_start3A_1776 = tpu.memref_slice %arg13[%dma_start3A_1774, %dma_start3A_1775] : memref<256x128xf32, #tpu.memory_space<vmem>> -> memref<32x128xf32, #tpu.memory_space<vmem>>
        %dma_start3A_1777 = arith.constant 0 : i32
        %dma_start3A_1778 = tpu.memref_slice %arg5[%dma_start3A_1777, %multiple_of3A_1768] : memref<32x1000000xf32, #tpu.memory_space<hbm>> -> memref<32x128xf32, #tpu.memory_space<hbm>>
        tpu.enqueue_dma source(%dma_start3A_1778 : memref<32x128xf32, #tpu.memory_space<hbm>>) target(%dma_start3A_1776 : memref<32x128xf32, #tpu.memory_space<vmem>>) target_semaphore(%arg29 : memref<!tpu.dma_semaphore, #tpu.memory_space<semaphore_mem>>)
      } else {
      }
      %mul3A_1287 = arith.constant 16 : i32
      %mul3A_1288 = arith.muli %scan3A_270, %mul3A_1287 : i32
      %add3A_1289 = arith.constant 10 : i32
      %add3A_1290 = arith.addi %mul3A_1288, %add3A_1289 : i32
      %dma_wait3A_1291 = arith.constant 64 : i32
      %dma_wait3A_1292 = arith.constant 0 : i32
      %dma_wait3A_1293 = tpu.memref_slice %arg12[%dma_wait3A_1291, %dma_wait3A_1292] : memref<256x128xf32, #tpu.memory_space<vmem>> -> memref<32x128xf32, #tpu.memory_space<vmem>>
      %dma_wait3A_1294 = arith.constant 0 : i32
      %dma_wait3A_1295 = arith.constant 0 : i32
      %dma_wait3A_1296 = tpu.memref_slice %arg4[%dma_wait3A_1294, %dma_wait3A_1295] : memref<32x1000000xf32, #tpu.memory_space<hbm>> -> memref<32x128xf32, #tpu.memory_space<hbm>>
      %dma_wait3A_1297 = arith.constant 64 : i32
      %dma_wait3A_1298 = arith.constant 0 : i32
      %dma_wait3A_1299 = tpu.memref_slice %arg12[%dma_wait3A_1297, %dma_wait3A_1298] : memref<256x128xf32, #tpu.memory_space<vmem>> -> memref<32x128xf32, #tpu.memory_space<vmem>>
      %dma_wait3A_1300 = arith.constant 0 : i32
      %dma_wait3A_1301 = arith.constant 0 : i32
      %dma_wait3A_1302 = tpu.memref_slice %arg4[%dma_wait3A_1300, %dma_wait3A_1301] : memref<32x1000000xf32, #tpu.memory_space<hbm>> -> memref<32x128xf32, #tpu.memory_space<hbm>>
      tpu.wait_dma2 semaphore(%arg22 : memref<!tpu.dma_semaphore, #tpu.memory_space<semaphore_mem>>) src(%dma_wait3A_1302 : memref<32x128xf32, #tpu.memory_space<hbm>>) dst(%dma_wait3A_1299 : memref<32x128xf32, #tpu.memory_space<vmem>>)
      %dma_wait3A_1303 = arith.constant 64 : i32
      %dma_wait3A_1304 = arith.constant 0 : i32
      %dma_wait3A_1305 = tpu.memref_slice %arg13[%dma_wait3A_1303, %dma_wait3A_1304] : memref<256x128xf32, #tpu.memory_space<vmem>> -> memref<32x128xf32, #tpu.memory_space<vmem>>
      %dma_wait3A_1306 = arith.constant 0 : i32
      %dma_wait3A_1307 = arith.constant 0 : i32
      %dma_wait3A_1308 = tpu.memref_slice %arg5[%dma_wait3A_1306, %dma_wait3A_1307] : memref<32x1000000xf32, #tpu.memory_space<hbm>> -> memref<32x128xf32, #tpu.memory_space<hbm>>
      %dma_wait3A_1309 = arith.constant 64 : i32
      %dma_wait3A_1310 = arith.constant 0 : i32
      %dma_wait3A_1311 = tpu.memref_slice %arg13[%dma_wait3A_1309, %dma_wait3A_1310] : memref<256x128xf32, #tpu.memory_space<vmem>> -> memref<32x128xf32, #tpu.memory_space<vmem>>
      %dma_wait3A_1312 = arith.constant 0 : i32
      %dma_wait3A_1313 = arith.constant 0 : i32
      %dma_wait3A_1314 = tpu.memref_slice %arg5[%dma_wait3A_1312, %dma_wait3A_1313] : memref<32x1000000xf32, #tpu.memory_space<hbm>> -> memref<32x128xf32, #tpu.memory_space<hbm>>
      tpu.wait_dma2 semaphore(%arg30 : memref<!tpu.dma_semaphore, #tpu.memory_space<semaphore_mem>>) src(%dma_wait3A_1314 : memref<32x128xf32, #tpu.memory_space<hbm>>) dst(%dma_wait3A_1311 : memref<32x128xf32, #tpu.memory_space<vmem>>)
      %broadcast_in_dim3A_1315 = arith.constant 0 : i32
      %broadcast_in_dim3A_1316 = vector.broadcast %broadcast_in_dim3A_1315 : i32 to vector<16xi32>
      %slice3A_1317 = vector.extract_strided_slice %and3A_301 {offsets = [10], sizes = [1], strides = [1]} : vector<16xi32> to vector<1xi32>
      %squeeze3A_1318 = vector.extract %slice3A_1317[0] : i32 from vector<1xi32>
      %add3A_1319 = vector.broadcast %squeeze3A_1318 : i32 to vector<16xi32>
      %add3A_1320 = arith.addi %broadcast_in_dim3A_1316, %add3A_1319 : vector<16xi32>
      %broadcast_in_dim3A_1321 = arith.constant 0 : i32
      %broadcast_in_dim3A_1322 = vector.broadcast %broadcast_in_dim3A_1321 : i32 to vector<16xi32>
      %slice3A_1323 = vector.extract_strided_slice %and3A_304 {offsets = [10], sizes = [1], strides = [1]} : vector<16xi32> to vector<1xi32>
      %squeeze3A_1324 = vector.extract %slice3A_1323[0] : i32 from vector<1xi32>
      %add3A_1325 = vector.broadcast %squeeze3A_1324 : i32 to vector<16xi32>
      %add3A_1326 = arith.addi %broadcast_in_dim3A_1322, %add3A_1325 : vector<16xi32>
      %add3A_1327 = arith.constant 64 : i32
      %add3A_1328 = vector.broadcast %add3A_1327 : i32 to vector<16xi32>
      %add3A_1329 = arith.addi %add3A_1328, %iota3A : vector<16xi32>
      %add3A_1330 = arith.constant 64 : i32
      %add3A_1331 = vector.broadcast %add3A_1330 : i32 to vector<16xi32>
      %add3A_1332 = arith.addi %add3A_1331, %add3A_8 : vector<16xi32>
      %mul3A_1333 = arith.constant 32 : i32
      %mul3A_1334 = arith.muli %add3A_1290, %mul3A_1333 : i32
      %shift_right_arithmetic3A_1335 = arith.constant 7 : i32
      %shift_right_arithmetic3A_1336 = arith.shrsi %mul3A_1334, %shift_right_arithmetic3A_1335 : i32
      %mul3A_1337 = arith.constant 32 : i32
      %mul3A_1338 = arith.muli %add3A_1290, %mul3A_1337 : i32
      %and3A_1339 = arith.constant 127 : i32
      %and3A_1340 = arith.andi %mul3A_1338, %and3A_1339 : i32
      %gather3A_1341 = tpu.vector_load_idx %arg12[%add3A_1329, %add3A_1320] : memref<256x128xf32, #tpu.memory_space<vmem>>[vector<16xi32>, vector<16xi32>], vector<16xf32>,
      %swap3A_1342 = arith.index_cast %shift_right_arithmetic3A_1336 : i32 to index
      %swap3A_1343 = arith.index_cast %and3A_1340 : i32 to index
      %swap3A_1344 = tpu.vector_load %arg14[%swap3A_1342, %swap3A_1343] {strides = array<i32>} : memref<128x128xf32, #tpu.memory_space<vmem>>, vector<16xf32>,
      tpu.vector_store %arg14[%swap3A_1342, %swap3A_1343], %gather3A_1341 {strides = array<i32>} : memref<128x128xf32, #tpu.memory_space<vmem>>, vector<16xf32>,
      %gather3A_1345 = tpu.vector_load_idx %arg12[%add3A_1332, %add3A_1320] : memref<256x128xf32, #tpu.memory_space<vmem>>[vector<16xi32>, vector<16xi32>], vector<16xf32>,
      %add3A_1346 = arith.constant 16 : i32
      %add3A_1347 = arith.addi %and3A_1340, %add3A_1346 : i32
      %swap3A_1348 = arith.index_cast %shift_right_arithmetic3A_1336 : i32 to index
      %swap3A_1349 = arith.index_cast %add3A_1347 : i32 to index
      %swap3A_1350 = tpu.vector_load %arg14[%swap3A_1348, %swap3A_1349] {strides = array<i32>} : memref<128x128xf32, #tpu.memory_space<vmem>>, vector<16xf32>,
      tpu.vector_store %arg14[%swap3A_1348, %swap3A_1349], %gather3A_1345 {strides = array<i32>} : memref<128x128xf32, #tpu.memory_space<vmem>>, vector<16xf32>,
      %gather3A_1351 = tpu.vector_load_idx %arg13[%add3A_1329, %add3A_1326] : memref<256x128xf32, #tpu.memory_space<vmem>>[vector<16xi32>, vector<16xi32>], vector<16xf32>,
      %swap3A_1352 = arith.index_cast %shift_right_arithmetic3A_1336 : i32 to index
      %swap3A_1353 = arith.index_cast %and3A_1340 : i32 to index
      %swap3A_1354 = tpu.vector_load %arg15[%swap3A_1352, %swap3A_1353] {strides = array<i32>} : memref<128x128xf32, #tpu.memory_space<vmem>>, vector<16xf32>,
      tpu.vector_store %arg15[%swap3A_1352, %swap3A_1353], %gather3A_1351 {strides = array<i32>} : memref<128x128xf32, #tpu.memory_space<vmem>>, vector<16xf32>,
      %gather3A_1355 = tpu.vector_load_idx %arg13[%add3A_1332, %add3A_1326] : memref<256x128xf32, #tpu.memory_space<vmem>>[vector<16xi32>, vector<16xi32>], vector<16xf32>,
      %add3A_1356 = arith.constant 16 : i32
      %add3A_1357 = arith.addi %and3A_1340, %add3A_1356 : i32
      %swap3A_1358 = arith.index_cast %shift_right_arithmetic3A_1336 : i32 to index
      %swap3A_1359 = arith.index_cast %add3A_1357 : i32 to index
      %swap3A_1360 = tpu.vector_load %arg15[%swap3A_1358, %swap3A_1359] {strides = array<i32>} : memref<128x128xf32, #tpu.memory_space<vmem>>, vector<16xf32>,
      tpu.vector_store %arg15[%swap3A_1358, %swap3A_1359], %gather3A_1355 {strides = array<i32>} : memref<128x128xf32, #tpu.memory_space<vmem>>, vector<16xf32>,
      %convert_element_type3A_1361 = arith.extui %lt3A_305 : i1 to i32
      %cond3A_1362 = arith.constant 0 : i32
      %cond3A_1363 = arith.cmpi ne, %convert_element_type3A_1361, %cond3A_1362 : i32
      scf.if %cond3A_1363 {
        %slice3A_1749 = vector.extract_strided_slice %shift_right_arithmetic3A_296 {offsets = [2], sizes = [1], strides = [1]} : vector<16xi32> to vector<1xi32>
        %squeeze3A_1750 = vector.extract %slice3A_1749[0] : i32 from vector<1xi32>
        %mul3A_1751 = arith.constant 128 : i32
        %mul3A_1752 = arith.muli %squeeze3A_1750, %mul3A_1751 : i32
        %multiple_of3A_1753 = tpu.assume_multiple %mul3A_1752, 128 : i32
        %dma_start3A_1754 = arith.constant 64 : i32
        %dma_start3A_1755 = arith.constant 0 : i32
        %dma_start3A_1756 = tpu.memref_slice %arg12[%dma_start3A_1754, %dma_start3A_1755] : memref<256x128xf32, #tpu.memory_space<vmem>> -> memref<32x128xf32, #tpu.memory_space<vmem>>
        %dma_start3A_1757 = arith.constant 0 : i32
        %dma_start3A_1758 = tpu.memref_slice %arg4[%dma_start3A_1757, %multiple_of3A_1753] : memref<32x1000000xf32, #tpu.memory_space<hbm>> -> memref<32x128xf32, #tpu.memory_space<hbm>>
        %dma_start3A_1759 = arith.constant 64 : i32
        %dma_start3A_1760 = arith.constant 0 : i32
        %dma_start3A_1761 = tpu.memref_slice %arg12[%dma_start3A_1759, %dma_start3A_1760] : memref<256x128xf32, #tpu.memory_space<vmem>> -> memref<32x128xf32, #tpu.memory_space<vmem>>
        %dma_start3A_1762 = arith.constant 0 : i32
        %dma_start3A_1763 = tpu.memref_slice %arg4[%dma_start3A_1762, %multiple_of3A_1753] : memref<32x1000000xf32, #tpu.memory_space<hbm>> -> memref<32x128xf32, #tpu.memory_space<hbm>>
        tpu.enqueue_dma source(%dma_start3A_1763 : memref<32x128xf32, #tpu.memory_space<hbm>>) target(%dma_start3A_1761 : memref<32x128xf32, #tpu.memory_space<vmem>>) target_semaphore(%arg22 : memref<!tpu.dma_semaphore, #tpu.memory_space<semaphore_mem>>)
        %slice3A_1764 = vector.extract_strided_slice %shift_right_arithmetic3A_299 {offsets = [2], sizes = [1], strides = [1]} : vector<16xi32> to vector<1xi32>
        %squeeze3A_1765 = vector.extract %slice3A_1764[0] : i32 from vector<1xi32>
        %mul3A_1766 = arith.constant 128 : i32
        %mul3A_1767 = arith.muli %squeeze3A_1765, %mul3A_1766 : i32
        %multiple_of3A_1768 = tpu.assume_multiple %mul3A_1767, 128 : i32
        %dma_start3A_1769 = arith.constant 64 : i32
        %dma_start3A_1770 = arith.constant 0 : i32
        %dma_start3A_1771 = tpu.memref_slice %arg13[%dma_start3A_1769, %dma_start3A_1770] : memref<256x128xf32, #tpu.memory_space<vmem>> -> memref<32x128xf32, #tpu.memory_space<vmem>>
        %dma_start3A_1772 = arith.constant 0 : i32
        %dma_start3A_1773 = tpu.memref_slice %arg5[%dma_start3A_1772, %multiple_of3A_1768] : memref<32x1000000xf32, #tpu.memory_space<hbm>> -> memref<32x128xf32, #tpu.memory_space<hbm>>
        %dma_start3A_1774 = arith.constant 64 : i32
        %dma_start3A_1775 = arith.constant 0 : i32
        %dma_start3A_1776 = tpu.memref_slice %arg13[%dma_start3A_1774, %dma_start3A_1775] : memref<256x128xf32, #tpu.memory_space<vmem>> -> memref<32x128xf32, #tpu.memory_space<vmem>>
        %dma_start3A_1777 = arith.constant 0 : i32
        %dma_start3A_1778 = tpu.memref_slice %arg5[%dma_start3A_1777, %multiple_of3A_1768] : memref<32x1000000xf32, #tpu.memory_space<hbm>> -> memref<32x128xf32, #tpu.memory_space<hbm>>
        tpu.enqueue_dma source(%dma_start3A_1778 : memref<32x128xf32, #tpu.memory_space<hbm>>) target(%dma_start3A_1776 : memref<32x128xf32, #tpu.memory_space<vmem>>) target_semaphore(%arg30 : memref<!tpu.dma_semaphore, #tpu.memory_space<semaphore_mem>>)
      } else {
      }
      %mul3A_1364 = arith.constant 16 : i32
      %mul3A_1365 = arith.muli %scan3A_270, %mul3A_1364 : i32
      %add3A_1366 = arith.constant 11 : i32
      %add3A_1367 = arith.addi %mul3A_1365, %add3A_1366 : i32
      %dma_wait3A_1368 = arith.constant 96 : i32
      %dma_wait3A_1369 = arith.constant 0 : i32
      %dma_wait3A_1370 = tpu.memref_slice %arg12[%dma_wait3A_1368, %dma_wait3A_1369] : memref<256x128xf32, #tpu.memory_space<vmem>> -> memref<32x128xf32, #tpu.memory_space<vmem>>
      %dma_wait3A_1371 = arith.constant 0 : i32
      %dma_wait3A_1372 = arith.constant 0 : i32
      %dma_wait3A_1373 = tpu.memref_slice %arg4[%dma_wait3A_1371, %dma_wait3A_1372] : memref<32x1000000xf32, #tpu.memory_space<hbm>> -> memref<32x128xf32, #tpu.memory_space<hbm>>
      %dma_wait3A_1374 = arith.constant 96 : i32
      %dma_wait3A_1375 = arith.constant 0 : i32
      %dma_wait3A_1376 = tpu.memref_slice %arg12[%dma_wait3A_1374, %dma_wait3A_1375] : memref<256x128xf32, #tpu.memory_space<vmem>> -> memref<32x128xf32, #tpu.memory_space<vmem>>
      %dma_wait3A_1377 = arith.constant 0 : i32
      %dma_wait3A_1378 = arith.constant 0 : i32
      %dma_wait3A_1379 = tpu.memref_slice %arg4[%dma_wait3A_1377, %dma_wait3A_1378] : memref<32x1000000xf32, #tpu.memory_space<hbm>> -> memref<32x128xf32, #tpu.memory_space<hbm>>
      tpu.wait_dma2 semaphore(%arg23 : memref<!tpu.dma_semaphore, #tpu.memory_space<semaphore_mem>>) src(%dma_wait3A_1379 : memref<32x128xf32, #tpu.memory_space<hbm>>) dst(%dma_wait3A_1376 : memref<32x128xf32, #tpu.memory_space<vmem>>)
      %dma_wait3A_1380 = arith.constant 96 : i32
      %dma_wait3A_1381 = arith.constant 0 : i32
      %dma_wait3A_1382 = tpu.memref_slice %arg13[%dma_wait3A_1380, %dma_wait3A_1381] : memref<256x128xf32, #tpu.memory_space<vmem>> -> memref<32x128xf32, #tpu.memory_space<vmem>>
      %dma_wait3A_1383 = arith.constant 0 : i32
      %dma_wait3A_1384 = arith.constant 0 : i32
      %dma_wait3A_1385 = tpu.memref_slice %arg5[%dma_wait3A_1383, %dma_wait3A_1384] : memref<32x1000000xf32, #tpu.memory_space<hbm>> -> memref<32x128xf32, #tpu.memory_space<hbm>>
      %dma_wait3A_1386 = arith.constant 96 : i32
      %dma_wait3A_1387 = arith.constant 0 : i32
      %dma_wait3A_1388 = tpu.memref_slice %arg13[%dma_wait3A_1386, %dma_wait3A_1387] : memref<256x128xf32, #tpu.memory_space<vmem>> -> memref<32x128xf32, #tpu.memory_space<vmem>>
      %dma_wait3A_1389 = arith.constant 0 : i32
      %dma_wait3A_1390 = arith.constant 0 : i32
      %dma_wait3A_1391 = tpu.memref_slice %arg5[%dma_wait3A_1389, %dma_wait3A_1390] : memref<32x1000000xf32, #tpu.memory_space<hbm>> -> memref<32x128xf32, #tpu.memory_space<hbm>>
      tpu.wait_dma2 semaphore(%arg31 : memref<!tpu.dma_semaphore, #tpu.memory_space<semaphore_mem>>) src(%dma_wait3A_1391 : memref<32x128xf32, #tpu.memory_space<hbm>>) dst(%dma_wait3A_1388 : memref<32x128xf32, #tpu.memory_space<vmem>>)
      %broadcast_in_dim3A_1392 = arith.constant 0 : i32
      %broadcast_in_dim3A_1393 = vector.broadcast %broadcast_in_dim3A_1392 : i32 to vector<16xi32>
      %slice3A_1394 = vector.extract_strided_slice %and3A_301 {offsets = [11], sizes = [1], strides = [1]} : vector<16xi32> to vector<1xi32>
      %squeeze3A_1395 = vector.extract %slice3A_1394[0] : i32 from vector<1xi32>
      %add3A_1396 = vector.broadcast %squeeze3A_1395 : i32 to vector<16xi32>
      %add3A_1397 = arith.addi %broadcast_in_dim3A_1393, %add3A_1396 : vector<16xi32>
      %broadcast_in_dim3A_1398 = arith.constant 0 : i32
      %broadcast_in_dim3A_1399 = vector.broadcast %broadcast_in_dim3A_1398 : i32 to vector<16xi32>
      %slice3A_1400 = vector.extract_strided_slice %and3A_304 {offsets = [11], sizes = [1], strides = [1]} : vector<16xi32> to vector<1xi32>
      %squeeze3A_1401 = vector.extract %slice3A_1400[0] : i32 from vector<1xi32>
      %add3A_1402 = vector.broadcast %squeeze3A_1401 : i32 to vector<16xi32>
      %add3A_1403 = arith.addi %broadcast_in_dim3A_1399, %add3A_1402 : vector<16xi32>
      %add3A_1404 = arith.constant 96 : i32
      %add3A_1405 = vector.broadcast %add3A_1404 : i32 to vector<16xi32>
      %add3A_1406 = arith.addi %add3A_1405, %iota3A : vector<16xi32>
      %add3A_1407 = arith.constant 96 : i32
      %add3A_1408 = vector.broadcast %add3A_1407 : i32 to vector<16xi32>
      %add3A_1409 = arith.addi %add3A_1408, %add3A_8 : vector<16xi32>
      %mul3A_1410 = arith.constant 32 : i32
      %mul3A_1411 = arith.muli %add3A_1367, %mul3A_1410 : i32
      %shift_right_arithmetic3A_1412 = arith.constant 7 : i32
      %shift_right_arithmetic3A_1413 = arith.shrsi %mul3A_1411, %shift_right_arithmetic3A_1412 : i32
      %mul3A_1414 = arith.constant 32 : i32
      %mul3A_1415 = arith.muli %add3A_1367, %mul3A_1414 : i32
      %and3A_1416 = arith.constant 127 : i32
      %and3A_1417 = arith.andi %mul3A_1415, %and3A_1416 : i32
      %gather3A_1418 = tpu.vector_load_idx %arg12[%add3A_1406, %add3A_1397] : memref<256x128xf32, #tpu.memory_space<vmem>>[vector<16xi32>, vector<16xi32>], vector<16xf32>,
      %swap3A_1419 = arith.index_cast %shift_right_arithmetic3A_1413 : i32 to index
      %swap3A_1420 = arith.index_cast %and3A_1417 : i32 to index
      %swap3A_1421 = tpu.vector_load %arg14[%swap3A_1419, %swap3A_1420] {strides = array<i32>} : memref<128x128xf32, #tpu.memory_space<vmem>>, vector<16xf32>,
      tpu.vector_store %arg14[%swap3A_1419, %swap3A_1420], %gather3A_1418 {strides = array<i32>} : memref<128x128xf32, #tpu.memory_space<vmem>>, vector<16xf32>,
      %gather3A_1422 = tpu.vector_load_idx %arg12[%add3A_1409, %add3A_1397] : memref<256x128xf32, #tpu.memory_space<vmem>>[vector<16xi32>, vector<16xi32>], vector<16xf32>,
      %add3A_1423 = arith.constant 16 : i32
      %add3A_1424 = arith.addi %and3A_1417, %add3A_1423 : i32
      %swap3A_1425 = arith.index_cast %shift_right_arithmetic3A_1413 : i32 to index
      %swap3A_1426 = arith.index_cast %add3A_1424 : i32 to index
      %swap3A_1427 = tpu.vector_load %arg14[%swap3A_1425, %swap3A_1426] {strides = array<i32>} : memref<128x128xf32, #tpu.memory_space<vmem>>, vector<16xf32>,
      tpu.vector_store %arg14[%swap3A_1425, %swap3A_1426], %gather3A_1422 {strides = array<i32>} : memref<128x128xf32, #tpu.memory_space<vmem>>, vector<16xf32>,
      %gather3A_1428 = tpu.vector_load_idx %arg13[%add3A_1406, %add3A_1403] : memref<256x128xf32, #tpu.memory_space<vmem>>[vector<16xi32>, vector<16xi32>], vector<16xf32>,
      %swap3A_1429 = arith.index_cast %shift_right_arithmetic3A_1413 : i32 to index
      %swap3A_1430 = arith.index_cast %and3A_1417 : i32 to index
      %swap3A_1431 = tpu.vector_load %arg15[%swap3A_1429, %swap3A_1430] {strides = array<i32>} : memref<128x128xf32, #tpu.memory_space<vmem>>, vector<16xf32>,
      tpu.vector_store %arg15[%swap3A_1429, %swap3A_1430], %gather3A_1428 {strides = array<i32>} : memref<128x128xf32, #tpu.memory_space<vmem>>, vector<16xf32>,
      %gather3A_1432 = tpu.vector_load_idx %arg13[%add3A_1409, %add3A_1403] : memref<256x128xf32, #tpu.memory_space<vmem>>[vector<16xi32>, vector<16xi32>], vector<16xf32>,
      %add3A_1433 = arith.constant 16 : i32
      %add3A_1434 = arith.addi %and3A_1417, %add3A_1433 : i32
      %swap3A_1435 = arith.index_cast %shift_right_arithmetic3A_1413 : i32 to index
      %swap3A_1436 = arith.index_cast %add3A_1434 : i32 to index
      %swap3A_1437 = tpu.vector_load %arg15[%swap3A_1435, %swap3A_1436] {strides = array<i32>} : memref<128x128xf32, #tpu.memory_space<vmem>>, vector<16xf32>,
      tpu.vector_store %arg15[%swap3A_1435, %swap3A_1436], %gather3A_1432 {strides = array<i32>} : memref<128x128xf32, #tpu.memory_space<vmem>>, vector<16xf32>,
      %convert_element_type3A_1438 = arith.extui %lt3A_305 : i1 to i32
      %cond3A_1439 = arith.constant 0 : i32
      %cond3A_1440 = arith.cmpi ne, %convert_element_type3A_1438, %cond3A_1439 : i32
      scf.if %cond3A_1440 {
        %slice3A_1749 = vector.extract_strided_slice %shift_right_arithmetic3A_296 {offsets = [3], sizes = [1], strides = [1]} : vector<16xi32> to vector<1xi32>
        %squeeze3A_1750 = vector.extract %slice3A_1749[0] : i32 from vector<1xi32>
        %mul3A_1751 = arith.constant 128 : i32
        %mul3A_1752 = arith.muli %squeeze3A_1750, %mul3A_1751 : i32
        %multiple_of3A_1753 = tpu.assume_multiple %mul3A_1752, 128 : i32
        %dma_start3A_1754 = arith.constant 96 : i32
        %dma_start3A_1755 = arith.constant 0 : i32
        %dma_start3A_1756 = tpu.memref_slice %arg12[%dma_start3A_1754, %dma_start3A_1755] : memref<256x128xf32, #tpu.memory_space<vmem>> -> memref<32x128xf32, #tpu.memory_space<vmem>>
        %dma_start3A_1757 = arith.constant 0 : i32
        %dma_start3A_1758 = tpu.memref_slice %arg4[%dma_start3A_1757, %multiple_of3A_1753] : memref<32x1000000xf32, #tpu.memory_space<hbm>> -> memref<32x128xf32, #tpu.memory_space<hbm>>
        %dma_start3A_1759 = arith.constant 96 : i32
        %dma_start3A_1760 = arith.constant 0 : i32
        %dma_start3A_1761 = tpu.memref_slice %arg12[%dma_start3A_1759, %dma_start3A_1760] : memref<256x128xf32, #tpu.memory_space<vmem>> -> memref<32x128xf32, #tpu.memory_space<vmem>>
        %dma_start3A_1762 = arith.constant 0 : i32
        %dma_start3A_1763 = tpu.memref_slice %arg4[%dma_start3A_1762, %multiple_of3A_1753] : memref<32x1000000xf32, #tpu.memory_space<hbm>> -> memref<32x128xf32, #tpu.memory_space<hbm>>
        tpu.enqueue_dma source(%dma_start3A_1763 : memref<32x128xf32, #tpu.memory_space<hbm>>) target(%dma_start3A_1761 : memref<32x128xf32, #tpu.memory_space<vmem>>) target_semaphore(%arg23 : memref<!tpu.dma_semaphore, #tpu.memory_space<semaphore_mem>>)
        %slice3A_1764 = vector.extract_strided_slice %shift_right_arithmetic3A_299 {offsets = [3], sizes = [1], strides = [1]} : vector<16xi32> to vector<1xi32>
        %squeeze3A_1765 = vector.extract %slice3A_1764[0] : i32 from vector<1xi32>
        %mul3A_1766 = arith.constant 128 : i32
        %mul3A_1767 = arith.muli %squeeze3A_1765, %mul3A_1766 : i32
        %multiple_of3A_1768 = tpu.assume_multiple %mul3A_1767, 128 : i32
        %dma_start3A_1769 = arith.constant 96 : i32
        %dma_start3A_1770 = arith.constant 0 : i32
        %dma_start3A_1771 = tpu.memref_slice %arg13[%dma_start3A_1769, %dma_start3A_1770] : memref<256x128xf32, #tpu.memory_space<vmem>> -> memref<32x128xf32, #tpu.memory_space<vmem>>
        %dma_start3A_1772 = arith.constant 0 : i32
        %dma_start3A_1773 = tpu.memref_slice %arg5[%dma_start3A_1772, %multiple_of3A_1768] : memref<32x1000000xf32, #tpu.memory_space<hbm>> -> memref<32x128xf32, #tpu.memory_space<hbm>>
        %dma_start3A_1774 = arith.constant 96 : i32
        %dma_start3A_1775 = arith.constant 0 : i32
        %dma_start3A_1776 = tpu.memref_slice %arg13[%dma_start3A_1774, %dma_start3A_1775] : memref<256x128xf32, #tpu.memory_space<vmem>> -> memref<32x128xf32, #tpu.memory_space<vmem>>
        %dma_start3A_1777 = arith.constant 0 : i32
        %dma_start3A_1778 = tpu.memref_slice %arg5[%dma_start3A_1777, %multiple_of3A_1768] : memref<32x1000000xf32, #tpu.memory_space<hbm>> -> memref<32x128xf32, #tpu.memory_space<hbm>>
        tpu.enqueue_dma source(%dma_start3A_1778 : memref<32x128xf32, #tpu.memory_space<hbm>>) target(%dma_start3A_1776 : memref<32x128xf32, #tpu.memory_space<vmem>>) target_semaphore(%arg31 : memref<!tpu.dma_semaphore, #tpu.memory_space<semaphore_mem>>)
      } else {
      }
      %mul3A_1441 = arith.constant 16 : i32
      %mul3A_1442 = arith.muli %scan3A_270, %mul3A_1441 : i32
      %add3A_1443 = arith.constant 12 : i32
      %add3A_1444 = arith.addi %mul3A_1442, %add3A_1443 : i32
      %dma_wait3A_1445 = arith.constant 128 : i32
      %dma_wait3A_1446 = arith.constant 0 : i32
      %dma_wait3A_1447 = tpu.memref_slice %arg12[%dma_wait3A_1445, %dma_wait3A_1446] : memref<256x128xf32, #tpu.memory_space<vmem>> -> memref<32x128xf32, #tpu.memory_space<vmem>>
      %dma_wait3A_1448 = arith.constant 0 : i32
      %dma_wait3A_1449 = arith.constant 0 : i32
      %dma_wait3A_1450 = tpu.memref_slice %arg4[%dma_wait3A_1448, %dma_wait3A_1449] : memref<32x1000000xf32, #tpu.memory_space<hbm>> -> memref<32x128xf32, #tpu.memory_space<hbm>>
      %dma_wait3A_1451 = arith.constant 128 : i32
      %dma_wait3A_1452 = arith.constant 0 : i32
      %dma_wait3A_1453 = tpu.memref_slice %arg12[%dma_wait3A_1451, %dma_wait3A_1452] : memref<256x128xf32, #tpu.memory_space<vmem>> -> memref<32x128xf32, #tpu.memory_space<vmem>>
      %dma_wait3A_1454 = arith.constant 0 : i32
      %dma_wait3A_1455 = arith.constant 0 : i32
      %dma_wait3A_1456 = tpu.memref_slice %arg4[%dma_wait3A_1454, %dma_wait3A_1455] : memref<32x1000000xf32, #tpu.memory_space<hbm>> -> memref<32x128xf32, #tpu.memory_space<hbm>>
      tpu.wait_dma2 semaphore(%arg24 : memref<!tpu.dma_semaphore, #tpu.memory_space<semaphore_mem>>) src(%dma_wait3A_1456 : memref<32x128xf32, #tpu.memory_space<hbm>>) dst(%dma_wait3A_1453 : memref<32x128xf32, #tpu.memory_space<vmem>>)
      %dma_wait3A_1457 = arith.constant 128 : i32
      %dma_wait3A_1458 = arith.constant 0 : i32
      %dma_wait3A_1459 = tpu.memref_slice %arg13[%dma_wait3A_1457, %dma_wait3A_1458] : memref<256x128xf32, #tpu.memory_space<vmem>> -> memref<32x128xf32, #tpu.memory_space<vmem>>
      %dma_wait3A_1460 = arith.constant 0 : i32
      %dma_wait3A_1461 = arith.constant 0 : i32
      %dma_wait3A_1462 = tpu.memref_slice %arg5[%dma_wait3A_1460, %dma_wait3A_1461] : memref<32x1000000xf32, #tpu.memory_space<hbm>> -> memref<32x128xf32, #tpu.memory_space<hbm>>
      %dma_wait3A_1463 = arith.constant 128 : i32
      %dma_wait3A_1464 = arith.constant 0 : i32
      %dma_wait3A_1465 = tpu.memref_slice %arg13[%dma_wait3A_1463, %dma_wait3A_1464] : memref<256x128xf32, #tpu.memory_space<vmem>> -> memref<32x128xf32, #tpu.memory_space<vmem>>
      %dma_wait3A_1466 = arith.constant 0 : i32
      %dma_wait3A_1467 = arith.constant 0 : i32
      %dma_wait3A_1468 = tpu.memref_slice %arg5[%dma_wait3A_1466, %dma_wait3A_1467] : memref<32x1000000xf32, #tpu.memory_space<hbm>> -> memref<32x128xf32, #tpu.memory_space<hbm>>
      tpu.wait_dma2 semaphore(%arg32 : memref<!tpu.dma_semaphore, #tpu.memory_space<semaphore_mem>>) src(%dma_wait3A_1468 : memref<32x128xf32, #tpu.memory_space<hbm>>) dst(%dma_wait3A_1465 : memref<32x128xf32, #tpu.memory_space<vmem>>)
      %broadcast_in_dim3A_1469 = arith.constant 0 : i32
      %broadcast_in_dim3A_1470 = vector.broadcast %broadcast_in_dim3A_1469 : i32 to vector<16xi32>
      %slice3A_1471 = vector.extract_strided_slice %and3A_301 {offsets = [12], sizes = [1], strides = [1]} : vector<16xi32> to vector<1xi32>
      %squeeze3A_1472 = vector.extract %slice3A_1471[0] : i32 from vector<1xi32>
      %add3A_1473 = vector.broadcast %squeeze3A_1472 : i32 to vector<16xi32>
      %add3A_1474 = arith.addi %broadcast_in_dim3A_1470, %add3A_1473 : vector<16xi32>
      %broadcast_in_dim3A_1475 = arith.constant 0 : i32
      %broadcast_in_dim3A_1476 = vector.broadcast %broadcast_in_dim3A_1475 : i32 to vector<16xi32>
      %slice3A_1477 = vector.extract_strided_slice %and3A_304 {offsets = [12], sizes = [1], strides = [1]} : vector<16xi32> to vector<1xi32>
      %squeeze3A_1478 = vector.extract %slice3A_1477[0] : i32 from vector<1xi32>
      %add3A_1479 = vector.broadcast %squeeze3A_1478 : i32 to vector<16xi32>
      %add3A_1480 = arith.addi %broadcast_in_dim3A_1476, %add3A_1479 : vector<16xi32>
      %add3A_1481 = arith.constant 128 : i32
      %add3A_1482 = vector.broadcast %add3A_1481 : i32 to vector<16xi32>
      %add3A_1483 = arith.addi %add3A_1482, %iota3A : vector<16xi32>
      %add3A_1484 = arith.constant 128 : i32
      %add3A_1485 = vector.broadcast %add3A_1484 : i32 to vector<16xi32>
      %add3A_1486 = arith.addi %add3A_1485, %add3A_8 : vector<16xi32>
      %mul3A_1487 = arith.constant 32 : i32
      %mul3A_1488 = arith.muli %add3A_1444, %mul3A_1487 : i32
      %shift_right_arithmetic3A_1489 = arith.constant 7 : i32
      %shift_right_arithmetic3A_1490 = arith.shrsi %mul3A_1488, %shift_right_arithmetic3A_1489 : i32
      %mul3A_1491 = arith.constant 32 : i32
      %mul3A_1492 = arith.muli %add3A_1444, %mul3A_1491 : i32
      %and3A_1493 = arith.constant 127 : i32
      %and3A_1494 = arith.andi %mul3A_1492, %and3A_1493 : i32
      %gather3A_1495 = tpu.vector_load_idx %arg12[%add3A_1483, %add3A_1474] : memref<256x128xf32, #tpu.memory_space<vmem>>[vector<16xi32>, vector<16xi32>], vector<16xf32>,
      %swap3A_1496 = arith.index_cast %shift_right_arithmetic3A_1490 : i32 to index
      %swap3A_1497 = arith.index_cast %and3A_1494 : i32 to index
      %swap3A_1498 = tpu.vector_load %arg14[%swap3A_1496, %swap3A_1497] {strides = array<i32>} : memref<128x128xf32, #tpu.memory_space<vmem>>, vector<16xf32>,
      tpu.vector_store %arg14[%swap3A_1496, %swap3A_1497], %gather3A_1495 {strides = array<i32>} : memref<128x128xf32, #tpu.memory_space<vmem>>, vector<16xf32>,
      %gather3A_1499 = tpu.vector_load_idx %arg12[%add3A_1486, %add3A_1474] : memref<256x128xf32, #tpu.memory_space<vmem>>[vector<16xi32>, vector<16xi32>], vector<16xf32>,
      %add3A_1500 = arith.constant 16 : i32
      %add3A_1501 = arith.addi %and3A_1494, %add3A_1500 : i32
      %swap3A_1502 = arith.index_cast %shift_right_arithmetic3A_1490 : i32 to index
      %swap3A_1503 = arith.index_cast %add3A_1501 : i32 to index
      %swap3A_1504 = tpu.vector_load %arg14[%swap3A_1502, %swap3A_1503] {strides = array<i32>} : memref<128x128xf32, #tpu.memory_space<vmem>>, vector<16xf32>,
      tpu.vector_store %arg14[%swap3A_1502, %swap3A_1503], %gather3A_1499 {strides = array<i32>} : memref<128x128xf32, #tpu.memory_space<vmem>>, vector<16xf32>,
      %gather3A_1505 = tpu.vector_load_idx %arg13[%add3A_1483, %add3A_1480] : memref<256x128xf32, #tpu.memory_space<vmem>>[vector<16xi32>, vector<16xi32>], vector<16xf32>,
      %swap3A_1506 = arith.index_cast %shift_right_arithmetic3A_1490 : i32 to index
      %swap3A_1507 = arith.index_cast %and3A_1494 : i32 to index
      %swap3A_1508 = tpu.vector_load %arg15[%swap3A_1506, %swap3A_1507] {strides = array<i32>} : memref<128x128xf32, #tpu.memory_space<vmem>>, vector<16xf32>,
      tpu.vector_store %arg15[%swap3A_1506, %swap3A_1507], %gather3A_1505 {strides = array<i32>} : memref<128x128xf32, #tpu.memory_space<vmem>>, vector<16xf32>,
      %gather3A_1509 = tpu.vector_load_idx %arg13[%add3A_1486, %add3A_1480] : memref<256x128xf32, #tpu.memory_space<vmem>>[vector<16xi32>, vector<16xi32>], vector<16xf32>,
      %add3A_1510 = arith.constant 16 : i32
      %add3A_1511 = arith.addi %and3A_1494, %add3A_1510 : i32
      %swap3A_1512 = arith.index_cast %shift_right_arithmetic3A_1490 : i32 to index
      %swap3A_1513 = arith.index_cast %add3A_1511 : i32 to index
      %swap3A_1514 = tpu.vector_load %arg15[%swap3A_1512, %swap3A_1513] {strides = array<i32>} : memref<128x128xf32, #tpu.memory_space<vmem>>, vector<16xf32>,
      tpu.vector_store %arg15[%swap3A_1512, %swap3A_1513], %gather3A_1509 {strides = array<i32>} : memref<128x128xf32, #tpu.memory_space<vmem>>, vector<16xf32>,
      %convert_element_type3A_1515 = arith.extui %lt3A_305 : i1 to i32
      %cond3A_1516 = arith.constant 0 : i32
      %cond3A_1517 = arith.cmpi ne, %convert_element_type3A_1515, %cond3A_1516 : i32
      scf.if %cond3A_1517 {
        %slice3A_1749 = vector.extract_strided_slice %shift_right_arithmetic3A_296 {offsets = [4], sizes = [1], strides = [1]} : vector<16xi32> to vector<1xi32>
        %squeeze3A_1750 = vector.extract %slice3A_1749[0] : i32 from vector<1xi32>
        %mul3A_1751 = arith.constant 128 : i32
        %mul3A_1752 = arith.muli %squeeze3A_1750, %mul3A_1751 : i32
        %multiple_of3A_1753 = tpu.assume_multiple %mul3A_1752, 128 : i32
        %dma_start3A_1754 = arith.constant 128 : i32
        %dma_start3A_1755 = arith.constant 0 : i32
        %dma_start3A_1756 = tpu.memref_slice %arg12[%dma_start3A_1754, %dma_start3A_1755] : memref<256x128xf32, #tpu.memory_space<vmem>> -> memref<32x128xf32, #tpu.memory_space<vmem>>
        %dma_start3A_1757 = arith.constant 0 : i32
        %dma_start3A_1758 = tpu.memref_slice %arg4[%dma_start3A_1757, %multiple_of3A_1753] : memref<32x1000000xf32, #tpu.memory_space<hbm>> -> memref<32x128xf32, #tpu.memory_space<hbm>>
        %dma_start3A_1759 = arith.constant 128 : i32
        %dma_start3A_1760 = arith.constant 0 : i32
        %dma_start3A_1761 = tpu.memref_slice %arg12[%dma_start3A_1759, %dma_start3A_1760] : memref<256x128xf32, #tpu.memory_space<vmem>> -> memref<32x128xf32, #tpu.memory_space<vmem>>
        %dma_start3A_1762 = arith.constant 0 : i32
        %dma_start3A_1763 = tpu.memref_slice %arg4[%dma_start3A_1762, %multiple_of3A_1753] : memref<32x1000000xf32, #tpu.memory_space<hbm>> -> memref<32x128xf32, #tpu.memory_space<hbm>>
        tpu.enqueue_dma source(%dma_start3A_1763 : memref<32x128xf32, #tpu.memory_space<hbm>>) target(%dma_start3A_1761 : memref<32x128xf32, #tpu.memory_space<vmem>>) target_semaphore(%arg24 : memref<!tpu.dma_semaphore, #tpu.memory_space<semaphore_mem>>)
        %slice3A_1764 = vector.extract_strided_slice %shift_right_arithmetic3A_299 {offsets = [4], sizes = [1], strides = [1]} : vector<16xi32> to vector<1xi32>
        %squeeze3A_1765 = vector.extract %slice3A_1764[0] : i32 from vector<1xi32>
        %mul3A_1766 = arith.constant 128 : i32
        %mul3A_1767 = arith.muli %squeeze3A_1765, %mul3A_1766 : i32
        %multiple_of3A_1768 = tpu.assume_multiple %mul3A_1767, 128 : i32
        %dma_start3A_1769 = arith.constant 128 : i32
        %dma_start3A_1770 = arith.constant 0 : i32
        %dma_start3A_1771 = tpu.memref_slice %arg13[%dma_start3A_1769, %dma_start3A_1770] : memref<256x128xf32, #tpu.memory_space<vmem>> -> memref<32x128xf32, #tpu.memory_space<vmem>>
        %dma_start3A_1772 = arith.constant 0 : i32
        %dma_start3A_1773 = tpu.memref_slice %arg5[%dma_start3A_1772, %multiple_of3A_1768] : memref<32x1000000xf32, #tpu.memory_space<hbm>> -> memref<32x128xf32, #tpu.memory_space<hbm>>
        %dma_start3A_1774 = arith.constant 128 : i32
        %dma_start3A_1775 = arith.constant 0 : i32
        %dma_start3A_1776 = tpu.memref_slice %arg13[%dma_start3A_1774, %dma_start3A_1775] : memref<256x128xf32, #tpu.memory_space<vmem>> -> memref<32x128xf32, #tpu.memory_space<vmem>>
        %dma_start3A_1777 = arith.constant 0 : i32
        %dma_start3A_1778 = tpu.memref_slice %arg5[%dma_start3A_1777, %multiple_of3A_1768] : memref<32x1000000xf32, #tpu.memory_space<hbm>> -> memref<32x128xf32, #tpu.memory_space<hbm>>
        tpu.enqueue_dma source(%dma_start3A_1778 : memref<32x128xf32, #tpu.memory_space<hbm>>) target(%dma_start3A_1776 : memref<32x128xf32, #tpu.memory_space<vmem>>) target_semaphore(%arg32 : memref<!tpu.dma_semaphore, #tpu.memory_space<semaphore_mem>>)
      } else {
      }
      %mul3A_1518 = arith.constant 16 : i32
      %mul3A_1519 = arith.muli %scan3A_270, %mul3A_1518 : i32
      %add3A_1520 = arith.constant 13 : i32
      %add3A_1521 = arith.addi %mul3A_1519, %add3A_1520 : i32
      %dma_wait3A_1522 = arith.constant 160 : i32
      %dma_wait3A_1523 = arith.constant 0 : i32
      %dma_wait3A_1524 = tpu.memref_slice %arg12[%dma_wait3A_1522, %dma_wait3A_1523] : memref<256x128xf32, #tpu.memory_space<vmem>> -> memref<32x128xf32, #tpu.memory_space<vmem>>
      %dma_wait3A_1525 = arith.constant 0 : i32
      %dma_wait3A_1526 = arith.constant 0 : i32
      %dma_wait3A_1527 = tpu.memref_slice %arg4[%dma_wait3A_1525, %dma_wait3A_1526] : memref<32x1000000xf32, #tpu.memory_space<hbm>> -> memref<32x128xf32, #tpu.memory_space<hbm>>
      %dma_wait3A_1528 = arith.constant 160 : i32
      %dma_wait3A_1529 = arith.constant 0 : i32
      %dma_wait3A_1530 = tpu.memref_slice %arg12[%dma_wait3A_1528, %dma_wait3A_1529] : memref<256x128xf32, #tpu.memory_space<vmem>> -> memref<32x128xf32, #tpu.memory_space<vmem>>
      %dma_wait3A_1531 = arith.constant 0 : i32
      %dma_wait3A_1532 = arith.constant 0 : i32
      %dma_wait3A_1533 = tpu.memref_slice %arg4[%dma_wait3A_1531, %dma_wait3A_1532] : memref<32x1000000xf32, #tpu.memory_space<hbm>> -> memref<32x128xf32, #tpu.memory_space<hbm>>
      tpu.wait_dma2 semaphore(%arg25 : memref<!tpu.dma_semaphore, #tpu.memory_space<semaphore_mem>>) src(%dma_wait3A_1533 : memref<32x128xf32, #tpu.memory_space<hbm>>) dst(%dma_wait3A_1530 : memref<32x128xf32, #tpu.memory_space<vmem>>)
      %dma_wait3A_1534 = arith.constant 160 : i32
      %dma_wait3A_1535 = arith.constant 0 : i32
      %dma_wait3A_1536 = tpu.memref_slice %arg13[%dma_wait3A_1534, %dma_wait3A_1535] : memref<256x128xf32, #tpu.memory_space<vmem>> -> memref<32x128xf32, #tpu.memory_space<vmem>>
      %dma_wait3A_1537 = arith.constant 0 : i32
      %dma_wait3A_1538 = arith.constant 0 : i32
      %dma_wait3A_1539 = tpu.memref_slice %arg5[%dma_wait3A_1537, %dma_wait3A_1538] : memref<32x1000000xf32, #tpu.memory_space<hbm>> -> memref<32x128xf32, #tpu.memory_space<hbm>>
      %dma_wait3A_1540 = arith.constant 160 : i32
      %dma_wait3A_1541 = arith.constant 0 : i32
      %dma_wait3A_1542 = tpu.memref_slice %arg13[%dma_wait3A_1540, %dma_wait3A_1541] : memref<256x128xf32, #tpu.memory_space<vmem>> -> memref<32x128xf32, #tpu.memory_space<vmem>>
      %dma_wait3A_1543 = arith.constant 0 : i32
      %dma_wait3A_1544 = arith.constant 0 : i32
      %dma_wait3A_1545 = tpu.memref_slice %arg5[%dma_wait3A_1543, %dma_wait3A_1544] : memref<32x1000000xf32, #tpu.memory_space<hbm>> -> memref<32x128xf32, #tpu.memory_space<hbm>>
      tpu.wait_dma2 semaphore(%arg33 : memref<!tpu.dma_semaphore, #tpu.memory_space<semaphore_mem>>) src(%dma_wait3A_1545 : memref<32x128xf32, #tpu.memory_space<hbm>>) dst(%dma_wait3A_1542 : memref<32x128xf32, #tpu.memory_space<vmem>>)
      %broadcast_in_dim3A_1546 = arith.constant 0 : i32
      %broadcast_in_dim3A_1547 = vector.broadcast %broadcast_in_dim3A_1546 : i32 to vector<16xi32>
      %slice3A_1548 = vector.extract_strided_slice %and3A_301 {offsets = [13], sizes = [1], strides = [1]} : vector<16xi32> to vector<1xi32>
      %squeeze3A_1549 = vector.extract %slice3A_1548[0] : i32 from vector<1xi32>
      %add3A_1550 = vector.broadcast %squeeze3A_1549 : i32 to vector<16xi32>
      %add3A_1551 = arith.addi %broadcast_in_dim3A_1547, %add3A_1550 : vector<16xi32>
      %broadcast_in_dim3A_1552 = arith.constant 0 : i32
      %broadcast_in_dim3A_1553 = vector.broadcast %broadcast_in_dim3A_1552 : i32 to vector<16xi32>
      %slice3A_1554 = vector.extract_strided_slice %and3A_304 {offsets = [13], sizes = [1], strides = [1]} : vector<16xi32> to vector<1xi32>
      %squeeze3A_1555 = vector.extract %slice3A_1554[0] : i32 from vector<1xi32>
      %add3A_1556 = vector.broadcast %squeeze3A_1555 : i32 to vector<16xi32>
      %add3A_1557 = arith.addi %broadcast_in_dim3A_1553, %add3A_1556 : vector<16xi32>
      %add3A_1558 = arith.constant 160 : i32
      %add3A_1559 = vector.broadcast %add3A_1558 : i32 to vector<16xi32>
      %add3A_1560 = arith.addi %add3A_1559, %iota3A : vector<16xi32>
      %add3A_1561 = arith.constant 160 : i32
      %add3A_1562 = vector.broadcast %add3A_1561 : i32 to vector<16xi32>
      %add3A_1563 = arith.addi %add3A_1562, %add3A_8 : vector<16xi32>
      %mul3A_1564 = arith.constant 32 : i32
      %mul3A_1565 = arith.muli %add3A_1521, %mul3A_1564 : i32
      %shift_right_arithmetic3A_1566 = arith.constant 7 : i32
      %shift_right_arithmetic3A_1567 = arith.shrsi %mul3A_1565, %shift_right_arithmetic3A_1566 : i32
      %mul3A_1568 = arith.constant 32 : i32
      %mul3A_1569 = arith.muli %add3A_1521, %mul3A_1568 : i32
      %and3A_1570 = arith.constant 127 : i32
      %and3A_1571 = arith.andi %mul3A_1569, %and3A_1570 : i32
      %gather3A_1572 = tpu.vector_load_idx %arg12[%add3A_1560, %add3A_1551] : memref<256x128xf32, #tpu.memory_space<vmem>>[vector<16xi32>, vector<16xi32>], vector<16xf32>,
      %swap3A_1573 = arith.index_cast %shift_right_arithmetic3A_1567 : i32 to index
      %swap3A_1574 = arith.index_cast %and3A_1571 : i32 to index
      %swap3A_1575 = tpu.vector_load %arg14[%swap3A_1573, %swap3A_1574] {strides = array<i32>} : memref<128x128xf32, #tpu.memory_space<vmem>>, vector<16xf32>,
      tpu.vector_store %arg14[%swap3A_1573, %swap3A_1574], %gather3A_1572 {strides = array<i32>} : memref<128x128xf32, #tpu.memory_space<vmem>>, vector<16xf32>,
      %gather3A_1576 = tpu.vector_load_idx %arg12[%add3A_1563, %add3A_1551] : memref<256x128xf32, #tpu.memory_space<vmem>>[vector<16xi32>, vector<16xi32>], vector<16xf32>,
      %add3A_1577 = arith.constant 16 : i32
      %add3A_1578 = arith.addi %and3A_1571, %add3A_1577 : i32
      %swap3A_1579 = arith.index_cast %shift_right_arithmetic3A_1567 : i32 to index
      %swap3A_1580 = arith.index_cast %add3A_1578 : i32 to index
      %swap3A_1581 = tpu.vector_load %arg14[%swap3A_1579, %swap3A_1580] {strides = array<i32>} : memref<128x128xf32, #tpu.memory_space<vmem>>, vector<16xf32>,
      tpu.vector_store %arg14[%swap3A_1579, %swap3A_1580], %gather3A_1576 {strides = array<i32>} : memref<128x128xf32, #tpu.memory_space<vmem>>, vector<16xf32>,
      %gather3A_1582 = tpu.vector_load_idx %arg13[%add3A_1560, %add3A_1557] : memref<256x128xf32, #tpu.memory_space<vmem>>[vector<16xi32>, vector<16xi32>], vector<16xf32>,
      %swap3A_1583 = arith.index_cast %shift_right_arithmetic3A_1567 : i32 to index
      %swap3A_1584 = arith.index_cast %and3A_1571 : i32 to index
      %swap3A_1585 = tpu.vector_load %arg15[%swap3A_1583, %swap3A_1584] {strides = array<i32>} : memref<128x128xf32, #tpu.memory_space<vmem>>, vector<16xf32>,
      tpu.vector_store %arg15[%swap3A_1583, %swap3A_1584], %gather3A_1582 {strides = array<i32>} : memref<128x128xf32, #tpu.memory_space<vmem>>, vector<16xf32>,
      %gather3A_1586 = tpu.vector_load_idx %arg13[%add3A_1563, %add3A_1557] : memref<256x128xf32, #tpu.memory_space<vmem>>[vector<16xi32>, vector<16xi32>], vector<16xf32>,
      %add3A_1587 = arith.constant 16 : i32
      %add3A_1588 = arith.addi %and3A_1571, %add3A_1587 : i32
      %swap3A_1589 = arith.index_cast %shift_right_arithmetic3A_1567 : i32 to index
      %swap3A_1590 = arith.index_cast %add3A_1588 : i32 to index
      %swap3A_1591 = tpu.vector_load %arg15[%swap3A_1589, %swap3A_1590] {strides = array<i32>} : memref<128x128xf32, #tpu.memory_space<vmem>>, vector<16xf32>,
      tpu.vector_store %arg15[%swap3A_1589, %swap3A_1590], %gather3A_1586 {strides = array<i32>} : memref<128x128xf32, #tpu.memory_space<vmem>>, vector<16xf32>,
      %convert_element_type3A_1592 = arith.extui %lt3A_305 : i1 to i32
      %cond3A_1593 = arith.constant 0 : i32
      %cond3A_1594 = arith.cmpi ne, %convert_element_type3A_1592, %cond3A_1593 : i32
      scf.if %cond3A_1594 {
        %slice3A_1749 = vector.extract_strided_slice %shift_right_arithmetic3A_296 {offsets = [5], sizes = [1], strides = [1]} : vector<16xi32> to vector<1xi32>
        %squeeze3A_1750 = vector.extract %slice3A_1749[0] : i32 from vector<1xi32>
        %mul3A_1751 = arith.constant 128 : i32
        %mul3A_1752 = arith.muli %squeeze3A_1750, %mul3A_1751 : i32
        %multiple_of3A_1753 = tpu.assume_multiple %mul3A_1752, 128 : i32
        %dma_start3A_1754 = arith.constant 160 : i32
        %dma_start3A_1755 = arith.constant 0 : i32
        %dma_start3A_1756 = tpu.memref_slice %arg12[%dma_start3A_1754, %dma_start3A_1755] : memref<256x128xf32, #tpu.memory_space<vmem>> -> memref<32x128xf32, #tpu.memory_space<vmem>>
        %dma_start3A_1757 = arith.constant 0 : i32
        %dma_start3A_1758 = tpu.memref_slice %arg4[%dma_start3A_1757, %multiple_of3A_1753] : memref<32x1000000xf32, #tpu.memory_space<hbm>> -> memref<32x128xf32, #tpu.memory_space<hbm>>
        %dma_start3A_1759 = arith.constant 160 : i32
        %dma_start3A_1760 = arith.constant 0 : i32
        %dma_start3A_1761 = tpu.memref_slice %arg12[%dma_start3A_1759, %dma_start3A_1760] : memref<256x128xf32, #tpu.memory_space<vmem>> -> memref<32x128xf32, #tpu.memory_space<vmem>>
        %dma_start3A_1762 = arith.constant 0 : i32
        %dma_start3A_1763 = tpu.memref_slice %arg4[%dma_start3A_1762, %multiple_of3A_1753] : memref<32x1000000xf32, #tpu.memory_space<hbm>> -> memref<32x128xf32, #tpu.memory_space<hbm>>
        tpu.enqueue_dma source(%dma_start3A_1763 : memref<32x128xf32, #tpu.memory_space<hbm>>) target(%dma_start3A_1761 : memref<32x128xf32, #tpu.memory_space<vmem>>) target_semaphore(%arg25 : memref<!tpu.dma_semaphore, #tpu.memory_space<semaphore_mem>>)
        %slice3A_1764 = vector.extract_strided_slice %shift_right_arithmetic3A_299 {offsets = [5], sizes = [1], strides = [1]} : vector<16xi32> to vector<1xi32>
        %squeeze3A_1765 = vector.extract %slice3A_1764[0] : i32 from vector<1xi32>
        %mul3A_1766 = arith.constant 128 : i32
        %mul3A_1767 = arith.muli %squeeze3A_1765, %mul3A_1766 : i32
        %multiple_of3A_1768 = tpu.assume_multiple %mul3A_1767, 128 : i32
        %dma_start3A_1769 = arith.constant 160 : i32
        %dma_start3A_1770 = arith.constant 0 : i32
        %dma_start3A_1771 = tpu.memref_slice %arg13[%dma_start3A_1769, %dma_start3A_1770] : memref<256x128xf32, #tpu.memory_space<vmem>> -> memref<32x128xf32, #tpu.memory_space<vmem>>
        %dma_start3A_1772 = arith.constant 0 : i32
        %dma_start3A_1773 = tpu.memref_slice %arg5[%dma_start3A_1772, %multiple_of3A_1768] : memref<32x1000000xf32, #tpu.memory_space<hbm>> -> memref<32x128xf32, #tpu.memory_space<hbm>>
        %dma_start3A_1774 = arith.constant 160 : i32
        %dma_start3A_1775 = arith.constant 0 : i32
        %dma_start3A_1776 = tpu.memref_slice %arg13[%dma_start3A_1774, %dma_start3A_1775] : memref<256x128xf32, #tpu.memory_space<vmem>> -> memref<32x128xf32, #tpu.memory_space<vmem>>
        %dma_start3A_1777 = arith.constant 0 : i32
        %dma_start3A_1778 = tpu.memref_slice %arg5[%dma_start3A_1777, %multiple_of3A_1768] : memref<32x1000000xf32, #tpu.memory_space<hbm>> -> memref<32x128xf32, #tpu.memory_space<hbm>>
        tpu.enqueue_dma source(%dma_start3A_1778 : memref<32x128xf32, #tpu.memory_space<hbm>>) target(%dma_start3A_1776 : memref<32x128xf32, #tpu.memory_space<vmem>>) target_semaphore(%arg33 : memref<!tpu.dma_semaphore, #tpu.memory_space<semaphore_mem>>)
      } else {
      }
      %mul3A_1595 = arith.constant 16 : i32
      %mul3A_1596 = arith.muli %scan3A_270, %mul3A_1595 : i32
      %add3A_1597 = arith.constant 14 : i32
      %add3A_1598 = arith.addi %mul3A_1596, %add3A_1597 : i32
      %dma_wait3A_1599 = arith.constant 192 : i32
      %dma_wait3A_1600 = arith.constant 0 : i32
      %dma_wait3A_1601 = tpu.memref_slice %arg12[%dma_wait3A_1599, %dma_wait3A_1600] : memref<256x128xf32, #tpu.memory_space<vmem>> -> memref<32x128xf32, #tpu.memory_space<vmem>>
      %dma_wait3A_1602 = arith.constant 0 : i32
      %dma_wait3A_1603 = arith.constant 0 : i32
      %dma_wait3A_1604 = tpu.memref_slice %arg4[%dma_wait3A_1602, %dma_wait3A_1603] : memref<32x1000000xf32, #tpu.memory_space<hbm>> -> memref<32x128xf32, #tpu.memory_space<hbm>>
      %dma_wait3A_1605 = arith.constant 192 : i32
      %dma_wait3A_1606 = arith.constant 0 : i32
      %dma_wait3A_1607 = tpu.memref_slice %arg12[%dma_wait3A_1605, %dma_wait3A_1606] : memref<256x128xf32, #tpu.memory_space<vmem>> -> memref<32x128xf32, #tpu.memory_space<vmem>>
      %dma_wait3A_1608 = arith.constant 0 : i32
      %dma_wait3A_1609 = arith.constant 0 : i32
      %dma_wait3A_1610 = tpu.memref_slice %arg4[%dma_wait3A_1608, %dma_wait3A_1609] : memref<32x1000000xf32, #tpu.memory_space<hbm>> -> memref<32x128xf32, #tpu.memory_space<hbm>>
      tpu.wait_dma2 semaphore(%arg26 : memref<!tpu.dma_semaphore, #tpu.memory_space<semaphore_mem>>) src(%dma_wait3A_1610 : memref<32x128xf32, #tpu.memory_space<hbm>>) dst(%dma_wait3A_1607 : memref<32x128xf32, #tpu.memory_space<vmem>>)
      %dma_wait3A_1611 = arith.constant 192 : i32
      %dma_wait3A_1612 = arith.constant 0 : i32
      %dma_wait3A_1613 = tpu.memref_slice %arg13[%dma_wait3A_1611, %dma_wait3A_1612] : memref<256x128xf32, #tpu.memory_space<vmem>> -> memref<32x128xf32, #tpu.memory_space<vmem>>
      %dma_wait3A_1614 = arith.constant 0 : i32
      %dma_wait3A_1615 = arith.constant 0 : i32
      %dma_wait3A_1616 = tpu.memref_slice %arg5[%dma_wait3A_1614, %dma_wait3A_1615] : memref<32x1000000xf32, #tpu.memory_space<hbm>> -> memref<32x128xf32, #tpu.memory_space<hbm>>
      %dma_wait3A_1617 = arith.constant 192 : i32
      %dma_wait3A_1618 = arith.constant 0 : i32
      %dma_wait3A_1619 = tpu.memref_slice %arg13[%dma_wait3A_1617, %dma_wait3A_1618] : memref<256x128xf32, #tpu.memory_space<vmem>> -> memref<32x128xf32, #tpu.memory_space<vmem>>
      %dma_wait3A_1620 = arith.constant 0 : i32
      %dma_wait3A_1621 = arith.constant 0 : i32
      %dma_wait3A_1622 = tpu.memref_slice %arg5[%dma_wait3A_1620, %dma_wait3A_1621] : memref<32x1000000xf32, #tpu.memory_space<hbm>> -> memref<32x128xf32, #tpu.memory_space<hbm>>
      tpu.wait_dma2 semaphore(%arg34 : memref<!tpu.dma_semaphore, #tpu.memory_space<semaphore_mem>>) src(%dma_wait3A_1622 : memref<32x128xf32, #tpu.memory_space<hbm>>) dst(%dma_wait3A_1619 : memref<32x128xf32, #tpu.memory_space<vmem>>)
      %broadcast_in_dim3A_1623 = arith.constant 0 : i32
      %broadcast_in_dim3A_1624 = vector.broadcast %broadcast_in_dim3A_1623 : i32 to vector<16xi32>
      %slice3A_1625 = vector.extract_strided_slice %and3A_301 {offsets = [14], sizes = [1], strides = [1]} : vector<16xi32> to vector<1xi32>
      %squeeze3A_1626 = vector.extract %slice3A_1625[0] : i32 from vector<1xi32>
      %add3A_1627 = vector.broadcast %squeeze3A_1626 : i32 to vector<16xi32>
      %add3A_1628 = arith.addi %broadcast_in_dim3A_1624, %add3A_1627 : vector<16xi32>
      %broadcast_in_dim3A_1629 = arith.constant 0 : i32
      %broadcast_in_dim3A_1630 = vector.broadcast %broadcast_in_dim3A_1629 : i32 to vector<16xi32>
      %slice3A_1631 = vector.extract_strided_slice %and3A_304 {offsets = [14], sizes = [1], strides = [1]} : vector<16xi32> to vector<1xi32>
      %squeeze3A_1632 = vector.extract %slice3A_1631[0] : i32 from vector<1xi32>
      %add3A_1633 = vector.broadcast %squeeze3A_1632 : i32 to vector<16xi32>
      %add3A_1634 = arith.addi %broadcast_in_dim3A_1630, %add3A_1633 : vector<16xi32>
      %add3A_1635 = arith.constant 192 : i32
      %add3A_1636 = vector.broadcast %add3A_1635 : i32 to vector<16xi32>
      %add3A_1637 = arith.addi %add3A_1636, %iota3A : vector<16xi32>
      %add3A_1638 = arith.constant 192 : i32
      %add3A_1639 = vector.broadcast %add3A_1638 : i32 to vector<16xi32>
      %add3A_1640 = arith.addi %add3A_1639, %add3A_8 : vector<16xi32>
      %mul3A_1641 = arith.constant 32 : i32
      %mul3A_1642 = arith.muli %add3A_1598, %mul3A_1641 : i32
      %shift_right_arithmetic3A_1643 = arith.constant 7 : i32
      %shift_right_arithmetic3A_1644 = arith.shrsi %mul3A_1642, %shift_right_arithmetic3A_1643 : i32
      %mul3A_1645 = arith.constant 32 : i32
      %mul3A_1646 = arith.muli %add3A_1598, %mul3A_1645 : i32
      %and3A_1647 = arith.constant 127 : i32
      %and3A_1648 = arith.andi %mul3A_1646, %and3A_1647 : i32
      %gather3A_1649 = tpu.vector_load_idx %arg12[%add3A_1637, %add3A_1628] : memref<256x128xf32, #tpu.memory_space<vmem>>[vector<16xi32>, vector<16xi32>], vector<16xf32>,
      %swap3A_1650 = arith.index_cast %shift_right_arithmetic3A_1644 : i32 to index
      %swap3A_1651 = arith.index_cast %and3A_1648 : i32 to index
      %swap3A_1652 = tpu.vector_load %arg14[%swap3A_1650, %swap3A_1651] {strides = array<i32>} : memref<128x128xf32, #tpu.memory_space<vmem>>, vector<16xf32>,
      tpu.vector_store %arg14[%swap3A_1650, %swap3A_1651], %gather3A_1649 {strides = array<i32>} : memref<128x128xf32, #tpu.memory_space<vmem>>, vector<16xf32>,
      %gather3A_1653 = tpu.vector_load_idx %arg12[%add3A_1640, %add3A_1628] : memref<256x128xf32, #tpu.memory_space<vmem>>[vector<16xi32>, vector<16xi32>], vector<16xf32>,
      %add3A_1654 = arith.constant 16 : i32
      %add3A_1655 = arith.addi %and3A_1648, %add3A_1654 : i32
      %swap3A_1656 = arith.index_cast %shift_right_arithmetic3A_1644 : i32 to index
      %swap3A_1657 = arith.index_cast %add3A_1655 : i32 to index
      %swap3A_1658 = tpu.vector_load %arg14[%swap3A_1656, %swap3A_1657] {strides = array<i32>} : memref<128x128xf32, #tpu.memory_space<vmem>>, vector<16xf32>,
      tpu.vector_store %arg14[%swap3A_1656, %swap3A_1657], %gather3A_1653 {strides = array<i32>} : memref<128x128xf32, #tpu.memory_space<vmem>>, vector<16xf32>,
      %gather3A_1659 = tpu.vector_load_idx %arg13[%add3A_1637, %add3A_1634] : memref<256x128xf32, #tpu.memory_space<vmem>>[vector<16xi32>, vector<16xi32>], vector<16xf32>,
      %swap3A_1660 = arith.index_cast %shift_right_arithmetic3A_1644 : i32 to index
      %swap3A_1661 = arith.index_cast %and3A_1648 : i32 to index
      %swap3A_1662 = tpu.vector_load %arg15[%swap3A_1660, %swap3A_1661] {strides = array<i32>} : memref<128x128xf32, #tpu.memory_space<vmem>>, vector<16xf32>,
      tpu.vector_store %arg15[%swap3A_1660, %swap3A_1661], %gather3A_1659 {strides = array<i32>} : memref<128x128xf32, #tpu.memory_space<vmem>>, vector<16xf32>,
      %gather3A_1663 = tpu.vector_load_idx %arg13[%add3A_1640, %add3A_1634] : memref<256x128xf32, #tpu.memory_space<vmem>>[vector<16xi32>, vector<16xi32>], vector<16xf32>,
      %add3A_1664 = arith.constant 16 : i32
      %add3A_1665 = arith.addi %and3A_1648, %add3A_1664 : i32
      %swap3A_1666 = arith.index_cast %shift_right_arithmetic3A_1644 : i32 to index
      %swap3A_1667 = arith.index_cast %add3A_1665 : i32 to index
      %swap3A_1668 = tpu.vector_load %arg15[%swap3A_1666, %swap3A_1667] {strides = array<i32>} : memref<128x128xf32, #tpu.memory_space<vmem>>, vector<16xf32>,
      tpu.vector_store %arg15[%swap3A_1666, %swap3A_1667], %gather3A_1663 {strides = array<i32>} : memref<128x128xf32, #tpu.memory_space<vmem>>, vector<16xf32>,
      %convert_element_type3A_1669 = arith.extui %lt3A_305 : i1 to i32
      %cond3A_1670 = arith.constant 0 : i32
      %cond3A_1671 = arith.cmpi ne, %convert_element_type3A_1669, %cond3A_1670 : i32
      scf.if %cond3A_1671 {
        %slice3A_1749 = vector.extract_strided_slice %shift_right_arithmetic3A_296 {offsets = [6], sizes = [1], strides = [1]} : vector<16xi32> to vector<1xi32>
        %squeeze3A_1750 = vector.extract %slice3A_1749[0] : i32 from vector<1xi32>
        %mul3A_1751 = arith.constant 128 : i32
        %mul3A_1752 = arith.muli %squeeze3A_1750, %mul3A_1751 : i32
        %multiple_of3A_1753 = tpu.assume_multiple %mul3A_1752, 128 : i32
        %dma_start3A_1754 = arith.constant 192 : i32
        %dma_start3A_1755 = arith.constant 0 : i32
        %dma_start3A_1756 = tpu.memref_slice %arg12[%dma_start3A_1754, %dma_start3A_1755] : memref<256x128xf32, #tpu.memory_space<vmem>> -> memref<32x128xf32, #tpu.memory_space<vmem>>
        %dma_start3A_1757 = arith.constant 0 : i32
        %dma_start3A_1758 = tpu.memref_slice %arg4[%dma_start3A_1757, %multiple_of3A_1753] : memref<32x1000000xf32, #tpu.memory_space<hbm>> -> memref<32x128xf32, #tpu.memory_space<hbm>>
        %dma_start3A_1759 = arith.constant 192 : i32
        %dma_start3A_1760 = arith.constant 0 : i32
        %dma_start3A_1761 = tpu.memref_slice %arg12[%dma_start3A_1759, %dma_start3A_1760] : memref<256x128xf32, #tpu.memory_space<vmem>> -> memref<32x128xf32, #tpu.memory_space<vmem>>
        %dma_start3A_1762 = arith.constant 0 : i32
        %dma_start3A_1763 = tpu.memref_slice %arg4[%dma_start3A_1762, %multiple_of3A_1753] : memref<32x1000000xf32, #tpu.memory_space<hbm>> -> memref<32x128xf32, #tpu.memory_space<hbm>>
        tpu.enqueue_dma source(%dma_start3A_1763 : memref<32x128xf32, #tpu.memory_space<hbm>>) target(%dma_start3A_1761 : memref<32x128xf32, #tpu.memory_space<vmem>>) target_semaphore(%arg26 : memref<!tpu.dma_semaphore, #tpu.memory_space<semaphore_mem>>)
        %slice3A_1764 = vector.extract_strided_slice %shift_right_arithmetic3A_299 {offsets = [6], sizes = [1], strides = [1]} : vector<16xi32> to vector<1xi32>
        %squeeze3A_1765 = vector.extract %slice3A_1764[0] : i32 from vector<1xi32>
        %mul3A_1766 = arith.constant 128 : i32
        %mul3A_1767 = arith.muli %squeeze3A_1765, %mul3A_1766 : i32
        %multiple_of3A_1768 = tpu.assume_multiple %mul3A_1767, 128 : i32
        %dma_start3A_1769 = arith.constant 192 : i32
        %dma_start3A_1770 = arith.constant 0 : i32
        %dma_start3A_1771 = tpu.memref_slice %arg13[%dma_start3A_1769, %dma_start3A_1770] : memref<256x128xf32, #tpu.memory_space<vmem>> -> memref<32x128xf32, #tpu.memory_space<vmem>>
        %dma_start3A_1772 = arith.constant 0 : i32
        %dma_start3A_1773 = tpu.memref_slice %arg5[%dma_start3A_1772, %multiple_of3A_1768] : memref<32x1000000xf32, #tpu.memory_space<hbm>> -> memref<32x128xf32, #tpu.memory_space<hbm>>
        %dma_start3A_1774 = arith.constant 192 : i32
        %dma_start3A_1775 = arith.constant 0 : i32
        %dma_start3A_1776 = tpu.memref_slice %arg13[%dma_start3A_1774, %dma_start3A_1775] : memref<256x128xf32, #tpu.memory_space<vmem>> -> memref<32x128xf32, #tpu.memory_space<vmem>>
        %dma_start3A_1777 = arith.constant 0 : i32
        %dma_start3A_1778 = tpu.memref_slice %arg5[%dma_start3A_1777, %multiple_of3A_1768] : memref<32x1000000xf32, #tpu.memory_space<hbm>> -> memref<32x128xf32, #tpu.memory_space<hbm>>
        tpu.enqueue_dma source(%dma_start3A_1778 : memref<32x128xf32, #tpu.memory_space<hbm>>) target(%dma_start3A_1776 : memref<32x128xf32, #tpu.memory_space<vmem>>) target_semaphore(%arg34 : memref<!tpu.dma_semaphore, #tpu.memory_space<semaphore_mem>>)
      } else {
      }
      %mul3A_1672 = arith.constant 16 : i32
      %mul3A_1673 = arith.muli %scan3A_270, %mul3A_1672 : i32
      %add3A_1674 = arith.constant 15 : i32
      %add3A_1675 = arith.addi %mul3A_1673, %add3A_1674 : i32
      %dma_wait3A_1676 = arith.constant 224 : i32
      %dma_wait3A_1677 = arith.constant 0 : i32
      %dma_wait3A_1678 = tpu.memref_slice %arg12[%dma_wait3A_1676, %dma_wait3A_1677] : memref<256x128xf32, #tpu.memory_space<vmem>> -> memref<32x128xf32, #tpu.memory_space<vmem>>
      %dma_wait3A_1679 = arith.constant 0 : i32
      %dma_wait3A_1680 = arith.constant 0 : i32
      %dma_wait3A_1681 = tpu.memref_slice %arg4[%dma_wait3A_1679, %dma_wait3A_1680] : memref<32x1000000xf32, #tpu.memory_space<hbm>> -> memref<32x128xf32, #tpu.memory_space<hbm>>
      %dma_wait3A_1682 = arith.constant 224 : i32
      %dma_wait3A_1683 = arith.constant 0 : i32
      %dma_wait3A_1684 = tpu.memref_slice %arg12[%dma_wait3A_1682, %dma_wait3A_1683] : memref<256x128xf32, #tpu.memory_space<vmem>> -> memref<32x128xf32, #tpu.memory_space<vmem>>
      %dma_wait3A_1685 = arith.constant 0 : i32
      %dma_wait3A_1686 = arith.constant 0 : i32
      %dma_wait3A_1687 = tpu.memref_slice %arg4[%dma_wait3A_1685, %dma_wait3A_1686] : memref<32x1000000xf32, #tpu.memory_space<hbm>> -> memref<32x128xf32, #tpu.memory_space<hbm>>
      tpu.wait_dma2 semaphore(%arg27 : memref<!tpu.dma_semaphore, #tpu.memory_space<semaphore_mem>>) src(%dma_wait3A_1687 : memref<32x128xf32, #tpu.memory_space<hbm>>) dst(%dma_wait3A_1684 : memref<32x128xf32, #tpu.memory_space<vmem>>)
      %dma_wait3A_1688 = arith.constant 224 : i32
      %dma_wait3A_1689 = arith.constant 0 : i32
      %dma_wait3A_1690 = tpu.memref_slice %arg13[%dma_wait3A_1688, %dma_wait3A_1689] : memref<256x128xf32, #tpu.memory_space<vmem>> -> memref<32x128xf32, #tpu.memory_space<vmem>>
      %dma_wait3A_1691 = arith.constant 0 : i32
      %dma_wait3A_1692 = arith.constant 0 : i32
      %dma_wait3A_1693 = tpu.memref_slice %arg5[%dma_wait3A_1691, %dma_wait3A_1692] : memref<32x1000000xf32, #tpu.memory_space<hbm>> -> memref<32x128xf32, #tpu.memory_space<hbm>>
      %dma_wait3A_1694 = arith.constant 224 : i32
      %dma_wait3A_1695 = arith.constant 0 : i32
      %dma_wait3A_1696 = tpu.memref_slice %arg13[%dma_wait3A_1694, %dma_wait3A_1695] : memref<256x128xf32, #tpu.memory_space<vmem>> -> memref<32x128xf32, #tpu.memory_space<vmem>>
      %dma_wait3A_1697 = arith.constant 0 : i32
      %dma_wait3A_1698 = arith.constant 0 : i32
      %dma_wait3A_1699 = tpu.memref_slice %arg5[%dma_wait3A_1697, %dma_wait3A_1698] : memref<32x1000000xf32, #tpu.memory_space<hbm>> -> memref<32x128xf32, #tpu.memory_space<hbm>>
      tpu.wait_dma2 semaphore(%arg35 : memref<!tpu.dma_semaphore, #tpu.memory_space<semaphore_mem>>) src(%dma_wait3A_1699 : memref<32x128xf32, #tpu.memory_space<hbm>>) dst(%dma_wait3A_1696 : memref<32x128xf32, #tpu.memory_space<vmem>>)
      %broadcast_in_dim3A_1700 = arith.constant 0 : i32
      %broadcast_in_dim3A_1701 = vector.broadcast %broadcast_in_dim3A_1700 : i32 to vector<16xi32>
      %slice3A_1702 = vector.extract_strided_slice %and3A_301 {offsets = [15], sizes = [1], strides = [1]} : vector<16xi32> to vector<1xi32>
      %squeeze3A_1703 = vector.extract %slice3A_1702[0] : i32 from vector<1xi32>
      %add3A_1704 = vector.broadcast %squeeze3A_1703 : i32 to vector<16xi32>
      %add3A_1705 = arith.addi %broadcast_in_dim3A_1701, %add3A_1704 : vector<16xi32>
      %broadcast_in_dim3A_1706 = arith.constant 0 : i32
      %broadcast_in_dim3A_1707 = vector.broadcast %broadcast_in_dim3A_1706 : i32 to vector<16xi32>
      %slice3A_1708 = vector.extract_strided_slice %and3A_304 {offsets = [15], sizes = [1], strides = [1]} : vector<16xi32> to vector<1xi32>
      %squeeze3A_1709 = vector.extract %slice3A_1708[0] : i32 from vector<1xi32>
      %add3A_1710 = vector.broadcast %squeeze3A_1709 : i32 to vector<16xi32>
      %add3A_1711 = arith.addi %broadcast_in_dim3A_1707, %add3A_1710 : vector<16xi32>
      %add3A_1712 = arith.constant 224 : i32
      %add3A_1713 = vector.broadcast %add3A_1712 : i32 to vector<16xi32>
      %add3A_1714 = arith.addi %add3A_1713, %iota3A : vector<16xi32>
      %add3A_1715 = arith.constant 224 : i32
      %add3A_1716 = vector.broadcast %add3A_1715 : i32 to vector<16xi32>
      %add3A_1717 = arith.addi %add3A_1716, %add3A_8 : vector<16xi32>
      %mul3A_1718 = arith.constant 32 : i32
      %mul3A_1719 = arith.muli %add3A_1675, %mul3A_1718 : i32
      %shift_right_arithmetic3A_1720 = arith.constant 7 : i32
      %shift_right_arithmetic3A_1721 = arith.shrsi %mul3A_1719, %shift_right_arithmetic3A_1720 : i32
      %mul3A_1722 = arith.constant 32 : i32
      %mul3A_1723 = arith.muli %add3A_1675, %mul3A_1722 : i32
      %and3A_1724 = arith.constant 127 : i32
      %and3A_1725 = arith.andi %mul3A_1723, %and3A_1724 : i32
      %gather3A_1726 = tpu.vector_load_idx %arg12[%add3A_1714, %add3A_1705] : memref<256x128xf32, #tpu.memory_space<vmem>>[vector<16xi32>, vector<16xi32>], vector<16xf32>,
      %swap3A_1727 = arith.index_cast %shift_right_arithmetic3A_1721 : i32 to index
      %swap3A_1728 = arith.index_cast %and3A_1725 : i32 to index
      %swap3A_1729 = tpu.vector_load %arg14[%swap3A_1727, %swap3A_1728] {strides = array<i32>} : memref<128x128xf32, #tpu.memory_space<vmem>>, vector<16xf32>,
      tpu.vector_store %arg14[%swap3A_1727, %swap3A_1728], %gather3A_1726 {strides = array<i32>} : memref<128x128xf32, #tpu.memory_space<vmem>>, vector<16xf32>,
      %gather3A_1730 = tpu.vector_load_idx %arg12[%add3A_1717, %add3A_1705] : memref<256x128xf32, #tpu.memory_space<vmem>>[vector<16xi32>, vector<16xi32>], vector<16xf32>,
      %add3A_1731 = arith.constant 16 : i32
      %add3A_1732 = arith.addi %and3A_1725, %add3A_1731 : i32
      %swap3A_1733 = arith.index_cast %shift_right_arithmetic3A_1721 : i32 to index
      %swap3A_1734 = arith.index_cast %add3A_1732 : i32 to index
      %swap3A_1735 = tpu.vector_load %arg14[%swap3A_1733, %swap3A_1734] {strides = array<i32>} : memref<128x128xf32, #tpu.memory_space<vmem>>, vector<16xf32>,
      tpu.vector_store %arg14[%swap3A_1733, %swap3A_1734], %gather3A_1730 {strides = array<i32>} : memref<128x128xf32, #tpu.memory_space<vmem>>, vector<16xf32>,
      %gather3A_1736 = tpu.vector_load_idx %arg13[%add3A_1714, %add3A_1711] : memref<256x128xf32, #tpu.memory_space<vmem>>[vector<16xi32>, vector<16xi32>], vector<16xf32>,
      %swap3A_1737 = arith.index_cast %shift_right_arithmetic3A_1721 : i32 to index
      %swap3A_1738 = arith.index_cast %and3A_1725 : i32 to index
      %swap3A_1739 = tpu.vector_load %arg15[%swap3A_1737, %swap3A_1738] {strides = array<i32>} : memref<128x128xf32, #tpu.memory_space<vmem>>, vector<16xf32>,
      tpu.vector_store %arg15[%swap3A_1737, %swap3A_1738], %gather3A_1736 {strides = array<i32>} : memref<128x128xf32, #tpu.memory_space<vmem>>, vector<16xf32>,
      %gather3A_1740 = tpu.vector_load_idx %arg13[%add3A_1717, %add3A_1711] : memref<256x128xf32, #tpu.memory_space<vmem>>[vector<16xi32>, vector<16xi32>], vector<16xf32>,
      %add3A_1741 = arith.constant 16 : i32
      %add3A_1742 = arith.addi %and3A_1725, %add3A_1741 : i32
      %swap3A_1743 = arith.index_cast %shift_right_arithmetic3A_1721 : i32 to index
      %swap3A_1744 = arith.index_cast %add3A_1742 : i32 to index
      %swap3A_1745 = tpu.vector_load %arg15[%swap3A_1743, %swap3A_1744] {strides = array<i32>} : memref<128x128xf32, #tpu.memory_space<vmem>>, vector<16xf32>,
      tpu.vector_store %arg15[%swap3A_1743, %swap3A_1744], %gather3A_1740 {strides = array<i32>} : memref<128x128xf32, #tpu.memory_space<vmem>>, vector<16xf32>,
      %convert_element_type3A_1746 = arith.extui %lt3A_305 : i1 to i32
      %cond3A_1747 = arith.constant 0 : i32
      %cond3A_1748 = arith.cmpi ne, %convert_element_type3A_1746, %cond3A_1747 : i32
      scf.if %cond3A_1748 {
        %slice3A_1749 = vector.extract_strided_slice %shift_right_arithmetic3A_296 {offsets = [7], sizes = [1], strides = [1]} : vector<16xi32> to vector<1xi32>
        %squeeze3A_1750 = vector.extract %slice3A_1749[0] : i32 from vector<1xi32>
        %mul3A_1751 = arith.constant 128 : i32
        %mul3A_1752 = arith.muli %squeeze3A_1750, %mul3A_1751 : i32
        %multiple_of3A_1753 = tpu.assume_multiple %mul3A_1752, 128 : i32
        %dma_start3A_1754 = arith.constant 224 : i32
        %dma_start3A_1755 = arith.constant 0 : i32
        %dma_start3A_1756 = tpu.memref_slice %arg12[%dma_start3A_1754, %dma_start3A_1755] : memref<256x128xf32, #tpu.memory_space<vmem>> -> memref<32x128xf32, #tpu.memory_space<vmem>>
        %dma_start3A_1757 = arith.constant 0 : i32
        %dma_start3A_1758 = tpu.memref_slice %arg4[%dma_start3A_1757, %multiple_of3A_1753] : memref<32x1000000xf32, #tpu.memory_space<hbm>> -> memref<32x128xf32, #tpu.memory_space<hbm>>
        %dma_start3A_1759 = arith.constant 224 : i32
        %dma_start3A_1760 = arith.constant 0 : i32
        %dma_start3A_1761 = tpu.memref_slice %arg12[%dma_start3A_1759, %dma_start3A_1760] : memref<256x128xf32, #tpu.memory_space<vmem>> -> memref<32x128xf32, #tpu.memory_space<vmem>>
        %dma_start3A_1762 = arith.constant 0 : i32
        %dma_start3A_1763 = tpu.memref_slice %arg4[%dma_start3A_1762, %multiple_of3A_1753] : memref<32x1000000xf32, #tpu.memory_space<hbm>> -> memref<32x128xf32, #tpu.memory_space<hbm>>
        tpu.enqueue_dma source(%dma_start3A_1763 : memref<32x128xf32, #tpu.memory_space<hbm>>) target(%dma_start3A_1761 : memref<32x128xf32, #tpu.memory_space<vmem>>) target_semaphore(%arg27 : memref<!tpu.dma_semaphore, #tpu.memory_space<semaphore_mem>>)
        %slice3A_1764 = vector.extract_strided_slice %shift_right_arithmetic3A_299 {offsets = [7], sizes = [1], strides = [1]} : vector<16xi32> to vector<1xi32>
        %squeeze3A_1765 = vector.extract %slice3A_1764[0] : i32 from vector<1xi32>
        %mul3A_1766 = arith.constant 128 : i32
        %mul3A_1767 = arith.muli %squeeze3A_1765, %mul3A_1766 : i32
        %multiple_of3A_1768 = tpu.assume_multiple %mul3A_1767, 128 : i32
        %dma_start3A_1769 = arith.constant 224 : i32
        %dma_start3A_1770 = arith.constant 0 : i32
        %dma_start3A_1771 = tpu.memref_slice %arg13[%dma_start3A_1769, %dma_start3A_1770] : memref<256x128xf32, #tpu.memory_space<vmem>> -> memref<32x128xf32, #tpu.memory_space<vmem>>
        %dma_start3A_1772 = arith.constant 0 : i32
        %dma_start3A_1773 = tpu.memref_slice %arg5[%dma_start3A_1772, %multiple_of3A_1768] : memref<32x1000000xf32, #tpu.memory_space<hbm>> -> memref<32x128xf32, #tpu.memory_space<hbm>>
        %dma_start3A_1774 = arith.constant 224 : i32
        %dma_start3A_1775 = arith.constant 0 : i32
        %dma_start3A_1776 = tpu.memref_slice %arg13[%dma_start3A_1774, %dma_start3A_1775] : memref<256x128xf32, #tpu.memory_space<vmem>> -> memref<32x128xf32, #tpu.memory_space<vmem>>
        %dma_start3A_1777 = arith.constant 0 : i32
        %dma_start3A_1778 = tpu.memref_slice %arg5[%dma_start3A_1777, %multiple_of3A_1768] : memref<32x1000000xf32, #tpu.memory_space<hbm>> -> memref<32x128xf32, #tpu.memory_space<hbm>>
        tpu.enqueue_dma source(%dma_start3A_1778 : memref<32x128xf32, #tpu.memory_space<hbm>>) target(%dma_start3A_1776 : memref<32x128xf32, #tpu.memory_space<vmem>>) target_semaphore(%arg35 : memref<!tpu.dma_semaphore, #tpu.memory_space<semaphore_mem>>)
      } else {
      }
    }
    %scan3A_258 = arith.constant 32 : i32
    %dma_wait3A = arith.constant 0 : i32
    %dma_wait3A_259 = tpu.memref_slice %arg6[%dma_wait3A] : memref<1000000xf32, #tpu.memory_space<hbm>> -> memref<1000000xf32, #tpu.memory_space<hbm>>
    tpu.wait_indirect_dma semaphore(%arg36 : memref<!tpu.dma_semaphore, #tpu.memory_space<semaphore_mem>>) src(%dma_wait3A_259 : memref<1000000xf32, #tpu.memory_space<hbm>>) dst(%arg16 : memref<512xf32, #tpu.memory_space<vmem>>)
    %dma_wait3A_260 = arith.constant 0 : i32
    %dma_wait3A_261 = tpu.memref_slice %arg7[%dma_wait3A_260] : memref<1000000xf32, #tpu.memory_space<hbm>> -> memref<1000000xf32, #tpu.memory_space<hbm>>
    tpu.wait_indirect_dma semaphore(%arg36 : memref<!tpu.dma_semaphore, #tpu.memory_space<semaphore_mem>>) src(%dma_wait3A_261 : memref<1000000xf32, #tpu.memory_space<hbm>>) dst(%arg17 : memref<512xf32, #tpu.memory_space<vmem>>)
    %get3A_262 = arith.constant 0 : index
    %get3A_263 = tpu.vector_load %arg19[%get3A_262] {strides = array<i32>} : memref<16xf32, #tpu.memory_space<vmem>>, vector<16xf32>,
    %scan3A_264 = arith.constant 0 : i32
    %scan3A_265 = arith.constant 0 : i32
    %scan3A_266 = arith.constant 32 : i32
    %scan3A_267 = arith.addi %scan3A_265, %scan3A_266 : i32
    %scan3A_268 = arith.constant 1 : i32
    scf.for %scan3A_270 = %scan3A_265 to %scan3A_267 step %scan3A_268  : i32 {
      %mul3A_271 = arith.constant 16 : i32
      %mul3A_272 = arith.muli %scan3A_270, %mul3A_271 : i32
      %add3A_273 = vector.broadcast %mul3A_272 : i32 to vector<16xi32>
      %add3A_274 = arith.addi %add3A_273, %iota3A : vector<16xi32>
      %mul3A_275 = arith.constant 32 : i32
      %mul3A_276 = vector.broadcast %mul3A_275 : i32 to vector<16xi32>
      %mul3A_277 = arith.muli %add3A_274, %mul3A_276 : vector<16xi32>
      %get3A_278 = arith.index_cast %mul3A_272 : i32 to index
      %get3A_279 = tpu.vector_load %arg16[%get3A_278] {strides = array<i32>} : memref<512xf32, #tpu.memory_space<vmem>>, vector<16xf32>,
      %get3A_280 = arith.index_cast %mul3A_272 : i32 to index
      %get3A_281 = tpu.vector_load %arg17[%get3A_280] {strides = array<i32>} : memref<512xf32, #tpu.memory_space<vmem>>, vector<16xf32>,
      %add3A_282 = arith.addf %get3A_279, %get3A_281 : vector<16xf32>
      %add3A_283 = arith.addf %add3A_282, %get3A_263 : vector<16xf32>
      %add3A_284 = arith.constant 0 : i32
      %add3A_285 = vector.broadcast %add3A_284 : i32 to vector<16xi32>
      %add3A_286 = arith.addi %mul3A_277, %add3A_285 : vector<16xi32>
      %shift_right_arithmetic3A_287 = arith.constant 7 : i32
      %shift_right_arithmetic3A_288 = vector.broadcast %shift_right_arithmetic3A_287 : i32 to vector<16xi32>
      %shift_right_arithmetic3A_289 = arith.shrsi %add3A_286, %shift_right_arithmetic3A_288 : vector<16xi32>
      %and3A = arith.constant 127 : i32
      %and3A_290 = vector.broadcast %and3A : i32 to vector<16xi32>
      %and3A_291 = arith.andi %add3A_286, %and3A_290 : vector<16xi32>
      %gather3A = tpu.vector_load_idx %arg14[%shift_right_arithmetic3A_289, %and3A_291] : memref<128x128xf32, #tpu.memory_space<vmem>>[vector<16xi32>, vector<16xi32>], vector<16xf32>,
      %gather3A_292 = tpu.vector_load_idx %arg15[%shift_right_arithmetic3A_289, %and3A_291] : memref<128x128xf32, #tpu.memory_space<vmem>>[vector<16xi32>, vector<16xi32>], vector<16xf32>,
      %mul3A_293 = arith.mulf %gather3A, %gather3A_292 : vector<16xf32>
      %add3A_294 = arith.addf %add3A_283, %mul3A_293 : vector<16xf32>
      %add3A_295 = arith.constant 1 : i32
      %add3A_296 = vector.broadcast %add3A_295 : i32 to vector<16xi32>
      %add3A_297 = arith.addi %mul3A_277, %add3A_296 : vector<16xi32>
      %shift_right_arithmetic3A_298 = arith.constant 7 : i32
      %shift_right_arithmetic3A_299 = vector.broadcast %shift_right_arithmetic3A_298 : i32 to vector<16xi32>
      %shift_right_arithmetic3A_300 = arith.shrsi %add3A_297, %shift_right_arithmetic3A_299 : vector<16xi32>
      %and3A_301 = arith.constant 127 : i32
      %and3A_302 = vector.broadcast %and3A_301 : i32 to vector<16xi32>
      %and3A_303 = arith.andi %add3A_297, %and3A_302 : vector<16xi32>
      %gather3A_304 = tpu.vector_load_idx %arg14[%shift_right_arithmetic3A_300, %and3A_303] : memref<128x128xf32, #tpu.memory_space<vmem>>[vector<16xi32>, vector<16xi32>], vector<16xf32>,
      %gather3A_305 = tpu.vector_load_idx %arg15[%shift_right_arithmetic3A_300, %and3A_303] : memref<128x128xf32, #tpu.memory_space<vmem>>[vector<16xi32>, vector<16xi32>], vector<16xf32>,
      %mul3A_306 = arith.mulf %gather3A_304, %gather3A_305 : vector<16xf32>
      %add3A_307 = arith.addf %add3A_294, %mul3A_306 : vector<16xf32>
      %add3A_308 = arith.constant 2 : i32
      %add3A_309 = vector.broadcast %add3A_308 : i32 to vector<16xi32>
      %add3A_310 = arith.addi %mul3A_277, %add3A_309 : vector<16xi32>
      %shift_right_arithmetic3A_311 = arith.constant 7 : i32
      %shift_right_arithmetic3A_312 = vector.broadcast %shift_right_arithmetic3A_311 : i32 to vector<16xi32>
      %shift_right_arithmetic3A_313 = arith.shrsi %add3A_310, %shift_right_arithmetic3A_312 : vector<16xi32>
      %and3A_314 = arith.constant 127 : i32
      %and3A_315 = vector.broadcast %and3A_314 : i32 to vector<16xi32>
      %and3A_316 = arith.andi %add3A_310, %and3A_315 : vector<16xi32>
      %gather3A_317 = tpu.vector_load_idx %arg14[%shift_right_arithmetic3A_313, %and3A_316] : memref<128x128xf32, #tpu.memory_space<vmem>>[vector<16xi32>, vector<16xi32>], vector<16xf32>,
      %gather3A_318 = tpu.vector_load_idx %arg15[%shift_right_arithmetic3A_313, %and3A_316] : memref<128x128xf32, #tpu.memory_space<vmem>>[vector<16xi32>, vector<16xi32>], vector<16xf32>,
      %mul3A_319 = arith.mulf %gather3A_317, %gather3A_318 : vector<16xf32>
      %add3A_320 = arith.addf %add3A_307, %mul3A_319 : vector<16xf32>
      %add3A_321 = arith.constant 3 : i32
      %add3A_322 = vector.broadcast %add3A_321 : i32 to vector<16xi32>
      %add3A_323 = arith.addi %mul3A_277, %add3A_322 : vector<16xi32>
      %shift_right_arithmetic3A_324 = arith.constant 7 : i32
      %shift_right_arithmetic3A_325 = vector.broadcast %shift_right_arithmetic3A_324 : i32 to vector<16xi32>
      %shift_right_arithmetic3A_326 = arith.shrsi %add3A_323, %shift_right_arithmetic3A_325 : vector<16xi32>
      %and3A_327 = arith.constant 127 : i32
      %and3A_328 = vector.broadcast %and3A_327 : i32 to vector<16xi32>
      %and3A_329 = arith.andi %add3A_323, %and3A_328 : vector<16xi32>
      %gather3A_330 = tpu.vector_load_idx %arg14[%shift_right_arithmetic3A_326, %and3A_329] : memref<128x128xf32, #tpu.memory_space<vmem>>[vector<16xi32>, vector<16xi32>], vector<16xf32>,
      %gather3A_331 = tpu.vector_load_idx %arg15[%shift_right_arithmetic3A_326, %and3A_329] : memref<128x128xf32, #tpu.memory_space<vmem>>[vector<16xi32>, vector<16xi32>], vector<16xf32>,
      %mul3A_332 = arith.mulf %gather3A_330, %gather3A_331 : vector<16xf32>
      %add3A_333 = arith.addf %add3A_320, %mul3A_332 : vector<16xf32>
      %add3A_334 = arith.constant 4 : i32
      %add3A_335 = vector.broadcast %add3A_334 : i32 to vector<16xi32>
      %add3A_336 = arith.addi %mul3A_277, %add3A_335 : vector<16xi32>
      %shift_right_arithmetic3A_337 = arith.constant 7 : i32
      %shift_right_arithmetic3A_338 = vector.broadcast %shift_right_arithmetic3A_337 : i32 to vector<16xi32>
      %shift_right_arithmetic3A_339 = arith.shrsi %add3A_336, %shift_right_arithmetic3A_338 : vector<16xi32>
      %and3A_340 = arith.constant 127 : i32
      %and3A_341 = vector.broadcast %and3A_340 : i32 to vector<16xi32>
      %and3A_342 = arith.andi %add3A_336, %and3A_341 : vector<16xi32>
      %gather3A_343 = tpu.vector_load_idx %arg14[%shift_right_arithmetic3A_339, %and3A_342] : memref<128x128xf32, #tpu.memory_space<vmem>>[vector<16xi32>, vector<16xi32>], vector<16xf32>,
      %gather3A_344 = tpu.vector_load_idx %arg15[%shift_right_arithmetic3A_339, %and3A_342] : memref<128x128xf32, #tpu.memory_space<vmem>>[vector<16xi32>, vector<16xi32>], vector<16xf32>,
      %mul3A_345 = arith.mulf %gather3A_343, %gather3A_344 : vector<16xf32>
      %add3A_346 = arith.addf %add3A_333, %mul3A_345 : vector<16xf32>
      %add3A_347 = arith.constant 5 : i32
      %add3A_348 = vector.broadcast %add3A_347 : i32 to vector<16xi32>
      %add3A_349 = arith.addi %mul3A_277, %add3A_348 : vector<16xi32>
      %shift_right_arithmetic3A_350 = arith.constant 7 : i32
      %shift_right_arithmetic3A_351 = vector.broadcast %shift_right_arithmetic3A_350 : i32 to vector<16xi32>
      %shift_right_arithmetic3A_352 = arith.shrsi %add3A_349, %shift_right_arithmetic3A_351 : vector<16xi32>
      %and3A_353 = arith.constant 127 : i32
      %and3A_354 = vector.broadcast %and3A_353 : i32 to vector<16xi32>
      %and3A_355 = arith.andi %add3A_349, %and3A_354 : vector<16xi32>
      %gather3A_356 = tpu.vector_load_idx %arg14[%shift_right_arithmetic3A_352, %and3A_355] : memref<128x128xf32, #tpu.memory_space<vmem>>[vector<16xi32>, vector<16xi32>], vector<16xf32>,
      %gather3A_357 = tpu.vector_load_idx %arg15[%shift_right_arithmetic3A_352, %and3A_355] : memref<128x128xf32, #tpu.memory_space<vmem>>[vector<16xi32>, vector<16xi32>], vector<16xf32>,
      %mul3A_358 = arith.mulf %gather3A_356, %gather3A_357 : vector<16xf32>
      %add3A_359 = arith.addf %add3A_346, %mul3A_358 : vector<16xf32>
      %add3A_360 = arith.constant 6 : i32
      %add3A_361 = vector.broadcast %add3A_360 : i32 to vector<16xi32>
      %add3A_362 = arith.addi %mul3A_277, %add3A_361 : vector<16xi32>
      %shift_right_arithmetic3A_363 = arith.constant 7 : i32
      %shift_right_arithmetic3A_364 = vector.broadcast %shift_right_arithmetic3A_363 : i32 to vector<16xi32>
      %shift_right_arithmetic3A_365 = arith.shrsi %add3A_362, %shift_right_arithmetic3A_364 : vector<16xi32>
      %and3A_366 = arith.constant 127 : i32
      %and3A_367 = vector.broadcast %and3A_366 : i32 to vector<16xi32>
      %and3A_368 = arith.andi %add3A_362, %and3A_367 : vector<16xi32>
      %gather3A_369 = tpu.vector_load_idx %arg14[%shift_right_arithmetic3A_365, %and3A_368] : memref<128x128xf32, #tpu.memory_space<vmem>>[vector<16xi32>, vector<16xi32>], vector<16xf32>,
      %gather3A_370 = tpu.vector_load_idx %arg15[%shift_right_arithmetic3A_365, %and3A_368] : memref<128x128xf32, #tpu.memory_space<vmem>>[vector<16xi32>, vector<16xi32>], vector<16xf32>,
      %mul3A_371 = arith.mulf %gather3A_369, %gather3A_370 : vector<16xf32>
      %add3A_372 = arith.addf %add3A_359, %mul3A_371 : vector<16xf32>
      %add3A_373 = arith.constant 7 : i32
      %add3A_374 = vector.broadcast %add3A_373 : i32 to vector<16xi32>
      %add3A_375 = arith.addi %mul3A_277, %add3A_374 : vector<16xi32>
      %shift_right_arithmetic3A_376 = arith.constant 7 : i32
      %shift_right_arithmetic3A_377 = vector.broadcast %shift_right_arithmetic3A_376 : i32 to vector<16xi32>
      %shift_right_arithmetic3A_378 = arith.shrsi %add3A_375, %shift_right_arithmetic3A_377 : vector<16xi32>
      %and3A_379 = arith.constant 127 : i32
      %and3A_380 = vector.broadcast %and3A_379 : i32 to vector<16xi32>
      %and3A_381 = arith.andi %add3A_375, %and3A_380 : vector<16xi32>
      %gather3A_382 = tpu.vector_load_idx %arg14[%shift_right_arithmetic3A_378, %and3A_381] : memref<128x128xf32, #tpu.memory_space<vmem>>[vector<16xi32>, vector<16xi32>], vector<16xf32>,
      %gather3A_383 = tpu.vector_load_idx %arg15[%shift_right_arithmetic3A_378, %and3A_381] : memref<128x128xf32, #tpu.memory_space<vmem>>[vector<16xi32>, vector<16xi32>], vector<16xf32>,
      %mul3A_384 = arith.mulf %gather3A_382, %gather3A_383 : vector<16xf32>
      %add3A_385 = arith.addf %add3A_372, %mul3A_384 : vector<16xf32>
      %add3A_386 = arith.constant 8 : i32
      %add3A_387 = vector.broadcast %add3A_386 : i32 to vector<16xi32>
      %add3A_388 = arith.addi %mul3A_277, %add3A_387 : vector<16xi32>
      %shift_right_arithmetic3A_389 = arith.constant 7 : i32
      %shift_right_arithmetic3A_390 = vector.broadcast %shift_right_arithmetic3A_389 : i32 to vector<16xi32>
      %shift_right_arithmetic3A_391 = arith.shrsi %add3A_388, %shift_right_arithmetic3A_390 : vector<16xi32>
      %and3A_392 = arith.constant 127 : i32
      %and3A_393 = vector.broadcast %and3A_392 : i32 to vector<16xi32>
      %and3A_394 = arith.andi %add3A_388, %and3A_393 : vector<16xi32>
      %gather3A_395 = tpu.vector_load_idx %arg14[%shift_right_arithmetic3A_391, %and3A_394] : memref<128x128xf32, #tpu.memory_space<vmem>>[vector<16xi32>, vector<16xi32>], vector<16xf32>,
      %gather3A_396 = tpu.vector_load_idx %arg15[%shift_right_arithmetic3A_391, %and3A_394] : memref<128x128xf32, #tpu.memory_space<vmem>>[vector<16xi32>, vector<16xi32>], vector<16xf32>,
      %mul3A_397 = arith.mulf %gather3A_395, %gather3A_396 : vector<16xf32>
      %add3A_398 = arith.addf %add3A_385, %mul3A_397 : vector<16xf32>
      %add3A_399 = arith.constant 9 : i32
      %add3A_400 = vector.broadcast %add3A_399 : i32 to vector<16xi32>
      %add3A_401 = arith.addi %mul3A_277, %add3A_400 : vector<16xi32>
      %shift_right_arithmetic3A_402 = arith.constant 7 : i32
      %shift_right_arithmetic3A_403 = vector.broadcast %shift_right_arithmetic3A_402 : i32 to vector<16xi32>
      %shift_right_arithmetic3A_404 = arith.shrsi %add3A_401, %shift_right_arithmetic3A_403 : vector<16xi32>
      %and3A_405 = arith.constant 127 : i32
      %and3A_406 = vector.broadcast %and3A_405 : i32 to vector<16xi32>
      %and3A_407 = arith.andi %add3A_401, %and3A_406 : vector<16xi32>
      %gather3A_408 = tpu.vector_load_idx %arg14[%shift_right_arithmetic3A_404, %and3A_407] : memref<128x128xf32, #tpu.memory_space<vmem>>[vector<16xi32>, vector<16xi32>], vector<16xf32>,
      %gather3A_409 = tpu.vector_load_idx %arg15[%shift_right_arithmetic3A_404, %and3A_407] : memref<128x128xf32, #tpu.memory_space<vmem>>[vector<16xi32>, vector<16xi32>], vector<16xf32>,
      %mul3A_410 = arith.mulf %gather3A_408, %gather3A_409 : vector<16xf32>
      %add3A_411 = arith.addf %add3A_398, %mul3A_410 : vector<16xf32>
      %add3A_412 = arith.constant 10 : i32
      %add3A_413 = vector.broadcast %add3A_412 : i32 to vector<16xi32>
      %add3A_414 = arith.addi %mul3A_277, %add3A_413 : vector<16xi32>
      %shift_right_arithmetic3A_415 = arith.constant 7 : i32
      %shift_right_arithmetic3A_416 = vector.broadcast %shift_right_arithmetic3A_415 : i32 to vector<16xi32>
      %shift_right_arithmetic3A_417 = arith.shrsi %add3A_414, %shift_right_arithmetic3A_416 : vector<16xi32>
      %and3A_418 = arith.constant 127 : i32
      %and3A_419 = vector.broadcast %and3A_418 : i32 to vector<16xi32>
      %and3A_420 = arith.andi %add3A_414, %and3A_419 : vector<16xi32>
      %gather3A_421 = tpu.vector_load_idx %arg14[%shift_right_arithmetic3A_417, %and3A_420] : memref<128x128xf32, #tpu.memory_space<vmem>>[vector<16xi32>, vector<16xi32>], vector<16xf32>,
      %gather3A_422 = tpu.vector_load_idx %arg15[%shift_right_arithmetic3A_417, %and3A_420] : memref<128x128xf32, #tpu.memory_space<vmem>>[vector<16xi32>, vector<16xi32>], vector<16xf32>,
      %mul3A_423 = arith.mulf %gather3A_421, %gather3A_422 : vector<16xf32>
      %add3A_424 = arith.addf %add3A_411, %mul3A_423 : vector<16xf32>
      %add3A_425 = arith.constant 11 : i32
      %add3A_426 = vector.broadcast %add3A_425 : i32 to vector<16xi32>
      %add3A_427 = arith.addi %mul3A_277, %add3A_426 : vector<16xi32>
      %shift_right_arithmetic3A_428 = arith.constant 7 : i32
      %shift_right_arithmetic3A_429 = vector.broadcast %shift_right_arithmetic3A_428 : i32 to vector<16xi32>
      %shift_right_arithmetic3A_430 = arith.shrsi %add3A_427, %shift_right_arithmetic3A_429 : vector<16xi32>
      %and3A_431 = arith.constant 127 : i32
      %and3A_432 = vector.broadcast %and3A_431 : i32 to vector<16xi32>
      %and3A_433 = arith.andi %add3A_427, %and3A_432 : vector<16xi32>
      %gather3A_434 = tpu.vector_load_idx %arg14[%shift_right_arithmetic3A_430, %and3A_433] : memref<128x128xf32, #tpu.memory_space<vmem>>[vector<16xi32>, vector<16xi32>], vector<16xf32>,
      %gather3A_435 = tpu.vector_load_idx %arg15[%shift_right_arithmetic3A_430, %and3A_433] : memref<128x128xf32, #tpu.memory_space<vmem>>[vector<16xi32>, vector<16xi32>], vector<16xf32>,
      %mul3A_436 = arith.mulf %gather3A_434, %gather3A_435 : vector<16xf32>
      %add3A_437 = arith.addf %add3A_424, %mul3A_436 : vector<16xf32>
      %add3A_438 = arith.constant 12 : i32
      %add3A_439 = vector.broadcast %add3A_438 : i32 to vector<16xi32>
      %add3A_440 = arith.addi %mul3A_277, %add3A_439 : vector<16xi32>
      %shift_right_arithmetic3A_441 = arith.constant 7 : i32
      %shift_right_arithmetic3A_442 = vector.broadcast %shift_right_arithmetic3A_441 : i32 to vector<16xi32>
      %shift_right_arithmetic3A_443 = arith.shrsi %add3A_440, %shift_right_arithmetic3A_442 : vector<16xi32>
      %and3A_444 = arith.constant 127 : i32
      %and3A_445 = vector.broadcast %and3A_444 : i32 to vector<16xi32>
      %and3A_446 = arith.andi %add3A_440, %and3A_445 : vector<16xi32>
      %gather3A_447 = tpu.vector_load_idx %arg14[%shift_right_arithmetic3A_443, %and3A_446] : memref<128x128xf32, #tpu.memory_space<vmem>>[vector<16xi32>, vector<16xi32>], vector<16xf32>,
      %gather3A_448 = tpu.vector_load_idx %arg15[%shift_right_arithmetic3A_443, %and3A_446] : memref<128x128xf32, #tpu.memory_space<vmem>>[vector<16xi32>, vector<16xi32>], vector<16xf32>,
      %mul3A_449 = arith.mulf %gather3A_447, %gather3A_448 : vector<16xf32>
      %add3A_450 = arith.addf %add3A_437, %mul3A_449 : vector<16xf32>
      %add3A_451 = arith.constant 13 : i32
      %add3A_452 = vector.broadcast %add3A_451 : i32 to vector<16xi32>
      %add3A_453 = arith.addi %mul3A_277, %add3A_452 : vector<16xi32>
      %shift_right_arithmetic3A_454 = arith.constant 7 : i32
      %shift_right_arithmetic3A_455 = vector.broadcast %shift_right_arithmetic3A_454 : i32 to vector<16xi32>
      %shift_right_arithmetic3A_456 = arith.shrsi %add3A_453, %shift_right_arithmetic3A_455 : vector<16xi32>
      %and3A_457 = arith.constant 127 : i32
      %and3A_458 = vector.broadcast %and3A_457 : i32 to vector<16xi32>
      %and3A_459 = arith.andi %add3A_453, %and3A_458 : vector<16xi32>
      %gather3A_460 = tpu.vector_load_idx %arg14[%shift_right_arithmetic3A_456, %and3A_459] : memref<128x128xf32, #tpu.memory_space<vmem>>[vector<16xi32>, vector<16xi32>], vector<16xf32>,
      %gather3A_461 = tpu.vector_load_idx %arg15[%shift_right_arithmetic3A_456, %and3A_459] : memref<128x128xf32, #tpu.memory_space<vmem>>[vector<16xi32>, vector<16xi32>], vector<16xf32>,
      %mul3A_462 = arith.mulf %gather3A_460, %gather3A_461 : vector<16xf32>
      %add3A_463 = arith.addf %add3A_450, %mul3A_462 : vector<16xf32>
      %add3A_464 = arith.constant 14 : i32
      %add3A_465 = vector.broadcast %add3A_464 : i32 to vector<16xi32>
      %add3A_466 = arith.addi %mul3A_277, %add3A_465 : vector<16xi32>
      %shift_right_arithmetic3A_467 = arith.constant 7 : i32
      %shift_right_arithmetic3A_468 = vector.broadcast %shift_right_arithmetic3A_467 : i32 to vector<16xi32>
      %shift_right_arithmetic3A_469 = arith.shrsi %add3A_466, %shift_right_arithmetic3A_468 : vector<16xi32>
      %and3A_470 = arith.constant 127 : i32
      %and3A_471 = vector.broadcast %and3A_470 : i32 to vector<16xi32>
      %and3A_472 = arith.andi %add3A_466, %and3A_471 : vector<16xi32>
      %gather3A_473 = tpu.vector_load_idx %arg14[%shift_right_arithmetic3A_469, %and3A_472] : memref<128x128xf32, #tpu.memory_space<vmem>>[vector<16xi32>, vector<16xi32>], vector<16xf32>,
      %gather3A_474 = tpu.vector_load_idx %arg15[%shift_right_arithmetic3A_469, %and3A_472] : memref<128x128xf32, #tpu.memory_space<vmem>>[vector<16xi32>, vector<16xi32>], vector<16xf32>,
      %mul3A_475 = arith.mulf %gather3A_473, %gather3A_474 : vector<16xf32>
      %add3A_476 = arith.addf %add3A_463, %mul3A_475 : vector<16xf32>
      %add3A_477 = arith.constant 15 : i32
      %add3A_478 = vector.broadcast %add3A_477 : i32 to vector<16xi32>
      %add3A_479 = arith.addi %mul3A_277, %add3A_478 : vector<16xi32>
      %shift_right_arithmetic3A_480 = arith.constant 7 : i32
      %shift_right_arithmetic3A_481 = vector.broadcast %shift_right_arithmetic3A_480 : i32 to vector<16xi32>
      %shift_right_arithmetic3A_482 = arith.shrsi %add3A_479, %shift_right_arithmetic3A_481 : vector<16xi32>
      %and3A_483 = arith.constant 127 : i32
      %and3A_484 = vector.broadcast %and3A_483 : i32 to vector<16xi32>
      %and3A_485 = arith.andi %add3A_479, %and3A_484 : vector<16xi32>
      %gather3A_486 = tpu.vector_load_idx %arg14[%shift_right_arithmetic3A_482, %and3A_485] : memref<128x128xf32, #tpu.memory_space<vmem>>[vector<16xi32>, vector<16xi32>], vector<16xf32>,
      %gather3A_487 = tpu.vector_load_idx %arg15[%shift_right_arithmetic3A_482, %and3A_485] : memref<128x128xf32, #tpu.memory_space<vmem>>[vector<16xi32>, vector<16xi32>], vector<16xf32>,
      %mul3A_488 = arith.mulf %gather3A_486, %gather3A_487 : vector<16xf32>
      %add3A_489 = arith.addf %add3A_476, %mul3A_488 : vector<16xf32>
      %add3A_490 = arith.constant 16 : i32
      %add3A_491 = vector.broadcast %add3A_490 : i32 to vector<16xi32>
      %add3A_492 = arith.addi %mul3A_277, %add3A_491 : vector<16xi32>
      %shift_right_arithmetic3A_493 = arith.constant 7 : i32
      %shift_right_arithmetic3A_494 = vector.broadcast %shift_right_arithmetic3A_493 : i32 to vector<16xi32>
      %shift_right_arithmetic3A_495 = arith.shrsi %add3A_492, %shift_right_arithmetic3A_494 : vector<16xi32>
      %and3A_496 = arith.constant 127 : i32
      %and3A_497 = vector.broadcast %and3A_496 : i32 to vector<16xi32>
      %and3A_498 = arith.andi %add3A_492, %and3A_497 : vector<16xi32>
      %gather3A_499 = tpu.vector_load_idx %arg14[%shift_right_arithmetic3A_495, %and3A_498] : memref<128x128xf32, #tpu.memory_space<vmem>>[vector<16xi32>, vector<16xi32>], vector<16xf32>,
      %gather3A_500 = tpu.vector_load_idx %arg15[%shift_right_arithmetic3A_495, %and3A_498] : memref<128x128xf32, #tpu.memory_space<vmem>>[vector<16xi32>, vector<16xi32>], vector<16xf32>,
      %mul3A_501 = arith.mulf %gather3A_499, %gather3A_500 : vector<16xf32>
      %add3A_502 = arith.addf %add3A_489, %mul3A_501 : vector<16xf32>
      %add3A_503 = arith.constant 17 : i32
      %add3A_504 = vector.broadcast %add3A_503 : i32 to vector<16xi32>
      %add3A_505 = arith.addi %mul3A_277, %add3A_504 : vector<16xi32>
      %shift_right_arithmetic3A_506 = arith.constant 7 : i32
      %shift_right_arithmetic3A_507 = vector.broadcast %shift_right_arithmetic3A_506 : i32 to vector<16xi32>
      %shift_right_arithmetic3A_508 = arith.shrsi %add3A_505, %shift_right_arithmetic3A_507 : vector<16xi32>
      %and3A_509 = arith.constant 127 : i32
      %and3A_510 = vector.broadcast %and3A_509 : i32 to vector<16xi32>
      %and3A_511 = arith.andi %add3A_505, %and3A_510 : vector<16xi32>
      %gather3A_512 = tpu.vector_load_idx %arg14[%shift_right_arithmetic3A_508, %and3A_511] : memref<128x128xf32, #tpu.memory_space<vmem>>[vector<16xi32>, vector<16xi32>], vector<16xf32>,
      %gather3A_513 = tpu.vector_load_idx %arg15[%shift_right_arithmetic3A_508, %and3A_511] : memref<128x128xf32, #tpu.memory_space<vmem>>[vector<16xi32>, vector<16xi32>], vector<16xf32>,
      %mul3A_514 = arith.mulf %gather3A_512, %gather3A_513 : vector<16xf32>
      %add3A_515 = arith.addf %add3A_502, %mul3A_514 : vector<16xf32>
      %add3A_516 = arith.constant 18 : i32
      %add3A_517 = vector.broadcast %add3A_516 : i32 to vector<16xi32>
      %add3A_518 = arith.addi %mul3A_277, %add3A_517 : vector<16xi32>
      %shift_right_arithmetic3A_519 = arith.constant 7 : i32
      %shift_right_arithmetic3A_520 = vector.broadcast %shift_right_arithmetic3A_519 : i32 to vector<16xi32>
      %shift_right_arithmetic3A_521 = arith.shrsi %add3A_518, %shift_right_arithmetic3A_520 : vector<16xi32>
      %and3A_522 = arith.constant 127 : i32
      %and3A_523 = vector.broadcast %and3A_522 : i32 to vector<16xi32>
      %and3A_524 = arith.andi %add3A_518, %and3A_523 : vector<16xi32>
      %gather3A_525 = tpu.vector_load_idx %arg14[%shift_right_arithmetic3A_521, %and3A_524] : memref<128x128xf32, #tpu.memory_space<vmem>>[vector<16xi32>, vector<16xi32>], vector<16xf32>,
      %gather3A_526 = tpu.vector_load_idx %arg15[%shift_right_arithmetic3A_521, %and3A_524] : memref<128x128xf32, #tpu.memory_space<vmem>>[vector<16xi32>, vector<16xi32>], vector<16xf32>,
      %mul3A_527 = arith.mulf %gather3A_525, %gather3A_526 : vector<16xf32>
      %add3A_528 = arith.addf %add3A_515, %mul3A_527 : vector<16xf32>
      %add3A_529 = arith.constant 19 : i32
      %add3A_530 = vector.broadcast %add3A_529 : i32 to vector<16xi32>
      %add3A_531 = arith.addi %mul3A_277, %add3A_530 : vector<16xi32>
      %shift_right_arithmetic3A_532 = arith.constant 7 : i32
      %shift_right_arithmetic3A_533 = vector.broadcast %shift_right_arithmetic3A_532 : i32 to vector<16xi32>
      %shift_right_arithmetic3A_534 = arith.shrsi %add3A_531, %shift_right_arithmetic3A_533 : vector<16xi32>
      %and3A_535 = arith.constant 127 : i32
      %and3A_536 = vector.broadcast %and3A_535 : i32 to vector<16xi32>
      %and3A_537 = arith.andi %add3A_531, %and3A_536 : vector<16xi32>
      %gather3A_538 = tpu.vector_load_idx %arg14[%shift_right_arithmetic3A_534, %and3A_537] : memref<128x128xf32, #tpu.memory_space<vmem>>[vector<16xi32>, vector<16xi32>], vector<16xf32>,
      %gather3A_539 = tpu.vector_load_idx %arg15[%shift_right_arithmetic3A_534, %and3A_537] : memref<128x128xf32, #tpu.memory_space<vmem>>[vector<16xi32>, vector<16xi32>], vector<16xf32>,
      %mul3A_540 = arith.mulf %gather3A_538, %gather3A_539 : vector<16xf32>
      %add3A_541 = arith.addf %add3A_528, %mul3A_540 : vector<16xf32>
      %add3A_542 = arith.constant 20 : i32
      %add3A_543 = vector.broadcast %add3A_542 : i32 to vector<16xi32>
      %add3A_544 = arith.addi %mul3A_277, %add3A_543 : vector<16xi32>
      %shift_right_arithmetic3A_545 = arith.constant 7 : i32
      %shift_right_arithmetic3A_546 = vector.broadcast %shift_right_arithmetic3A_545 : i32 to vector<16xi32>
      %shift_right_arithmetic3A_547 = arith.shrsi %add3A_544, %shift_right_arithmetic3A_546 : vector<16xi32>
      %and3A_548 = arith.constant 127 : i32
      %and3A_549 = vector.broadcast %and3A_548 : i32 to vector<16xi32>
      %and3A_550 = arith.andi %add3A_544, %and3A_549 : vector<16xi32>
      %gather3A_551 = tpu.vector_load_idx %arg14[%shift_right_arithmetic3A_547, %and3A_550] : memref<128x128xf32, #tpu.memory_space<vmem>>[vector<16xi32>, vector<16xi32>], vector<16xf32>,
      %gather3A_552 = tpu.vector_load_idx %arg15[%shift_right_arithmetic3A_547, %and3A_550] : memref<128x128xf32, #tpu.memory_space<vmem>>[vector<16xi32>, vector<16xi32>], vector<16xf32>,
      %mul3A_553 = arith.mulf %gather3A_551, %gather3A_552 : vector<16xf32>
      %add3A_554 = arith.addf %add3A_541, %mul3A_553 : vector<16xf32>
      %add3A_555 = arith.constant 21 : i32
      %add3A_556 = vector.broadcast %add3A_555 : i32 to vector<16xi32>
      %add3A_557 = arith.addi %mul3A_277, %add3A_556 : vector<16xi32>
      %shift_right_arithmetic3A_558 = arith.constant 7 : i32
      %shift_right_arithmetic3A_559 = vector.broadcast %shift_right_arithmetic3A_558 : i32 to vector<16xi32>
      %shift_right_arithmetic3A_560 = arith.shrsi %add3A_557, %shift_right_arithmetic3A_559 : vector<16xi32>
      %and3A_561 = arith.constant 127 : i32
      %and3A_562 = vector.broadcast %and3A_561 : i32 to vector<16xi32>
      %and3A_563 = arith.andi %add3A_557, %and3A_562 : vector<16xi32>
      %gather3A_564 = tpu.vector_load_idx %arg14[%shift_right_arithmetic3A_560, %and3A_563] : memref<128x128xf32, #tpu.memory_space<vmem>>[vector<16xi32>, vector<16xi32>], vector<16xf32>,
      %gather3A_565 = tpu.vector_load_idx %arg15[%shift_right_arithmetic3A_560, %and3A_563] : memref<128x128xf32, #tpu.memory_space<vmem>>[vector<16xi32>, vector<16xi32>], vector<16xf32>,
      %mul3A_566 = arith.mulf %gather3A_564, %gather3A_565 : vector<16xf32>
      %add3A_567 = arith.addf %add3A_554, %mul3A_566 : vector<16xf32>
      %add3A_568 = arith.constant 22 : i32
      %add3A_569 = vector.broadcast %add3A_568 : i32 to vector<16xi32>
      %add3A_570 = arith.addi %mul3A_277, %add3A_569 : vector<16xi32>
      %shift_right_arithmetic3A_571 = arith.constant 7 : i32
      %shift_right_arithmetic3A_572 = vector.broadcast %shift_right_arithmetic3A_571 : i32 to vector<16xi32>
      %shift_right_arithmetic3A_573 = arith.shrsi %add3A_570, %shift_right_arithmetic3A_572 : vector<16xi32>
      %and3A_574 = arith.constant 127 : i32
      %and3A_575 = vector.broadcast %and3A_574 : i32 to vector<16xi32>
      %and3A_576 = arith.andi %add3A_570, %and3A_575 : vector<16xi32>
      %gather3A_577 = tpu.vector_load_idx %arg14[%shift_right_arithmetic3A_573, %and3A_576] : memref<128x128xf32, #tpu.memory_space<vmem>>[vector<16xi32>, vector<16xi32>], vector<16xf32>,
      %gather3A_578 = tpu.vector_load_idx %arg15[%shift_right_arithmetic3A_573, %and3A_576] : memref<128x128xf32, #tpu.memory_space<vmem>>[vector<16xi32>, vector<16xi32>], vector<16xf32>,
      %mul3A_579 = arith.mulf %gather3A_577, %gather3A_578 : vector<16xf32>
      %add3A_580 = arith.addf %add3A_567, %mul3A_579 : vector<16xf32>
      %add3A_581 = arith.constant 23 : i32
      %add3A_582 = vector.broadcast %add3A_581 : i32 to vector<16xi32>
      %add3A_583 = arith.addi %mul3A_277, %add3A_582 : vector<16xi32>
      %shift_right_arithmetic3A_584 = arith.constant 7 : i32
      %shift_right_arithmetic3A_585 = vector.broadcast %shift_right_arithmetic3A_584 : i32 to vector<16xi32>
      %shift_right_arithmetic3A_586 = arith.shrsi %add3A_583, %shift_right_arithmetic3A_585 : vector<16xi32>
      %and3A_587 = arith.constant 127 : i32
      %and3A_588 = vector.broadcast %and3A_587 : i32 to vector<16xi32>
      %and3A_589 = arith.andi %add3A_583, %and3A_588 : vector<16xi32>
      %gather3A_590 = tpu.vector_load_idx %arg14[%shift_right_arithmetic3A_586, %and3A_589] : memref<128x128xf32, #tpu.memory_space<vmem>>[vector<16xi32>, vector<16xi32>], vector<16xf32>,
      %gather3A_591 = tpu.vector_load_idx %arg15[%shift_right_arithmetic3A_586, %and3A_589] : memref<128x128xf32, #tpu.memory_space<vmem>>[vector<16xi32>, vector<16xi32>], vector<16xf32>,
      %mul3A_592 = arith.mulf %gather3A_590, %gather3A_591 : vector<16xf32>
      %add3A_593 = arith.addf %add3A_580, %mul3A_592 : vector<16xf32>
      %add3A_594 = arith.constant 24 : i32
      %add3A_595 = vector.broadcast %add3A_594 : i32 to vector<16xi32>
      %add3A_596 = arith.addi %mul3A_277, %add3A_595 : vector<16xi32>
      %shift_right_arithmetic3A_597 = arith.constant 7 : i32
      %shift_right_arithmetic3A_598 = vector.broadcast %shift_right_arithmetic3A_597 : i32 to vector<16xi32>
      %shift_right_arithmetic3A_599 = arith.shrsi %add3A_596, %shift_right_arithmetic3A_598 : vector<16xi32>
      %and3A_600 = arith.constant 127 : i32
      %and3A_601 = vector.broadcast %and3A_600 : i32 to vector<16xi32>
      %and3A_602 = arith.andi %add3A_596, %and3A_601 : vector<16xi32>
      %gather3A_603 = tpu.vector_load_idx %arg14[%shift_right_arithmetic3A_599, %and3A_602] : memref<128x128xf32, #tpu.memory_space<vmem>>[vector<16xi32>, vector<16xi32>], vector<16xf32>,
      %gather3A_604 = tpu.vector_load_idx %arg15[%shift_right_arithmetic3A_599, %and3A_602] : memref<128x128xf32, #tpu.memory_space<vmem>>[vector<16xi32>, vector<16xi32>], vector<16xf32>,
      %mul3A_605 = arith.mulf %gather3A_603, %gather3A_604 : vector<16xf32>
      %add3A_606 = arith.addf %add3A_593, %mul3A_605 : vector<16xf32>
      %add3A_607 = arith.constant 25 : i32
      %add3A_608 = vector.broadcast %add3A_607 : i32 to vector<16xi32>
      %add3A_609 = arith.addi %mul3A_277, %add3A_608 : vector<16xi32>
      %shift_right_arithmetic3A_610 = arith.constant 7 : i32
      %shift_right_arithmetic3A_611 = vector.broadcast %shift_right_arithmetic3A_610 : i32 to vector<16xi32>
      %shift_right_arithmetic3A_612 = arith.shrsi %add3A_609, %shift_right_arithmetic3A_611 : vector<16xi32>
      %and3A_613 = arith.constant 127 : i32
      %and3A_614 = vector.broadcast %and3A_613 : i32 to vector<16xi32>
      %and3A_615 = arith.andi %add3A_609, %and3A_614 : vector<16xi32>
      %gather3A_616 = tpu.vector_load_idx %arg14[%shift_right_arithmetic3A_612, %and3A_615] : memref<128x128xf32, #tpu.memory_space<vmem>>[vector<16xi32>, vector<16xi32>], vector<16xf32>,
      %gather3A_617 = tpu.vector_load_idx %arg15[%shift_right_arithmetic3A_612, %and3A_615] : memref<128x128xf32, #tpu.memory_space<vmem>>[vector<16xi32>, vector<16xi32>], vector<16xf32>,
      %mul3A_618 = arith.mulf %gather3A_616, %gather3A_617 : vector<16xf32>
      %add3A_619 = arith.addf %add3A_606, %mul3A_618 : vector<16xf32>
      %add3A_620 = arith.constant 26 : i32
      %add3A_621 = vector.broadcast %add3A_620 : i32 to vector<16xi32>
      %add3A_622 = arith.addi %mul3A_277, %add3A_621 : vector<16xi32>
      %shift_right_arithmetic3A_623 = arith.constant 7 : i32
      %shift_right_arithmetic3A_624 = vector.broadcast %shift_right_arithmetic3A_623 : i32 to vector<16xi32>
      %shift_right_arithmetic3A_625 = arith.shrsi %add3A_622, %shift_right_arithmetic3A_624 : vector<16xi32>
      %and3A_626 = arith.constant 127 : i32
      %and3A_627 = vector.broadcast %and3A_626 : i32 to vector<16xi32>
      %and3A_628 = arith.andi %add3A_622, %and3A_627 : vector<16xi32>
      %gather3A_629 = tpu.vector_load_idx %arg14[%shift_right_arithmetic3A_625, %and3A_628] : memref<128x128xf32, #tpu.memory_space<vmem>>[vector<16xi32>, vector<16xi32>], vector<16xf32>,
      %gather3A_630 = tpu.vector_load_idx %arg15[%shift_right_arithmetic3A_625, %and3A_628] : memref<128x128xf32, #tpu.memory_space<vmem>>[vector<16xi32>, vector<16xi32>], vector<16xf32>,
      %mul3A_631 = arith.mulf %gather3A_629, %gather3A_630 : vector<16xf32>
      %add3A_632 = arith.addf %add3A_619, %mul3A_631 : vector<16xf32>
      %add3A_633 = arith.constant 27 : i32
      %add3A_634 = vector.broadcast %add3A_633 : i32 to vector<16xi32>
      %add3A_635 = arith.addi %mul3A_277, %add3A_634 : vector<16xi32>
      %shift_right_arithmetic3A_636 = arith.constant 7 : i32
      %shift_right_arithmetic3A_637 = vector.broadcast %shift_right_arithmetic3A_636 : i32 to vector<16xi32>
      %shift_right_arithmetic3A_638 = arith.shrsi %add3A_635, %shift_right_arithmetic3A_637 : vector<16xi32>
      %and3A_639 = arith.constant 127 : i32
      %and3A_640 = vector.broadcast %and3A_639 : i32 to vector<16xi32>
      %and3A_641 = arith.andi %add3A_635, %and3A_640 : vector<16xi32>
      %gather3A_642 = tpu.vector_load_idx %arg14[%shift_right_arithmetic3A_638, %and3A_641] : memref<128x128xf32, #tpu.memory_space<vmem>>[vector<16xi32>, vector<16xi32>], vector<16xf32>,
      %gather3A_643 = tpu.vector_load_idx %arg15[%shift_right_arithmetic3A_638, %and3A_641] : memref<128x128xf32, #tpu.memory_space<vmem>>[vector<16xi32>, vector<16xi32>], vector<16xf32>,
      %mul3A_644 = arith.mulf %gather3A_642, %gather3A_643 : vector<16xf32>
      %add3A_645 = arith.addf %add3A_632, %mul3A_644 : vector<16xf32>
      %add3A_646 = arith.constant 28 : i32
      %add3A_647 = vector.broadcast %add3A_646 : i32 to vector<16xi32>
      %add3A_648 = arith.addi %mul3A_277, %add3A_647 : vector<16xi32>
      %shift_right_arithmetic3A_649 = arith.constant 7 : i32
      %shift_right_arithmetic3A_650 = vector.broadcast %shift_right_arithmetic3A_649 : i32 to vector<16xi32>
      %shift_right_arithmetic3A_651 = arith.shrsi %add3A_648, %shift_right_arithmetic3A_650 : vector<16xi32>
      %and3A_652 = arith.constant 127 : i32
      %and3A_653 = vector.broadcast %and3A_652 : i32 to vector<16xi32>
      %and3A_654 = arith.andi %add3A_648, %and3A_653 : vector<16xi32>
      %gather3A_655 = tpu.vector_load_idx %arg14[%shift_right_arithmetic3A_651, %and3A_654] : memref<128x128xf32, #tpu.memory_space<vmem>>[vector<16xi32>, vector<16xi32>], vector<16xf32>,
      %gather3A_656 = tpu.vector_load_idx %arg15[%shift_right_arithmetic3A_651, %and3A_654] : memref<128x128xf32, #tpu.memory_space<vmem>>[vector<16xi32>, vector<16xi32>], vector<16xf32>,
      %mul3A_657 = arith.mulf %gather3A_655, %gather3A_656 : vector<16xf32>
      %add3A_658 = arith.addf %add3A_645, %mul3A_657 : vector<16xf32>
      %add3A_659 = arith.constant 29 : i32
      %add3A_660 = vector.broadcast %add3A_659 : i32 to vector<16xi32>
      %add3A_661 = arith.addi %mul3A_277, %add3A_660 : vector<16xi32>
      %shift_right_arithmetic3A_662 = arith.constant 7 : i32
      %shift_right_arithmetic3A_663 = vector.broadcast %shift_right_arithmetic3A_662 : i32 to vector<16xi32>
      %shift_right_arithmetic3A_664 = arith.shrsi %add3A_661, %shift_right_arithmetic3A_663 : vector<16xi32>
      %and3A_665 = arith.constant 127 : i32
      %and3A_666 = vector.broadcast %and3A_665 : i32 to vector<16xi32>
      %and3A_667 = arith.andi %add3A_661, %and3A_666 : vector<16xi32>
      %gather3A_668 = tpu.vector_load_idx %arg14[%shift_right_arithmetic3A_664, %and3A_667] : memref<128x128xf32, #tpu.memory_space<vmem>>[vector<16xi32>, vector<16xi32>], vector<16xf32>,
      %gather3A_669 = tpu.vector_load_idx %arg15[%shift_right_arithmetic3A_664, %and3A_667] : memref<128x128xf32, #tpu.memory_space<vmem>>[vector<16xi32>, vector<16xi32>], vector<16xf32>,
      %mul3A_670 = arith.mulf %gather3A_668, %gather3A_669 : vector<16xf32>
      %add3A_671 = arith.addf %add3A_658, %mul3A_670 : vector<16xf32>
      %add3A_672 = arith.constant 30 : i32
      %add3A_673 = vector.broadcast %add3A_672 : i32 to vector<16xi32>
      %add3A_674 = arith.addi %mul3A_277, %add3A_673 : vector<16xi32>
      %shift_right_arithmetic3A_675 = arith.constant 7 : i32
      %shift_right_arithmetic3A_676 = vector.broadcast %shift_right_arithmetic3A_675 : i32 to vector<16xi32>
      %shift_right_arithmetic3A_677 = arith.shrsi %add3A_674, %shift_right_arithmetic3A_676 : vector<16xi32>
      %and3A_678 = arith.constant 127 : i32
      %and3A_679 = vector.broadcast %and3A_678 : i32 to vector<16xi32>
      %and3A_680 = arith.andi %add3A_674, %and3A_679 : vector<16xi32>
      %gather3A_681 = tpu.vector_load_idx %arg14[%shift_right_arithmetic3A_677, %and3A_680] : memref<128x128xf32, #tpu.memory_space<vmem>>[vector<16xi32>, vector<16xi32>], vector<16xf32>,
      %gather3A_682 = tpu.vector_load_idx %arg15[%shift_right_arithmetic3A_677, %and3A_680] : memref<128x128xf32, #tpu.memory_space<vmem>>[vector<16xi32>, vector<16xi32>], vector<16xf32>,
      %mul3A_683 = arith.mulf %gather3A_681, %gather3A_682 : vector<16xf32>
      %add3A_684 = arith.addf %add3A_671, %mul3A_683 : vector<16xf32>
      %add3A_685 = arith.constant 31 : i32
      %add3A_686 = vector.broadcast %add3A_685 : i32 to vector<16xi32>
      %add3A_687 = arith.addi %mul3A_277, %add3A_686 : vector<16xi32>
      %shift_right_arithmetic3A_688 = arith.constant 7 : i32
      %shift_right_arithmetic3A_689 = vector.broadcast %shift_right_arithmetic3A_688 : i32 to vector<16xi32>
      %shift_right_arithmetic3A_690 = arith.shrsi %add3A_687, %shift_right_arithmetic3A_689 : vector<16xi32>
      %and3A_691 = arith.constant 127 : i32
      %and3A_692 = vector.broadcast %and3A_691 : i32 to vector<16xi32>
      %and3A_693 = arith.andi %add3A_687, %and3A_692 : vector<16xi32>
      %gather3A_694 = tpu.vector_load_idx %arg14[%shift_right_arithmetic3A_690, %and3A_693] : memref<128x128xf32, #tpu.memory_space<vmem>>[vector<16xi32>, vector<16xi32>], vector<16xf32>,
      %gather3A_695 = tpu.vector_load_idx %arg15[%shift_right_arithmetic3A_690, %and3A_693] : memref<128x128xf32, #tpu.memory_space<vmem>>[vector<16xi32>, vector<16xi32>], vector<16xf32>,
      %mul3A_696 = arith.mulf %gather3A_694, %gather3A_695 : vector<16xf32>
      %add3A_697 = arith.addf %add3A_684, %mul3A_696 : vector<16xf32>
      %swap3A = arith.index_cast %mul3A_272 : i32 to index
      %swap3A_698 = tpu.vector_load %arg18[%swap3A] {strides = array<i32>} : memref<512xf32, #tpu.memory_space<vmem>>, vector<16xf32>,
      tpu.vector_store %arg18[%swap3A], %add3A_697 {strides = array<i32>} : memref<512xf32, #tpu.memory_space<vmem>>, vector<16xf32>,
    }
    %scan3A_269 = arith.constant 32 : i32
    "tpu.region"() ({
      %run_scoped3A = tpu.sem_alloc : memref<!tpu.dma_semaphore, #tpu.memory_space<semaphore_mem>>
      %dma_start3A_270 = tpu.memref_slice %arg9[%mul3A_2] : memref<16384xf32, #tpu.memory_space<hbm>> -> memref<512xf32, #tpu.memory_space<hbm>>
      %dma_start3A_271 = tpu.memref_slice %arg9[%mul3A_2] : memref<16384xf32, #tpu.memory_space<hbm>> -> memref<512xf32, #tpu.memory_space<hbm>>
      tpu.enqueue_dma source(%arg18 : memref<512xf32, #tpu.memory_space<vmem>>) target(%dma_start3A_271 : memref<512xf32, #tpu.memory_space<hbm>>) target_semaphore(%run_scoped3A : memref<!tpu.dma_semaphore, #tpu.memory_space<semaphore_mem>>)
      %dma_wait3A_272 = tpu.memref_slice %arg9[%mul3A_2] : memref<16384xf32, #tpu.memory_space<hbm>> -> memref<512xf32, #tpu.memory_space<hbm>>
      %dma_wait3A_273 = tpu.memref_slice %arg9[%mul3A_2] : memref<16384xf32, #tpu.memory_space<hbm>> -> memref<512xf32, #tpu.memory_space<hbm>>
      tpu.wait_dma2 semaphore(%run_scoped3A : memref<!tpu.dma_semaphore, #tpu.memory_space<semaphore_mem>>) src(%arg18 : memref<512xf32, #tpu.memory_space<vmem>>) dst(%dma_wait3A_273 : memref<512xf32, #tpu.memory_space<hbm>>)
      tpu.yield
    }) : () -> ()
    return
  }
}

</mosaic_0001>

<sc_bundles>
// kernel: kernel.3.cloned.1.call-start
scs
__scs_entry_jumppad:
0x0: {  	(pc) =	sbr.rel $0x88, $3  }
0x1: {  	(tag) =	ssettag $0x0;
	lr =	simm.s32 $0x1  }
0x2: {  	[smem:$0x3F9A] =	sst lr;
	_ =	strace $0xD0000000  }
0x3: {  	_ = 	snop  }
0x4: {  	_ = 	snop  }
0x5: {  	_ = 	snop  }
0x6: {  	_ = 	snop  }
0x7: {  	_ = 	snop  }
__scs_overlays_trampoline_lowered:
0x8: {  	[smem:$0x3FA9] =	sst s0  }
0x9: {  	[smem:$0x3FAA] =	sst s1  }
0xa: {  	[smem:$0x3FAB] =	sst s2  }
0xb: {  	[smem:$0x3FAC] =	sst s3  }
0xc: {  	[smem:$0x3FAD] =	sst s4  }
0xd: {  	[smem:$0x3FAE] =	sst s5  }
0xe: {  	[smem:$0x3FAF] =	sst s6  }
0xf: {  	[smem:$0x3FB0] =	sst s7  }
0x10: {  	[smem:$0x3FB1] =	sst s8  }
0x11: {  	[smem:$0x3FB2] =	sst s9;
	s0 =	simm.s32 @!p0 $0x0  }
0x12: {  	s1 =	sld [smem:$0x3F98];
	s0 =	simm.s32 @p0 $0x1  }
0x13: {  	[smem:$0x3FB3] =	sst s0;
	s0 =	simm.s32 @!p1 $0x0  }
0x14: {  	s2 =	sld [smem:$0x3F97];
	s0 =	simm.s32 @p1 $0x1  }
0x15: {  	[smem:$0x3FB4] =	sst s0;
	s0 =	simm.s32 @!p2 $0x0  }
0x16: {  	s3 =	sld [smem:$0x3FDB];
	s0 =	simm.s32 @p2 $0x1  }
0x17: {  	s4 =	simm.s32 $0x1BF5;
	[smem:$0x3FB6] =	sst s0  }
0x18: {  	s0 =	sld [smem:$0x3F99];
	_ =	swait.ge [sflag:s4], $0x0  }
0x19: {  	s7 =	sld [smem:$0x3F9A]  }
0x1a: {  	s8 =	sadd.s32 $0xFFFFE003, lr  }
0x1b: {  	s9 =	sadd.s32 $0xFFFFFEF7, lr;
	s5 =	simm.s32 $0xFFFFFFFF;
	p2 =	slt.u32 s8, $0xFFFFF086  }
0x1c: {  	p1 =	slt.u32 s9, $0xF7A;
	s5 =	simm.s32 @!p2 $0x0  }
0x1d: {  	s5 =	simm.s32 @p1 $0x1;
	p0 =	seq.s32 s7, s2  }
0x1e: {  	s7 =	smul.u32 @!p0 $0xF7A, s2;
	p2 =	seq.s32 @!p0 s5, $0x0  }
0x1f: {  	s9 =	smul.u32 $0xF7A, s1;
	s8 =	simm.s32 @!p0 $0x1BF5;
	p2 =	por !p2, p0  }
0x20: {  	[sflag:s8] =	ssyncset.s32 @!p0 $0xFFFFF086;
	s6 =	sadd.s32 @!p0 s3, s7;
	s7 =	simm.s32 @!p0 $0x108  }
0x21: {  	s3 =	sadd.s32 s3, s9;
	s6 =	sadd.s32 @!p0 $0x88, s6;
	s7 =	simm.s32 @p2 $0x1082  }
0x22: {  	[simem:s7], [sflag:s8] =	dma.local @!p0 [hbm:s6], $0xF7A  }
0x23: {  	s9 =	sor.u32 $0xD0000000, s2;
	s6 =	simm.s32 $0x108;
	_ =	swait.ge @!p0 [sflag:s8], $0x0  }
0x24: {  	s3 =	sadd.s32 $0x88, s3;
	s6 =	simm.s32 @!p1 $0x1082;
	[sflag:s4] =	ssyncset.s32 $0xFFFFF086  }
0x25: {  	[simem:s6], [sflag:s4] =	dma.local [hbm:s3], $0xF7A  }
0x26: {  	[smem:$0x3F9A] =	sst s1;
	(tag) =	ssettag s2;
	_ =	strace s9  }
0x27: {  	s1 =	sld [smem:$0x3FAA]  }
0x28: {  	s2 =	sld [smem:$0x3FAB]  }
0x29: {  	s4 =	sld [smem:$0x3FAD]  }
0x2a: {  	p0 =	seq.s32 s5, $0x0;
	s5 =	sld [smem:$0x3FAE]  }
0x2b: {  	s6 =	sld [smem:$0x3FAF]  }
0x2c: {  	s7 =	sld [smem:$0x3FB0]  }
0x2d: {  	s3 =	simm.s32 $0x108;
	s8 =	sld [smem:$0x3FB1]  }
0x2e: {  	s3 =	simm.s32 @!p0 $0x1082;
	s9 =	sld [smem:$0x3FB2]  }
0x2f: {  	lr =	sadd.s32 s0, s3;
	s0 =	sld [smem:$0x3FA9]  }
0x30: {  	s3 =	sld [smem:$0x3FAC]  }
0x31: {  	[smem:$0x3FB5] =	sst s10  }
0x32: {  	s10 =	sld [smem:$0x3FB3];
	_ =	sdelay $0x3  }
0x33: {  	p0 =	seq.s32 s10, $0x1;
	s10 =	sld [smem:$0x3FB5];
	_ =	sdelay $0x3  }
0x34: {  	[smem:$0x3FB5] =	sst s10  }
0x35: {  	s10 =	sld [smem:$0x3FB4];
	_ =	sdelay $0x3  }
0x36: {  	p1 =	seq.s32 s10, $0x1;
	s10 =	sld [smem:$0x3FB5];
	_ =	sdelay $0x3  }
0x37: {  	[smem:$0x3FB5] =	sst s10  }
0x38: {  	s10 =	sld [smem:$0x3FB6]  }
0x39: {  	_ = 	snop;
	(pc) =	sbr.ind lr, $3  }
0x3a: {  	_ = 	snop  }
0x3b: {  	_ = 	snop  }
0x3c: {  	p2 =	seq.s32 s10, $0x1;
	s10 =	sld [smem:$0x3FB5]  }
0x3d: {  	_ =	shalt  }
0x3e: {  	_ =	shalt  }
0x3f: {  	_ =	shalt  }
0x40: {  	_ =	shalt  }
0x41: {  	_ =	shalt  }
0x42: {  	_ =	shalt  }
0x43: {  	_ =	shalt  }
0x44: {  	_ =	shalt  }
0x45: {  	_ =	shalt  }
0x46: {  	_ =	shalt  }
0x47: {  	_ =	shalt  }
0x48: {  	_ =	shalt  }
0x49: {  	_ =	shalt  }
0x4a: {  	_ =	shalt  }
0x4b: {  	_ =	shalt  }
0x4c: {  	_ =	shalt  }
0x4d: {  	_ =	shalt  }
0x4e: {  	_ =	shalt  }
0x4f: {  	_ =	shalt  }
0x50: {  	_ =	shalt  }
0x51: {  	_ =	shalt  }
0x52: {  	_ =	shalt  }
0x53: {  	_ =	shalt  }
0x54: {  	_ =	shalt  }
0x55: {  	_ =	shalt  }
0x56: {  	_ =	shalt  }
0x57: {  	_ =	shalt  }
0x58: {  	_ =	shalt  }
0x59: {  	_ =	shalt  }
0x5a: {  	_ =	shalt  }
0x5b: {  	_ =	shalt  }
0x5c: {  	_ =	shalt  }
0x5d: {  	_ =	shalt  }
0x5e: {  	_ =	shalt  }
0x5f: {  	_ =	shalt  }
0x60: {  	_ =	shalt  }
0x61: {  	_ =	shalt  }
0x62: {  	_ =	shalt  }
0x63: {  	_ =	shalt  }
0x64: {  	_ =	shalt  }
0x65: {  	_ =	shalt  }
0x66: {  	_ =	shalt  }
0x67: {  	_ =	shalt  }
0x68: {  	_ =	shalt  }
0x69: {  	_ =	shalt  }
0x6a: {  	_ =	shalt  }
0x6b: {  	_ =	shalt  }
0x6c: {  	_ =	shalt  }
0x6d: {  	_ =	shalt  }
0x6e: {  	_ =	shalt  }
0x6f: {  	_ =	shalt  }
0x70: {  	_ =	shalt  }
0x71: {  	_ =	shalt  }
0x72: {  	_ =	shalt  }
0x73: {  	_ =	shalt  }
0x74: {  	_ =	shalt  }
0x75: {  	_ =	shalt  }
0x76: {  	_ =	shalt  }
0x77: {  	_ =	shalt  }
0x78: {  	_ =	shalt  }
0x79: {  	_ =	shalt  }
0x7a: {  	_ =	shalt  }
0x7b: {  	_ =	shalt  }
0x7c: {  	_ =	shalt  }
0x7d: {  	_ =	shalt  }
0x7e: {  	_ =	shalt  }
0x7f: {  	_ =	shalt  }
0x80: {  	_ =	shalt  }
0x81: {  	_ =	shalt  }
0x82: {  	_ =	shalt  }
0x83: {  	_ =	shalt  }
0x84: {  	_ =	shalt  }
0x85: {  	_ =	shalt  }
0x86: {  	_ =	shalt  }
0x87: {  	_ =	shalt  }
.Lfunc_end0:
.L_simem_size_0:
called_computation_lowered:
.L_overlay_start_0:
0x88: {  	s2 =	sld [smem:$0x3FD9]  }
0x89: {  	s3 =	sld [smem:$0x3FFE];
	_ =	sdelay $0x1  }
0x8a: {  	s1 =	srdreg.scid  }
0x8b: {  	s0 =	sand.u32 $0x1, s1  }
0x8c: {  	s17 =	sshll.u32 s0, $0xA;
	s2 =	sadd.s32 s3, s2  }
0x8d: {  	s2 =	sadd.s32 s2, s17  }
0x8e: {  	[smem:$0x3FC1] =	sst s2  }
0x8f: {  	_ = 	snop  }
0x90: {  	s2 =	sld [smem:$0x3FC9]  }
0x91: {  	s18 =	sld [smem:$0x3FC8]  }
0x92: {  	s4 =	sld [smem:$0x3FC7]  }
0x93: {  	s5 =	sld [smem:$0x3FC6]  }
0x94: {  	s6 =	sld [smem:$0x3FC5]  }
0x95: {  	s7 =	sld [smem:$0x3FC4]  }
0x96: {  	s8 =	sld [smem:$0x3FD0];
	(tm) =	ssettm $0x1  }
0x97: {  	s9 =	sld [smem:$0x3FFB];
	_ =	sdelay $0x3  }
0x98: {  	_ =	strace s9  }
0x99: {  	s9 =	sld [smem:$0x3FFC];
	_ =	sdelay $0x3  }
0x9a: {  	_ =	strace s9  }
0x9b: {  	s9 =	sld [smem:$0x3FFD];
	_ =	sdelay $0x3  }
0x9c: {  	_ =	strace s9  }
0x9d: {  	_ =	strace $0x8FFFFFFF  }
0x9e: {  	s19 =	sld [smem:$0x3FDB];
	_ =	sdelay $0x1  }
0x9f: {  	s10 =	simm.s32 $_scs_section_size  }
0xa0: {  	s11 =	simm.s32 $_size__tile_overlayer_lowered;
	s12 =	simm.s32 $_tile_overlayer_lowered  }
0xa1: {  	s22 =	simm.s32 $0x1BFF;
	s21 =	sshll.u32 s12, $0x1;
	s9 =	sadd.s32 s10, s19  }
0xa2: {  	s13 =	simm.s32 $0x0;
	s20 =	sshll.u32 s11, $0x1;
	s11 =	sadd.s32 s21, s9  }
0xa3: {  	[timem:s13], [sflag:s22] =	dma.local [hbm:s11], s20  }
0xa4: {  	_ =	swait.ge [sflag:s22], s20  }
0xa5: {  	s10 =	ssub.s32 $0x0, s20;
	[sflag:s22] =	ssyncset.done $0x0  }
0xa6: {  	[sflag:s22] =	ssyncadd.s32 s10;
	_ =	sdelay $0x1  }
0xa7: {  	s23 =	simm.s32 $0x1B8B  }
0xa8: {  	_ =	swait.ge [sflag:s23], $0x1  }
0xa9: {  	[sflag:s23] =	ssyncset.done $0x0  }
0xaa: {  	s25 =	simm.s32 $0x1B8E;
	s24 =	sld [smem:$0x3FFE];
	[sflag:s23] =	ssyncadd.s32 $0xFFFFFFFF  }
0xab: {  	s26 =	simm.s32 $execute0_lowered;
	[smem:$0x3FD2] =	sst s25  }
0xac: {  	s11 =	sshll.u32 s26, $0x1;
	_ =	strace $0x80000046;
	[dreg:$0x1] =	wrdreg $0xFFFFFFFF  }
0xad: {  	s28 =	simm.s32 $_size_execute0_lowered;
	s9 =	sadd.s32 s9, s11;
	[dreg:$0x0] =	wrdreg $0x0  }
0xae: {  	s11 =	sshll.u32 s28, $0x1;
	[dreg:$0x2] =	wrdreg s9  }
0xaf: {  	[dreg:$0x3] =	wrdreg s11  }
0xb0: {  	[dreg:$0x4] =	wrdreg $0xC0  }
0xb1: {  	_ =	task [dreg:s13], $0x5FFFF  }
0xb2: {  	[dreg:$0x1] =	wrdreg $0xFFFFFFFF  }
0xb3: {  	[dreg:$0x0] =	wrdreg $0x60  }
0xb4: {  	[dreg:$0x2] =	wrdreg s2  }
0xb5: {  	[dreg:$0x3] =	wrdreg s18  }
0xb6: {  	[dreg:$0x4] =	wrdreg s4  }
0xb7: {  	[dreg:$0x5] =	wrdreg s5  }
0xb8: {  	[dreg:$0x6] =	wrdreg s6  }
0xb9: {  	[dreg:$0x7] =	wrdreg s7  }
0xba: {  	[dreg:$0x8] =	wrdreg s24  }
0xbb: {  	[dreg:$0x9] =	wrdreg s8  }
0xbc: {  	[dreg:$0xa] =	wrdreg $0x9  }
0xbd: {  	_ =	task.clear_ibuf [dreg:s13], $0xBFFFF;
	_ =	strace $0x90000046  }
0xbe: {  	s29 =	simm.s32 $0x9;
	_ =	strace $0x80000048  }
0xbf: {  	_ =	swait.ge [sflag:s29], $0x1  }
0xc0: {  	[sflag:s29] =	ssyncadd.s32 $0xFFFFFFFF  }
0xc1: {  	_ =	strace $0x90000048  }
0xc2: {  	_ =	sfence  }
0xc3: {  	s30 =	sld [smem:$0x0];
	_ =	sdelay $0x2  }
0xc4: {  	s31 =	sshll.u32 s1, $0xD;
	s1 =	sshrl.u32 s1, $0x2  }
0xc5: {  	s3 =	sand.u32 $0x4000, s31;
	s1 =	sadd.s32 s1, s30  }
0xc6: {  	s0 =	sor.u32 s3, s0;
	s1 =	sshll.u32 s1, $0x11  }
0xc7: {  	s0 =	sor.u32 s1, s0  }
0xc8: {  	s0 =	sadd.s32 $0x8F2B, s0  }
0xc9: {  	[sflag:s0] =	ssyncadd.remote.s32 $0x1  }
0xca: {  	_ =	sfence.sel $0xFFFF  }
0xcb: {  	[dreg:$0x0] =	wrdreg $0xFFFFFFFF;
	(pc) =	sbr.abs _section_cstart, $3  }
0xcc: {  	[dreg:$0x1] =	wrdreg $0xFFFFFFFF  }
0xcd: {  	_ =	task.clear_ibuf [dreg:s13], $0x2FFFF;
	_ =	strace $0x9FFFFFFF  }
0xce: {  	(tm) =	ssettm $0x7FFFFFFF  }
0xcf: {  	_ =	shalt  }
tec
execute0_lowered:
.L_overlay_start_1:
0x0: {  	(tag) =	ssettag $0x1  }
0x1: {  	s0 =	rddreg [dreg:$0x0]  }
0x2: {  	s3 =	rddreg [dreg:$0x1]  }
0x3: {  	s1 =	rddreg [dreg:$0x2]  }
0x4: {  	s2 =	rddreg [dreg:$0x3]  }
0x5: {  	s4 =	rddreg [dreg:$0x6]  }
0x6: {  	s5 =	rddreg [dreg:$0x7];
	s26 =	simm.s32 $0x0  }
0x7: {  	s6 =	srdreg.scid;
	s8 =	stileid.u32;
	s16 =	simm.s32 $0x7A1400  }
0x8: {  	s17 =	simm.s32 $0x400;
	s18 =	simm.s32 $0x8400;
	s28 =	simm.s32 $0x2400  }
0x9: {  	s29 =	simm.s32 $0xA400;
	s30 =	simm.s32 $0x3400;
	s13 =	simm.s32 $0x9  }
0xa: {  	s14 =	simm.s32 $0x2;
	s15 =	simm.s32 $0xA;
	s10 =	simm.s32 $0xC  }
0xb: {  	s11 =	simm.s32 $0x5;
	s12 =	simm.s32 $0x6;
	s19 =	simm.s32 $0xE  }
0xc: {  	s20 =	simm.s32 $0x7;
	s21 =	simm.s32 $0xF;
	s22 =	simm.s32 $0x8  }
0xd: {  	[smem:$0x7FF] =	sst s26;
	s6 =	sand.u32 $0x1, s6;
	s8 =	sshll.u32 s8, $0x7  }
0xe: {  	v16 =	vlaneseq.u32;
	s4 =	sadd.s32 $0x400, s4;
	s7 =	ssub.s32 $0x2, s6;
	s6 =	sshll.u32 s6, $0x6  }
0xf: {  	v0 =	vmul.u32 $0x80, v16;
	_ =	strace $0x80000047;
	[dreg:$0x9] =	wrdreg s4;
	s4 =	simm.s32 $0x0  }
0x10: {  	v16 =	vmul.u32 $0x20, v16;
	s9 =	sshrl.u32 s7, $0x1;
	s6 =	sor.u32 s6, s8;
	s8 =	simm.s32 $0xB  }
0x11: {  	v1 =	vor.u32 $0x800, v0;
	v2 =	vor.u32 $0x1000, v0;
	v3 =	vor.u32 $0x1800, v0;
	s23 =	ssub.s32 s7, s9;
	s0 =	sadd.s32 s0, s6;
	s24 =	sadd.s32 s3, s6  }
0x12: {  	v4 =	vor.u32 $0x2000, v0;
	v5 =	vor.u32 $0x2800, v0;
	v6 =	vor.u32 $0x3000, v0;
	s25 =	sadd.s32 s5, s6;
	s3 =	simm.s32 $0x12;
	[dreg:$0xa] =	wrdreg s0  }
0x13: {  	v7 =	vor.u32 $0x3800, v0;
	v8 =	vor.u32 $0x4000, v0;
	v9 =	vor.u32 $0x4800, v0;
	s7 =	simm.s32 $0x3;
	s9 =	simm.s32 $0x4;
	[dreg:$0xb] =	wrdreg s24  }
0x14: {  	v10 =	vor.u32 $0x5000, v0;
	v11 =	vor.u32 $0x5800, v0;
	v12 =	vor.u32 $0x6000, v0;
	s6 =	simm.s32 $0xD;
	[dreg:$0xc] =	wrdreg s25;
	s31 =	smax.u32 s23, $0x1  }
0x15: {  	v13 =	vor.u32 $0x6800, v0;
	v14 =	vor.u32 $0x7000, v0;
	v15 =	vor.u32 $0x7800, v0;
	s23 =	simm.s32 $0x10400;
	s24 =	simm.s32 $0x14400;
	[dreg:$0xd] =	wrdreg s31  }
.LBB2_1:
0x16: {  	[dreg:$0xe] =	wrdreg s4  }
0x17: {  	s0 =	rddreg [dreg:$0xa]  }
0x18: {  	[tilespmem:s26], [sflag:$0x12] =	stream.linear.gather [hbm4b:s0+s26], $0x200, $0x38;
	[tilespmem:$0x18A80] =	vst v63  }
0x19: {  	_ =	swait.ge [sflag:s3], $0x200  }
0x1a: {  	[sflag:s3] =	ssyncset.done $0x0  }
0x1b: {  	s25 =	simm.s32 $0x200;
	s5 =	rddreg [dreg:$0xb];
	[sflag:s3] =	ssyncadd.s32 $0xFFFFFE00  }
0x1c: {  	[tilespmem:s25], [sflag:$0x12] =	stream.linear.gather [hbm4b:s5+s26], $0x200, $0x38;
	[tilespmem:$0x18A80] =	vst v63  }
0x1d: {  	_ =	swait.ge [sflag:s3], $0x200  }
0x1e: {  	[sflag:s3] =	ssyncset.done $0x0  }
0x1f: {  	s5 =	simm.s32 $0x18A00;
	s31 =	rddreg [dreg:$0x9];
	[sflag:s3] =	ssyncadd.s32 $0xFFFFFE00  }
0x20: {  	[tilespmem:s5], [sflag:$0x12] =	stream.linear.gather [hbm4b:s31+s26], $0x80, $0x38;
	[tilespmem:$0x18A80] =	vst v63  }
0x21: {  	_ =	swait.ge [sflag:s3], $0x80  }
0x22: {  	[sflag:s3] =	ssyncset.done $0x0  }
0x23: {  	[sflag:s3] =	ssyncadd.s32 $0xFFFFFF80  }
0x24: {  	s4 =	simm.s32 $0x18400;
	s3 =	rddreg [dreg:$0x4]  }
0x25: {  	[tilespmem:s4], [sflag:$0x11] =	stream.indirect.gather [hbm4b:s3+s25], $0x1, s26, s25, $0xb8;
	[tilespmem:$0x18A80] =	vst v63  }
0x26: {  	s31 =	simm.s32 $0x18600;
	s26 =	rddreg [dreg:$0x5]  }
0x27: {  	[tilespmem:s31], [sflag:$0x11] =	stream.indirect.gather [hbm4b:s26+s25], $0x1, s25, s25, $0xb8;
	[tilespmem:$0x18A80] =	vst v63  }
0x28: {  	v17 =	vld [tilespmem:$0x0]  }
0x29: {  	v18 =	vld [tilespmem:$0x200];
	_ =	sdelay $0x3  }
0x2a: {  	v17 =	vshrl.u32 v17, $0x7  }
0x2b: {  	v18 =	vshrl.u32 v18, $0x7;
	v17 =	vshll.u32 v17, $0x7  }
0x2c: {  	v18 =	vshll.u32 v18, $0x7;
	(v2sf) =	vpush v17, $0x0  }
0x2d: {  	(v2sf) =	vpush v18, $0x0;
	_ =	sdelay $0x5  }
0x2e: {  	(v2sf) =	vpush v17, $0x1;
	_ =	sdelay $0x1  }
0x2f: {  	(v2sf) =	vpush v18, $0x1;
	_ =	sdelay $0x5  }
0x30: {  	s3 =	spop (v2sf);
	(v2sf) =	vpush v17, $0x2  }
0x31: {  	s4 =	spop (v2sf);
	(v2sf) =	vpush v18, $0x2;
	_ =	sdelay $0x4  }
0x32: {  	s0 =	sand.u32 $0x1FFFFF80, s3  }
0x33: {  	s0 =	sadd.s32 s1, s0;
	s26 =	spop (v2sf);
	(v2sf) =	vpush v17, $0x3  }
0x34: {  	[tilespmem:s17], [sflag:$0x1] =	stream.strided.gather [hbm4b:s0+s17], $0x1000, s16, s17, $0x38;
	[tilespmem:$0x18A80] =	vst v63  }
0x35: {  	s0 =	sand.u32 $0x1FFFFF80, s4;
	s4 =	spop (v2sf);
	(v2sf) =	vpush v18, $0x3  }
0x36: {  	s0 =	sadd.s32 s2, s0  }
0x37: {  	[tilespmem:s18], [sflag:$0x9] =	stream.strided.gather [hbm4b:s0+s17], $0x1000, s16, s17, $0x38;
	[tilespmem:$0x18A80] =	vst v63  }
0x38: {  	s0 =	sand.u32 $0x1FFFFF80, s26  }
0x39: {  	s31 =	simm.s32 $0x1400;
	s0 =	sadd.s32 s1, s0  }
0x3a: {  	[tilespmem:s31], [sflag:$0x2] =	stream.strided.gather [hbm4b:s0+s17], $0x1000, s16, s17, $0x38;
	[tilespmem:$0x18A80] =	vst v63  }
0x3b: {  	s0 =	sand.u32 $0x1FFFFF80, s4;
	s26 =	spop (v2sf);
	(v2sf) =	vpush v17, $0x4  }
0x3c: {  	s5 =	simm.s32 $0x9400;
	s0 =	sadd.s32 s2, s0;
	s31 =	spop (v2sf);
	(v2sf) =	vpush v18, $0x4  }
0x3d: {  	[tilespmem:s5], [sflag:$0xA] =	stream.strided.gather [hbm4b:s0+s17], $0x1000, s16, s17, $0x38;
	[tilespmem:$0x18A80] =	vst v63  }
0x3e: {  	s0 =	sand.u32 $0x1FFFFF80, s26;
	(v2sf) =	vpush v17, $0x5  }
0x3f: {  	s0 =	sadd.s32 s1, s0  }
0x40: {  	[tilespmem:s28], [sflag:$0x3] =	stream.strided.gather [hbm4b:s0+s17], $0x1000, s16, s17, $0x38;
	[tilespmem:$0x18A80] =	vst v63  }
0x41: {  	s0 =	sand.u32 $0x1FFFFF80, s31  }
0x42: {  	s3 =	spop (v2sf);
	s0 =	sadd.s32 s2, s0  }
0x43: {  	(v2sf) =	vpush v18, $0x5;
	[tilespmem:s29], [sflag:$0xB] =	stream.strided.gather [hbm4b:s0+s17], $0x1000, s16, s17, $0x38;
	[tilespmem:$0x18A80] =	vst v63  }
0x44: {  	s4 =	spop (v2sf);
	(v2sf) =	vpush v17, $0x6;
	s0 =	sand.u32 $0x1FFFFF80, s3  }
0x45: {  	s0 =	sadd.s32 s1, s0  }
0x46: {  	[tilespmem:s30], [sflag:$0x4] =	stream.strided.gather [hbm4b:s0+s17], $0x1000, s16, s17, $0x38;
	[tilespmem:$0x18A80] =	vst v63  }
0x47: {  	s0 =	sand.u32 $0x1FFFFF80, s4  }
0x48: {  	s26 =	simm.s32 $0xB400;
	s0 =	sadd.s32 s2, s0  }
0x49: {  	[tilespmem:s26], [sflag:$0xC] =	stream.strided.gather [hbm4b:s0+s17], $0x1000, s16, s17, $0x38;
	[tilespmem:$0x18A80] =	vst v63  }
0x4a: {  	s30 =	spop (v2sf);
	(v2sf) =	vpush v18, $0x6  }
0x4b: {  	s4 =	spop (v2sf);
	(v2sf) =	vpush v17, $0x7  }
0x4c: {  	s0 =	sand.u32 $0x1FFFFF80, s30  }
0x4d: {  	s31 =	simm.s32 $0x4400;
	s0 =	sadd.s32 s1, s0;
	s30 =	spop (v2sf)  }
0x4e: {  	(v2sf) =	vpush v18, $0x7;
	[tilespmem:s31], [sflag:$0x5] =	stream.strided.gather [hbm4b:s0+s17], $0x1000, s16, s17, $0x38;
	[tilespmem:$0x18A80] =	vst v63  }
0x4f: {  	s0 =	sand.u32 $0x1FFFFF80, s4  }
0x50: {  	s26 =	simm.s32 $0xC400;
	s0 =	sadd.s32 s2, s0  }
0x51: {  	[tilespmem:s26], [sflag:$0xD] =	stream.strided.gather [hbm4b:s0+s17], $0x1000, s16, s17, $0x38;
	[tilespmem:$0x18A80] =	vst v63  }
0x52: {  	s31 =	spop (v2sf);
	s4 =	simm.s32 $0x5400;
	s0 =	sand.u32 $0x1FFFFF80, s30  }
0x53: {  	s30 =	sand.u32 $0x1FFFFF80, s31;
	s31 =	spop (v2sf);
	s0 =	sadd.s32 s1, s0  }
0x54: {  	[tilespmem:s4], [sflag:$0x6] =	stream.strided.gather [hbm4b:s0+s17], $0x1000, s16, s17, $0x38;
	[tilespmem:$0x18A80] =	vst v63  }
0x55: {  	s0 =	sadd.s32 s2, s30;
	s4 =	simm.s32 $0xD400;
	s30 =	sand.u32 $0x1FFFFF80, s31  }
0x56: {  	[tilespmem:s4], [sflag:$0xE] =	stream.strided.gather [hbm4b:s0+s17], $0x1000, s16, s17, $0x38;
	[tilespmem:$0x18A80] =	vst v63  }
0x57: {  	s0 =	sadd.s32 s1, s30;
	s4 =	simm.s32 $0x6400  }
0x58: {  	[tilespmem:s4], [sflag:$0x7] =	stream.strided.gather [hbm4b:s0+s17], $0x1000, s16, s17, $0x38;
	[tilespmem:$0x18A80] =	vst v63  }
0x59: {  	s31 =	spop (v2sf)  }
0x5a: {  	s28 =	simm.s32 $0x1;
	s26 =	sand.u32 $0x1FFFFF80, s31;
	s30 =	spop (v2sf)  }
0x5b: {  	s31 =	simm.s32 $0xE400;
	s0 =	sadd.s32 s2, s26;
	s4 =	sand.u32 $0x1FFFFF80, s30  }
0x5c: {  	[tilespmem:s31], [sflag:$0xF] =	stream.strided.gather [hbm4b:s0+s17], $0x1000, s16, s17, $0x38;
	[tilespmem:$0x18A80] =	vst v63  }
0x5d: {  	s26 =	simm.s32 $0x7400;
	s30 =	spop (v2sf);
	s0 =	sadd.s32 s1, s4  }
0x5e: {  	[tilespmem:s26], [sflag:$0x8] =	stream.strided.gather [hbm4b:s0+s17], $0x1000, s16, s17, $0x38;
	[tilespmem:$0x18A80] =	vst v63  }
0x5f: {  	s29 =	simm.s32 $0x0;
	s31 =	simm.s32 $0xF400;
	s0 =	sand.u32 $0x1FFFFF80, s30  }
0x60: {  	s4 =	simm.s32 $0x10;
	s26 =	simm.s32 $0x0;
	s0 =	sadd.s32 s2, s0  }
0x61: {  	[tilespmem:s31], [sflag:$0x10] =	stream.strided.gather [hbm4b:s0+s17], $0x1000, s16, s17, $0x38;
	[tilespmem:$0x18A80] =	vst v63  }
.LBB2_2:
0x62: {  	v18 =	vld [tilespmem:s29+$0x0];
	_ =	sdelay $0x3  }
0x63: {  	s0 =	smin.u32 s28, $0x1F  }
0x64: {  	v22 =	vld [tilespmem:s25+$0x0];
	s0 =	sshll.u32 s0, $0x4;
	v17 =	vand.u32 $0x7F, v18  }
0x65: {  	s31 =	simm.s32 $0x1;
	v20 =	vld [tilespmem:s0+$0x0];
	v21 =	vbroadcast v17, $0x0  }
0x66: {  	v19 =	vld [tilespmem:s0+$0x200];
	_ =	swait.ge [sflag:s31], $0x1000  }
0x67: {  	[sflag:s31] =	ssyncset.done $0x0;
	v23 =	vor.u32 v0, v21  }
0x68: {  	[sflag:s31] =	ssyncadd.s32 $0xFFFFF000  }
0x69: {  	_ =	swait.ge [sflag:s13], $0x1000  }
0x6a: {  	[sflag:s13] =	ssyncset.done $0x0  }
0x6b: {  	[sflag:s13] =	ssyncadd.s32 $0xFFFFF000  }
0x6c: {  	v23 =	vld.idx.msk [tilespmem:v23+s17+$0x0], $0xffff  }
0x6d: {  	v24 =	vor.u32 v1, v21;
	_ =	sdelay $0x2  }
0x6e: {  	s30 =	sshra.s32 s26, $0x2;
	v28 =	vshrl.u32 v18, $0x7;
	v18 =	vand.u32 $0x7F, v22  }
0x6f: {  	v25 =	vbroadcast v18, $0x0;
	v21 =	vshll.u32 v28, $0x7;
	[tilespmem:s30+$0x10400] =	vst v23  }
0x70: {  	v22 =	vshrl.u32 v22, $0x7;
	(v2sf) =	vpush v21, $0x8;
	v23 =	vld.idx.msk [tilespmem:v24+s17+$0x0], $0xffff  }
0x71: {  	v22 =	vshll.u32 v22, $0x7;
	v29 =	vor.u32 v0, v25  }
0x72: {  	(v2sf) =	vpush v22, $0x8;
	_ =	sdelay $0x2  }
0x73: {  	[tilespmem:s30+$0x10410] =	vst v23  }
0x74: {  	v23 =	vld.idx.msk [tilespmem:v29+s18+$0x0], $0xffff  }
0x75: {  	v30 =	vor.u32 v1, v25;
	_ =	sdelay $0x3  }
0x76: {  	[tilespmem:s30+$0x14400] =	vst v23  }
0x77: {  	v23 =	vld.idx.msk [tilespmem:v30+s18+$0x0], $0xffff;
	_ =	sdelay $0x2  }
0x78: {  	s3 =	spop (v2sf)  }
0x79: {  	s0 =	sand.u32 $0x1FFFFF80, s3  }
0x7a: {  	s3 =	spop (v2sf);
	s0 =	sadd.s32 s1, s0;
	[tilespmem:s30+$0x14410] =	vst v23  }
0x7b: {  	[tilespmem:s17], [sflag:$0x1] =	stream.strided.gather [hbm4b:s0+s17], $0x1000, s16, s17, $0x38;
	[tilespmem:$0x18A80] =	vst v63  }
0x7c: {  	s0 =	sand.u32 $0x1FFFFF80, s3  }
0x7d: {  	s0 =	sadd.s32 s2, s0  }
0x7e: {  	v31 =	vbroadcast v17, $0x1;
	[tilespmem:s18], [sflag:$0x9] =	stream.strided.gather [hbm4b:s0+s17], $0x1000, s16, s17, $0x38;
	[tilespmem:$0x18A80] =	vst v63  }
0x7f: {  	_ =	swait.ge [sflag:s14], $0x1000  }
0x80: {  	v32 =	vor.u32 v2, v31;
	[sflag:s14] =	ssyncset.done $0x0  }
0x81: {  	[sflag:s14] =	ssyncadd.s32 $0xFFFFF000  }
0x82: {  	_ =	swait.ge [sflag:s15], $0x1000  }
0x83: {  	[sflag:s15] =	ssyncset.done $0x0  }
0x84: {  	[sflag:s15] =	ssyncadd.s32 $0xFFFFF000  }
0x85: {  	v24 =	vld.idx.msk [tilespmem:v32+s17+$0x0], $0xffff  }
0x86: {  	v23 =	vor.u32 v3, v31;
	_ =	sdelay $0x3  }
0x87: {  	v33 =	vbroadcast v18, $0x1;
	[tilespmem:s30+$0x10420] =	vst v24  }
0x88: {  	(v2sf) =	vpush v21, $0x9;
	v23 =	vld.idx.msk [tilespmem:v23+s17+$0x0], $0xffff  }
0x89: {  	v34 =	vor.u32 v2, v33;
	_ =	sdelay $0x2  }
0x8a: {  	(v2sf) =	vpush v22, $0x9  }
0x8b: {  	[tilespmem:s30+$0x10430] =	vst v23  }
0x8c: {  	v23 =	vld.idx.msk [tilespmem:v34+s18+$0x0], $0xffff  }
0x8d: {  	v35 =	vor.u32 v3, v33;
	_ =	sdelay $0x3  }
0x8e: {  	[tilespmem:s30+$0x14420] =	vst v23  }
0x8f: {  	v23 =	vld.idx.msk [tilespmem:v35+s18+$0x0], $0xffff;
	_ =	sdelay $0x2  }
0x90: {  	s3 =	spop (v2sf)  }
0x91: {  	s0 =	sand.u32 $0x1FFFFF80, s3  }
0x92: {  	s3 =	simm.s32 $0x1400;
	s0 =	sadd.s32 s1, s0;
	[tilespmem:s30+$0x14430] =	vst v23  }
0x93: {  	[tilespmem:s3], [sflag:$0x2] =	stream.strided.gather [hbm4b:s0+s17], $0x1000, s16, s17, $0x38;
	[tilespmem:$0x18A80] =	vst v63  }
0x94: {  	s3 =	spop (v2sf)  }
0x95: {  	s0 =	sand.u32 $0x1FFFFF80, s3  }
0x96: {  	s0 =	sadd.s32 s2, s0  }
0x97: {  	v36 =	vbroadcast v17, $0x2;
	[tilespmem:s5], [sflag:$0xA] =	stream.strided.gather [hbm4b:s0+s17], $0x1000, s16, s17, $0x38;
	[tilespmem:$0x18A80] =	vst v63  }
0x98: {  	_ =	swait.ge [sflag:s7], $0x1000  }
0x99: {  	v37 =	vor.u32 v4, v36;
	[sflag:s7] =	ssyncset.done $0x0  }
0x9a: {  	[sflag:s7] =	ssyncadd.s32 $0xFFFFF000  }
0x9b: {  	_ =	swait.ge [sflag:s8], $0x1000  }
0x9c: {  	[sflag:s8] =	ssyncset.done $0x0  }
0x9d: {  	[sflag:s8] =	ssyncadd.s32 $0xFFFFF000  }
0x9e: {  	v24 =	vld.idx.msk [tilespmem:v37+s17+$0x0], $0xffff  }
0x9f: {  	v23 =	vor.u32 v5, v36;
	_ =	sdelay $0x3  }
0xa0: {  	v38 =	vbroadcast v18, $0x2;
	[tilespmem:s30+$0x10440] =	vst v24  }
0xa1: {  	(v2sf) =	vpush v21, $0xA;
	v23 =	vld.idx.msk [tilespmem:v23+s17+$0x0], $0xffff  }
0xa2: {  	v39 =	vor.u32 v4, v38  }
0xa3: {  	(v2sf) =	vpush v22, $0xA;
	_ =	sdelay $0x2  }
0xa4: {  	[tilespmem:s30+$0x10450] =	vst v23  }
0xa5: {  	v23 =	vld.idx.msk [tilespmem:v39+s18+$0x0], $0xffff  }
0xa6: {  	v40 =	vor.u32 v5, v38;
	_ =	sdelay $0x3  }
0xa7: {  	[tilespmem:s30+$0x14440] =	vst v23  }
0xa8: {  	v23 =	vld.idx.msk [tilespmem:v40+s18+$0x0], $0xffff;
	_ =	sdelay $0x2  }
0xa9: {  	s3 =	spop (v2sf)  }
0xaa: {  	s0 =	sand.u32 $0x1FFFFF80, s3  }
0xab: {  	s5 =	simm.s32 $0x2400;
	s3 =	spop (v2sf);
	s0 =	sadd.s32 s1, s0;
	[tilespmem:s30+$0x14450] =	vst v23  }
0xac: {  	[tilespmem:s5], [sflag:$0x3] =	stream.strided.gather [hbm4b:s0+s17], $0x1000, s16, s17, $0x38;
	[tilespmem:$0x18A80] =	vst v63  }
0xad: {  	s0 =	sand.u32 $0x1FFFFF80, s3  }
0xae: {  	s5 =	simm.s32 $0xA400;
	s0 =	sadd.s32 s2, s0  }
0xaf: {  	v41 =	vbroadcast v17, $0x3;
	[tilespmem:s5], [sflag:$0xB] =	stream.strided.gather [hbm4b:s0+s17], $0x1000, s16, s17, $0x38;
	[tilespmem:$0x18A80] =	vst v63  }
0xb0: {  	_ =	swait.ge [sflag:s9], $0x1000  }
0xb1: {  	v42 =	vor.u32 v6, v41;
	[sflag:s9] =	ssyncset.done $0x0  }
0xb2: {  	[sflag:s9] =	ssyncadd.s32 $0xFFFFF000  }
0xb3: {  	_ =	swait.ge [sflag:s10], $0x1000  }
0xb4: {  	[sflag:s10] =	ssyncset.done $0x0  }
0xb5: {  	[sflag:s10] =	ssyncadd.s32 $0xFFFFF000  }
0xb6: {  	v24 =	vld.idx.msk [tilespmem:v42+s17+$0x0], $0xffff  }
0xb7: {  	v23 =	vor.u32 v7, v41;
	_ =	sdelay $0x3  }
0xb8: {  	v43 =	vbroadcast v18, $0x3;
	[tilespmem:s30+$0x10460] =	vst v24  }
0xb9: {  	(v2sf) =	vpush v21, $0xB;
	v23 =	vld.idx.msk [tilespmem:v23+s17+$0x0], $0xffff  }
0xba: {  	v44 =	vor.u32 v6, v43  }
0xbb: {  	(v2sf) =	vpush v22, $0xB;
	_ =	sdelay $0x2  }
0xbc: {  	[tilespmem:s30+$0x10470] =	vst v23  }
0xbd: {  	v23 =	vld.idx.msk [tilespmem:v44+s18+$0x0], $0xffff  }
0xbe: {  	v45 =	vor.u32 v7, v43;
	_ =	sdelay $0x3  }
0xbf: {  	[tilespmem:s30+$0x14460] =	vst v23  }
0xc0: {  	v23 =	vld.idx.msk [tilespmem:v45+s18+$0x0], $0xffff;
	_ =	sdelay $0x2  }
0xc1: {  	s3 =	spop (v2sf)  }
0xc2: {  	s0 =	sand.u32 $0x1FFFFF80, s3  }
0xc3: {  	s5 =	simm.s32 $0x3400;
	s3 =	spop (v2sf);
	s0 =	sadd.s32 s1, s0;
	[tilespmem:s30+$0x14470] =	vst v23  }
0xc4: {  	[tilespmem:s5], [sflag:$0x4] =	stream.strided.gather [hbm4b:s0+s17], $0x1000, s16, s17, $0x38;
	[tilespmem:$0x18A80] =	vst v63  }
0xc5: {  	s0 =	sand.u32 $0x1FFFFF80, s3  }
0xc6: {  	s5 =	simm.s32 $0xB400;
	s0 =	sadd.s32 s2, s0  }
0xc7: {  	v46 =	vbroadcast v17, $0x4;
	[tilespmem:s5], [sflag:$0xC] =	stream.strided.gather [hbm4b:s0+s17], $0x1000, s16, s17, $0x38;
	[tilespmem:$0x18A80] =	vst v63  }
0xc8: {  	_ =	swait.ge [sflag:s11], $0x1000  }
0xc9: {  	v47 =	vor.u32 v8, v46;
	[sflag:s11] =	ssyncset.done $0x0  }
0xca: {  	[sflag:s11] =	ssyncadd.s32 $0xFFFFF000  }
0xcb: {  	_ =	swait.ge [sflag:s6], $0x1000  }
0xcc: {  	[sflag:s6] =	ssyncset.done $0x0  }
0xcd: {  	[sflag:s6] =	ssyncadd.s32 $0xFFFFF000  }
0xce: {  	v24 =	vld.idx.msk [tilespmem:v47+s17+$0x0], $0xffff  }
0xcf: {  	v23 =	vor.u32 v9, v46;
	_ =	sdelay $0x3  }
0xd0: {  	v48 =	vbroadcast v18, $0x4;
	[tilespmem:s30+$0x10480] =	vst v24  }
0xd1: {  	(v2sf) =	vpush v21, $0xC;
	v23 =	vld.idx.msk [tilespmem:v23+s17+$0x0], $0xffff  }
0xd2: {  	v49 =	vor.u32 v8, v48  }
0xd3: {  	(v2sf) =	vpush v22, $0xC;
	_ =	sdelay $0x2  }
0xd4: {  	[tilespmem:s30+$0x10490] =	vst v23  }
0xd5: {  	v23 =	vld.idx.msk [tilespmem:v49+s18+$0x0], $0xffff  }
0xd6: {  	v50 =	vor.u32 v9, v48;
	_ =	sdelay $0x3  }
0xd7: {  	[tilespmem:s30+$0x14480] =	vst v23  }
0xd8: {  	v23 =	vld.idx.msk [tilespmem:v50+s18+$0x0], $0xffff;
	_ =	sdelay $0x2  }
0xd9: {  	s3 =	spop (v2sf)  }
0xda: {  	s0 =	sand.u32 $0x1FFFFF80, s3  }
0xdb: {  	s5 =	simm.s32 $0x4400;
	s3 =	spop (v2sf);
	s0 =	sadd.s32 s1, s0;
	[tilespmem:s30+$0x14490] =	vst v23  }
0xdc: {  	[tilespmem:s5], [sflag:$0x5] =	stream.strided.gather [hbm4b:s0+s17], $0x1000, s16, s17, $0x38;
	[tilespmem:$0x18A80] =	vst v63  }
0xdd: {  	s0 =	sand.u32 $0x1FFFFF80, s3  }
0xde: {  	s5 =	simm.s32 $0xC400;
	s0 =	sadd.s32 s2, s0  }
0xdf: {  	v51 =	vbroadcast v17, $0x5;
	[tilespmem:s5], [sflag:$0xD] =	stream.strided.gather [hbm4b:s0+s17], $0x1000, s16, s17, $0x38;
	[tilespmem:$0x18A80] =	vst v63  }
0xe0: {  	_ =	swait.ge [sflag:s12], $0x1000  }
0xe1: {  	v52 =	vor.u32 v10, v51;
	[sflag:s12] =	ssyncset.done $0x0  }
0xe2: {  	[sflag:s12] =	ssyncadd.s32 $0xFFFFF000  }
0xe3: {  	_ =	swait.ge [sflag:s19], $0x1000  }
0xe4: {  	[sflag:s19] =	ssyncset.done $0x0  }
0xe5: {  	[sflag:s19] =	ssyncadd.s32 $0xFFFFF000  }
0xe6: {  	v24 =	vld.idx.msk [tilespmem:v52+s17+$0x0], $0xffff  }
0xe7: {  	v23 =	vor.u32 v11, v51;
	_ =	sdelay $0x3  }
0xe8: {  	v53 =	vbroadcast v18, $0x5;
	[tilespmem:s30+$0x104A0] =	vst v24  }
0xe9: {  	(v2sf) =	vpush v21, $0xD;
	v23 =	vld.idx.msk [tilespmem:v23+s17+$0x0], $0xffff  }
0xea: {  	v54 =	vor.u32 v10, v53  }
0xeb: {  	(v2sf) =	vpush v22, $0xD;
	_ =	sdelay $0x2  }
0xec: {  	[tilespmem:s30+$0x104B0] =	vst v23  }
0xed: {  	v23 =	vld.idx.msk [tilespmem:v54+s18+$0x0], $0xffff  }
0xee: {  	v55 =	vor.u32 v11, v53;
	_ =	sdelay $0x3  }
0xef: {  	[tilespmem:s30+$0x144A0] =	vst v23  }
0xf0: {  	v23 =	vld.idx.msk [tilespmem:v55+s18+$0x0], $0xffff;
	_ =	sdelay $0x2  }
0xf1: {  	s3 =	spop (v2sf)  }
0xf2: {  	s0 =	sand.u32 $0x1FFFFF80, s3  }
0xf3: {  	s5 =	simm.s32 $0x5400;
	s3 =	spop (v2sf);
	s0 =	sadd.s32 s1, s0;
	[tilespmem:s30+$0x144B0] =	vst v23  }
0xf4: {  	[tilespmem:s5], [sflag:$0x6] =	stream.strided.gather [hbm4b:s0+s17], $0x1000, s16, s17, $0x38;
	[tilespmem:$0x18A80] =	vst v63  }
0xf5: {  	s0 =	sand.u32 $0x1FFFFF80, s3  }
0xf6: {  	s5 =	simm.s32 $0xD400;
	s0 =	sadd.s32 s2, s0  }
0xf7: {  	v56 =	vbroadcast v17, $0x6;
	[tilespmem:s5], [sflag:$0xE] =	stream.strided.gather [hbm4b:s0+s17], $0x1000, s16, s17, $0x38;
	[tilespmem:$0x18A80] =	vst v63  }
0xf8: {  	_ =	swait.ge [sflag:s20], $0x1000  }
0xf9: {  	v57 =	vor.u32 v12, v56;
	[sflag:s20] =	ssyncset.done $0x0  }
0xfa: {  	[sflag:s20] =	ssyncadd.s32 $0xFFFFF000  }
0xfb: {  	_ =	swait.ge [sflag:s21], $0x1000  }
0xfc: {  	[sflag:s21] =	ssyncset.done $0x0  }
0xfd: {  	[sflag:s21] =	ssyncadd.s32 $0xFFFFF000  }
0xfe: {  	v24 =	vld.idx.msk [tilespmem:v57+s17+$0x0], $0xffff  }
0xff: {  	v23 =	vor.u32 v13, v56;
	_ =	sdelay $0x3  }
0x100: {  	v58 =	vbroadcast v18, $0x6;
	[tilespmem:s30+$0x104C0] =	vst v24  }
0x101: {  	(v2sf) =	vpush v21, $0xE;
	v23 =	vld.idx.msk [tilespmem:v23+s17+$0x0], $0xffff  }
0x102: {  	v59 =	vor.u32 v12, v58  }
0x103: {  	(v2sf) =	vpush v22, $0xE;
	_ =	sdelay $0x2  }
0x104: {  	[tilespmem:s30+$0x104D0] =	vst v23  }
0x105: {  	v23 =	vld.idx.msk [tilespmem:v59+s18+$0x0], $0xffff  }
0x106: {  	v60 =	vor.u32 v13, v58;
	_ =	sdelay $0x3  }
0x107: {  	[tilespmem:s30+$0x144C0] =	vst v23  }
0x108: {  	v23 =	vld.idx.msk [tilespmem:v60+s18+$0x0], $0xffff;
	_ =	sdelay $0x2  }
0x109: {  	s3 =	spop (v2sf)  }
0x10a: {  	s0 =	sand.u32 $0x1FFFFF80, s3  }
0x10b: {  	s5 =	simm.s32 $0x6400;
	s3 =	spop (v2sf);
	s0 =	sadd.s32 s1, s0;
	[tilespmem:s30+$0x144D0] =	vst v23  }
0x10c: {  	[tilespmem:s5], [sflag:$0x7] =	stream.strided.gather [hbm4b:s0+s17], $0x1000, s16, s17, $0x38;
	[tilespmem:$0x18A80] =	vst v63  }
0x10d: {  	s0 =	sand.u32 $0x1FFFFF80, s3  }
0x10e: {  	s5 =	simm.s32 $0xE400;
	s0 =	sadd.s32 s2, s0  }
0x10f: {  	v61 =	vbroadcast v17, $0x7;
	[tilespmem:s5], [sflag:$0xF] =	stream.strided.gather [hbm4b:s0+s17], $0x1000, s16, s17, $0x38;
	[tilespmem:$0x18A80] =	vst v63  }
0x110: {  	_ =	swait.ge [sflag:s22], $0x1000  }
0x111: {  	v62 =	vor.u32 v14, v61;
	[sflag:s22] =	ssyncset.done $0x0  }
0x112: {  	[sflag:s22] =	ssyncadd.s32 $0xFFFFF000  }
0x113: {  	_ =	swait.ge [sflag:s4], $0x1000  }
0x114: {  	[sflag:s4] =	ssyncset.done $0x0  }
0x115: {  	[sflag:s4] =	ssyncadd.s32 $0xFFFFF000  }
0x116: {  	v24 =	vld.idx.msk [tilespmem:v62+s17+$0x0], $0xffff  }
0x117: {  	v23 =	vor.u32 v15, v61;
	_ =	sdelay $0x3  }
0x118: {  	v63 =	vbroadcast v18, $0x7;
	[tilespmem:s30+$0x104E0] =	vst v24  }
0x119: {  	(v2sf) =	vpush v21, $0xF;
	v23 =	vld.idx.msk [tilespmem:v23+s17+$0x0], $0xffff  }
0x11a: {  	v24 =	vor.u32 v14, v63  }
0x11b: {  	(v2sf) =	vpush v22, $0xF;
	_ =	sdelay $0x2  }
0x11c: {  	[tilespmem:s30+$0x104F0] =	vst v23  }
0x11d: {  	v21 =	vld.idx.msk [tilespmem:v24+s18+$0x0], $0xffff  }
0x11e: {  	v26 =	vor.u32 v15, v63;
	_ =	sdelay $0x3  }
0x11f: {  	[tilespmem:s30+$0x144E0] =	vst v21  }
0x120: {  	v21 =	vld.idx.msk [tilespmem:v26+s18+$0x0], $0xffff;
	_ =	sdelay $0x2  }
0x121: {  	s3 =	spop (v2sf)  }
0x122: {  	s0 =	sand.u32 $0x1FFFFF80, s3  }
0x123: {  	s5 =	simm.s32 $0x7400;
	s3 =	spop (v2sf);
	s0 =	sadd.s32 s1, s0;
	[tilespmem:s30+$0x144F0] =	vst v21  }
0x124: {  	[tilespmem:s5], [sflag:$0x8] =	stream.strided.gather [hbm4b:s0+s17], $0x1000, s16, s17, $0x38;
	[tilespmem:$0x18A80] =	vst v63  }
0x125: {  	s0 =	sand.u32 $0x1FFFFF80, s3  }
0x126: {  	s5 =	simm.s32 $0xF400;
	s0 =	sadd.s32 s2, s0  }
0x127: {  	v27 =	vbroadcast v17, $0x8;
	[tilespmem:s5], [sflag:$0x10] =	stream.strided.gather [hbm4b:s0+s17], $0x1000, s16, s17, $0x38;
	[tilespmem:$0x18A80] =	vst v63  }
0x128: {  	_ =	swait.ge [sflag:s31], $0x1000  }
0x129: {  	v28 =	vor.u32 v0, v27;
	[sflag:s31] =	ssyncset.done $0x0  }
0x12a: {  	[sflag:s31] =	ssyncadd.s32 $0xFFFFF000  }
0x12b: {  	_ =	swait.ge [sflag:s13], $0x1000  }
0x12c: {  	[sflag:s13] =	ssyncset.done $0x0  }
0x12d: {  	[sflag:s13] =	ssyncadd.s32 $0xFFFFF000  }
0x12e: {  	v22 =	vld.idx.msk [tilespmem:v28+s17+$0x0], $0xffff  }
0x12f: {  	v21 =	vor.u32 v1, v27;
	_ =	sdelay $0x2  }
0x130: {  	p0 =	seq.s32 s26, $0xF800;
	v20 =	vshra.s32 v20, $0x7  }
0x131: {  	v29 =	vbroadcast v18, $0x8;
	(v2sf) =	vpush @!p0 v20, $0x0;
	[tilespmem:s30+$0x10500] =	vst v22  }
0x132: {  	v21 =	vld.idx.msk [tilespmem:v21+s17+$0x0], $0xffff  }
0x133: {  	v30 =	vor.u32 v0, v29;
	_ =	sdelay $0x1  }
0x134: {  	v19 =	vshra.s32 v19, $0x7  }
0x135: {  	(v2sf) =	vpush @!p0 v19, $0x0  }
0x136: {  	[tilespmem:s30+$0x10510] =	vst v21  }
0x137: {  	v21 =	vld.idx.msk [tilespmem:v30+s18+$0x0], $0xffff  }
0x138: {  	v31 =	vor.u32 v1, v29;
	_ =	sdelay $0x3  }
0x139: {  	[tilespmem:s30+$0x14500] =	vst v21  }
0x13a: {  	v21 =	vld.idx.msk [tilespmem:v31+s18+$0x0], $0xffff;
	_ =	sdelay $0x1  }
0x13b: {  	s0 =	spop @!p0 (v2sf)  }
0x13c: {  	s0 =	sshll.u32 @!p0 s0, $0x7  }
0x13d: {  	s0 =	sand.u32 @!p0 $0x1FFFFF80, s0  }
0x13e: {  	s31 =	simm.s32 @!p0 $0x7A1400;
	s5 =	sadd.s32 @!p0 s1, s0;
	s0 =	simm.s32 @!p0 $0x400;
	[tilespmem:s30+$0x14510] =	vst v21  }
0x13f: {  	[tilespmem:s0], [sflag:$0x1] =	stream.strided.gather @!p0 [hbm4b:s5+s0], $0x1000, s31, s0, $0x38;
	[tilespmem:$0x18A80] =	vst v63  }
0x140: {  	s5 =	spop @!p0 (v2sf)  }
0x141: {  	s5 =	sshll.u32 @!p0 s5, $0x7  }
0x142: {  	s5 =	sand.u32 @!p0 $0x1FFFFF80, s5  }
0x143: {  	s3 =	simm.s32 @!p0 $0x8400;
	s5 =	sadd.s32 @!p0 s2, s5  }
0x144: {  	v32 =	vbroadcast v17, $0x9;
	[tilespmem:s3], [sflag:$0x9] =	stream.strided.gather @!p0 [hbm4b:s5+s0], $0x1000, s31, s0, $0x38;
	[tilespmem:$0x18A80] =	vst v63  }
0x145: {  	_ =	swait.ge [sflag:s14], $0x1000  }
0x146: {  	v33 =	vor.u32 v2, v32;
	[sflag:s14] =	ssyncset.done $0x0  }
0x147: {  	[sflag:s14] =	ssyncadd.s32 $0xFFFFF000  }
0x148: {  	_ =	swait.ge [sflag:s15], $0x1000  }
0x149: {  	[sflag:s15] =	ssyncset.done $0x0  }
0x14a: {  	[sflag:s15] =	ssyncadd.s32 $0xFFFFF000  }
0x14b: {  	v22 =	vld.idx.msk [tilespmem:v33+s17+$0x0], $0xffff  }
0x14c: {  	v21 =	vor.u32 v3, v32;
	_ =	sdelay $0x3  }
0x14d: {  	v34 =	vbroadcast v18, $0x9;
	(v2sf) =	vpush @!p0 v20, $0x1;
	[tilespmem:s30+$0x10520] =	vst v22  }
0x14e: {  	v21 =	vld.idx.msk [tilespmem:v21+s17+$0x0], $0xffff  }
0x14f: {  	v35 =	vor.u32 v2, v34;
	_ =	sdelay $0x2  }
0x150: {  	(v2sf) =	vpush @!p0 v19, $0x1  }
0x151: {  	[tilespmem:s30+$0x10530] =	vst v21  }
0x152: {  	v21 =	vld.idx.msk [tilespmem:v35+s18+$0x0], $0xffff  }
0x153: {  	v36 =	vor.u32 v3, v34;
	_ =	sdelay $0x3  }
0x154: {  	[tilespmem:s30+$0x14520] =	vst v21  }
0x155: {  	v21 =	vld.idx.msk [tilespmem:v36+s18+$0x0], $0xffff;
	_ =	sdelay $0x1  }
0x156: {  	s3 =	spop @!p0 (v2sf)  }
0x157: {  	s3 =	sshll.u32 @!p0 s3, $0x7  }
0x158: {  	s3 =	sand.u32 @!p0 $0x1FFFFF80, s3  }
0x159: {  	s5 =	simm.s32 @!p0 $0x1400;
	s3 =	sadd.s32 @!p0 s1, s3;
	[tilespmem:s30+$0x14530] =	vst v21  }
0x15a: {  	[tilespmem:s5], [sflag:$0x2] =	stream.strided.gather @!p0 [hbm4b:s3+s0], $0x1000, s31, s0, $0x38;
	[tilespmem:$0x18A80] =	vst v63  }
0x15b: {  	s3 =	spop @!p0 (v2sf)  }
0x15c: {  	s3 =	sshll.u32 @!p0 s3, $0x7  }
0x15d: {  	s3 =	sand.u32 @!p0 $0x1FFFFF80, s3  }
0x15e: {  	s5 =	simm.s32 @!p0 $0x9400;
	s3 =	sadd.s32 @!p0 s2, s3  }
0x15f: {  	v37 =	vbroadcast v17, $0xA;
	[tilespmem:s5], [sflag:$0xA] =	stream.strided.gather @!p0 [hbm4b:s3+s0], $0x1000, s31, s0, $0x38;
	[tilespmem:$0x18A80] =	vst v63  }
0x160: {  	_ =	swait.ge [sflag:s7], $0x1000  }
0x161: {  	v38 =	vor.u32 v4, v37;
	[sflag:s7] =	ssyncset.done $0x0  }
0x162: {  	[sflag:s7] =	ssyncadd.s32 $0xFFFFF000  }
0x163: {  	_ =	swait.ge [sflag:s8], $0x1000  }
0x164: {  	[sflag:s8] =	ssyncset.done $0x0  }
0x165: {  	[sflag:s8] =	ssyncadd.s32 $0xFFFFF000  }
0x166: {  	v22 =	vld.idx.msk [tilespmem:v38+s17+$0x0], $0xffff  }
0x167: {  	v21 =	vor.u32 v5, v37;
	_ =	sdelay $0x3  }
0x168: {  	v39 =	vbroadcast v18, $0xA;
	(v2sf) =	vpush @!p0 v20, $0x2;
	[tilespmem:s30+$0x10540] =	vst v22  }
0x169: {  	v21 =	vld.idx.msk [tilespmem:v21+s17+$0x0], $0xffff  }
0x16a: {  	v40 =	vor.u32 v4, v39;
	_ =	sdelay $0x2  }
0x16b: {  	(v2sf) =	vpush @!p0 v19, $0x2  }
0x16c: {  	[tilespmem:s30+$0x10550] =	vst v21  }
0x16d: {  	v21 =	vld.idx.msk [tilespmem:v40+s18+$0x0], $0xffff  }
0x16e: {  	v41 =	vor.u32 v5, v39;
	_ =	sdelay $0x3  }
0x16f: {  	[tilespmem:s30+$0x14540] =	vst v21  }
0x170: {  	v21 =	vld.idx.msk [tilespmem:v41+s18+$0x0], $0xffff;
	_ =	sdelay $0x1  }
0x171: {  	s3 =	spop @!p0 (v2sf)  }
0x172: {  	s3 =	sshll.u32 @!p0 s3, $0x7  }
0x173: {  	s3 =	sand.u32 @!p0 $0x1FFFFF80, s3  }
0x174: {  	s5 =	simm.s32 @!p0 $0x2400;
	s3 =	sadd.s32 @!p0 s1, s3;
	[tilespmem:s30+$0x14550] =	vst v21  }
0x175: {  	[tilespmem:s5], [sflag:$0x3] =	stream.strided.gather @!p0 [hbm4b:s3+s0], $0x1000, s31, s0, $0x38;
	[tilespmem:$0x18A80] =	vst v63  }
0x176: {  	s3 =	spop @!p0 (v2sf)  }
0x177: {  	s3 =	sshll.u32 @!p0 s3, $0x7  }
0x178: {  	s3 =	sand.u32 @!p0 $0x1FFFFF80, s3  }
0x179: {  	s5 =	simm.s32 @!p0 $0xA400;
	s3 =	sadd.s32 @!p0 s2, s3  }
0x17a: {  	v42 =	vbroadcast v17, $0xB;
	[tilespmem:s5], [sflag:$0xB] =	stream.strided.gather @!p0 [hbm4b:s3+s0], $0x1000, s31, s0, $0x38;
	[tilespmem:$0x18A80] =	vst v63  }
0x17b: {  	_ =	swait.ge [sflag:s9], $0x1000  }
0x17c: {  	v43 =	vor.u32 v6, v42;
	[sflag:s9] =	ssyncset.done $0x0  }
0x17d: {  	[sflag:s9] =	ssyncadd.s32 $0xFFFFF000  }
0x17e: {  	_ =	swait.ge [sflag:s10], $0x1000  }
0x17f: {  	[sflag:s10] =	ssyncset.done $0x0  }
0x180: {  	[sflag:s10] =	ssyncadd.s32 $0xFFFFF000  }
0x181: {  	v22 =	vld.idx.msk [tilespmem:v43+s17+$0x0], $0xffff  }
0x182: {  	v21 =	vor.u32 v7, v42;
	_ =	sdelay $0x3  }
0x183: {  	v44 =	vbroadcast v18, $0xB;
	(v2sf) =	vpush @!p0 v20, $0x3;
	[tilespmem:s30+$0x10560] =	vst v22  }
0x184: {  	v21 =	vld.idx.msk [tilespmem:v21+s17+$0x0], $0xffff  }
0x185: {  	v45 =	vor.u32 v6, v44;
	_ =	sdelay $0x2  }
0x186: {  	(v2sf) =	vpush @!p0 v19, $0x3  }
0x187: {  	[tilespmem:s30+$0x10570] =	vst v21  }
0x188: {  	v21 =	vld.idx.msk [tilespmem:v45+s18+$0x0], $0xffff  }
0x189: {  	v46 =	vor.u32 v7, v44;
	_ =	sdelay $0x3  }
0x18a: {  	[tilespmem:s30+$0x14560] =	vst v21  }
0x18b: {  	v21 =	vld.idx.msk [tilespmem:v46+s18+$0x0], $0xffff;
	_ =	sdelay $0x1  }
0x18c: {  	s3 =	spop @!p0 (v2sf)  }
0x18d: {  	s3 =	sshll.u32 @!p0 s3, $0x7  }
0x18e: {  	s3 =	sand.u32 @!p0 $0x1FFFFF80, s3  }
0x18f: {  	s5 =	simm.s32 @!p0 $0x3400;
	s3 =	sadd.s32 @!p0 s1, s3;
	[tilespmem:s30+$0x14570] =	vst v21  }
0x190: {  	[tilespmem:s5], [sflag:$0x4] =	stream.strided.gather @!p0 [hbm4b:s3+s0], $0x1000, s31, s0, $0x38;
	[tilespmem:$0x18A80] =	vst v63  }
0x191: {  	s3 =	spop @!p0 (v2sf)  }
0x192: {  	s3 =	sshll.u32 @!p0 s3, $0x7  }
0x193: {  	s3 =	sand.u32 @!p0 $0x1FFFFF80, s3  }
0x194: {  	s5 =	simm.s32 @!p0 $0xB400;
	s3 =	sadd.s32 @!p0 s2, s3  }
0x195: {  	v47 =	vbroadcast v17, $0xC;
	[tilespmem:s5], [sflag:$0xC] =	stream.strided.gather @!p0 [hbm4b:s3+s0], $0x1000, s31, s0, $0x38;
	[tilespmem:$0x18A80] =	vst v63  }
0x196: {  	_ =	swait.ge [sflag:s11], $0x1000  }
0x197: {  	v48 =	vor.u32 v8, v47;
	[sflag:s11] =	ssyncset.done $0x0  }
0x198: {  	[sflag:s11] =	ssyncadd.s32 $0xFFFFF000  }
0x199: {  	_ =	swait.ge [sflag:s6], $0x1000  }
0x19a: {  	[sflag:s6] =	ssyncset.done $0x0  }
0x19b: {  	[sflag:s6] =	ssyncadd.s32 $0xFFFFF000  }
0x19c: {  	v22 =	vld.idx.msk [tilespmem:v48+s17+$0x0], $0xffff  }
0x19d: {  	v21 =	vor.u32 v9, v47;
	_ =	sdelay $0x3  }
0x19e: {  	v49 =	vbroadcast v18, $0xC;
	(v2sf) =	vpush @!p0 v20, $0x4;
	[tilespmem:s30+$0x10580] =	vst v22  }
0x19f: {  	v21 =	vld.idx.msk [tilespmem:v21+s17+$0x0], $0xffff  }
0x1a0: {  	v50 =	vor.u32 v8, v49;
	_ =	sdelay $0x2  }
0x1a1: {  	(v2sf) =	vpush @!p0 v19, $0x4  }
0x1a2: {  	[tilespmem:s30+$0x10590] =	vst v21  }
0x1a3: {  	v21 =	vld.idx.msk [tilespmem:v50+s18+$0x0], $0xffff  }
0x1a4: {  	v51 =	vor.u32 v9, v49;
	_ =	sdelay $0x3  }
0x1a5: {  	[tilespmem:s30+$0x14580] =	vst v21  }
0x1a6: {  	v21 =	vld.idx.msk [tilespmem:v51+s18+$0x0], $0xffff;
	_ =	sdelay $0x1  }
0x1a7: {  	s3 =	spop @!p0 (v2sf)  }
0x1a8: {  	s3 =	sshll.u32 @!p0 s3, $0x7  }
0x1a9: {  	s3 =	sand.u32 @!p0 $0x1FFFFF80, s3  }
0x1aa: {  	s5 =	simm.s32 @!p0 $0x4400;
	s3 =	sadd.s32 @!p0 s1, s3;
	[tilespmem:s30+$0x14590] =	vst v21  }
0x1ab: {  	[tilespmem:s5], [sflag:$0x5] =	stream.strided.gather @!p0 [hbm4b:s3+s0], $0x1000, s31, s0, $0x38;
	[tilespmem:$0x18A80] =	vst v63  }
0x1ac: {  	s3 =	spop @!p0 (v2sf)  }
0x1ad: {  	s3 =	sshll.u32 @!p0 s3, $0x7  }
0x1ae: {  	s3 =	sand.u32 @!p0 $0x1FFFFF80, s3  }
0x1af: {  	s5 =	simm.s32 @!p0 $0xC400;
	s3 =	sadd.s32 @!p0 s2, s3  }
0x1b0: {  	v52 =	vbroadcast v17, $0xD;
	[tilespmem:s5], [sflag:$0xD] =	stream.strided.gather @!p0 [hbm4b:s3+s0], $0x1000, s31, s0, $0x38;
	[tilespmem:$0x18A80] =	vst v63  }
0x1b1: {  	_ =	swait.ge [sflag:s12], $0x1000  }
0x1b2: {  	v53 =	vor.u32 v10, v52;
	[sflag:s12] =	ssyncset.done $0x0  }
0x1b3: {  	[sflag:s12] =	ssyncadd.s32 $0xFFFFF000  }
0x1b4: {  	_ =	swait.ge [sflag:s19], $0x1000  }
0x1b5: {  	[sflag:s19] =	ssyncset.done $0x0  }
0x1b6: {  	[sflag:s19] =	ssyncadd.s32 $0xFFFFF000  }
0x1b7: {  	v22 =	vld.idx.msk [tilespmem:v53+s17+$0x0], $0xffff  }
0x1b8: {  	v21 =	vor.u32 v11, v52;
	_ =	sdelay $0x3  }
0x1b9: {  	v54 =	vbroadcast v18, $0xD;
	(v2sf) =	vpush @!p0 v20, $0x5;
	[tilespmem:s30+$0x105A0] =	vst v22  }
0x1ba: {  	v21 =	vld.idx.msk [tilespmem:v21+s17+$0x0], $0xffff  }
0x1bb: {  	v55 =	vor.u32 v10, v54;
	_ =	sdelay $0x2  }
0x1bc: {  	(v2sf) =	vpush @!p0 v19, $0x5  }
0x1bd: {  	[tilespmem:s30+$0x105B0] =	vst v21  }
0x1be: {  	v21 =	vld.idx.msk [tilespmem:v55+s18+$0x0], $0xffff  }
0x1bf: {  	v56 =	vor.u32 v11, v54;
	_ =	sdelay $0x3  }
0x1c0: {  	[tilespmem:s30+$0x145A0] =	vst v21  }
0x1c1: {  	v21 =	vld.idx.msk [tilespmem:v56+s18+$0x0], $0xffff;
	_ =	sdelay $0x1  }
0x1c2: {  	s3 =	spop @!p0 (v2sf)  }
0x1c3: {  	s3 =	sshll.u32 @!p0 s3, $0x7  }
0x1c4: {  	s3 =	sand.u32 @!p0 $0x1FFFFF80, s3  }
0x1c5: {  	s5 =	simm.s32 @!p0 $0x5400;
	s3 =	sadd.s32 @!p0 s1, s3;
	[tilespmem:s30+$0x145B0] =	vst v21  }
0x1c6: {  	[tilespmem:s5], [sflag:$0x6] =	stream.strided.gather @!p0 [hbm4b:s3+s0], $0x1000, s31, s0, $0x38;
	[tilespmem:$0x18A80] =	vst v63  }
0x1c7: {  	s3 =	spop @!p0 (v2sf)  }
0x1c8: {  	s3 =	sshll.u32 @!p0 s3, $0x7  }
0x1c9: {  	s3 =	sand.u32 @!p0 $0x1FFFFF80, s3  }
0x1ca: {  	s5 =	simm.s32 @!p0 $0xD400;
	s3 =	sadd.s32 @!p0 s2, s3  }
0x1cb: {  	v57 =	vbroadcast v17, $0xE;
	[tilespmem:s5], [sflag:$0xE] =	stream.strided.gather @!p0 [hbm4b:s3+s0], $0x1000, s31, s0, $0x38;
	[tilespmem:$0x18A80] =	vst v63  }
0x1cc: {  	_ =	swait.ge [sflag:s20], $0x1000  }
0x1cd: {  	v58 =	vor.u32 v12, v57;
	[sflag:s20] =	ssyncset.done $0x0  }
0x1ce: {  	[sflag:s20] =	ssyncadd.s32 $0xFFFFF000  }
0x1cf: {  	_ =	swait.ge [sflag:s21], $0x1000  }
0x1d0: {  	[sflag:s21] =	ssyncset.done $0x0  }
0x1d1: {  	[sflag:s21] =	ssyncadd.s32 $0xFFFFF000  }
0x1d2: {  	v22 =	vld.idx.msk [tilespmem:v58+s17+$0x0], $0xffff  }
0x1d3: {  	v21 =	vor.u32 v13, v57;
	_ =	sdelay $0x3  }
0x1d4: {  	v59 =	vbroadcast v18, $0xE;
	(v2sf) =	vpush @!p0 v20, $0x6;
	[tilespmem:s30+$0x105C0] =	vst v22  }
0x1d5: {  	v21 =	vld.idx.msk [tilespmem:v21+s17+$0x0], $0xffff  }
0x1d6: {  	v60 =	vor.u32 v12, v59;
	_ =	sdelay $0x2  }
0x1d7: {  	(v2sf) =	vpush @!p0 v19, $0x6  }
0x1d8: {  	[tilespmem:s30+$0x105D0] =	vst v21  }
0x1d9: {  	v21 =	vld.idx.msk [tilespmem:v60+s18+$0x0], $0xffff  }
0x1da: {  	v61 =	vor.u32 v13, v59;
	_ =	sdelay $0x3  }
0x1db: {  	[tilespmem:s30+$0x145C0] =	vst v21  }
0x1dc: {  	v21 =	vld.idx.msk [tilespmem:v61+s18+$0x0], $0xffff;
	_ =	sdelay $0x1  }
0x1dd: {  	s3 =	spop @!p0 (v2sf)  }
0x1de: {  	s3 =	sshll.u32 @!p0 s3, $0x7  }
0x1df: {  	s3 =	sand.u32 @!p0 $0x1FFFFF80, s3  }
0x1e0: {  	s5 =	simm.s32 @!p0 $0x6400;
	s3 =	sadd.s32 @!p0 s1, s3;
	[tilespmem:s30+$0x145D0] =	vst v21  }
0x1e1: {  	[tilespmem:s5], [sflag:$0x7] =	stream.strided.gather @!p0 [hbm4b:s3+s0], $0x1000, s31, s0, $0x38;
	[tilespmem:$0x18A80] =	vst v63  }
0x1e2: {  	s3 =	spop @!p0 (v2sf)  }
0x1e3: {  	s3 =	sshll.u32 @!p0 s3, $0x7  }
0x1e4: {  	s3 =	sand.u32 @!p0 $0x1FFFFF80, s3  }
0x1e5: {  	s5 =	simm.s32 @!p0 $0xE400;
	s3 =	sadd.s32 @!p0 s2, s3  }
0x1e6: {  	v17 =	vbroadcast v17, $0xF;
	[tilespmem:s5], [sflag:$0xF] =	stream.strided.gather @!p0 [hbm4b:s3+s0], $0x1000, s31, s0, $0x38;
	[tilespmem:$0x18A80] =	vst v63  }
0x1e7: {  	_ =	swait.ge [sflag:s22], $0x1000  }
0x1e8: {  	v62 =	vor.u32 v14, v17;
	[sflag:s22] =	ssyncset.done $0x0  }
0x1e9: {  	[sflag:s22] =	ssyncadd.s32 $0xFFFFF000  }
0x1ea: {  	_ =	swait.ge [sflag:s4], $0x1000  }
0x1eb: {  	[sflag:s4] =	ssyncset.done $0x0  }
0x1ec: {  	[sflag:s4] =	ssyncadd.s32 $0xFFFFF000  }
0x1ed: {  	v21 =	vld.idx.msk [tilespmem:v62+s17+$0x0], $0xffff  }
0x1ee: {  	v17 =	vor.u32 v15, v17;
	_ =	sdelay $0x3  }
0x1ef: {  	v18 =	vbroadcast v18, $0xF;
	(v2sf) =	vpush @!p0 v20, $0x7;
	[tilespmem:s30+$0x105E0] =	vst v21  }
0x1f0: {  	v17 =	vld.idx.msk [tilespmem:v17+s17+$0x0], $0xffff  }
0x1f1: {  	v63 =	vor.u32 v14, v18;
	_ =	sdelay $0x2  }
0x1f2: {  	(v2sf) =	vpush @!p0 v19, $0x7  }
0x1f3: {  	[tilespmem:s30+$0x105F0] =	vst v17  }
0x1f4: {  	v17 =	vld.idx.msk [tilespmem:v63+s18+$0x0], $0xffff  }
0x1f5: {  	v18 =	vor.u32 v15, v18;
	_ =	sdelay $0x3  }
0x1f6: {  	[tilespmem:s30+$0x145E0] =	vst v17  }
0x1f7: {  	v17 =	vld.idx.msk [tilespmem:v18+s18+$0x0], $0xffff;
	_ =	sdelay $0x1  }
0x1f8: {  	s3 =	spop @!p0 (v2sf)  }
0x1f9: {  	s3 =	sshll.u32 @!p0 s3, $0x7  }
0x1fa: {  	s26 =	sadd.s32 @!p0 $0x800, s26;
	s3 =	sand.u32 @!p0 $0x1FFFFF80, s3  }
0x1fb: {  	p1 =	sne.s32 @!p0 s26, $0x10000;
	s5 =	simm.s32 @!p0 $0x7400;
	s3 =	sadd.s32 @!p0 s1, s3;
	[tilespmem:s30+$0x145F0] =	vst v17  }
0x1fc: {  	[tilespmem:s5], [sflag:$0x8] =	stream.strided.gather @!p0 [hbm4b:s3+s0], $0x1000, s31, s0, $0x38;
	[tilespmem:$0x18A80] =	vst v63  }
0x1fd: {  	p1 =	por p0, !p1;
	s3 =	spop @!p0 (v2sf)  }
.Ltmp0:
0x1fe: {  	s3 =	sshll.u32 @!p0 s3, $0x7;
	(pc) =	sbr.rel @!p1 .LBB2_2-.Ltmp0, $4  }
0x1ff: {  	s3 =	sand.u32 @!p0 $0x1FFFFF80, s3  }
0x200: {  	s25 =	sadd.s32 @!p0 $0x10, s25;
	s5 =	simm.s32 @!p0 $0xF400;
	s3 =	sadd.s32 @!p0 s2, s3  }
0x201: {  	[tilespmem:s5], [sflag:$0x10] =	stream.strided.gather @!p0 [hbm4b:s3+s0], $0x1000, s31, s0, $0x38;
	[tilespmem:$0x18A80] =	vst v63  }
0x202: {  	s29 =	sadd.s32 @!p0 $0x10, s29;
	s28 =	sadd.s32 @!p0 $0x1, s28;
	s5 =	simm.s32 $0x9400  }
0x203: {  	s3 =	simm.s32 $0x11  }
0x204: {  	_ =	swait.ge [sflag:s3], $0x200  }
0x205: {  	s0 =	simm.s32 $0x0;
	[sflag:s3] =	ssyncset.done $0x0  }
0x206: {  	v17 =	vmov s0;
	[sflag:s3] =	ssyncadd.s32 $0xFFFFFE00  }
0x207: {  	v17 =	vshll.u32 v17, $0x5;
	_ =	swait.ge [sflag:s3], $0x200  }
0x208: {  	v18 =	vor.u32 v16, v17;
	[sflag:s3] =	ssyncset.done $0x0  }
0x209: {  	[sflag:s3] =	ssyncadd.s32 $0xFFFFFE00  }
0x20a: {  	s25 =	simm.s32 $0x18600;
	v19 =	vor.u32 $0x1, v18;
	v17 =	vld [tilespmem:$0x18A00]  }
0x20b: {  	s26 =	simm.s32 $0x18400;
	v20 =	vld [tilespmem:s25+$0x0]  }
0x20c: {  	v21 =	vor.u32 $0x2, v18;
	v22 =	vld [tilespmem:s26+$0x0]  }
0x20d: {  	v23 =	vld.idx.msk [tilespmem:v18+s23+$0x0], $0xffff  }
0x20e: {  	v25 =	vor.u32 $0x3, v18;
	v24 =	vld.idx.msk [tilespmem:v18+s24+$0x0], $0xffff  }
0x20f: {  	v26 =	vld.idx.msk [tilespmem:v19+s23+$0x0], $0xffff  }
0x210: {  	v27 =	vor.u32 $0x4, v18;
	v19 =	vld.idx.msk [tilespmem:v19+s24+$0x0], $0xffff  }
0x211: {  	v28 =	vld.idx.msk [tilespmem:v21+s23+$0x0], $0xffff;
	v20 =	vadd.f32 v20, v22  }
0x212: {  	v21 =	vld.idx.msk [tilespmem:v21+s24+$0x0], $0xffff;
	v22 =	vor.u32 $0x5, v18  }
0x213: {  	v29 =	vld.idx.msk [tilespmem:v25+s23+$0x0], $0xffff;
	v23 =	vmul.f32 v24, v23;
	v20 =	vadd.f32 v20, v17  }
0x214: {  	v47 =	vor.u32 $0x6, v18;
	v46 =	vld.idx.msk [tilespmem:v25+s24+$0x0], $0xffff  }
0x215: {  	v30 =	vld.idx.msk [tilespmem:v27+s23+$0x0], $0xffff;
	v19 =	vmul.f32 v19, v26;
	v20 =	vadd.f32 v23, v20  }
0x216: {  	v48 =	vor.u32 $0x7, v18;
	v23 =	vld.idx.msk [tilespmem:v27+s24+$0x0], $0xffff  }
0x217: {  	v49 =	vld.idx.msk [tilespmem:v22+s23+$0x0], $0xffff;
	v19 =	vadd.f32 v19, v20;
	v20 =	vmul.f32 v21, v28  }
0x218: {  	v21 =	vld.idx.msk [tilespmem:v22+s24+$0x0], $0xffff;
	v22 =	vor.u32 $0x8, v18  }
0x219: {  	v50 =	vld.idx.msk [tilespmem:v47+s23+$0x0], $0xffff;
	v19 =	vadd.f32 v20, v19;
	v20 =	vmul.f32 v46, v29  }
0x21a: {  	v52 =	vor.u32 $0x9, v18;
	v51 =	vld.idx.msk [tilespmem:v47+s24+$0x0], $0xffff  }
0x21b: {  	v53 =	vld.idx.msk [tilespmem:v48+s23+$0x0], $0xffff;
	v19 =	vadd.f32 v20, v19;
	v20 =	vmul.f32 v23, v30  }
0x21c: {  	v54 =	vor.u32 $0xA, v18;
	v23 =	vld.idx.msk [tilespmem:v48+s24+$0x0], $0xffff  }
0x21d: {  	v55 =	vld.idx.msk [tilespmem:v22+s23+$0x0], $0xffff;
	v19 =	vadd.f32 v20, v19;
	v20 =	vmul.f32 v21, v49  }
0x21e: {  	v21 =	vld.idx.msk [tilespmem:v22+s24+$0x0], $0xffff;
	v22 =	vor.u32 $0xB, v18  }
0x21f: {  	v56 =	vld.idx.msk [tilespmem:v52+s23+$0x0], $0xffff;
	v19 =	vadd.f32 v20, v19;
	v20 =	vmul.f32 v51, v50  }
0x220: {  	v58 =	vor.u32 $0xC, v18;
	v57 =	vld.idx.msk [tilespmem:v52+s24+$0x0], $0xffff  }
0x221: {  	v59 =	vld.idx.msk [tilespmem:v54+s23+$0x0], $0xffff;
	v19 =	vadd.f32 v20, v19;
	v20 =	vmul.f32 v23, v53  }
0x222: {  	v60 =	vor.u32 $0xD, v18;
	v23 =	vld.idx.msk [tilespmem:v54+s24+$0x0], $0xffff  }
0x223: {  	v61 =	vld.idx.msk [tilespmem:v22+s23+$0x0], $0xffff;
	v19 =	vadd.f32 v20, v19;
	v20 =	vmul.f32 v21, v55  }
0x224: {  	v21 =	vld.idx.msk [tilespmem:v22+s24+$0x0], $0xffff;
	v22 =	vor.u32 $0xE, v18  }
0x225: {  	v62 =	vld.idx.msk [tilespmem:v58+s23+$0x0], $0xffff;
	v19 =	vadd.f32 v20, v19;
	v20 =	vmul.f32 v57, v56  }
0x226: {  	v32 =	vor.u32 $0xF, v18;
	v63 =	vld.idx.msk [tilespmem:v58+s24+$0x0], $0xffff  }
0x227: {  	v33 =	vld.idx.msk [tilespmem:v60+s23+$0x0], $0xffff;
	v19 =	vadd.f32 v20, v19;
	v20 =	vmul.f32 v23, v59  }
0x228: {  	v34 =	vor.u32 $0x10, v18;
	v23 =	vld.idx.msk [tilespmem:v60+s24+$0x0], $0xffff  }
0x229: {  	v35 =	vld.idx.msk [tilespmem:v22+s23+$0x0], $0xffff;
	v19 =	vadd.f32 v20, v19;
	v20 =	vmul.f32 v21, v61  }
0x22a: {  	v21 =	vld.idx.msk [tilespmem:v22+s24+$0x0], $0xffff;
	v22 =	vor.u32 $0x11, v18  }
0x22b: {  	v36 =	vld.idx.msk [tilespmem:v32+s23+$0x0], $0xffff;
	v19 =	vadd.f32 v20, v19;
	v20 =	vmul.f32 v63, v62  }
0x22c: {  	v38 =	vor.u32 $0x12, v18;
	v37 =	vld.idx.msk [tilespmem:v32+s24+$0x0], $0xffff  }
0x22d: {  	v39 =	vld.idx.msk [tilespmem:v34+s23+$0x0], $0xffff;
	v19 =	vadd.f32 v20, v19;
	v20 =	vmul.f32 v23, v33  }
0x22e: {  	v40 =	vor.u32 $0x13, v18;
	v23 =	vld.idx.msk [tilespmem:v34+s24+$0x0], $0xffff  }
0x22f: {  	v41 =	vld.idx.msk [tilespmem:v22+s23+$0x0], $0xffff;
	v19 =	vadd.f32 v20, v19;
	v20 =	vmul.f32 v21, v35  }
0x230: {  	v21 =	vld.idx.msk [tilespmem:v22+s24+$0x0], $0xffff;
	v22 =	vor.u32 $0x14, v18  }
0x231: {  	v42 =	vld.idx.msk [tilespmem:v38+s23+$0x0], $0xffff;
	v19 =	vadd.f32 v20, v19;
	v20 =	vmul.f32 v37, v36  }
0x232: {  	v44 =	vor.u32 $0x15, v18;
	v43 =	vld.idx.msk [tilespmem:v38+s24+$0x0], $0xffff  }
0x233: {  	v45 =	vld.idx.msk [tilespmem:v40+s23+$0x0], $0xffff;
	v19 =	vadd.f32 v20, v19;
	v20 =	vmul.f32 v23, v39  }
0x234: {  	v46 =	vor.u32 $0x16, v18;
	v23 =	vld.idx.msk [tilespmem:v40+s24+$0x0], $0xffff  }
0x235: {  	v47 =	vld.idx.msk [tilespmem:v22+s23+$0x0], $0xffff;
	v19 =	vadd.f32 v20, v19;
	v20 =	vmul.f32 v21, v41  }
0x236: {  	v21 =	vld.idx.msk [tilespmem:v22+s24+$0x0], $0xffff;
	v22 =	vor.u32 $0x17, v18  }
0x237: {  	v48 =	vld.idx.msk [tilespmem:v44+s23+$0x0], $0xffff;
	v19 =	vadd.f32 v20, v19;
	v20 =	vmul.f32 v43, v42  }
0x238: {  	v49 =	vld.idx.msk [tilespmem:v44+s24+$0x0], $0xffff;
	v50 =	vor.u32 $0x18, v18  }
0x239: {  	v51 =	vld.idx.msk [tilespmem:v46+s23+$0x0], $0xffff;
	v19 =	vadd.f32 v20, v19;
	v20 =	vmul.f32 v23, v45  }
0x23a: {  	v52 =	vor.u32 $0x19, v18;
	v23 =	vld.idx.msk [tilespmem:v46+s24+$0x0], $0xffff  }
0x23b: {  	v53 =	vld.idx.msk [tilespmem:v22+s23+$0x0], $0xffff;
	v19 =	vadd.f32 v20, v19;
	v20 =	vmul.f32 v21, v47  }
0x23c: {  	v21 =	vld.idx.msk [tilespmem:v22+s24+$0x0], $0xffff;
	v22 =	vor.u32 $0x1A, v18  }
0x23d: {  	v54 =	vld.idx.msk [tilespmem:v50+s23+$0x0], $0xffff;
	v19 =	vadd.f32 v20, v19;
	v20 =	vmul.f32 v49, v48  }
0x23e: {  	v55 =	vld.idx.msk [tilespmem:v50+s24+$0x0], $0xffff;
	v56 =	vor.u32 $0x1B, v18  }
0x23f: {  	v57 =	vld.idx.msk [tilespmem:v52+s23+$0x0], $0xffff;
	v19 =	vadd.f32 v20, v19;
	v20 =	vmul.f32 v23, v51  }
0x240: {  	v58 =	vor.u32 $0x1C, v18;
	v23 =	vld.idx.msk [tilespmem:v52+s24+$0x0], $0xffff  }
0x241: {  	v59 =	vld.idx.msk [tilespmem:v22+s23+$0x0], $0xffff;
	v19 =	vadd.f32 v20, v19;
	v20 =	vmul.f32 v21, v53  }
0x242: {  	v21 =	vld.idx.msk [tilespmem:v22+s24+$0x0], $0xffff;
	v22 =	vor.u32 $0x1D, v18  }
0x243: {  	v60 =	vld.idx.msk [tilespmem:v56+s23+$0x0], $0xffff;
	v19 =	vadd.f32 v20, v19;
	v20 =	vmul.f32 v55, v54  }
0x244: {  	v61 =	vld.idx.msk [tilespmem:v56+s24+$0x0], $0xffff;
	v62 =	vor.u32 $0x1E, v18  }
0x245: {  	v63 =	vld.idx.msk [tilespmem:v58+s23+$0x0], $0xffff;
	v19 =	vadd.f32 v20, v19;
	v20 =	vmul.f32 v23, v57  }
0x246: {  	v18 =	vor.u32 $0x1F, v18;
	v23 =	vld.idx.msk [tilespmem:v58+s24+$0x0], $0xffff  }
0x247: {  	v32 =	vld.idx.msk [tilespmem:v22+s23+$0x0], $0xffff;
	v19 =	vadd.f32 v20, v19;
	v20 =	vmul.f32 v21, v59  }
0x248: {  	v21 =	vld.idx.msk [tilespmem:v22+s24+$0x0], $0xffff  }
0x249: {  	v33 =	vld.idx.msk [tilespmem:v62+s24+$0x0], $0xffff;
	v19 =	vadd.f32 v20, v19;
	v20 =	vmul.f32 v61, v60  }
0x24a: {  	v22 =	vld.idx.msk [tilespmem:v62+s23+$0x0], $0xffff  }
0x24b: {  	v34 =	vld.idx.msk [tilespmem:v18+s23+$0x0], $0xffff;
	v19 =	vadd.f32 v20, v19;
	v20 =	vmul.f32 v23, v63  }
0x24c: {  	v18 =	vld.idx.msk [tilespmem:v18+s24+$0x0], $0xffff  }
0x24d: {  	v19 =	vadd.f32 v20, v19;
	v20 =	vmul.f32 v21, v32;
	_ =	sdelay $0x1  }
0x24e: {  	v19 =	vadd.f32 v20, v19;
	v20 =	vmul.f32 v33, v22  }
0x24f: {  	s30 =	simm.s32 $0x10  }
0x250: {  	v21 =	vmov s30;
	v19 =	vadd.f32 v20, v19;
	v20 =	vmul.f32 v18, v34  }
0x251: {  	v18 =	vshll.u32 v21, $0x5  }
0x252: {  	v18 =	vor.u32 v16, v18;
	v19 =	vadd.f32 v20, v19  }
0x253: {  	s25 =	simm.s32 $0x18800  }
0x254: {  	s26 =	simm.s32 $0x18610;
	v20 =	vor.u32 $0x1, v18;
	[tilespmem:s25+$0x0] =	vst v19  }
0x255: {  	s28 =	simm.s32 $0x18410;
	v19 =	vld [tilespmem:s26+$0x0]  }
0x256: {  	v21 =	vor.u32 $0x2, v18;
	v22 =	vld [tilespmem:s28+$0x0]  }
0x257: {  	v23 =	vld.idx.msk [tilespmem:v18+s23+$0x0], $0xffff  }
0x258: {  	v36 =	vor.u32 $0x3, v18;
	v35 =	vld.idx.msk [tilespmem:v18+s24+$0x0], $0xffff  }
0x259: {  	v37 =	vld.idx.msk [tilespmem:v20+s23+$0x0], $0xffff  }
0x25a: {  	v38 =	vor.u32 $0x4, v18;
	v20 =	vld.idx.msk [tilespmem:v20+s24+$0x0], $0xffff  }
0x25b: {  	v39 =	vld.idx.msk [tilespmem:v21+s23+$0x0], $0xffff;
	v19 =	vadd.f32 v19, v22  }
0x25c: {  	v21 =	vld.idx.msk [tilespmem:v21+s24+$0x0], $0xffff;
	v22 =	vor.u32 $0x5, v18  }
0x25d: {  	v40 =	vld.idx.msk [tilespmem:v36+s23+$0x0], $0xffff;
	v23 =	vmul.f32 v35, v23;
	v19 =	vadd.f32 v19, v17  }
0x25e: {  	v42 =	vor.u32 $0x6, v18;
	v41 =	vld.idx.msk [tilespmem:v36+s24+$0x0], $0xffff  }
0x25f: {  	v43 =	vld.idx.msk [tilespmem:v38+s23+$0x0], $0xffff;
	v20 =	vmul.f32 v20, v37;
	v19 =	vadd.f32 v23, v19  }
0x260: {  	v44 =	vor.u32 $0x7, v18;
	v23 =	vld.idx.msk [tilespmem:v38+s24+$0x0], $0xffff  }
0x261: {  	v45 =	vld.idx.msk [tilespmem:v22+s23+$0x0], $0xffff;
	v19 =	vadd.f32 v20, v19;
	v20 =	vmul.f32 v21, v39  }
0x262: {  	v21 =	vld.idx.msk [tilespmem:v22+s24+$0x0], $0xffff;
	v22 =	vor.u32 $0x8, v18  }
0x263: {  	v46 =	vld.idx.msk [tilespmem:v42+s23+$0x0], $0xffff;
	v19 =	vadd.f32 v20, v19;
	v20 =	vmul.f32 v41, v40  }
0x264: {  	v48 =	vor.u32 $0x9, v18;
	v47 =	vld.idx.msk [tilespmem:v42+s24+$0x0], $0xffff  }
0x265: {  	v49 =	vld.idx.msk [tilespmem:v44+s23+$0x0], $0xffff;
	v19 =	vadd.f32 v20, v19;
	v20 =	vmul.f32 v23, v43  }
0x266: {  	v50 =	vor.u32 $0xA, v18;
	v23 =	vld.idx.msk [tilespmem:v44+s24+$0x0], $0xffff  }
0x267: {  	v51 =	vld.idx.msk [tilespmem:v22+s23+$0x0], $0xffff;
	v19 =	vadd.f32 v20, v19;
	v20 =	vmul.f32 v21, v45  }
0x268: {  	v21 =	vld.idx.msk [tilespmem:v22+s24+$0x0], $0xffff;
	v22 =	vor.u32 $0xB, v18  }
0x269: {  	v52 =	vld.idx.msk [tilespmem:v48+s23+$0x0], $0xffff;
	v19 =	vadd.f32 v20, v19;
	v20 =	vmul.f32 v47, v46  }
0x26a: {  	v54 =	vor.u32 $0xC, v18;
	v53 =	vld.idx.msk [tilespmem:v48+s24+$0x0], $0xffff  }
0x26b: {  	v55 =	vld.idx.msk [tilespmem:v50+s23+$0x0], $0xffff;
	v19 =	vadd.f32 v20, v19;
	v20 =	vmul.f32 v23, v49  }
0x26c: {  	v56 =	vor.u32 $0xD, v18;
	v23 =	vld.idx.msk [tilespmem:v50+s24+$0x0], $0xffff  }
0x26d: {  	v57 =	vld.idx.msk [tilespmem:v22+s23+$0x0], $0xffff;
	v19 =	vadd.f32 v20, v19;
	v20 =	vmul.f32 v21, v51  }
0x26e: {  	v21 =	vld.idx.msk [tilespmem:v22+s24+$0x0], $0xffff;
	v22 =	vor.u32 $0xE, v18  }
0x26f: {  	v58 =	vld.idx.msk [tilespmem:v54+s23+$0x0], $0xffff;
	v19 =	vadd.f32 v20, v19;
	v20 =	vmul.f32 v53, v52  }
0x270: {  	v60 =	vor.u32 $0xF, v18;
	v59 =	vld.idx.msk [tilespmem:v54+s24+$0x0], $0xffff  }
0x271: {  	v61 =	vld.idx.msk [tilespmem:v56+s23+$0x0], $0xffff;
	v19 =	vadd.f32 v20, v19;
	v20 =	vmul.f32 v23, v55  }
0x272: {  	v62 =	vor.u32 $0x10, v18;
	v23 =	vld.idx.msk [tilespmem:v56+s24+$0x0], $0xffff  }
0x273: {  	v63 =	vld.idx.msk [tilespmem:v22+s23+$0x0], $0xffff;
	v19 =	vadd.f32 v20, v19;
	v20 =	vmul.f32 v21, v57  }
0x274: {  	v21 =	vld.idx.msk [tilespmem:v22+s24+$0x0], $0xffff;
	v22 =	vor.u32 $0x11, v18  }
0x275: {  	v33 =	vld.idx.msk [tilespmem:v60+s23+$0x0], $0xffff;
	v19 =	vadd.f32 v20, v19;
	v20 =	vmul.f32 v59, v58  }
0x276: {  	v34 =	vld.idx.msk [tilespmem:v60+s24+$0x0], $0xffff;
	v35 =	vor.u32 $0x12, v18  }
0x277: {  	v36 =	vld.idx.msk [tilespmem:v62+s23+$0x0], $0xffff;
	v19 =	vadd.f32 v20, v19;
	v20 =	vmul.f32 v23, v61  }
0x278: {  	v37 =	vor.u32 $0x13, v18;
	v23 =	vld.idx.msk [tilespmem:v62+s24+$0x0], $0xffff  }
0x279: {  	v38 =	vld.idx.msk [tilespmem:v22+s23+$0x0], $0xffff;
	v19 =	vadd.f32 v20, v19;
	v20 =	vmul.f32 v21, v63  }
0x27a: {  	v21 =	vld.idx.msk [tilespmem:v22+s24+$0x0], $0xffff;
	v22 =	vor.u32 $0x14, v18  }
0x27b: {  	v39 =	vld.idx.msk [tilespmem:v35+s23+$0x0], $0xffff;
	v19 =	vadd.f32 v20, v19;
	v20 =	vmul.f32 v34, v33  }
0x27c: {  	v40 =	vld.idx.msk [tilespmem:v35+s24+$0x0], $0xffff;
	v41 =	vor.u32 $0x15, v18  }
0x27d: {  	v42 =	vld.idx.msk [tilespmem:v37+s23+$0x0], $0xffff;
	v19 =	vadd.f32 v20, v19;
	v20 =	vmul.f32 v23, v36  }
0x27e: {  	v43 =	vor.u32 $0x16, v18;
	v23 =	vld.idx.msk [tilespmem:v37+s24+$0x0], $0xffff  }
0x27f: {  	v44 =	vld.idx.msk [tilespmem:v22+s23+$0x0], $0xffff;
	v19 =	vadd.f32 v20, v19;
	v20 =	vmul.f32 v21, v38  }
0x280: {  	v21 =	vld.idx.msk [tilespmem:v22+s24+$0x0], $0xffff;
	v22 =	vor.u32 $0x17, v18  }
0x281: {  	v45 =	vld.idx.msk [tilespmem:v41+s23+$0x0], $0xffff;
	v19 =	vadd.f32 v20, v19;
	v20 =	vmul.f32 v40, v39  }
0x282: {  	v46 =	vld.idx.msk [tilespmem:v41+s24+$0x0], $0xffff;
	v47 =	vor.u32 $0x18, v18  }
0x283: {  	v48 =	vld.idx.msk [tilespmem:v43+s23+$0x0], $0xffff;
	v19 =	vadd.f32 v20, v19;
	v20 =	vmul.f32 v23, v42  }
0x284: {  	v49 =	vor.u32 $0x19, v18;
	v23 =	vld.idx.msk [tilespmem:v43+s24+$0x0], $0xffff  }
0x285: {  	v50 =	vld.idx.msk [tilespmem:v22+s23+$0x0], $0xffff;
	v19 =	vadd.f32 v20, v19;
	v20 =	vmul.f32 v21, v44  }
0x286: {  	v21 =	vld.idx.msk [tilespmem:v22+s24+$0x0], $0xffff;
	v22 =	vor.u32 $0x1A, v18  }
0x287: {  	v51 =	vld.idx.msk [tilespmem:v47+s23+$0x0], $0xffff;
	v19 =	vadd.f32 v20, v19;
	v20 =	vmul.f32 v46, v45  }
0x288: {  	v52 =	vld.idx.msk [tilespmem:v47+s24+$0x0], $0xffff;
	v53 =	vor.u32 $0x1B, v18  }
0x289: {  	v54 =	vld.idx.msk [tilespmem:v49+s23+$0x0], $0xffff;
	v19 =	vadd.f32 v20, v19;
	v20 =	vmul.f32 v23, v48  }
0x28a: {  	v55 =	vor.u32 $0x1C, v18;
	v23 =	vld.idx.msk [tilespmem:v49+s24+$0x0], $0xffff  }
0x28b: {  	v56 =	vld.idx.msk [tilespmem:v22+s23+$0x0], $0xffff;
	v19 =	vadd.f32 v20, v19;
	v20 =	vmul.f32 v21, v50  }
0x28c: {  	v21 =	vld.idx.msk [tilespmem:v22+s24+$0x0], $0xffff;
	v22 =	vor.u32 $0x1D, v18  }
0x28d: {  	v57 =	vld.idx.msk [tilespmem:v53+s23+$0x0], $0xffff;
	v19 =	vadd.f32 v20, v19;
	v20 =	vmul.f32 v52, v51  }
0x28e: {  	v58 =	vld.idx.msk [tilespmem:v53+s24+$0x0], $0xffff;
	v59 =	vor.u32 $0x1E, v18  }
0x28f: {  	v60 =	vld.idx.msk [tilespmem:v55+s23+$0x0], $0xffff;
	v19 =	vadd.f32 v20, v19;
	v20 =	vmul.f32 v23, v54  }
0x290: {  	v18 =	vor.u32 $0x1F, v18;
	v23 =	vld.idx.msk [tilespmem:v55+s24+$0x0], $0xffff  }
0x291: {  	v61 =	vld.idx.msk [tilespmem:v22+s23+$0x0], $0xffff;
	v19 =	vadd.f32 v20, v19;
	v20 =	vmul.f32 v21, v56  }
0x292: {  	v21 =	vld.idx.msk [tilespmem:v22+s24+$0x0], $0xffff  }
0x293: {  	v62 =	vld.idx.msk [tilespmem:v59+s24+$0x0], $0xffff;
	v19 =	vadd.f32 v20, v19;
	v20 =	vmul.f32 v58, v57  }
0x294: {  	v22 =	vld.idx.msk [tilespmem:v59+s23+$0x0], $0xffff  }
0x295: {  	v63 =	vld.idx.msk [tilespmem:v18+s23+$0x0], $0xffff;
	v19 =	vadd.f32 v20, v19;
	v20 =	vmul.f32 v23, v60  }
0x296: {  	v23 =	vld.idx.msk [tilespmem:v18+s24+$0x0], $0xffff  }
0x297: {  	v18 =	vadd.f32 v20, v19;
	v19 =	vmul.f32 v21, v61;
	_ =	sdelay $0x1  }
0x298: {  	s31 =	simm.s32 $0x20;
	v21 =	vmul.f32 v62, v22;
	v19 =	vadd.f32 v19, v18  }
0x299: {  	v20 =	vmov s31  }
0x29a: {  	v18 =	vshll.u32 v20, $0x5;
	v20 =	vmul.f32 v23, v63;
	v19 =	vadd.f32 v21, v19  }
0x29b: {  	s29 =	simm.s32 $0x30;
	v18 =	vor.u32 v16, v18  }
.LBB2_4:
0x29c: {  	p0 =	sne.s32 s29, $0x1F0;
	v19 =	vadd.f32 v20, v19  }
0x29d: {  	s25 =	sadd.s32 $0x10, s25  }
0x29e: {  	v20 =	vor.u32 $0x1, v18;
	[tilespmem:s25+$0x0] =	vst v19  }
0x29f: {  	s26 =	sadd.s32 $0x10, s26;
	v19 =	vld.idx.msk [tilespmem:v18+s23+$0x0], $0xffff  }
0x2a0: {  	v22 =	vor.u32 $0x2, v18;
	s28 =	sadd.s32 $0x10, s28;
	v21 =	vld [tilespmem:s26+$0x0]  }
0x2a1: {  	v23 =	vld [tilespmem:s28+$0x0]  }
0x2a2: {  	v25 =	vor.u32 $0x3, v18;
	v24 =	vld.idx.msk [tilespmem:v18+s24+$0x0], $0xffff  }
0x2a3: {  	v26 =	vld.idx.msk [tilespmem:v20+s23+$0x0], $0xffff  }
0x2a4: {  	v27 =	vor.u32 $0x4, v18;
	v20 =	vld.idx.msk [tilespmem:v20+s24+$0x0], $0xffff  }
0x2a5: {  	v28 =	vld.idx.msk [tilespmem:v22+s23+$0x0], $0xffff  }
0x2a6: {  	v21 =	vadd.f32 v21, v23;
	v22 =	vld.idx.msk [tilespmem:v22+s24+$0x0], $0xffff;
	v23 =	vor.u32 $0x5, v18  }
0x2a7: {  	v29 =	vld.idx.msk [tilespmem:v25+s23+$0x0], $0xffff  }
0x2a8: {  	v19 =	vmul.f32 v24, v19;
	v21 =	vadd.f32 v21, v17;
	v24 =	vld.idx.msk [tilespmem:v25+s24+$0x0], $0xffff;
	v25 =	vor.u32 $0x6, v18  }
0x2a9: {  	v30 =	vld.idx.msk [tilespmem:v27+s23+$0x0], $0xffff  }
0x2aa: {  	v20 =	vmul.f32 v20, v26;
	v26 =	vor.u32 $0x7, v18;
	v19 =	vadd.f32 v19, v21;
	v21 =	vld.idx.msk [tilespmem:v27+s24+$0x0], $0xffff  }
0x2ab: {  	v27 =	vld.idx.msk [tilespmem:v23+s23+$0x0], $0xffff  }
0x2ac: {  	v19 =	vadd.f32 v20, v19;
	v20 =	vmul.f32 v22, v28;
	v22 =	vld.idx.msk [tilespmem:v23+s24+$0x0], $0xffff;
	v23 =	vor.u32 $0x8, v18  }
0x2ad: {  	v28 =	vld.idx.msk [tilespmem:v25+s23+$0x0], $0xffff  }
0x2ae: {  	v19 =	vadd.f32 v20, v19;
	v20 =	vmul.f32 v24, v29;
	v24 =	vld.idx.msk [tilespmem:v25+s24+$0x0], $0xffff;
	v25 =	vor.u32 $0x9, v18  }
0x2af: {  	v29 =	vld.idx.msk [tilespmem:v26+s23+$0x0], $0xffff  }
0x2b0: {  	v19 =	vadd.f32 v20, v19;
	v20 =	vmul.f32 v21, v30;
	v21 =	vld.idx.msk [tilespmem:v26+s24+$0x0], $0xffff;
	v26 =	vor.u32 $0xA, v18  }
0x2b1: {  	v30 =	vld.idx.msk [tilespmem:v23+s23+$0x0], $0xffff  }
0x2b2: {  	v19 =	vadd.f32 v20, v19;
	v20 =	vmul.f32 v22, v27;
	v22 =	vld.idx.msk [tilespmem:v23+s24+$0x0], $0xffff;
	v23 =	vor.u32 $0xB, v18  }
0x2b3: {  	v27 =	vld.idx.msk [tilespmem:v25+s23+$0x0], $0xffff  }
0x2b4: {  	v19 =	vadd.f32 v20, v19;
	v20 =	vmul.f32 v24, v28;
	v24 =	vld.idx.msk [tilespmem:v25+s24+$0x0], $0xffff;
	v25 =	vor.u32 $0xC, v18  }
0x2b5: {  	v28 =	vld.idx.msk [tilespmem:v26+s23+$0x0], $0xffff  }
0x2b6: {  	v19 =	vadd.f32 v20, v19;
	v20 =	vmul.f32 v21, v29;
	v21 =	vld.idx.msk [tilespmem:v26+s24+$0x0], $0xffff;
	v26 =	vor.u32 $0xD, v18  }
0x2b7: {  	v29 =	vld.idx.msk [tilespmem:v23+s23+$0x0], $0xffff  }
0x2b8: {  	v19 =	vadd.f32 v20, v19;
	v20 =	vmul.f32 v22, v30;
	v22 =	vld.idx.msk [tilespmem:v23+s24+$0x0], $0xffff;
	v23 =	vor.u32 $0xE, v18  }
0x2b9: {  	v30 =	vld.idx.msk [tilespmem:v25+s23+$0x0], $0xffff  }
0x2ba: {  	v19 =	vadd.f32 v20, v19;
	v20 =	vmul.f32 v24, v27;
	v24 =	vld.idx.msk [tilespmem:v25+s24+$0x0], $0xffff;
	v25 =	vor.u32 $0xF, v18  }
0x2bb: {  	v27 =	vld.idx.msk [tilespmem:v26+s23+$0x0], $0xffff  }
0x2bc: {  	v19 =	vadd.f32 v20, v19;
	v20 =	vmul.f32 v21, v28;
	v21 =	vld.idx.msk [tilespmem:v26+s24+$0x0], $0xffff;
	v26 =	vor.u32 $0x10, v18  }
0x2bd: {  	v28 =	vld.idx.msk [tilespmem:v23+s23+$0x0], $0xffff  }
0x2be: {  	v19 =	vadd.f32 v20, v19;
	v20 =	vmul.f32 v22, v29;
	v22 =	vld.idx.msk [tilespmem:v23+s24+$0x0], $0xffff;
	v23 =	vor.u32 $0x11, v18  }
0x2bf: {  	v29 =	vld.idx.msk [tilespmem:v25+s23+$0x0], $0xffff  }
0x2c0: {  	v19 =	vadd.f32 v20, v19;
	v20 =	vmul.f32 v24, v30;
	v24 =	vld.idx.msk [tilespmem:v25+s24+$0x0], $0xffff;
	v25 =	vor.u32 $0x12, v18  }
0x2c1: {  	v30 =	vld.idx.msk [tilespmem:v26+s23+$0x0], $0xffff  }
0x2c2: {  	v19 =	vadd.f32 v20, v19;
	v20 =	vmul.f32 v21, v27;
	v21 =	vld.idx.msk [tilespmem:v26+s24+$0x0], $0xffff;
	v26 =	vor.u32 $0x13, v18  }
0x2c3: {  	v27 =	vld.idx.msk [tilespmem:v23+s23+$0x0], $0xffff  }
0x2c4: {  	v19 =	vadd.f32 v20, v19;
	v20 =	vmul.f32 v22, v28;
	v22 =	vld.idx.msk [tilespmem:v23+s24+$0x0], $0xffff;
	v23 =	vor.u32 $0x14, v18  }
0x2c5: {  	v28 =	vld.idx.msk [tilespmem:v25+s23+$0x0], $0xffff  }
0x2c6: {  	v19 =	vadd.f32 v20, v19;
	v20 =	vmul.f32 v24, v29;
	v24 =	vld.idx.msk [tilespmem:v25+s24+$0x0], $0xffff;
	v25 =	vor.u32 $0x15, v18  }
0x2c7: {  	v29 =	vld.idx.msk [tilespmem:v26+s23+$0x0], $0xffff  }
0x2c8: {  	v19 =	vadd.f32 v20, v19;
	v20 =	vmul.f32 v21, v30;
	v21 =	vld.idx.msk [tilespmem:v26+s24+$0x0], $0xffff;
	v26 =	vor.u32 $0x16, v18  }
0x2c9: {  	v30 =	vld.idx.msk [tilespmem:v23+s23+$0x0], $0xffff  }
0x2ca: {  	v19 =	vadd.f32 v20, v19;
	v20 =	vmul.f32 v22, v27;
	v22 =	vld.idx.msk [tilespmem:v23+s24+$0x0], $0xffff;
	v23 =	vor.u32 $0x17, v18  }
0x2cb: {  	v27 =	vld.idx.msk [tilespmem:v25+s23+$0x0], $0xffff  }
0x2cc: {  	v19 =	vadd.f32 v20, v19;
	v20 =	vmul.f32 v24, v28;
	v24 =	vld.idx.msk [tilespmem:v25+s24+$0x0], $0xffff;
	v25 =	vor.u32 $0x18, v18  }
0x2cd: {  	v28 =	vld.idx.msk [tilespmem:v26+s23+$0x0], $0xffff  }
0x2ce: {  	v19 =	vadd.f32 v20, v19;
	v20 =	vmul.f32 v21, v29;
	v21 =	vld.idx.msk [tilespmem:v26+s24+$0x0], $0xffff;
	v26 =	vor.u32 $0x19, v18  }
0x2cf: {  	v29 =	vld.idx.msk [tilespmem:v23+s23+$0x0], $0xffff  }
0x2d0: {  	v19 =	vadd.f32 v20, v19;
	v20 =	vmul.f32 v22, v30;
	v22 =	vld.idx.msk [tilespmem:v23+s24+$0x0], $0xffff;
	v23 =	vor.u32 $0x1A, v18  }
0x2d1: {  	v30 =	vld.idx.msk [tilespmem:v25+s23+$0x0], $0xffff  }
0x2d2: {  	v19 =	vadd.f32 v20, v19;
	v20 =	vmul.f32 v24, v27;
	v24 =	vld.idx.msk [tilespmem:v25+s24+$0x0], $0xffff;
	v25 =	vor.u32 $0x1B, v18  }
0x2d3: {  	v27 =	vld.idx.msk [tilespmem:v26+s23+$0x0], $0xffff  }
0x2d4: {  	v19 =	vadd.f32 v20, v19;
	v20 =	vmul.f32 v21, v28;
	v21 =	vld.idx.msk [tilespmem:v26+s24+$0x0], $0xffff;
	v26 =	vor.u32 $0x1C, v18  }
0x2d5: {  	v28 =	vld.idx.msk [tilespmem:v23+s23+$0x0], $0xffff  }
0x2d6: {  	v19 =	vadd.f32 v20, v19;
	v20 =	vmul.f32 v22, v29;
	v22 =	vld.idx.msk [tilespmem:v23+s24+$0x0], $0xffff;
	v23 =	vor.u32 $0x1D, v18  }
0x2d7: {  	v29 =	vld.idx.msk [tilespmem:v25+s23+$0x0], $0xffff  }
0x2d8: {  	v19 =	vadd.f32 v20, v19;
	v20 =	vmul.f32 v24, v30;
	v24 =	vld.idx.msk [tilespmem:v25+s24+$0x0], $0xffff;
	v25 =	vor.u32 $0x1E, v18  }
0x2d9: {  	v30 =	vld.idx.msk [tilespmem:v26+s23+$0x0], $0xffff  }
0x2da: {  	v18 =	vor.u32 $0x1F, v18;
	v19 =	vadd.f32 v20, v19;
	v20 =	vmul.f32 v21, v27;
	v21 =	vld.idx.msk [tilespmem:v26+s24+$0x0], $0xffff  }
0x2db: {  	v26 =	vld.idx.msk [tilespmem:v23+s23+$0x0], $0xffff  }
0x2dc: {  	v19 =	vadd.f32 v20, v19;
	v20 =	vmul.f32 v22, v28;
	v22 =	vld.idx.msk [tilespmem:v23+s24+$0x0], $0xffff  }
0x2dd: {  	v23 =	vld.idx.msk [tilespmem:v25+s23+$0x0], $0xffff  }
0x2de: {  	v19 =	vadd.f32 v20, v19;
	v20 =	vmul.f32 v24, v29;
	v24 =	vld.idx.msk [tilespmem:v25+s24+$0x0], $0xffff  }
0x2df: {  	v25 =	vld.idx.msk [tilespmem:v18+s23+$0x0], $0xffff  }
0x2e0: {  	v19 =	vadd.f32 v20, v19;
	v20 =	vmul.f32 v21, v30;
	v21 =	vld.idx.msk [tilespmem:v18+s24+$0x0], $0xffff;
	_ =	sdelay $0x1  }
0x2e1: {  	v18 =	vadd.f32 v20, v19;
	v19 =	vmul.f32 v22, v26  }
.Ltmp1:
0x2e2: {  	(pc) =	sbr.rel @p0 .LBB2_4-.Ltmp1, $4  }
0x2e3: {  	v20 =	vmov s29;
	v22 =	vmul.f32 v24, v23;
	v19 =	vadd.f32 v19, v18  }
0x2e4: {  	v18 =	vshll.u32 v20, $0x5  }
0x2e5: {  	v18 =	vor.u32 v16, v18;
	v20 =	vmul.f32 v21, v25;
	v19 =	vadd.f32 v22, v19  }
0x2e6: {  	s29 =	sadd.s32 $0x10, s29  }
0x2e7: {  	v19 =	vadd.f32 v20, v19  }
0x2e8: {  	s0 =	sadd.s32 $0x10, s25  }
0x2e9: {  	v45 =	vor.u32 $0x1, v18;
	s3 =	sadd.s32 $0x10, s26;
	[tilespmem:s0+$0x0] =	vst v19  }
0x2ea: {  	s4 =	sadd.s32 $0x10, s28;
	v19 =	vld [tilespmem:s3+$0x0]  }
0x2eb: {  	v21 =	vor.u32 $0x2, v18;
	v22 =	vld [tilespmem:s4+$0x0]  }
0x2ec: {  	v23 =	vld.idx.msk [tilespmem:v18+s23+$0x0], $0xffff  }
0x2ed: {  	v25 =	vor.u32 $0x3, v18;
	v24 =	vld.idx.msk [tilespmem:v18+s24+$0x0], $0xffff  }
0x2ee: {  	v26 =	vld.idx.msk [tilespmem:v45+s23+$0x0], $0xffff  }
0x2ef: {  	v27 =	vor.u32 $0x4, v18;
	v20 =	vld.idx.msk [tilespmem:v45+s24+$0x0], $0xffff  }
0x2f0: {  	v28 =	vld.idx.msk [tilespmem:v21+s23+$0x0], $0xffff;
	v19 =	vadd.f32 v19, v22  }
0x2f1: {  	v46 =	vor.u32 $0x5, v18;
	v21 =	vld.idx.msk [tilespmem:v21+s24+$0x0], $0xffff  }
0x2f2: {  	v29 =	vld.idx.msk [tilespmem:v25+s23+$0x0], $0xffff;
	v17 =	vadd.f32 v19, v17;
	v19 =	vmul.f32 v24, v23  }
0x2f3: {  	v48 =	vor.u32 $0x6, v18;
	v47 =	vld.idx.msk [tilespmem:v25+s24+$0x0], $0xffff  }
0x2f4: {  	v49 =	vld.idx.msk [tilespmem:v27+s23+$0x0], $0xffff;
	v17 =	vadd.f32 v19, v17;
	v19 =	vmul.f32 v20, v26  }
0x2f5: {  	v51 =	vor.u32 $0x7, v18;
	v50 =	vld.idx.msk [tilespmem:v27+s24+$0x0], $0xffff  }
0x2f6: {  	v52 =	vld.idx.msk [tilespmem:v46+s23+$0x0], $0xffff;
	v17 =	vadd.f32 v19, v17;
	v19 =	vmul.f32 v21, v28  }
0x2f7: {  	v54 =	vor.u32 $0x8, v18;
	v53 =	vld.idx.msk [tilespmem:v46+s24+$0x0], $0xffff  }
0x2f8: {  	v55 =	vld.idx.msk [tilespmem:v48+s23+$0x0], $0xffff;
	v17 =	vadd.f32 v19, v17;
	v19 =	vmul.f32 v47, v29  }
0x2f9: {  	v57 =	vor.u32 $0x9, v18;
	v56 =	vld.idx.msk [tilespmem:v48+s24+$0x0], $0xffff  }
0x2fa: {  	v58 =	vld.idx.msk [tilespmem:v51+s23+$0x0], $0xffff;
	v17 =	vadd.f32 v19, v17;
	v19 =	vmul.f32 v50, v49  }
0x2fb: {  	v60 =	vor.u32 $0xA, v18;
	v59 =	vld.idx.msk [tilespmem:v51+s24+$0x0], $0xffff  }
0x2fc: {  	v61 =	vld.idx.msk [tilespmem:v54+s23+$0x0], $0xffff;
	v17 =	vadd.f32 v19, v17;
	v19 =	vmul.f32 v53, v52  }
0x2fd: {  	v63 =	vor.u32 $0xB, v18;
	v62 =	vld.idx.msk [tilespmem:v54+s24+$0x0], $0xffff  }
0x2fe: {  	v32 =	vld.idx.msk [tilespmem:v57+s23+$0x0], $0xffff;
	v17 =	vadd.f32 v19, v17;
	v19 =	vmul.f32 v56, v55  }
0x2ff: {  	v34 =	vor.u32 $0xC, v18;
	v33 =	vld.idx.msk [tilespmem:v57+s24+$0x0], $0xffff  }
0x300: {  	v35 =	vld.idx.msk [tilespmem:v60+s23+$0x0], $0xffff;
	v17 =	vadd.f32 v19, v17;
	v19 =	vmul.f32 v59, v58  }
0x301: {  	v37 =	vor.u32 $0xD, v18;
	v36 =	vld.idx.msk [tilespmem:v60+s24+$0x0], $0xffff  }
0x302: {  	v38 =	vld.idx.msk [tilespmem:v63+s23+$0x0], $0xffff;
	v17 =	vadd.f32 v19, v17;
	v19 =	vmul.f32 v62, v61  }
0x303: {  	v40 =	vor.u32 $0xE, v18;
	v39 =	vld.idx.msk [tilespmem:v63+s24+$0x0], $0xffff  }
0x304: {  	v41 =	vld.idx.msk [tilespmem:v34+s23+$0x0], $0xffff;
	v17 =	vadd.f32 v19, v17;
	v19 =	vmul.f32 v33, v32  }
0x305: {  	v43 =	vor.u32 $0xF, v18;
	v42 =	vld.idx.msk [tilespmem:v34+s24+$0x0], $0xffff  }
0x306: {  	v44 =	vld.idx.msk [tilespmem:v37+s23+$0x0], $0xffff;
	v17 =	vadd.f32 v19, v17;
	v19 =	vmul.f32 v36, v35  }
0x307: {  	v45 =	vld.idx.msk [tilespmem:v37+s24+$0x0], $0xffff;
	v46 =	vor.u32 $0x10, v18  }
0x308: {  	v48 =	vld.idx.msk [tilespmem:v40+s24+$0x0], $0xffff;
	v17 =	vadd.f32 v19, v17;
	v19 =	vmul.f32 v39, v38  }
0x309: {  	v47 =	vld.idx.msk [tilespmem:v40+s23+$0x0], $0xffff;
	v49 =	vor.u32 $0x11, v18  }
0x30a: {  	v51 =	vld.idx.msk [tilespmem:v43+s24+$0x0], $0xffff;
	v17 =	vadd.f32 v19, v17;
	v19 =	vmul.f32 v42, v41  }
0x30b: {  	v50 =	vld.idx.msk [tilespmem:v43+s23+$0x0], $0xffff;
	v52 =	vor.u32 $0x12, v18  }
0x30c: {  	v54 =	vld.idx.msk [tilespmem:v46+s24+$0x0], $0xffff;
	v17 =	vadd.f32 v19, v17;
	v19 =	vmul.f32 v45, v44  }
0x30d: {  	v53 =	vld.idx.msk [tilespmem:v46+s23+$0x0], $0xffff;
	v55 =	vor.u32 $0x13, v18  }
0x30e: {  	v56 =	vld.idx.msk [tilespmem:v49+s23+$0x0], $0xffff;
	v17 =	vadd.f32 v19, v17;
	v19 =	vmul.f32 v48, v47  }
0x30f: {  	v57 =	vld.idx.msk [tilespmem:v49+s24+$0x0], $0xffff;
	v58 =	vor.u32 $0x14, v18  }
0x310: {  	v59 =	vld.idx.msk [tilespmem:v52+s23+$0x0], $0xffff;
	v17 =	vadd.f32 v19, v17;
	v19 =	vmul.f32 v51, v50  }
0x311: {  	v60 =	vld.idx.msk [tilespmem:v52+s24+$0x0], $0xffff;
	v61 =	vor.u32 $0x15, v18  }
0x312: {  	v62 =	vld.idx.msk [tilespmem:v55+s23+$0x0], $0xffff;
	v17 =	vadd.f32 v19, v17;
	v19 =	vmul.f32 v54, v53  }
0x313: {  	v63 =	vld.idx.msk [tilespmem:v55+s24+$0x0], $0xffff;
	v32 =	vor.u32 $0x16, v18  }
0x314: {  	v33 =	vld.idx.msk [tilespmem:v58+s23+$0x0], $0xffff;
	v17 =	vadd.f32 v19, v17;
	v19 =	vmul.f32 v57, v56  }
0x315: {  	v34 =	vld.idx.msk [tilespmem:v58+s24+$0x0], $0xffff;
	v35 =	vor.u32 $0x17, v18  }
0x316: {  	v36 =	vld.idx.msk [tilespmem:v61+s23+$0x0], $0xffff;
	v17 =	vadd.f32 v19, v17;
	v19 =	vmul.f32 v60, v59  }
0x317: {  	v37 =	vld.idx.msk [tilespmem:v61+s24+$0x0], $0xffff;
	v38 =	vor.u32 $0x18, v18  }
0x318: {  	v39 =	vld.idx.msk [tilespmem:v32+s23+$0x0], $0xffff;
	v17 =	vadd.f32 v19, v17;
	v19 =	vmul.f32 v63, v62  }
0x319: {  	v40 =	vld.idx.msk [tilespmem:v32+s24+$0x0], $0xffff;
	v41 =	vor.u32 $0x19, v18  }
0x31a: {  	v42 =	vld.idx.msk [tilespmem:v35+s23+$0x0], $0xffff;
	v17 =	vadd.f32 v19, v17;
	v19 =	vmul.f32 v34, v33  }
0x31b: {  	v43 =	vld.idx.msk [tilespmem:v35+s24+$0x0], $0xffff;
	v44 =	vor.u32 $0x1A, v18  }
0x31c: {  	v45 =	vld.idx.msk [tilespmem:v38+s23+$0x0], $0xffff;
	v17 =	vadd.f32 v19, v17;
	v19 =	vmul.f32 v37, v36  }
0x31d: {  	v46 =	vld.idx.msk [tilespmem:v38+s24+$0x0], $0xffff;
	v47 =	vor.u32 $0x1B, v18  }
0x31e: {  	v48 =	vld.idx.msk [tilespmem:v41+s23+$0x0], $0xffff;
	v17 =	vadd.f32 v19, v17;
	v19 =	vmul.f32 v40, v39  }
0x31f: {  	v49 =	vld.idx.msk [tilespmem:v41+s24+$0x0], $0xffff;
	v50 =	vor.u32 $0x1C, v18  }
0x320: {  	v51 =	vld.idx.msk [tilespmem:v44+s23+$0x0], $0xffff;
	v17 =	vadd.f32 v19, v17;
	v19 =	vmul.f32 v43, v42  }
0x321: {  	v52 =	vld.idx.msk [tilespmem:v44+s24+$0x0], $0xffff;
	v53 =	vor.u32 $0x1D, v18  }
0x322: {  	v54 =	vld.idx.msk [tilespmem:v47+s23+$0x0], $0xffff;
	v17 =	vadd.f32 v19, v17;
	v19 =	vmul.f32 v46, v45  }
0x323: {  	v55 =	vld.idx.msk [tilespmem:v47+s24+$0x0], $0xffff;
	v56 =	vor.u32 $0x1E, v18  }
0x324: {  	v57 =	vld.idx.msk [tilespmem:v50+s23+$0x0], $0xffff;
	v17 =	vadd.f32 v19, v17;
	v19 =	vmul.f32 v49, v48  }
0x325: {  	v18 =	vor.u32 $0x1F, v18;
	v58 =	vld.idx.msk [tilespmem:v50+s24+$0x0], $0xffff  }
0x326: {  	v59 =	vld.idx.msk [tilespmem:v53+s23+$0x0], $0xffff;
	v17 =	vadd.f32 v19, v17;
	v19 =	vmul.f32 v52, v51  }
0x327: {  	v60 =	vld.idx.msk [tilespmem:v53+s24+$0x0], $0xffff  }
0x328: {  	v61 =	vld.idx.msk [tilespmem:v56+s23+$0x0], $0xffff;
	v17 =	vadd.f32 v19, v17;
	v19 =	vmul.f32 v55, v54  }
0x329: {  	v62 =	vld.idx.msk [tilespmem:v56+s24+$0x0], $0xffff  }
0x32a: {  	v63 =	vld.idx.msk [tilespmem:v18+s23+$0x0], $0xffff;
	v17 =	vadd.f32 v19, v17;
	v19 =	vmul.f32 v58, v57  }
0x32b: {  	v18 =	vld.idx.msk [tilespmem:v18+s24+$0x0], $0xffff  }
0x32c: {  	v17 =	vadd.f32 v19, v17;
	v19 =	vmul.f32 v60, v59;
	_ =	sdelay $0x1  }
0x32d: {  	v17 =	vadd.f32 v19, v17;
	v19 =	vmul.f32 v62, v61;
	_ =	sdelay $0x1  }
0x32e: {  	v18 =	vmul.f32 v18, v63;
	v17 =	vadd.f32 v19, v17;
	_ =	sdelay $0x1  }
0x32f: {  	v17 =	vadd.f32 v18, v17  }
0x330: {  	s26 =	simm.s32 $0x0;
	s0 =	sadd.s32 $0x10, s0  }
0x331: {  	s5 =	rddreg [dreg:$0xc];
	s25 =	simm.s32 $0x18800;
	s3 =	simm.s32 $0x12;
	[tilespmem:s0+$0x0] =	vst v17  }
0x332: {  	[hbm4b:s5+s26] =	stream.linear.scatter [tilespmem:s25], [sflag:$0x12], $0x200, $0x38;
	[tilespmem:$0x18A80] =	vst v63  }
0x333: {  	_ =	swait.ge [sflag:s3], $0x200  }
0x334: {  	s4 =	rddreg [dreg:$0xe]  }
0x335: {  	s31 =	rddreg [dreg:$0xd];
	s4 =	sadd.s32 $0x1, s4  }
0x336: {  	p0 =	sne.s32 s4, s31  }
.Ltmp2:
0x337: {  	_ = 	snop;
	(pc) =	sbr.rel @p0 .LBB2_1-.Ltmp2, $3  }
0x338: {  	_ =	sdelay $0x1  }
0x339: {  	s28 =	simm.s32 $0x2400;
	[sflag:s3] =	ssyncset.done $0x0  }
0x33a: {  	s29 =	simm.s32 $0xA400;
	s30 =	simm.s32 $0x3400;
	[sflag:s3] =	ssyncadd.s32 $0xFFFFFE00  }
0x33b: {  	_ =	sfence.sel $0x180000  }
0x33c: {  	[bflag:$0x0] =	sbarrier.arrive $0xFFFF  }
0x33d: {  	_ =	strace $0x90000047  }
0x33e: {  	s0 =	stileid.u32;
	[bflag:$0x2] =	sbarrier.arrive $0xFFFF  }
0x33f: {  	p0 =	sne.s32 s0, $0x0;
	s0 =	rddreg [dreg:$0x8]  }
0x340: {  	s0 =	sadd.s32 @!p0 $0x100000, s0  }
0x341: {  	[sflag:s0] =	ssyncadd.tile.s32 @!p0 $0x1;
	_ =	shalt  }
.Lfunc_end2:
_tile_overlayer_lowered:
.L_overlay_start_2:
0x342: {  	(tag) =	ssettag $0x2  }
0x343: {  	s0 =	rddreg [dreg:$0x0];
	s2 =	stileid.u32  }
0x344: {  	s1 =	rddreg [dreg:$0x1];
	p0 =	sne.s32 s2, $0x0  }
0x345: {  	s3 =	rddreg [dreg:$0x2];
	[bflag:$0x3] =	sbarrier.arrive $0xFFFF;
	s2 =	simm.s32 @!p0 $0x1C12  }
0x346: {  	[timem:s3], [sflag:s2] =	dma.local @!p0 [hbm:s0], s1  }
0x347: {  	s0 =	simm.s32 @!p0 $0x12  }
0x348: {  	_ =	swait.ge @!p0 [sflag:s0], s1  }
0x349: {  	s1 =	ssub.s32 @!p0 $0x0, s1;
	[sflag:s0] =	ssyncset.done @!p0 $0x0  }
0x34a: {  	[sflag:s0] =	ssyncadd.s32 @!p0 s1  }
0x34b: {  	[bflag:$0x3] =	sbarrier.arrive $0xFFFF  }
0x34c: {  	_ =	shalt  }

</sc_bundles>
